<compile_context>
chip_gen: v7x
topology: tpu7x:2x2x1
jax: 0.10.2.dev20260603
libtpu: 0.0.44.dev20260713+nightly
codegen_flags: <defaults>
</compile_context>

<pallas_src>
import functools

import jax
import jax.numpy as jnp
from jax import lax
from jax.experimental import pallas as pl
from jax.experimental.pallas import tpu as pltpu
from jax.experimental.pallas import tpu_sc as plsc

N = 10000
H = 128
HH = H // 2
C = 16

NC = 2
NS = 16
NW = NC * NS
K = 128
M1 = 2
M2 = 10

ROWS_PER_TILE = 632
NACC = NS * ROWS_PER_TILE
ROWS_DEG = 640
NACC_DEG = NS * ROWS_DEG


def _mesh():
    return plsc.VectorSubcoreMesh(core_axis_name="c", subcore_axis_name="s")


_SC_PARAMS = pltpu.CompilerParams(use_tc_tiling_on_sc=False)


@functools.lru_cache(maxsize=None)
def _deg_kernel(J):

    @functools.partial(
        pl.kernel,
        out_type=jax.ShapeDtypeStruct((NC, NACC_DEG), jnp.float32),
        mesh=_mesh(),
        scratch_types=[
            pltpu.VMEM((J, K), jnp.int32),
            pltpu.VMEM((K,), jnp.float32),
            pltpu.VMEM((ROWS_DEG,), jnp.float32),
            pltpu.VMEM_SHARED((NACC_DEG,), jnp.float32),
        ],
    )
    def deg(dst_hbm, out_hbm, dst_v, ones_v, buf_v, acc):
        c = lax.axis_index("c")
        s = lax.axis_index("s")
        w = c * NS + s
        for i in range(K // 16):
            ones_v[pl.ds(i * 16, 16)] = jnp.full((16,), 1.0, jnp.float32)

        def zero_body(i, carry):
            buf_v[pl.ds(i * 16, 16)] = jnp.zeros((16,), jnp.float32)
            return carry

        lax.fori_loop(0, ROWS_DEG // 16, zero_body, 0)
        base = s * ROWS_DEG
        pltpu.sync_copy(buf_v, acc.at[pl.ds(base, ROWS_DEG)])
        pltpu.sync_copy(dst_hbm.at[w], dst_v)
        plsc.subcore_barrier()

        def body(j, carry):
            pltpu.sync_copy(ones_v, acc.at[dst_v.at[j]], add=True)
            return carry

        lax.fori_loop(0, J, body, 0)
        plsc.subcore_barrier()
        pltpu.sync_copy(acc.at[pl.ds(base, ROWS_DEG)], buf_v)
        pltpu.sync_copy(buf_v, out_hbm.at[c, pl.ds(base, ROWS_DEG)])

    return deg


def _gather_scatter_loop(y_ref, src_v, dst_v, bufs, acc, gsems, ssems, J, M):
    assert J % (4 * M) == 0 and J // M >= 8
    G = J // M // 4

    def fire_g(g, b):
        pltpu.async_copy(y_ref.at[src_v.at[g]], bufs[b], gsems[b])

    def wait_g(g, b):
        pltpu.make_async_copy(y_ref.at[src_v.at[g]], bufs[b],
                              gsems[b]).wait()

    def fire_s(g, b):
        pltpu.async_copy(bufs[b], acc.at[dst_v.at[g]], ssems[b], add=True)

    def wait_s(g, b):
        pltpu.make_async_copy(bufs[b], acc.at[dst_v.at[g]], ssems[b]).wait()

    SJ = J // M

    def step(g, b, first, last):
        wait_g(g, b)
        fire_s(g, b)
        if not first:
            wait_s(g - 1, (b - 1) % 4)
        if not last:
            fire_g(g + 3, (b + 3) % 4)

    for b in range(3):
        fire_g(b, b)
    for b in range(4):
        step(b, b, first=(b == 0), last=False)

    def body(t, carry):
        g0 = 4 * t
        for b in range(4):
            step(g0 + b, b, first=False, last=False)
        return carry

    lax.fori_loop(1, G - 1, body, 0)
    for b in range(4):
        step(SJ - 4 + b, b, first=False, last=(b >= 1))
    wait_s(SJ - 1, 3)


def _zero_acc_slice(rows_a, acc, base, D):

    def zrow(i, carry):
        for jj in range(D // 16):
            rows_a[i, pl.ds(jj * 16, 16)] = jnp.zeros((16,), jnp.float32)
        return carry

    lax.fori_loop(0, K, zrow, 0)
    nfull = ROWS_PER_TILE // K
    rem = ROWS_PER_TILE - nfull * K
    for t in range(nfull):
        pltpu.sync_copy(rows_a, acc.at[pl.ds(base + t * K, K)])
    pltpu.sync_copy(rows_a.at[pl.ds(0, rem)],
                    acc.at[pl.ds(base + nfull * K, rem)])


def _copy_out_slice(rows_a, acc, out_ref, base, D):
    nfull = ROWS_PER_TILE // K
    rem = ROWS_PER_TILE - nfull * K
    for t in range(nfull):
        pltpu.sync_copy(acc.at[pl.ds(base + t * K, K)], rows_a)
        pltpu.sync_copy(rows_a, out_ref.at[pl.ds(base + t * K, K)])
    pltpu.sync_copy(acc.at[pl.ds(base + nfull * K, rem)],
                    rows_a.at[pl.ds(0, rem)])
    pltpu.sync_copy(rows_a.at[pl.ds(0, rem)],
                    out_ref.at[pl.ds(base + nfull * K, rem)])


@functools.lru_cache(maxsize=None)
def _agg1_kernel(J):

    @functools.partial(
        pl.kernel,
        out_type=jax.ShapeDtypeStruct((NC, NACC, HH), jnp.float32),
        mesh=_mesh(),
        compiler_params=_SC_PARAMS,
        scratch_types=[
            pltpu.VMEM((J // M1 // 2, M1 * K), jnp.int32),
            pltpu.VMEM((J // M1 // 2, M1 * K), jnp.int32),
            pltpu.VMEM((M1 * K, HH), jnp.float32),
            pltpu.VMEM((M1 * K, HH), jnp.float32),
            pltpu.VMEM((M1 * K, HH), jnp.float32),
            pltpu.VMEM((M1 * K, HH), jnp.float32),
            pltpu.VMEM_SHARED((NACC, HH), jnp.float32),
        ] + [pltpu.SemaphoreType.DMA] * 8,
    )
    def agg1(y_hbm, src_hbm, dst_hbm, out_hbm, src_v, dst_v, b0, b1, b2, b3,
             acc, *sems):
        c = lax.axis_index("c")
        s = lax.axis_index("s")
        base = s * ROWS_PER_TILE
        _zero_acc_slice(b0.at[pl.ds(0, K)], acc, base, HH)
        plsc.subcore_barrier()
        SJH = J // M1 // 2
        for h in range(2):
            pltpu.sync_copy(src_hbm.at[s, pl.ds(h * SJH, SJH)], src_v)
            pltpu.sync_copy(dst_hbm.at[s, pl.ds(h * SJH, SJH)], dst_v)
            _gather_scatter_loop(y_hbm.at[c], src_v, dst_v, [b0, b1, b2, b3],
                                 acc, sems[:4], sems[4:], J // 2, M1)
        plsc.subcore_barrier()
        _copy_out_slice(b0.at[pl.ds(0, K)], acc, out_hbm.at[c], base, HH)

    return agg1


@functools.lru_cache(maxsize=None)
def _agg2_kernel(J):

    @functools.partial(
        pl.kernel,
        out_type=jax.ShapeDtypeStruct((NC, NACC, C), jnp.float32),
        mesh=_mesh(),
        compiler_params=_SC_PARAMS,
        scratch_types=[
            pltpu.VMEM((J // M2, M2 * K), jnp.int32),
            pltpu.VMEM((J // M2, M2 * K), jnp.int32),
            pltpu.VMEM((M2 * K, C), jnp.float32),
            pltpu.VMEM((M2 * K, C), jnp.float32),
            pltpu.VMEM((M2 * K, C), jnp.float32),
            pltpu.VMEM((M2 * K, C), jnp.float32),
            pltpu.VMEM_SHARED((NACC, C), jnp.float32),
        ] + [pltpu.SemaphoreType.DMA] * 8,
    )
    def agg2(y_hbm, src_hbm, dst_hbm, out_hbm, src_v, dst_v, b0, b1, b2, b3,
             acc, *sems):
        c = lax.axis_index("c")
        s = lax.axis_index("s")
        w = c * NS + s
        base = s * ROWS_PER_TILE
        _zero_acc_slice(b0.at[pl.ds(0, K)], acc, base, C)
        pltpu.sync_copy(src_hbm.at[w], src_v)
        pltpu.sync_copy(dst_hbm.at[w], dst_v)
        plsc.subcore_barrier()
        _gather_scatter_loop(y_hbm, src_v, dst_v, [b0, b1, b2, b3],
                             acc, sems[:4], sems[4:], J, M2)
        plsc.subcore_barrier()
        _copy_out_slice(b0.at[pl.ds(0, K)], acc, out_hbm.at[c], base, C)

    return agg2


def _matmul1(x, W1):
    def body(x_ref, w_ref, o_ref):
        o_ref[...] = jnp.dot(x_ref[...], w_ref[...],
                             preferred_element_type=jnp.float32)

    return pl.pallas_call(
        body,
        out_shape=jax.ShapeDtypeStruct((N, H), jnp.float32),
    )(x, W1)


def _scale(xw, degp):
    def body(xw_ref, deg_ref, yh_ref, dinv_ref):
        dinv = lax.rsqrt(deg_ref[0] + deg_ref[1] + 1.0)
        y = xw_ref[...] * dinv
        yh_ref[0] = y[:, :HH]
        yh_ref[1] = y[:, HH:]
        dinv_ref[...] = dinv

    return pl.pallas_call(
        body,
        out_shape=(
            jax.ShapeDtypeStruct((NC, N, HH), jnp.float32),
            jax.ShapeDtypeStruct((N, 1), jnp.float32),
        ),
    )(xw, degp)


def _mid(agg1, yh, dinv, b1, W2):
    def body(agg_ref, yh_ref, dinv_ref, b_ref, w_ref, o_ref):
        dinv = dinv_ref[...]
        acat = jnp.concatenate([agg_ref[0, :N], agg_ref[1, :N]], axis=1)
        ycat = jnp.concatenate([yh_ref[0], yh_ref[1]], axis=1)
        pre = dinv * (acat + ycat) + b_ref[...][None, :]
        h = jnp.maximum(pre, 0.0)
        o_ref[...] = dinv * jnp.dot(h, w_ref[...],
                                    preferred_element_type=jnp.float32)

    return pl.pallas_call(
        body,
        out_shape=jax.ShapeDtypeStruct((N, C), jnp.float32),
    )(agg1, yh, dinv, b1, W2)


def _final(agg2, y2, dinv, b2):
    def body(agg_ref, y_ref, dinv_ref, b_ref, o_ref):
        o_ref[...] = (dinv_ref[...] * (agg_ref[0, :N] + agg_ref[1, :N]
                                       + y_ref[...])
                      + b_ref[...][None, :])

    return pl.pallas_call(
        body,
        out_shape=jax.ShapeDtypeStruct((N, C), jnp.float32),
    )(agg2, y2, dinv, b2)


def _pad_edges(ei, P):
    E = ei.shape[1]
    ar = jnp.arange(P - E, dtype=jnp.int32)
    pad_src = (ar * 7993) % N
    pad_dst = N + (ar % (NACC - N))
    src = jnp.concatenate([ei[0], pad_src])
    dst = jnp.concatenate([ei[1], pad_dst])
    return src, dst


def _num_chunks(E, shards, mult):
    J = -(-E // (shards * K))
    return -(-J // mult) * mult


def kernel(x, edge_index, W1, b1, W2, b2):
    E = edge_index.shape[1]
    ei = edge_index.astype(jnp.int32)

    J2 = _num_chunks(E, NW, 4 * M2)
    J1 = 2 * J2
    assert NS * J1 == NW * J2 and J1 // 2 % (4 * M1) == 0
    sf, df = _pad_edges(ei, NW * J2 * K)
    src1 = sf.reshape(NS, J1 // M1, M1 * K)
    dst1 = df.reshape(NS, J1 // M1, M1 * K)
    src2 = sf.reshape(NW, J2 // M2, M2 * K)
    dst2 = df.reshape(NW, J2 // M2, M2 * K)
    dstd = df.reshape(NW, J2, K)

    xw = _matmul1(x, W1)
    deg = _deg_kernel(J2)(dstd)
    degp = deg[:, :N, None]
    yh, dinv = _scale(xw, degp)
    agg1 = _agg1_kernel(J1)(yh, src1, dst1)
    y2 = _mid(agg1, yh, dinv, b1, W2)
    agg2 = _agg2_kernel(J2)(y2, src2, dst2)
    return _final(agg2, y2, dinv, b2)

# --- scband reference (transcript-rebuilt; emitter-appended) ---
"""Pipeline reference for scband-gcn-32942399160959 (READ-ONLY COPY).

The authoritative reference and input builder live on the scoring server;
editing this copy changes nothing except your own understanding.
"""

import jax, jax.numpy as jnp
import numpy as np

N = 10000
E = 320000
F_IN = 128
H = 128
C = 16


def setup_inputs(seed: int = 0) -> dict:
    key = jax.random.key(seed)
    ks = jax.random.split(key, 6)
    x = jax.random.normal(ks[0], (N, F_IN), dtype=jnp.float32)
    edge_index = jax.random.randint(ks[1], (2, E), 0, N)
    W1 = jax.random.normal(ks[2], (F_IN, H), dtype=jnp.float32) * (1.0 / np.sqrt(F_IN))
    b1 = jnp.zeros((H,), dtype=jnp.float32)
    W2 = jax.random.normal(ks[3], (H, C), dtype=jnp.float32) * (1.0 / np.sqrt(H))
    b2 = jnp.zeros((C,), dtype=jnp.float32)
    return {"x": x, "edge_index": edge_index, "W1": W1, "b1": b1, "W2": W2, "b2": b2}


def gcn_conv(x, edge_index, W, b):
    # PyG GCNConv: add self-loops, symmetric normalization D^-1/2 A D^-1/2, linear, scatter-add
    n = x.shape[0]
    loop = jnp.arange(n, dtype=edge_index.dtype)
    src = jnp.concatenate([edge_index[0], loop])
    dst = jnp.concatenate([edge_index[1], loop])
    xw = x @ W
    deg = jnp.zeros((n,), dtype=xw.dtype).at[dst].add(1.0)
    dinv = 1.0 / jnp.sqrt(deg)  # deg >= 1 due to self-loops
    norm = dinv[src] * dinv[dst]
    msg = jnp.take(xw, src, axis=0) * norm[:, None]
    out = jnp.zeros_like(xw).at[dst].add(msg)
    return out + b


def reference(x, edge_index, W1, b1, W2, b2):
    h = gcn_conv(x, edge_index, W1, b1)
    h = jax.nn.relu(h)
    # dropout(p=0.5) is identity in eval mode
    out = gcn_conv(h, edge_index, W2, b2)
    return out

if __name__ == "__main__":
    import jax
    _d = setup_inputs()
    print(jax.jit(kernel)(*tuple(_d.values())))

</pallas_src>

<mosaic_0001>
#map = affine_map<(d0, d1) -> (0, 0)>
#map1 = affine_map<(d0, d1) -> (0, 0, 0)>
module attributes {stable_mosaic.version = 14 : i64} {
  func.func @agg2(%arg0: i32, %arg1: i32, %arg2: memref<10000x16xf32, #tpu.memory_space<hbm>>, %arg3: memref<32x8x1280xi32, #tpu.memory_space<hbm>>, %arg4: memref<32x8x1280xi32, #tpu.memory_space<hbm>>, %arg5: memref<2x10112x16xf32, #tpu.memory_space<hbm>>, %arg6: memref<8x1280xi32, #tpu.memory_space<vmem>>, %arg7: memref<8x1280xi32, #tpu.memory_space<vmem>>, %arg8: memref<1280x16xf32, #tpu.memory_space<vmem>>, %arg9: memref<1280x16xf32, #tpu.memory_space<vmem>>, %arg10: memref<1280x16xf32, #tpu.memory_space<vmem>>, %arg11: memref<1280x16xf32, #tpu.memory_space<vmem>>, %arg12: memref<10112x16xf32, #tpu.memory_space<vmem_shared>>, %arg13: memref<!tpu.dma_semaphore, #tpu.memory_space<semaphore_mem>>, %arg14: memref<!tpu.dma_semaphore, #tpu.memory_space<semaphore_mem>>, %arg15: memref<!tpu.dma_semaphore, #tpu.memory_space<semaphore_mem>>, %arg16: memref<!tpu.dma_semaphore, #tpu.memory_space<semaphore_mem>>, %arg17: memref<!tpu.dma_semaphore, #tpu.memory_space<semaphore_mem>>, %arg18: memref<!tpu.dma_semaphore, #tpu.memory_space<semaphore_mem>>, %arg19: memref<!tpu.dma_semaphore, #tpu.memory_space<semaphore_mem>>, %arg20: memref<!tpu.dma_semaphore, #tpu.memory_space<semaphore_mem>>) attributes {dimension_semantics = [#tpu.dimension_semantics<core_parallel>, #tpu.dimension_semantics<subcore_parallel>], iteration_bounds = array<i64: 2, 16>, scalar_prefetch = 0 : i64, scratch_operands = 15 : i64, tpu.core_type = #tpu.core_type<sc_vector_subcore>, window_params = [{transform_indices = #map}, {transform_indices = #map1}, {transform_indices = #map1}, {transform_indices = #map1}]} {
    %mul3A = arith.constant 16 : i32
    %mul3A_0 = arith.muli %arg0, %mul3A : i32
    %add3A = arith.addi %mul3A_0, %arg1 : i32
    %mul3A_1 = arith.constant 632 : i32
    %mul3A_2 = arith.muli %arg1, %mul3A_1 : i32
    %scan3A = arith.constant 0 : i32
    %scan3A_3 = arith.constant 0 : i32
    %scan3A_4 = arith.constant 128 : i32
    %scan3A_5 = arith.addi %scan3A_3, %scan3A_4 : i32
    %scan3A_6 = arith.constant 1 : i32
    scf.for %scan3A_266 = %scan3A_3 to %scan3A_5 step %scan3A_6  : i32 {
      %broadcast_in_dim3A = arith.constant 0.000000e+00 : f32
      %broadcast_in_dim3A_267 = vector.broadcast %broadcast_in_dim3A : f32 to vector<16xf32>
      %swap3A = arith.constant 0 : i32
      %swap3A_268 = arith.constant 0 : i32
      %swap3A_269 = tpu.memref_slice %arg8[%swap3A, %swap3A_268] : memref<1280x16xf32, #tpu.memory_space<vmem>> -> memref<128x16xf32, #tpu.memory_space<vmem>>
      %swap3A_270 = arith.index_cast %scan3A_266 : i32 to index
      %swap3A_271 = arith.constant 0 : index
      %swap3A_272 = tpu.vector_load %swap3A_269[%swap3A_270, %swap3A_271] {strides = array<i32>} : memref<128x16xf32, #tpu.memory_space<vmem>>, vector<1x16xf32>,
      %swap3A_273 = vector.shape_cast %swap3A_272 : vector<1x16xf32> to vector<16xf32>
      %swap3A_274 = vector.shape_cast %broadcast_in_dim3A_267 : vector<16xf32> to vector<1x16xf32>
      tpu.vector_store %swap3A_269[%swap3A_270, %swap3A_271], %swap3A_274 {strides = array<i32>} : memref<128x16xf32, #tpu.memory_space<vmem>>, vector<1x16xf32>,
    }
    %scan3A_7 = arith.constant 128 : i32
    %add3A_8 = arith.constant 0 : i32
    %add3A_9 = arith.addi %mul3A_2, %add3A_8 : i32
    "tpu.region"() ({
      %run_scoped3A = tpu.sem_alloc : memref<!tpu.dma_semaphore, #tpu.memory_space<semaphore_mem>>
      %dma_start3A_266 = arith.constant 0 : i32
      %dma_start3A_267 = arith.constant 0 : i32
      %dma_start3A_268 = tpu.memref_slice %arg8[%dma_start3A_266, %dma_start3A_267] : memref<1280x16xf32, #tpu.memory_space<vmem>> -> memref<128x16xf32, #tpu.memory_space<vmem>>
      %dma_start3A_269 = arith.constant 0 : i32
      %dma_start3A_270 = tpu.memref_slice %arg12[%add3A_9, %dma_start3A_269] : memref<10112x16xf32, #tpu.memory_space<vmem_shared>> -> memref<128x16xf32, #tpu.memory_space<vmem_shared>>
      %dma_start3A_271 = arith.constant 0 : i32
      %dma_start3A_272 = tpu.memref_slice %arg12[%add3A_9, %dma_start3A_271] : memref<10112x16xf32, #tpu.memory_space<vmem_shared>> -> memref<128x16xf32, #tpu.memory_space<vmem_shared>>
      %dma_start3A_273 = arith.constant 0 : i32
      %dma_start3A_274 = arith.constant 0 : i32
      %dma_start3A_275 = tpu.memref_slice %arg8[%dma_start3A_273, %dma_start3A_274] : memref<1280x16xf32, #tpu.memory_space<vmem>> -> memref<128x16xf32, #tpu.memory_space<vmem>>
      tpu.enqueue_dma source(%dma_start3A_275 : memref<128x16xf32, #tpu.memory_space<vmem>>) target(%dma_start3A_272 : memref<128x16xf32, #tpu.memory_space<vmem_shared>>) target_semaphore(%run_scoped3A : memref<!tpu.dma_semaphore, #tpu.memory_space<semaphore_mem>>)
      %dma_wait3A_276 = arith.constant 0 : i32
      %dma_wait3A_277 = arith.constant 0 : i32
      %dma_wait3A_278 = tpu.memref_slice %arg8[%dma_wait3A_276, %dma_wait3A_277] : memref<1280x16xf32, #tpu.memory_space<vmem>> -> memref<128x16xf32, #tpu.memory_space<vmem>>
      %dma_wait3A_279 = arith.constant 0 : i32
      %dma_wait3A_280 = tpu.memref_slice %arg12[%add3A_9, %dma_wait3A_279] : memref<10112x16xf32, #tpu.memory_space<vmem_shared>> -> memref<128x16xf32, #tpu.memory_space<vmem_shared>>
      %dma_wait3A_281 = arith.constant 0 : i32
      %dma_wait3A_282 = tpu.memref_slice %arg12[%add3A_9, %dma_wait3A_281] : memref<10112x16xf32, #tpu.memory_space<vmem_shared>> -> memref<128x16xf32, #tpu.memory_space<vmem_shared>>
      %dma_wait3A_283 = arith.constant 0 : i32
      %dma_wait3A_284 = arith.constant 0 : i32
      %dma_wait3A_285 = tpu.memref_slice %arg8[%dma_wait3A_283, %dma_wait3A_284] : memref<1280x16xf32, #tpu.memory_space<vmem>> -> memref<128x16xf32, #tpu.memory_space<vmem>>
      tpu.wait_dma2 semaphore(%run_scoped3A : memref<!tpu.dma_semaphore, #tpu.memory_space<semaphore_mem>>) src(%dma_wait3A_285 : memref<128x16xf32, #tpu.memory_space<vmem>>) dst(%dma_wait3A_282 : memref<128x16xf32, #tpu.memory_space<vmem_shared>>)
      tpu.yield
    }) : () -> ()
    %add3A_10 = arith.constant 128 : i32
    %add3A_11 = arith.addi %mul3A_2, %add3A_10 : i32
    "tpu.region"() ({
      %run_scoped3A = tpu.sem_alloc : memref<!tpu.dma_semaphore, #tpu.memory_space<semaphore_mem>>
      %dma_start3A_266 = arith.constant 0 : i32
      %dma_start3A_267 = arith.constant 0 : i32
      %dma_start3A_268 = tpu.memref_slice %arg8[%dma_start3A_266, %dma_start3A_267] : memref<1280x16xf32, #tpu.memory_space<vmem>> -> memref<128x16xf32, #tpu.memory_space<vmem>>
      %dma_start3A_269 = arith.constant 0 : i32
      %dma_start3A_270 = tpu.memref_slice %arg12[%add3A_11, %dma_start3A_269] : memref<10112x16xf32, #tpu.memory_space<vmem_shared>> -> memref<128x16xf32, #tpu.memory_space<vmem_shared>>
      %dma_start3A_271 = arith.constant 0 : i32
      %dma_start3A_272 = tpu.memref_slice %arg12[%add3A_11, %dma_start3A_271] : memref<10112x16xf32, #tpu.memory_space<vmem_shared>> -> memref<128x16xf32, #tpu.memory_space<vmem_shared>>
      %dma_start3A_273 = arith.constant 0 : i32
      %dma_start3A_274 = arith.constant 0 : i32
      %dma_start3A_275 = tpu.memref_slice %arg8[%dma_start3A_273, %dma_start3A_274] : memref<1280x16xf32, #tpu.memory_space<vmem>> -> memref<128x16xf32, #tpu.memory_space<vmem>>
      tpu.enqueue_dma source(%dma_start3A_275 : memref<128x16xf32, #tpu.memory_space<vmem>>) target(%dma_start3A_272 : memref<128x16xf32, #tpu.memory_space<vmem_shared>>) target_semaphore(%run_scoped3A : memref<!tpu.dma_semaphore, #tpu.memory_space<semaphore_mem>>)
      %dma_wait3A_276 = arith.constant 0 : i32
      %dma_wait3A_277 = arith.constant 0 : i32
      %dma_wait3A_278 = tpu.memref_slice %arg8[%dma_wait3A_276, %dma_wait3A_277] : memref<1280x16xf32, #tpu.memory_space<vmem>> -> memref<128x16xf32, #tpu.memory_space<vmem>>
      %dma_wait3A_279 = arith.constant 0 : i32
      %dma_wait3A_280 = tpu.memref_slice %arg12[%add3A_11, %dma_wait3A_279] : memref<10112x16xf32, #tpu.memory_space<vmem_shared>> -> memref<128x16xf32, #tpu.memory_space<vmem_shared>>
      %dma_wait3A_281 = arith.constant 0 : i32
      %dma_wait3A_282 = tpu.memref_slice %arg12[%add3A_11, %dma_wait3A_281] : memref<10112x16xf32, #tpu.memory_space<vmem_shared>> -> memref<128x16xf32, #tpu.memory_space<vmem_shared>>
      %dma_wait3A_283 = arith.constant 0 : i32
      %dma_wait3A_284 = arith.constant 0 : i32
      %dma_wait3A_285 = tpu.memref_slice %arg8[%dma_wait3A_283, %dma_wait3A_284] : memref<1280x16xf32, #tpu.memory_space<vmem>> -> memref<128x16xf32, #tpu.memory_space<vmem>>
      tpu.wait_dma2 semaphore(%run_scoped3A : memref<!tpu.dma_semaphore, #tpu.memory_space<semaphore_mem>>) src(%dma_wait3A_285 : memref<128x16xf32, #tpu.memory_space<vmem>>) dst(%dma_wait3A_282 : memref<128x16xf32, #tpu.memory_space<vmem_shared>>)
      tpu.yield
    }) : () -> ()
    %add3A_12 = arith.constant 256 : i32
    %add3A_13 = arith.addi %mul3A_2, %add3A_12 : i32
    "tpu.region"() ({
      %run_scoped3A = tpu.sem_alloc : memref<!tpu.dma_semaphore, #tpu.memory_space<semaphore_mem>>
      %dma_start3A_266 = arith.constant 0 : i32
      %dma_start3A_267 = arith.constant 0 : i32
      %dma_start3A_268 = tpu.memref_slice %arg8[%dma_start3A_266, %dma_start3A_267] : memref<1280x16xf32, #tpu.memory_space<vmem>> -> memref<128x16xf32, #tpu.memory_space<vmem>>
      %dma_start3A_269 = arith.constant 0 : i32
      %dma_start3A_270 = tpu.memref_slice %arg12[%add3A_13, %dma_start3A_269] : memref<10112x16xf32, #tpu.memory_space<vmem_shared>> -> memref<128x16xf32, #tpu.memory_space<vmem_shared>>
      %dma_start3A_271 = arith.constant 0 : i32
      %dma_start3A_272 = tpu.memref_slice %arg12[%add3A_13, %dma_start3A_271] : memref<10112x16xf32, #tpu.memory_space<vmem_shared>> -> memref<128x16xf32, #tpu.memory_space<vmem_shared>>
      %dma_start3A_273 = arith.constant 0 : i32
      %dma_start3A_274 = arith.constant 0 : i32
      %dma_start3A_275 = tpu.memref_slice %arg8[%dma_start3A_273, %dma_start3A_274] : memref<1280x16xf32, #tpu.memory_space<vmem>> -> memref<128x16xf32, #tpu.memory_space<vmem>>
      tpu.enqueue_dma source(%dma_start3A_275 : memref<128x16xf32, #tpu.memory_space<vmem>>) target(%dma_start3A_272 : memref<128x16xf32, #tpu.memory_space<vmem_shared>>) target_semaphore(%run_scoped3A : memref<!tpu.dma_semaphore, #tpu.memory_space<semaphore_mem>>)
      %dma_wait3A_276 = arith.constant 0 : i32
      %dma_wait3A_277 = arith.constant 0 : i32
      %dma_wait3A_278 = tpu.memref_slice %arg8[%dma_wait3A_276, %dma_wait3A_277] : memref<1280x16xf32, #tpu.memory_space<vmem>> -> memref<128x16xf32, #tpu.memory_space<vmem>>
      %dma_wait3A_279 = arith.constant 0 : i32
      %dma_wait3A_280 = tpu.memref_slice %arg12[%add3A_13, %dma_wait3A_279] : memref<10112x16xf32, #tpu.memory_space<vmem_shared>> -> memref<128x16xf32, #tpu.memory_space<vmem_shared>>
      %dma_wait3A_281 = arith.constant 0 : i32
      %dma_wait3A_282 = tpu.memref_slice %arg12[%add3A_13, %dma_wait3A_281] : memref<10112x16xf32, #tpu.memory_space<vmem_shared>> -> memref<128x16xf32, #tpu.memory_space<vmem_shared>>
      %dma_wait3A_283 = arith.constant 0 : i32
      %dma_wait3A_284 = arith.constant 0 : i32
      %dma_wait3A_285 = tpu.memref_slice %arg8[%dma_wait3A_283, %dma_wait3A_284] : memref<1280x16xf32, #tpu.memory_space<vmem>> -> memref<128x16xf32, #tpu.memory_space<vmem>>
      tpu.wait_dma2 semaphore(%run_scoped3A : memref<!tpu.dma_semaphore, #tpu.memory_space<semaphore_mem>>) src(%dma_wait3A_285 : memref<128x16xf32, #tpu.memory_space<vmem>>) dst(%dma_wait3A_282 : memref<128x16xf32, #tpu.memory_space<vmem_shared>>)
      tpu.yield
    }) : () -> ()
    %add3A_14 = arith.constant 384 : i32
    %add3A_15 = arith.addi %mul3A_2, %add3A_14 : i32
    "tpu.region"() ({
      %run_scoped3A = tpu.sem_alloc : memref<!tpu.dma_semaphore, #tpu.memory_space<semaphore_mem>>
      %dma_start3A_266 = arith.constant 0 : i32
      %dma_start3A_267 = arith.constant 0 : i32
      %dma_start3A_268 = tpu.memref_slice %arg8[%dma_start3A_266, %dma_start3A_267] : memref<1280x16xf32, #tpu.memory_space<vmem>> -> memref<128x16xf32, #tpu.memory_space<vmem>>
      %dma_start3A_269 = arith.constant 0 : i32
      %dma_start3A_270 = tpu.memref_slice %arg12[%add3A_15, %dma_start3A_269] : memref<10112x16xf32, #tpu.memory_space<vmem_shared>> -> memref<128x16xf32, #tpu.memory_space<vmem_shared>>
      %dma_start3A_271 = arith.constant 0 : i32
      %dma_start3A_272 = tpu.memref_slice %arg12[%add3A_15, %dma_start3A_271] : memref<10112x16xf32, #tpu.memory_space<vmem_shared>> -> memref<128x16xf32, #tpu.memory_space<vmem_shared>>
      %dma_start3A_273 = arith.constant 0 : i32
      %dma_start3A_274 = arith.constant 0 : i32
      %dma_start3A_275 = tpu.memref_slice %arg8[%dma_start3A_273, %dma_start3A_274] : memref<1280x16xf32, #tpu.memory_space<vmem>> -> memref<128x16xf32, #tpu.memory_space<vmem>>
      tpu.enqueue_dma source(%dma_start3A_275 : memref<128x16xf32, #tpu.memory_space<vmem>>) target(%dma_start3A_272 : memref<128x16xf32, #tpu.memory_space<vmem_shared>>) target_semaphore(%run_scoped3A : memref<!tpu.dma_semaphore, #tpu.memory_space<semaphore_mem>>)
      %dma_wait3A_276 = arith.constant 0 : i32
      %dma_wait3A_277 = arith.constant 0 : i32
      %dma_wait3A_278 = tpu.memref_slice %arg8[%dma_wait3A_276, %dma_wait3A_277] : memref<1280x16xf32, #tpu.memory_space<vmem>> -> memref<128x16xf32, #tpu.memory_space<vmem>>
      %dma_wait3A_279 = arith.constant 0 : i32
      %dma_wait3A_280 = tpu.memref_slice %arg12[%add3A_15, %dma_wait3A_279] : memref<10112x16xf32, #tpu.memory_space<vmem_shared>> -> memref<128x16xf32, #tpu.memory_space<vmem_shared>>
      %dma_wait3A_281 = arith.constant 0 : i32
      %dma_wait3A_282 = tpu.memref_slice %arg12[%add3A_15, %dma_wait3A_281] : memref<10112x16xf32, #tpu.memory_space<vmem_shared>> -> memref<128x16xf32, #tpu.memory_space<vmem_shared>>
      %dma_wait3A_283 = arith.constant 0 : i32
      %dma_wait3A_284 = arith.constant 0 : i32
      %dma_wait3A_285 = tpu.memref_slice %arg8[%dma_wait3A_283, %dma_wait3A_284] : memref<1280x16xf32, #tpu.memory_space<vmem>> -> memref<128x16xf32, #tpu.memory_space<vmem>>
      tpu.wait_dma2 semaphore(%run_scoped3A : memref<!tpu.dma_semaphore, #tpu.memory_space<semaphore_mem>>) src(%dma_wait3A_285 : memref<128x16xf32, #tpu.memory_space<vmem>>) dst(%dma_wait3A_282 : memref<128x16xf32, #tpu.memory_space<vmem_shared>>)
      tpu.yield
    }) : () -> ()
    %add3A_16 = arith.constant 512 : i32
    %add3A_17 = arith.addi %mul3A_2, %add3A_16 : i32
    "tpu.region"() ({
      %run_scoped3A = tpu.sem_alloc : memref<!tpu.dma_semaphore, #tpu.memory_space<semaphore_mem>>
      %dma_start3A_266 = arith.constant 0 : i32
      %dma_start3A_267 = arith.constant 0 : i32
      %dma_start3A_268 = tpu.memref_slice %arg8[%dma_start3A_266, %dma_start3A_267] : memref<1280x16xf32, #tpu.memory_space<vmem>> -> memref<128x16xf32, #tpu.memory_space<vmem>>
      %dma_start3A_269 = arith.constant 0 : i32
      %dma_start3A_270 = arith.constant 0 : i32
      %dma_start3A_271 = tpu.memref_slice %dma_start3A_268[%dma_start3A_269, %dma_start3A_270] : memref<128x16xf32, #tpu.memory_space<vmem>> -> memref<120x16xf32, #tpu.memory_space<vmem>>
      %dma_start3A_272 = arith.constant 0 : i32
      %dma_start3A_273 = tpu.memref_slice %arg12[%add3A_17, %dma_start3A_272] : memref<10112x16xf32, #tpu.memory_space<vmem_shared>> -> memref<120x16xf32, #tpu.memory_space<vmem_shared>>
      %dma_start3A_274 = arith.constant 0 : i32
      %dma_start3A_275 = tpu.memref_slice %arg12[%add3A_17, %dma_start3A_274] : memref<10112x16xf32, #tpu.memory_space<vmem_shared>> -> memref<120x16xf32, #tpu.memory_space<vmem_shared>>
      %dma_start3A_276 = arith.constant 0 : i32
      %dma_start3A_277 = arith.constant 0 : i32
      %dma_start3A_278 = tpu.memref_slice %arg8[%dma_start3A_276, %dma_start3A_277] : memref<1280x16xf32, #tpu.memory_space<vmem>> -> memref<128x16xf32, #tpu.memory_space<vmem>>
      %dma_start3A_279 = arith.constant 0 : i32
      %dma_start3A_280 = arith.constant 0 : i32
      %dma_start3A_281 = tpu.memref_slice %dma_start3A_278[%dma_start3A_279, %dma_start3A_280] : memref<128x16xf32, #tpu.memory_space<vmem>> -> memref<120x16xf32, #tpu.memory_space<vmem>>
      tpu.enqueue_dma source(%dma_start3A_281 : memref<120x16xf32, #tpu.memory_space<vmem>>) target(%dma_start3A_275 : memref<120x16xf32, #tpu.memory_space<vmem_shared>>) target_semaphore(%run_scoped3A : memref<!tpu.dma_semaphore, #tpu.memory_space<semaphore_mem>>)
      %dma_wait3A_282 = arith.constant 0 : i32
      %dma_wait3A_283 = arith.constant 0 : i32
      %dma_wait3A_284 = tpu.memref_slice %arg8[%dma_wait3A_282, %dma_wait3A_283] : memref<1280x16xf32, #tpu.memory_space<vmem>> -> memref<128x16xf32, #tpu.memory_space<vmem>>
      %dma_wait3A_285 = arith.constant 0 : i32
      %dma_wait3A_286 = arith.constant 0 : i32
      %dma_wait3A_287 = tpu.memref_slice %dma_wait3A_284[%dma_wait3A_285, %dma_wait3A_286] : memref<128x16xf32, #tpu.memory_space<vmem>> -> memref<120x16xf32, #tpu.memory_space<vmem>>
      %dma_wait3A_288 = arith.constant 0 : i32
      %dma_wait3A_289 = tpu.memref_slice %arg12[%add3A_17, %dma_wait3A_288] : memref<10112x16xf32, #tpu.memory_space<vmem_shared>> -> memref<120x16xf32, #tpu.memory_space<vmem_shared>>
      %dma_wait3A_290 = arith.constant 0 : i32
      %dma_wait3A_291 = tpu.memref_slice %arg12[%add3A_17, %dma_wait3A_290] : memref<10112x16xf32, #tpu.memory_space<vmem_shared>> -> memref<120x16xf32, #tpu.memory_space<vmem_shared>>
      %dma_wait3A_292 = arith.constant 0 : i32
      %dma_wait3A_293 = arith.constant 0 : i32
      %dma_wait3A_294 = tpu.memref_slice %arg8[%dma_wait3A_292, %dma_wait3A_293] : memref<1280x16xf32, #tpu.memory_space<vmem>> -> memref<128x16xf32, #tpu.memory_space<vmem>>
      %dma_wait3A_295 = arith.constant 0 : i32
      %dma_wait3A_296 = arith.constant 0 : i32
      %dma_wait3A_297 = tpu.memref_slice %dma_wait3A_294[%dma_wait3A_295, %dma_wait3A_296] : memref<128x16xf32, #tpu.memory_space<vmem>> -> memref<120x16xf32, #tpu.memory_space<vmem>>
      tpu.wait_dma2 semaphore(%run_scoped3A : memref<!tpu.dma_semaphore, #tpu.memory_space<semaphore_mem>>) src(%dma_wait3A_297 : memref<120x16xf32, #tpu.memory_space<vmem>>) dst(%dma_wait3A_291 : memref<120x16xf32, #tpu.memory_space<vmem_shared>>)
      tpu.yield
    }) : () -> ()
    "tpu.region"() ({
      %run_scoped3A = tpu.sem_alloc : memref<!tpu.dma_semaphore, #tpu.memory_space<semaphore_mem>>
      %dma_start3A_266 = arith.constant 0 : i32
      %dma_start3A_267 = arith.constant 0 : i32
      %dma_start3A_268 = tpu.memref_slice %arg3[%add3A, %dma_start3A_266, %dma_start3A_267] : memref<32x8x1280xi32, #tpu.memory_space<hbm>> -> memref<1x8x1280xi32, #tpu.memory_space<hbm>>
      %dma_start3A_269 = tpu.memref_squeeze %dma_start3A_268 : memref<1x8x1280xi32, #tpu.memory_space<hbm>> -> memref<8x1280xi32, #tpu.memory_space<hbm>>
      %dma_start3A_270 = arith.constant 0 : i32
      %dma_start3A_271 = arith.constant 0 : i32
      %dma_start3A_272 = tpu.memref_slice %arg3[%add3A, %dma_start3A_270, %dma_start3A_271] : memref<32x8x1280xi32, #tpu.memory_space<hbm>> -> memref<1x8x1280xi32, #tpu.memory_space<hbm>>
      %dma_start3A_273 = tpu.memref_squeeze %dma_start3A_272 : memref<1x8x1280xi32, #tpu.memory_space<hbm>> -> memref<8x1280xi32, #tpu.memory_space<hbm>>
      tpu.enqueue_dma source(%dma_start3A_273 : memref<8x1280xi32, #tpu.memory_space<hbm>>) target(%arg6 : memref<8x1280xi32, #tpu.memory_space<vmem>>) target_semaphore(%run_scoped3A : memref<!tpu.dma_semaphore, #tpu.memory_space<semaphore_mem>>)
      %dma_wait3A_274 = arith.constant 0 : i32
      %dma_wait3A_275 = arith.constant 0 : i32
      %dma_wait3A_276 = tpu.memref_slice %arg3[%add3A, %dma_wait3A_274, %dma_wait3A_275] : memref<32x8x1280xi32, #tpu.memory_space<hbm>> -> memref<1x8x1280xi32, #tpu.memory_space<hbm>>
      %dma_wait3A_277 = tpu.memref_squeeze %dma_wait3A_276 : memref<1x8x1280xi32, #tpu.memory_space<hbm>> -> memref<8x1280xi32, #tpu.memory_space<hbm>>
      %dma_wait3A_278 = arith.constant 0 : i32
      %dma_wait3A_279 = arith.constant 0 : i32
      %dma_wait3A_280 = tpu.memref_slice %arg3[%add3A, %dma_wait3A_278, %dma_wait3A_279] : memref<32x8x1280xi32, #tpu.memory_space<hbm>> -> memref<1x8x1280xi32, #tpu.memory_space<hbm>>
      %dma_wait3A_281 = tpu.memref_squeeze %dma_wait3A_280 : memref<1x8x1280xi32, #tpu.memory_space<hbm>> -> memref<8x1280xi32, #tpu.memory_space<hbm>>
      tpu.wait_dma2 semaphore(%run_scoped3A : memref<!tpu.dma_semaphore, #tpu.memory_space<semaphore_mem>>) src(%dma_wait3A_281 : memref<8x1280xi32, #tpu.memory_space<hbm>>) dst(%arg6 : memref<8x1280xi32, #tpu.memory_space<vmem>>)
      tpu.yield
    }) : () -> ()
    "tpu.region"() ({
      %run_scoped3A = tpu.sem_alloc : memref<!tpu.dma_semaphore, #tpu.memory_space<semaphore_mem>>
      %dma_start3A_266 = arith.constant 0 : i32
      %dma_start3A_267 = arith.constant 0 : i32
      %dma_start3A_268 = tpu.memref_slice %arg4[%add3A, %dma_start3A_266, %dma_start3A_267] : memref<32x8x1280xi32, #tpu.memory_space<hbm>> -> memref<1x8x1280xi32, #tpu.memory_space<hbm>>
      %dma_start3A_269 = tpu.memref_squeeze %dma_start3A_268 : memref<1x8x1280xi32, #tpu.memory_space<hbm>> -> memref<8x1280xi32, #tpu.memory_space<hbm>>
      %dma_start3A_270 = arith.constant 0 : i32
      %dma_start3A_271 = arith.constant 0 : i32
      %dma_start3A_272 = tpu.memref_slice %arg4[%add3A, %dma_start3A_270, %dma_start3A_271] : memref<32x8x1280xi32, #tpu.memory_space<hbm>> -> memref<1x8x1280xi32, #tpu.memory_space<hbm>>
      %dma_start3A_273 = tpu.memref_squeeze %dma_start3A_272 : memref<1x8x1280xi32, #tpu.memory_space<hbm>> -> memref<8x1280xi32, #tpu.memory_space<hbm>>
      tpu.enqueue_dma source(%dma_start3A_273 : memref<8x1280xi32, #tpu.memory_space<hbm>>) target(%arg7 : memref<8x1280xi32, #tpu.memory_space<vmem>>) target_semaphore(%run_scoped3A : memref<!tpu.dma_semaphore, #tpu.memory_space<semaphore_mem>>)
      %dma_wait3A_274 = arith.constant 0 : i32
      %dma_wait3A_275 = arith.constant 0 : i32
      %dma_wait3A_276 = tpu.memref_slice %arg4[%add3A, %dma_wait3A_274, %dma_wait3A_275] : memref<32x8x1280xi32, #tpu.memory_space<hbm>> -> memref<1x8x1280xi32, #tpu.memory_space<hbm>>
      %dma_wait3A_277 = tpu.memref_squeeze %dma_wait3A_276 : memref<1x8x1280xi32, #tpu.memory_space<hbm>> -> memref<8x1280xi32, #tpu.memory_space<hbm>>
      %dma_wait3A_278 = arith.constant 0 : i32
      %dma_wait3A_279 = arith.constant 0 : i32
      %dma_wait3A_280 = tpu.memref_slice %arg4[%add3A, %dma_wait3A_278, %dma_wait3A_279] : memref<32x8x1280xi32, #tpu.memory_space<hbm>> -> memref<1x8x1280xi32, #tpu.memory_space<hbm>>
      %dma_wait3A_281 = tpu.memref_squeeze %dma_wait3A_280 : memref<1x8x1280xi32, #tpu.memory_space<hbm>> -> memref<8x1280xi32, #tpu.memory_space<hbm>>
      tpu.wait_dma2 semaphore(%run_scoped3A : memref<!tpu.dma_semaphore, #tpu.memory_space<semaphore_mem>>) src(%dma_wait3A_281 : memref<8x1280xi32, #tpu.memory_space<hbm>>) dst(%arg7 : memref<8x1280xi32, #tpu.memory_space<vmem>>)
      tpu.yield
    }) : () -> ()
    %barrier3A = arith.constant 0 : index
    tpu.barrier barrier_id(%barrier3A)
    %dma_start3A = arith.constant 0 : i32
    %dma_start3A_18 = arith.constant 0 : i32
    %dma_start3A_19 = tpu.memref_slice %arg6[%dma_start3A, %dma_start3A_18] : memref<8x1280xi32, #tpu.memory_space<vmem>> -> memref<1x1280xi32, #tpu.memory_space<vmem>>
    %dma_start3A_20 = tpu.memref_squeeze %dma_start3A_19 : memref<1x1280xi32, #tpu.memory_space<vmem>> -> memref<1280xi32, #tpu.memory_space<vmem>>
    %dma_start3A_21 = arith.constant 0 : i32
    %dma_start3A_22 = arith.constant 0 : i32
    %dma_start3A_23 = tpu.memref_slice %arg2[%dma_start3A_21, %dma_start3A_22] : memref<10000x16xf32, #tpu.memory_space<hbm>> -> memref<10000x16xf32, #tpu.memory_space<hbm>>
    tpu.enqueue_indirect_dma source(%dma_start3A_23 : memref<10000x16xf32, #tpu.memory_space<hbm>>) target(%arg8 : memref<1280x16xf32, #tpu.memory_space<vmem>>) offsets(%dma_start3A_20 : memref<1280xi32, #tpu.memory_space<vmem>>) semaphore(%arg13 : memref<!tpu.dma_semaphore, #tpu.memory_space<semaphore_mem>>)
    %dma_start3A_24 = arith.constant 1 : i32
    %dma_start3A_25 = arith.constant 0 : i32
    %dma_start3A_26 = tpu.memref_slice %arg6[%dma_start3A_24, %dma_start3A_25] : memref<8x1280xi32, #tpu.memory_space<vmem>> -> memref<1x1280xi32, #tpu.memory_space<vmem>>
    %dma_start3A_27 = tpu.memref_squeeze %dma_start3A_26 : memref<1x1280xi32, #tpu.memory_space<vmem>> -> memref<1280xi32, #tpu.memory_space<vmem>>
    %dma_start3A_28 = arith.constant 0 : i32
    %dma_start3A_29 = arith.constant 0 : i32
    %dma_start3A_30 = tpu.memref_slice %arg2[%dma_start3A_28, %dma_start3A_29] : memref<10000x16xf32, #tpu.memory_space<hbm>> -> memref<10000x16xf32, #tpu.memory_space<hbm>>
    tpu.enqueue_indirect_dma source(%dma_start3A_30 : memref<10000x16xf32, #tpu.memory_space<hbm>>) target(%arg9 : memref<1280x16xf32, #tpu.memory_space<vmem>>) offsets(%dma_start3A_27 : memref<1280xi32, #tpu.memory_space<vmem>>) semaphore(%arg14 : memref<!tpu.dma_semaphore, #tpu.memory_space<semaphore_mem>>)
    %dma_start3A_31 = arith.constant 2 : i32
    %dma_start3A_32 = arith.constant 0 : i32
    %dma_start3A_33 = tpu.memref_slice %arg6[%dma_start3A_31, %dma_start3A_32] : memref<8x1280xi32, #tpu.memory_space<vmem>> -> memref<1x1280xi32, #tpu.memory_space<vmem>>
    %dma_start3A_34 = tpu.memref_squeeze %dma_start3A_33 : memref<1x1280xi32, #tpu.memory_space<vmem>> -> memref<1280xi32, #tpu.memory_space<vmem>>
    %dma_start3A_35 = arith.constant 0 : i32
    %dma_start3A_36 = arith.constant 0 : i32
    %dma_start3A_37 = tpu.memref_slice %arg2[%dma_start3A_35, %dma_start3A_36] : memref<10000x16xf32, #tpu.memory_space<hbm>> -> memref<10000x16xf32, #tpu.memory_space<hbm>>
    tpu.enqueue_indirect_dma source(%dma_start3A_37 : memref<10000x16xf32, #tpu.memory_space<hbm>>) target(%arg10 : memref<1280x16xf32, #tpu.memory_space<vmem>>) offsets(%dma_start3A_34 : memref<1280xi32, #tpu.memory_space<vmem>>) semaphore(%arg15 : memref<!tpu.dma_semaphore, #tpu.memory_space<semaphore_mem>>)
    %dma_wait3A = arith.constant 0 : i32
    %dma_wait3A_38 = arith.constant 0 : i32
    %dma_wait3A_39 = tpu.memref_slice %arg6[%dma_wait3A, %dma_wait3A_38] : memref<8x1280xi32, #tpu.memory_space<vmem>> -> memref<1x1280xi32, #tpu.memory_space<vmem>>
    %dma_wait3A_40 = tpu.memref_squeeze %dma_wait3A_39 : memref<1x1280xi32, #tpu.memory_space<vmem>> -> memref<1280xi32, #tpu.memory_space<vmem>>
    %dma_wait3A_41 = arith.constant 0 : i32
    %dma_wait3A_42 = arith.constant 0 : i32
    %dma_wait3A_43 = tpu.memref_slice %arg2[%dma_wait3A_41, %dma_wait3A_42] : memref<10000x16xf32, #tpu.memory_space<hbm>> -> memref<10000x16xf32, #tpu.memory_space<hbm>>
    tpu.wait_indirect_dma semaphore(%arg13 : memref<!tpu.dma_semaphore, #tpu.memory_space<semaphore_mem>>) src(%dma_wait3A_43 : memref<10000x16xf32, #tpu.memory_space<hbm>>) dst(%arg8 : memref<1280x16xf32, #tpu.memory_space<vmem>>)
    %dma_start3A_44 = arith.constant 0 : i32
    %dma_start3A_45 = arith.constant 0 : i32
    %dma_start3A_46 = tpu.memref_slice %arg7[%dma_start3A_44, %dma_start3A_45] : memref<8x1280xi32, #tpu.memory_space<vmem>> -> memref<1x1280xi32, #tpu.memory_space<vmem>>
    %dma_start3A_47 = tpu.memref_squeeze %dma_start3A_46 : memref<1x1280xi32, #tpu.memory_space<vmem>> -> memref<1280xi32, #tpu.memory_space<vmem>>
    %dma_start3A_48 = arith.constant 0 : i32
    %dma_start3A_49 = arith.constant 0 : i32
    %dma_start3A_50 = tpu.memref_slice %arg12[%dma_start3A_48, %dma_start3A_49] : memref<10112x16xf32, #tpu.memory_space<vmem_shared>> -> memref<10112x16xf32, #tpu.memory_space<vmem_shared>>
    tpu.enqueue_indirect_dma source(%arg8 : memref<1280x16xf32, #tpu.memory_space<vmem>>) target(%dma_start3A_50 : memref<10112x16xf32, #tpu.memory_space<vmem_shared>>) offsets(%dma_start3A_47 : memref<1280xi32, #tpu.memory_space<vmem>>) semaphore(%arg17 : memref<!tpu.dma_semaphore, #tpu.memory_space<semaphore_mem>>) {add = true}
    %dma_start3A_51 = arith.constant 3 : i32
    %dma_start3A_52 = arith.constant 0 : i32
    %dma_start3A_53 = tpu.memref_slice %arg6[%dma_start3A_51, %dma_start3A_52] : memref<8x1280xi32, #tpu.memory_space<vmem>> -> memref<1x1280xi32, #tpu.memory_space<vmem>>
    %dma_start3A_54 = tpu.memref_squeeze %dma_start3A_53 : memref<1x1280xi32, #tpu.memory_space<vmem>> -> memref<1280xi32, #tpu.memory_space<vmem>>
    %dma_start3A_55 = arith.constant 0 : i32
    %dma_start3A_56 = arith.constant 0 : i32
    %dma_start3A_57 = tpu.memref_slice %arg2[%dma_start3A_55, %dma_start3A_56] : memref<10000x16xf32, #tpu.memory_space<hbm>> -> memref<10000x16xf32, #tpu.memory_space<hbm>>
    tpu.enqueue_indirect_dma source(%dma_start3A_57 : memref<10000x16xf32, #tpu.memory_space<hbm>>) target(%arg11 : memref<1280x16xf32, #tpu.memory_space<vmem>>) offsets(%dma_start3A_54 : memref<1280xi32, #tpu.memory_space<vmem>>) semaphore(%arg16 : memref<!tpu.dma_semaphore, #tpu.memory_space<semaphore_mem>>)
    %dma_wait3A_58 = arith.constant 1 : i32
    %dma_wait3A_59 = arith.constant 0 : i32
    %dma_wait3A_60 = tpu.memref_slice %arg6[%dma_wait3A_58, %dma_wait3A_59] : memref<8x1280xi32, #tpu.memory_space<vmem>> -> memref<1x1280xi32, #tpu.memory_space<vmem>>
    %dma_wait3A_61 = tpu.memref_squeeze %dma_wait3A_60 : memref<1x1280xi32, #tpu.memory_space<vmem>> -> memref<1280xi32, #tpu.memory_space<vmem>>
    %dma_wait3A_62 = arith.constant 0 : i32
    %dma_wait3A_63 = arith.constant 0 : i32
    %dma_wait3A_64 = tpu.memref_slice %arg2[%dma_wait3A_62, %dma_wait3A_63] : memref<10000x16xf32, #tpu.memory_space<hbm>> -> memref<10000x16xf32, #tpu.memory_space<hbm>>
    tpu.wait_indirect_dma semaphore(%arg14 : memref<!tpu.dma_semaphore, #tpu.memory_space<semaphore_mem>>) src(%dma_wait3A_64 : memref<10000x16xf32, #tpu.memory_space<hbm>>) dst(%arg9 : memref<1280x16xf32, #tpu.memory_space<vmem>>)
    %dma_start3A_65 = arith.constant 1 : i32
    %dma_start3A_66 = arith.constant 0 : i32
    %dma_start3A_67 = tpu.memref_slice %arg7[%dma_start3A_65, %dma_start3A_66] : memref<8x1280xi32, #tpu.memory_space<vmem>> -> memref<1x1280xi32, #tpu.memory_space<vmem>>
    %dma_start3A_68 = tpu.memref_squeeze %dma_start3A_67 : memref<1x1280xi32, #tpu.memory_space<vmem>> -> memref<1280xi32, #tpu.memory_space<vmem>>
    %dma_start3A_69 = arith.constant 0 : i32
    %dma_start3A_70 = arith.constant 0 : i32
    %dma_start3A_71 = tpu.memref_slice %arg12[%dma_start3A_69, %dma_start3A_70] : memref<10112x16xf32, #tpu.memory_space<vmem_shared>> -> memref<10112x16xf32, #tpu.memory_space<vmem_shared>>
    tpu.enqueue_indirect_dma source(%arg9 : memref<1280x16xf32, #tpu.memory_space<vmem>>) target(%dma_start3A_71 : memref<10112x16xf32, #tpu.memory_space<vmem_shared>>) offsets(%dma_start3A_68 : memref<1280xi32, #tpu.memory_space<vmem>>) semaphore(%arg18 : memref<!tpu.dma_semaphore, #tpu.memory_space<semaphore_mem>>) {add = true}
    %dma_wait3A_72 = arith.constant 0 : i32
    %dma_wait3A_73 = arith.constant 0 : i32
    %dma_wait3A_74 = tpu.memref_slice %arg7[%dma_wait3A_72, %dma_wait3A_73] : memref<8x1280xi32, #tpu.memory_space<vmem>> -> memref<1x1280xi32, #tpu.memory_space<vmem>>
    %dma_wait3A_75 = tpu.memref_squeeze %dma_wait3A_74 : memref<1x1280xi32, #tpu.memory_space<vmem>> -> memref<1280xi32, #tpu.memory_space<vmem>>
    %dma_wait3A_76 = arith.constant 0 : i32
    %dma_wait3A_77 = arith.constant 0 : i32
    %dma_wait3A_78 = tpu.memref_slice %arg12[%dma_wait3A_76, %dma_wait3A_77] : memref<10112x16xf32, #tpu.memory_space<vmem_shared>> -> memref<10112x16xf32, #tpu.memory_space<vmem_shared>>
    tpu.wait_indirect_dma semaphore(%arg17 : memref<!tpu.dma_semaphore, #tpu.memory_space<semaphore_mem>>) src(%arg8 : memref<1280x16xf32, #tpu.memory_space<vmem>>) dst(%dma_wait3A_78 : memref<10112x16xf32, #tpu.memory_space<vmem_shared>>)
    %dma_start3A_79 = arith.constant 4 : i32
    %dma_start3A_80 = arith.constant 0 : i32
    %dma_start3A_81 = tpu.memref_slice %arg6[%dma_start3A_79, %dma_start3A_80] : memref<8x1280xi32, #tpu.memory_space<vmem>> -> memref<1x1280xi32, #tpu.memory_space<vmem>>
    %dma_start3A_82 = tpu.memref_squeeze %dma_start3A_81 : memref<1x1280xi32, #tpu.memory_space<vmem>> -> memref<1280xi32, #tpu.memory_space<vmem>>
    %dma_start3A_83 = arith.constant 0 : i32
    %dma_start3A_84 = arith.constant 0 : i32
    %dma_start3A_85 = tpu.memref_slice %arg2[%dma_start3A_83, %dma_start3A_84] : memref<10000x16xf32, #tpu.memory_space<hbm>> -> memref<10000x16xf32, #tpu.memory_space<hbm>>
    tpu.enqueue_indirect_dma source(%dma_start3A_85 : memref<10000x16xf32, #tpu.memory_space<hbm>>) target(%arg8 : memref<1280x16xf32, #tpu.memory_space<vmem>>) offsets(%dma_start3A_82 : memref<1280xi32, #tpu.memory_space<vmem>>) semaphore(%arg13 : memref<!tpu.dma_semaphore, #tpu.memory_space<semaphore_mem>>)
    %dma_wait3A_86 = arith.constant 2 : i32
    %dma_wait3A_87 = arith.constant 0 : i32
    %dma_wait3A_88 = tpu.memref_slice %arg6[%dma_wait3A_86, %dma_wait3A_87] : memref<8x1280xi32, #tpu.memory_space<vmem>> -> memref<1x1280xi32, #tpu.memory_space<vmem>>
    %dma_wait3A_89 = tpu.memref_squeeze %dma_wait3A_88 : memref<1x1280xi32, #tpu.memory_space<vmem>> -> memref<1280xi32, #tpu.memory_space<vmem>>
    %dma_wait3A_90 = arith.constant 0 : i32
    %dma_wait3A_91 = arith.constant 0 : i32
    %dma_wait3A_92 = tpu.memref_slice %arg2[%dma_wait3A_90, %dma_wait3A_91] : memref<10000x16xf32, #tpu.memory_space<hbm>> -> memref<10000x16xf32, #tpu.memory_space<hbm>>
    tpu.wait_indirect_dma semaphore(%arg15 : memref<!tpu.dma_semaphore, #tpu.memory_space<semaphore_mem>>) src(%dma_wait3A_92 : memref<10000x16xf32, #tpu.memory_space<hbm>>) dst(%arg10 : memref<1280x16xf32, #tpu.memory_space<vmem>>)
    %dma_start3A_93 = arith.constant 2 : i32
    %dma_start3A_94 = arith.constant 0 : i32
    %dma_start3A_95 = tpu.memref_slice %arg7[%dma_start3A_93, %dma_start3A_94] : memref<8x1280xi32, #tpu.memory_space<vmem>> -> memref<1x1280xi32, #tpu.memory_space<vmem>>
    %dma_start3A_96 = tpu.memref_squeeze %dma_start3A_95 : memref<1x1280xi32, #tpu.memory_space<vmem>> -> memref<1280xi32, #tpu.memory_space<vmem>>
    %dma_start3A_97 = arith.constant 0 : i32
    %dma_start3A_98 = arith.constant 0 : i32
    %dma_start3A_99 = tpu.memref_slice %arg12[%dma_start3A_97, %dma_start3A_98] : memref<10112x16xf32, #tpu.memory_space<vmem_shared>> -> memref<10112x16xf32, #tpu.memory_space<vmem_shared>>
    tpu.enqueue_indirect_dma source(%arg10 : memref<1280x16xf32, #tpu.memory_space<vmem>>) target(%dma_start3A_99 : memref<10112x16xf32, #tpu.memory_space<vmem_shared>>) offsets(%dma_start3A_96 : memref<1280xi32, #tpu.memory_space<vmem>>) semaphore(%arg19 : memref<!tpu.dma_semaphore, #tpu.memory_space<semaphore_mem>>) {add = true}
    %dma_wait3A_100 = arith.constant 1 : i32
    %dma_wait3A_101 = arith.constant 0 : i32
    %dma_wait3A_102 = tpu.memref_slice %arg7[%dma_wait3A_100, %dma_wait3A_101] : memref<8x1280xi32, #tpu.memory_space<vmem>> -> memref<1x1280xi32, #tpu.memory_space<vmem>>
    %dma_wait3A_103 = tpu.memref_squeeze %dma_wait3A_102 : memref<1x1280xi32, #tpu.memory_space<vmem>> -> memref<1280xi32, #tpu.memory_space<vmem>>
    %dma_wait3A_104 = arith.constant 0 : i32
    %dma_wait3A_105 = arith.constant 0 : i32
    %dma_wait3A_106 = tpu.memref_slice %arg12[%dma_wait3A_104, %dma_wait3A_105] : memref<10112x16xf32, #tpu.memory_space<vmem_shared>> -> memref<10112x16xf32, #tpu.memory_space<vmem_shared>>
    tpu.wait_indirect_dma semaphore(%arg18 : memref<!tpu.dma_semaphore, #tpu.memory_space<semaphore_mem>>) src(%arg9 : memref<1280x16xf32, #tpu.memory_space<vmem>>) dst(%dma_wait3A_106 : memref<10112x16xf32, #tpu.memory_space<vmem_shared>>)
    %dma_start3A_107 = arith.constant 5 : i32
    %dma_start3A_108 = arith.constant 0 : i32
    %dma_start3A_109 = tpu.memref_slice %arg6[%dma_start3A_107, %dma_start3A_108] : memref<8x1280xi32, #tpu.memory_space<vmem>> -> memref<1x1280xi32, #tpu.memory_space<vmem>>
    %dma_start3A_110 = tpu.memref_squeeze %dma_start3A_109 : memref<1x1280xi32, #tpu.memory_space<vmem>> -> memref<1280xi32, #tpu.memory_space<vmem>>
    %dma_start3A_111 = arith.constant 0 : i32
    %dma_start3A_112 = arith.constant 0 : i32
    %dma_start3A_113 = tpu.memref_slice %arg2[%dma_start3A_111, %dma_start3A_112] : memref<10000x16xf32, #tpu.memory_space<hbm>> -> memref<10000x16xf32, #tpu.memory_space<hbm>>
    tpu.enqueue_indirect_dma source(%dma_start3A_113 : memref<10000x16xf32, #tpu.memory_space<hbm>>) target(%arg9 : memref<1280x16xf32, #tpu.memory_space<vmem>>) offsets(%dma_start3A_110 : memref<1280xi32, #tpu.memory_space<vmem>>) semaphore(%arg14 : memref<!tpu.dma_semaphore, #tpu.memory_space<semaphore_mem>>)
    %dma_wait3A_114 = arith.constant 3 : i32
    %dma_wait3A_115 = arith.constant 0 : i32
    %dma_wait3A_116 = tpu.memref_slice %arg6[%dma_wait3A_114, %dma_wait3A_115] : memref<8x1280xi32, #tpu.memory_space<vmem>> -> memref<1x1280xi32, #tpu.memory_space<vmem>>
    %dma_wait3A_117 = tpu.memref_squeeze %dma_wait3A_116 : memref<1x1280xi32, #tpu.memory_space<vmem>> -> memref<1280xi32, #tpu.memory_space<vmem>>
    %dma_wait3A_118 = arith.constant 0 : i32
    %dma_wait3A_119 = arith.constant 0 : i32
    %dma_wait3A_120 = tpu.memref_slice %arg2[%dma_wait3A_118, %dma_wait3A_119] : memref<10000x16xf32, #tpu.memory_space<hbm>> -> memref<10000x16xf32, #tpu.memory_space<hbm>>
    tpu.wait_indirect_dma semaphore(%arg16 : memref<!tpu.dma_semaphore, #tpu.memory_space<semaphore_mem>>) src(%dma_wait3A_120 : memref<10000x16xf32, #tpu.memory_space<hbm>>) dst(%arg11 : memref<1280x16xf32, #tpu.memory_space<vmem>>)
    %dma_start3A_121 = arith.constant 3 : i32
    %dma_start3A_122 = arith.constant 0 : i32
    %dma_start3A_123 = tpu.memref_slice %arg7[%dma_start3A_121, %dma_start3A_122] : memref<8x1280xi32, #tpu.memory_space<vmem>> -> memref<1x1280xi32, #tpu.memory_space<vmem>>
    %dma_start3A_124 = tpu.memref_squeeze %dma_start3A_123 : memref<1x1280xi32, #tpu.memory_space<vmem>> -> memref<1280xi32, #tpu.memory_space<vmem>>
    %dma_start3A_125 = arith.constant 0 : i32
    %dma_start3A_126 = arith.constant 0 : i32
    %dma_start3A_127 = tpu.memref_slice %arg12[%dma_start3A_125, %dma_start3A_126] : memref<10112x16xf32, #tpu.memory_space<vmem_shared>> -> memref<10112x16xf32, #tpu.memory_space<vmem_shared>>
    tpu.enqueue_indirect_dma source(%arg11 : memref<1280x16xf32, #tpu.memory_space<vmem>>) target(%dma_start3A_127 : memref<10112x16xf32, #tpu.memory_space<vmem_shared>>) offsets(%dma_start3A_124 : memref<1280xi32, #tpu.memory_space<vmem>>) semaphore(%arg20 : memref<!tpu.dma_semaphore, #tpu.memory_space<semaphore_mem>>) {add = true}
    %dma_wait3A_128 = arith.constant 2 : i32
    %dma_wait3A_129 = arith.constant 0 : i32
    %dma_wait3A_130 = tpu.memref_slice %arg7[%dma_wait3A_128, %dma_wait3A_129] : memref<8x1280xi32, #tpu.memory_space<vmem>> -> memref<1x1280xi32, #tpu.memory_space<vmem>>
    %dma_wait3A_131 = tpu.memref_squeeze %dma_wait3A_130 : memref<1x1280xi32, #tpu.memory_space<vmem>> -> memref<1280xi32, #tpu.memory_space<vmem>>
    %dma_wait3A_132 = arith.constant 0 : i32
    %dma_wait3A_133 = arith.constant 0 : i32
    %dma_wait3A_134 = tpu.memref_slice %arg12[%dma_wait3A_132, %dma_wait3A_133] : memref<10112x16xf32, #tpu.memory_space<vmem_shared>> -> memref<10112x16xf32, #tpu.memory_space<vmem_shared>>
    tpu.wait_indirect_dma semaphore(%arg19 : memref<!tpu.dma_semaphore, #tpu.memory_space<semaphore_mem>>) src(%arg10 : memref<1280x16xf32, #tpu.memory_space<vmem>>) dst(%dma_wait3A_134 : memref<10112x16xf32, #tpu.memory_space<vmem_shared>>)
    %dma_start3A_135 = arith.constant 6 : i32
    %dma_start3A_136 = arith.constant 0 : i32
    %dma_start3A_137 = tpu.memref_slice %arg6[%dma_start3A_135, %dma_start3A_136] : memref<8x1280xi32, #tpu.memory_space<vmem>> -> memref<1x1280xi32, #tpu.memory_space<vmem>>
    %dma_start3A_138 = tpu.memref_squeeze %dma_start3A_137 : memref<1x1280xi32, #tpu.memory_space<vmem>> -> memref<1280xi32, #tpu.memory_space<vmem>>
    %dma_start3A_139 = arith.constant 0 : i32
    %dma_start3A_140 = arith.constant 0 : i32
    %dma_start3A_141 = tpu.memref_slice %arg2[%dma_start3A_139, %dma_start3A_140] : memref<10000x16xf32, #tpu.memory_space<hbm>> -> memref<10000x16xf32, #tpu.memory_space<hbm>>
    tpu.enqueue_indirect_dma source(%dma_start3A_141 : memref<10000x16xf32, #tpu.memory_space<hbm>>) target(%arg10 : memref<1280x16xf32, #tpu.memory_space<vmem>>) offsets(%dma_start3A_138 : memref<1280xi32, #tpu.memory_space<vmem>>) semaphore(%arg15 : memref<!tpu.dma_semaphore, #tpu.memory_space<semaphore_mem>>)
    %scan3A_142 = arith.constant 0 : i32
    %scan3A_143 = arith.constant 1 : i32
    %scan3A_144 = arith.constant 0 : i32
    %scan3A_145 = arith.addi %scan3A_143, %scan3A_144 : i32
    %scan3A_146 = arith.constant 0 : i32
    %dma_wait3A_147 = arith.constant 4 : i32
    %dma_wait3A_148 = arith.constant 0 : i32
    %dma_wait3A_149 = tpu.memref_slice %arg6[%dma_wait3A_147, %dma_wait3A_148] : memref<8x1280xi32, #tpu.memory_space<vmem>> -> memref<1x1280xi32, #tpu.memory_space<vmem>>
    %dma_wait3A_150 = tpu.memref_squeeze %dma_wait3A_149 : memref<1x1280xi32, #tpu.memory_space<vmem>> -> memref<1280xi32, #tpu.memory_space<vmem>>
    %dma_wait3A_151 = arith.constant 0 : i32
    %dma_wait3A_152 = arith.constant 0 : i32
    %dma_wait3A_153 = tpu.memref_slice %arg2[%dma_wait3A_151, %dma_wait3A_152] : memref<10000x16xf32, #tpu.memory_space<hbm>> -> memref<10000x16xf32, #tpu.memory_space<hbm>>
    tpu.wait_indirect_dma semaphore(%arg13 : memref<!tpu.dma_semaphore, #tpu.memory_space<semaphore_mem>>) src(%dma_wait3A_153 : memref<10000x16xf32, #tpu.memory_space<hbm>>) dst(%arg8 : memref<1280x16xf32, #tpu.memory_space<vmem>>)
    %dma_start3A_154 = arith.constant 4 : i32
    %dma_start3A_155 = arith.constant 0 : i32
    %dma_start3A_156 = tpu.memref_slice %arg7[%dma_start3A_154, %dma_start3A_155] : memref<8x1280xi32, #tpu.memory_space<vmem>> -> memref<1x1280xi32, #tpu.memory_space<vmem>>
    %dma_start3A_157 = tpu.memref_squeeze %dma_start3A_156 : memref<1x1280xi32, #tpu.memory_space<vmem>> -> memref<1280xi32, #tpu.memory_space<vmem>>
    %dma_start3A_158 = arith.constant 0 : i32
    %dma_start3A_159 = arith.constant 0 : i32
    %dma_start3A_160 = tpu.memref_slice %arg12[%dma_start3A_158, %dma_start3A_159] : memref<10112x16xf32, #tpu.memory_space<vmem_shared>> -> memref<10112x16xf32, #tpu.memory_space<vmem_shared>>
    tpu.enqueue_indirect_dma source(%arg8 : memref<1280x16xf32, #tpu.memory_space<vmem>>) target(%dma_start3A_160 : memref<10112x16xf32, #tpu.memory_space<vmem_shared>>) offsets(%dma_start3A_157 : memref<1280xi32, #tpu.memory_space<vmem>>) semaphore(%arg17 : memref<!tpu.dma_semaphore, #tpu.memory_space<semaphore_mem>>) {add = true}
    %dma_wait3A_161 = arith.constant 3 : i32
    %dma_wait3A_162 = arith.constant 0 : i32
    %dma_wait3A_163 = tpu.memref_slice %arg7[%dma_wait3A_161, %dma_wait3A_162] : memref<8x1280xi32, #tpu.memory_space<vmem>> -> memref<1x1280xi32, #tpu.memory_space<vmem>>
    %dma_wait3A_164 = tpu.memref_squeeze %dma_wait3A_163 : memref<1x1280xi32, #tpu.memory_space<vmem>> -> memref<1280xi32, #tpu.memory_space<vmem>>
    %dma_wait3A_165 = arith.constant 0 : i32
    %dma_wait3A_166 = arith.constant 0 : i32
    %dma_wait3A_167 = tpu.memref_slice %arg12[%dma_wait3A_165, %dma_wait3A_166] : memref<10112x16xf32, #tpu.memory_space<vmem_shared>> -> memref<10112x16xf32, #tpu.memory_space<vmem_shared>>
    tpu.wait_indirect_dma semaphore(%arg20 : memref<!tpu.dma_semaphore, #tpu.memory_space<semaphore_mem>>) src(%arg11 : memref<1280x16xf32, #tpu.memory_space<vmem>>) dst(%dma_wait3A_167 : memref<10112x16xf32, #tpu.memory_space<vmem_shared>>)
    %dma_start3A_168 = arith.constant 7 : i32
    %dma_start3A_169 = arith.constant 0 : i32
    %dma_start3A_170 = tpu.memref_slice %arg6[%dma_start3A_168, %dma_start3A_169] : memref<8x1280xi32, #tpu.memory_space<vmem>> -> memref<1x1280xi32, #tpu.memory_space<vmem>>
    %dma_start3A_171 = tpu.memref_squeeze %dma_start3A_170 : memref<1x1280xi32, #tpu.memory_space<vmem>> -> memref<1280xi32, #tpu.memory_space<vmem>>
    %dma_start3A_172 = arith.constant 0 : i32
    %dma_start3A_173 = arith.constant 0 : i32
    %dma_start3A_174 = tpu.memref_slice %arg2[%dma_start3A_172, %dma_start3A_173] : memref<10000x16xf32, #tpu.memory_space<hbm>> -> memref<10000x16xf32, #tpu.memory_space<hbm>>
    tpu.enqueue_indirect_dma source(%dma_start3A_174 : memref<10000x16xf32, #tpu.memory_space<hbm>>) target(%arg11 : memref<1280x16xf32, #tpu.memory_space<vmem>>) offsets(%dma_start3A_171 : memref<1280xi32, #tpu.memory_space<vmem>>) semaphore(%arg16 : memref<!tpu.dma_semaphore, #tpu.memory_space<semaphore_mem>>)
    %dma_wait3A_175 = arith.constant 5 : i32
    %dma_wait3A_176 = arith.constant 0 : i32
    %dma_wait3A_177 = tpu.memref_slice %arg6[%dma_wait3A_175, %dma_wait3A_176] : memref<8x1280xi32, #tpu.memory_space<vmem>> -> memref<1x1280xi32, #tpu.memory_space<vmem>>
    %dma_wait3A_178 = tpu.memref_squeeze %dma_wait3A_177 : memref<1x1280xi32, #tpu.memory_space<vmem>> -> memref<1280xi32, #tpu.memory_space<vmem>>
    %dma_wait3A_179 = arith.constant 0 : i32
    %dma_wait3A_180 = arith.constant 0 : i32
    %dma_wait3A_181 = tpu.memref_slice %arg2[%dma_wait3A_179, %dma_wait3A_180] : memref<10000x16xf32, #tpu.memory_space<hbm>> -> memref<10000x16xf32, #tpu.memory_space<hbm>>
    tpu.wait_indirect_dma semaphore(%arg14 : memref<!tpu.dma_semaphore, #tpu.memory_space<semaphore_mem>>) src(%dma_wait3A_181 : memref<10000x16xf32, #tpu.memory_space<hbm>>) dst(%arg9 : memref<1280x16xf32, #tpu.memory_space<vmem>>)
    %dma_start3A_182 = arith.constant 5 : i32
    %dma_start3A_183 = arith.constant 0 : i32
    %dma_start3A_184 = tpu.memref_slice %arg7[%dma_start3A_182, %dma_start3A_183] : memref<8x1280xi32, #tpu.memory_space<vmem>> -> memref<1x1280xi32, #tpu.memory_space<vmem>>
    %dma_start3A_185 = tpu.memref_squeeze %dma_start3A_184 : memref<1x1280xi32, #tpu.memory_space<vmem>> -> memref<1280xi32, #tpu.memory_space<vmem>>
    %dma_start3A_186 = arith.constant 0 : i32
    %dma_start3A_187 = arith.constant 0 : i32
    %dma_start3A_188 = tpu.memref_slice %arg12[%dma_start3A_186, %dma_start3A_187] : memref<10112x16xf32, #tpu.memory_space<vmem_shared>> -> memref<10112x16xf32, #tpu.memory_space<vmem_shared>>
    tpu.enqueue_indirect_dma source(%arg9 : memref<1280x16xf32, #tpu.memory_space<vmem>>) target(%dma_start3A_188 : memref<10112x16xf32, #tpu.memory_space<vmem_shared>>) offsets(%dma_start3A_185 : memref<1280xi32, #tpu.memory_space<vmem>>) semaphore(%arg18 : memref<!tpu.dma_semaphore, #tpu.memory_space<semaphore_mem>>) {add = true}
    %dma_wait3A_189 = arith.constant 4 : i32
    %dma_wait3A_190 = arith.constant 0 : i32
    %dma_wait3A_191 = tpu.memref_slice %arg7[%dma_wait3A_189, %dma_wait3A_190] : memref<8x1280xi32, #tpu.memory_space<vmem>> -> memref<1x1280xi32, #tpu.memory_space<vmem>>
    %dma_wait3A_192 = tpu.memref_squeeze %dma_wait3A_191 : memref<1x1280xi32, #tpu.memory_space<vmem>> -> memref<1280xi32, #tpu.memory_space<vmem>>
    %dma_wait3A_193 = arith.constant 0 : i32
    %dma_wait3A_194 = arith.constant 0 : i32
    %dma_wait3A_195 = tpu.memref_slice %arg12[%dma_wait3A_193, %dma_wait3A_194] : memref<10112x16xf32, #tpu.memory_space<vmem_shared>> -> memref<10112x16xf32, #tpu.memory_space<vmem_shared>>
    tpu.wait_indirect_dma semaphore(%arg17 : memref<!tpu.dma_semaphore, #tpu.memory_space<semaphore_mem>>) src(%arg8 : memref<1280x16xf32, #tpu.memory_space<vmem>>) dst(%dma_wait3A_195 : memref<10112x16xf32, #tpu.memory_space<vmem_shared>>)
    %dma_wait3A_196 = arith.constant 6 : i32
    %dma_wait3A_197 = arith.constant 0 : i32
    %dma_wait3A_198 = tpu.memref_slice %arg6[%dma_wait3A_196, %dma_wait3A_197] : memref<8x1280xi32, #tpu.memory_space<vmem>> -> memref<1x1280xi32, #tpu.memory_space<vmem>>
    %dma_wait3A_199 = tpu.memref_squeeze %dma_wait3A_198 : memref<1x1280xi32, #tpu.memory_space<vmem>> -> memref<1280xi32, #tpu.memory_space<vmem>>
    %dma_wait3A_200 = arith.constant 0 : i32
    %dma_wait3A_201 = arith.constant 0 : i32
    %dma_wait3A_202 = tpu.memref_slice %arg2[%dma_wait3A_200, %dma_wait3A_201] : memref<10000x16xf32, #tpu.memory_space<hbm>> -> memref<10000x16xf32, #tpu.memory_space<hbm>>
    tpu.wait_indirect_dma semaphore(%arg15 : memref<!tpu.dma_semaphore, #tpu.memory_space<semaphore_mem>>) src(%dma_wait3A_202 : memref<10000x16xf32, #tpu.memory_space<hbm>>) dst(%arg10 : memref<1280x16xf32, #tpu.memory_space<vmem>>)
    %dma_start3A_203 = arith.constant 6 : i32
    %dma_start3A_204 = arith.constant 0 : i32
    %dma_start3A_205 = tpu.memref_slice %arg7[%dma_start3A_203, %dma_start3A_204] : memref<8x1280xi32, #tpu.memory_space<vmem>> -> memref<1x1280xi32, #tpu.memory_space<vmem>>
    %dma_start3A_206 = tpu.memref_squeeze %dma_start3A_205 : memref<1x1280xi32, #tpu.memory_space<vmem>> -> memref<1280xi32, #tpu.memory_space<vmem>>
    %dma_start3A_207 = arith.constant 0 : i32
    %dma_start3A_208 = arith.constant 0 : i32
    %dma_start3A_209 = tpu.memref_slice %arg12[%dma_start3A_207, %dma_start3A_208] : memref<10112x16xf32, #tpu.memory_space<vmem_shared>> -> memref<10112x16xf32, #tpu.memory_space<vmem_shared>>
    tpu.enqueue_indirect_dma source(%arg10 : memref<1280x16xf32, #tpu.memory_space<vmem>>) target(%dma_start3A_209 : memref<10112x16xf32, #tpu.memory_space<vmem_shared>>) offsets(%dma_start3A_206 : memref<1280xi32, #tpu.memory_space<vmem>>) semaphore(%arg19 : memref<!tpu.dma_semaphore, #tpu.memory_space<semaphore_mem>>) {add = true}
    %dma_wait3A_210 = arith.constant 5 : i32
    %dma_wait3A_211 = arith.constant 0 : i32
    %dma_wait3A_212 = tpu.memref_slice %arg7[%dma_wait3A_210, %dma_wait3A_211] : memref<8x1280xi32, #tpu.memory_space<vmem>> -> memref<1x1280xi32, #tpu.memory_space<vmem>>
    %dma_wait3A_213 = tpu.memref_squeeze %dma_wait3A_212 : memref<1x1280xi32, #tpu.memory_space<vmem>> -> memref<1280xi32, #tpu.memory_space<vmem>>
    %dma_wait3A_214 = arith.constant 0 : i32
    %dma_wait3A_215 = arith.constant 0 : i32
    %dma_wait3A_216 = tpu.memref_slice %arg12[%dma_wait3A_214, %dma_wait3A_215] : memref<10112x16xf32, #tpu.memory_space<vmem_shared>> -> memref<10112x16xf32, #tpu.memory_space<vmem_shared>>
    tpu.wait_indirect_dma semaphore(%arg18 : memref<!tpu.dma_semaphore, #tpu.memory_space<semaphore_mem>>) src(%arg9 : memref<1280x16xf32, #tpu.memory_space<vmem>>) dst(%dma_wait3A_216 : memref<10112x16xf32, #tpu.memory_space<vmem_shared>>)
    %dma_wait3A_217 = arith.constant 7 : i32
    %dma_wait3A_218 = arith.constant 0 : i32
    %dma_wait3A_219 = tpu.memref_slice %arg6[%dma_wait3A_217, %dma_wait3A_218] : memref<8x1280xi32, #tpu.memory_space<vmem>> -> memref<1x1280xi32, #tpu.memory_space<vmem>>
    %dma_wait3A_220 = tpu.memref_squeeze %dma_wait3A_219 : memref<1x1280xi32, #tpu.memory_space<vmem>> -> memref<1280xi32, #tpu.memory_space<vmem>>
    %dma_wait3A_221 = arith.constant 0 : i32
    %dma_wait3A_222 = arith.constant 0 : i32
    %dma_wait3A_223 = tpu.memref_slice %arg2[%dma_wait3A_221, %dma_wait3A_222] : memref<10000x16xf32, #tpu.memory_space<hbm>> -> memref<10000x16xf32, #tpu.memory_space<hbm>>
    tpu.wait_indirect_dma semaphore(%arg16 : memref<!tpu.dma_semaphore, #tpu.memory_space<semaphore_mem>>) src(%dma_wait3A_223 : memref<10000x16xf32, #tpu.memory_space<hbm>>) dst(%arg11 : memref<1280x16xf32, #tpu.memory_space<vmem>>)
    %dma_start3A_224 = arith.constant 7 : i32
    %dma_start3A_225 = arith.constant 0 : i32
    %dma_start3A_226 = tpu.memref_slice %arg7[%dma_start3A_224, %dma_start3A_225] : memref<8x1280xi32, #tpu.memory_space<vmem>> -> memref<1x1280xi32, #tpu.memory_space<vmem>>
    %dma_start3A_227 = tpu.memref_squeeze %dma_start3A_226 : memref<1x1280xi32, #tpu.memory_space<vmem>> -> memref<1280xi32, #tpu.memory_space<vmem>>
    %dma_start3A_228 = arith.constant 0 : i32
    %dma_start3A_229 = arith.constant 0 : i32
    %dma_start3A_230 = tpu.memref_slice %arg12[%dma_start3A_228, %dma_start3A_229] : memref<10112x16xf32, #tpu.memory_space<vmem_shared>> -> memref<10112x16xf32, #tpu.memory_space<vmem_shared>>
    tpu.enqueue_indirect_dma source(%arg11 : memref<1280x16xf32, #tpu.memory_space<vmem>>) target(%dma_start3A_230 : memref<10112x16xf32, #tpu.memory_space<vmem_shared>>) offsets(%dma_start3A_227 : memref<1280xi32, #tpu.memory_space<vmem>>) semaphore(%arg20 : memref<!tpu.dma_semaphore, #tpu.memory_space<semaphore_mem>>) {add = true}
    %dma_wait3A_231 = arith.constant 6 : i32
    %dma_wait3A_232 = arith.constant 0 : i32
    %dma_wait3A_233 = tpu.memref_slice %arg7[%dma_wait3A_231, %dma_wait3A_232] : memref<8x1280xi32, #tpu.memory_space<vmem>> -> memref<1x1280xi32, #tpu.memory_space<vmem>>
    %dma_wait3A_234 = tpu.memref_squeeze %dma_wait3A_233 : memref<1x1280xi32, #tpu.memory_space<vmem>> -> memref<1280xi32, #tpu.memory_space<vmem>>
    %dma_wait3A_235 = arith.constant 0 : i32
    %dma_wait3A_236 = arith.constant 0 : i32
    %dma_wait3A_237 = tpu.memref_slice %arg12[%dma_wait3A_235, %dma_wait3A_236] : memref<10112x16xf32, #tpu.memory_space<vmem_shared>> -> memref<10112x16xf32, #tpu.memory_space<vmem_shared>>
    tpu.wait_indirect_dma semaphore(%arg19 : memref<!tpu.dma_semaphore, #tpu.memory_space<semaphore_mem>>) src(%arg10 : memref<1280x16xf32, #tpu.memory_space<vmem>>) dst(%dma_wait3A_237 : memref<10112x16xf32, #tpu.memory_space<vmem_shared>>)
    %dma_wait3A_238 = arith.constant 7 : i32
    %dma_wait3A_239 = arith.constant 0 : i32
    %dma_wait3A_240 = tpu.memref_slice %arg7[%dma_wait3A_238, %dma_wait3A_239] : memref<8x1280xi32, #tpu.memory_space<vmem>> -> memref<1x1280xi32, #tpu.memory_space<vmem>>
    %dma_wait3A_241 = tpu.memref_squeeze %dma_wait3A_240 : memref<1x1280xi32, #tpu.memory_space<vmem>> -> memref<1280xi32, #tpu.memory_space<vmem>>
    %dma_wait3A_242 = arith.constant 0 : i32
    %dma_wait3A_243 = arith.constant 0 : i32
    %dma_wait3A_244 = tpu.memref_slice %arg12[%dma_wait3A_242, %dma_wait3A_243] : memref<10112x16xf32, #tpu.memory_space<vmem_shared>> -> memref<10112x16xf32, #tpu.memory_space<vmem_shared>>
    tpu.wait_indirect_dma semaphore(%arg20 : memref<!tpu.dma_semaphore, #tpu.memory_space<semaphore_mem>>) src(%arg11 : memref<1280x16xf32, #tpu.memory_space<vmem>>) dst(%dma_wait3A_244 : memref<10112x16xf32, #tpu.memory_space<vmem_shared>>)
    %barrier3A_245 = arith.constant 0 : index
    tpu.barrier barrier_id(%barrier3A_245)
    %add3A_246 = arith.constant 0 : i32
    %add3A_247 = arith.addi %mul3A_2, %add3A_246 : i32
    "tpu.region"() ({
      %run_scoped3A = tpu.sem_alloc : memref<!tpu.dma_semaphore, #tpu.memory_space<semaphore_mem>>
      %dma_start3A_266 = arith.constant 0 : i32
      %dma_start3A_267 = arith.constant 0 : i32
      %dma_start3A_268 = tpu.memref_slice %arg8[%dma_start3A_266, %dma_start3A_267] : memref<1280x16xf32, #tpu.memory_space<vmem>> -> memref<128x16xf32, #tpu.memory_space<vmem>>
      %dma_start3A_269 = arith.constant 0 : i32
      %dma_start3A_270 = tpu.memref_slice %arg12[%add3A_247, %dma_start3A_269] : memref<10112x16xf32, #tpu.memory_space<vmem_shared>> -> memref<128x16xf32, #tpu.memory_space<vmem_shared>>
      %dma_start3A_271 = arith.constant 0 : i32
      %dma_start3A_272 = arith.constant 0 : i32
      %dma_start3A_273 = tpu.memref_slice %arg8[%dma_start3A_271, %dma_start3A_272] : memref<1280x16xf32, #tpu.memory_space<vmem>> -> memref<128x16xf32, #tpu.memory_space<vmem>>
      %dma_start3A_274 = arith.constant 0 : i32
      %dma_start3A_275 = tpu.memref_slice %arg12[%add3A_247, %dma_start3A_274] : memref<10112x16xf32, #tpu.memory_space<vmem_shared>> -> memref<128x16xf32, #tpu.memory_space<vmem_shared>>
      tpu.enqueue_dma source(%dma_start3A_275 : memref<128x16xf32, #tpu.memory_space<vmem_shared>>) target(%dma_start3A_273 : memref<128x16xf32, #tpu.memory_space<vmem>>) target_semaphore(%run_scoped3A : memref<!tpu.dma_semaphore, #tpu.memory_space<semaphore_mem>>)
      %dma_wait3A_276 = arith.constant 0 : i32
      %dma_wait3A_277 = arith.constant 0 : i32
      %dma_wait3A_278 = tpu.memref_slice %arg8[%dma_wait3A_276, %dma_wait3A_277] : memref<1280x16xf32, #tpu.memory_space<vmem>> -> memref<128x16xf32, #tpu.memory_space<vmem>>
      %dma_wait3A_279 = arith.constant 0 : i32
      %dma_wait3A_280 = tpu.memref_slice %arg12[%add3A_247, %dma_wait3A_279] : memref<10112x16xf32, #tpu.memory_space<vmem_shared>> -> memref<128x16xf32, #tpu.memory_space<vmem_shared>>
      %dma_wait3A_281 = arith.constant 0 : i32
      %dma_wait3A_282 = arith.constant 0 : i32
      %dma_wait3A_283 = tpu.memref_slice %arg8[%dma_wait3A_281, %dma_wait3A_282] : memref<1280x16xf32, #tpu.memory_space<vmem>> -> memref<128x16xf32, #tpu.memory_space<vmem>>
      %dma_wait3A_284 = arith.constant 0 : i32
      %dma_wait3A_285 = tpu.memref_slice %arg12[%add3A_247, %dma_wait3A_284] : memref<10112x16xf32, #tpu.memory_space<vmem_shared>> -> memref<128x16xf32, #tpu.memory_space<vmem_shared>>
      tpu.wait_dma2 semaphore(%run_scoped3A : memref<!tpu.dma_semaphore, #tpu.memory_space<semaphore_mem>>) src(%dma_wait3A_285 : memref<128x16xf32, #tpu.memory_space<vmem_shared>>) dst(%dma_wait3A_283 : memref<128x16xf32, #tpu.memory_space<vmem>>)
      tpu.yield
    }) : () -> ()
    %add3A_248 = arith.constant 0 : i32
    %add3A_249 = arith.addi %mul3A_2, %add3A_248 : i32
    "tpu.region"() ({
      %run_scoped3A = tpu.sem_alloc : memref<!tpu.dma_semaphore, #tpu.memory_space<semaphore_mem>>
      %dma_start3A_266 = arith.constant 0 : i32
      %dma_start3A_267 = arith.constant 0 : i32
      %dma_start3A_268 = tpu.memref_slice %arg8[%dma_start3A_266, %dma_start3A_267] : memref<1280x16xf32, #tpu.memory_space<vmem>> -> memref<128x16xf32, #tpu.memory_space<vmem>>
      %dma_start3A_269 = arith.constant 0 : i32
      %dma_start3A_270 = arith.constant 0 : i32
      %dma_start3A_271 = tpu.memref_slice %arg5[%arg0, %dma_start3A_269, %dma_start3A_270] : memref<2x10112x16xf32, #tpu.memory_space<hbm>> -> memref<1x10112x16xf32, #tpu.memory_space<hbm>>
      %dma_start3A_272 = tpu.memref_squeeze %dma_start3A_271 : memref<1x10112x16xf32, #tpu.memory_space<hbm>> -> memref<10112x16xf32, #tpu.memory_space<hbm>>
      %dma_start3A_273 = arith.constant 0 : i32
      %dma_start3A_274 = tpu.memref_slice %dma_start3A_272[%add3A_249, %dma_start3A_273] : memref<10112x16xf32, #tpu.memory_space<hbm>> -> memref<128x16xf32, #tpu.memory_space<hbm>>
      %dma_start3A_275 = arith.constant 0 : i32
      %dma_start3A_276 = arith.constant 0 : i32
      %dma_start3A_277 = tpu.memref_slice %arg5[%arg0, %dma_start3A_275, %dma_start3A_276] : memref<2x10112x16xf32, #tpu.memory_space<hbm>> -> memref<1x10112x16xf32, #tpu.memory_space<hbm>>
      %dma_start3A_278 = tpu.memref_squeeze %dma_start3A_277 : memref<1x10112x16xf32, #tpu.memory_space<hbm>> -> memref<10112x16xf32, #tpu.memory_space<hbm>>
      %dma_start3A_279 = arith.constant 0 : i32
      %dma_start3A_280 = tpu.memref_slice %dma_start3A_278[%add3A_249, %dma_start3A_279] : memref<10112x16xf32, #tpu.memory_space<hbm>> -> memref<128x16xf32, #tpu.memory_space<hbm>>
      %dma_start3A_281 = arith.constant 0 : i32
      %dma_start3A_282 = arith.constant 0 : i32
      %dma_start3A_283 = tpu.memref_slice %arg8[%dma_start3A_281, %dma_start3A_282] : memref<1280x16xf32, #tpu.memory_space<vmem>> -> memref<128x16xf32, #tpu.memory_space<vmem>>
      tpu.enqueue_dma source(%dma_start3A_283 : memref<128x16xf32, #tpu.memory_space<vmem>>) target(%dma_start3A_280 : memref<128x16xf32, #tpu.memory_space<hbm>>) target_semaphore(%run_scoped3A : memref<!tpu.dma_semaphore, #tpu.memory_space<semaphore_mem>>)
      %dma_wait3A_284 = arith.constant 0 : i32
      %dma_wait3A_285 = arith.constant 0 : i32
      %dma_wait3A_286 = tpu.memref_slice %arg8[%dma_wait3A_284, %dma_wait3A_285] : memref<1280x16xf32, #tpu.memory_space<vmem>> -> memref<128x16xf32, #tpu.memory_space<vmem>>
      %dma_wait3A_287 = arith.constant 0 : i32
      %dma_wait3A_288 = arith.constant 0 : i32
      %dma_wait3A_289 = tpu.memref_slice %arg5[%arg0, %dma_wait3A_287, %dma_wait3A_288] : memref<2x10112x16xf32, #tpu.memory_space<hbm>> -> memref<1x10112x16xf32, #tpu.memory_space<hbm>>
      %dma_wait3A_290 = tpu.memref_squeeze %dma_wait3A_289 : memref<1x10112x16xf32, #tpu.memory_space<hbm>> -> memref<10112x16xf32, #tpu.memory_space<hbm>>
      %dma_wait3A_291 = arith.constant 0 : i32
      %dma_wait3A_292 = tpu.memref_slice %dma_wait3A_290[%add3A_249, %dma_wait3A_291] : memref<10112x16xf32, #tpu.memory_space<hbm>> -> memref<128x16xf32, #tpu.memory_space<hbm>>
      %dma_wait3A_293 = arith.constant 0 : i32
      %dma_wait3A_294 = arith.constant 0 : i32
      %dma_wait3A_295 = tpu.memref_slice %arg5[%arg0, %dma_wait3A_293, %dma_wait3A_294] : memref<2x10112x16xf32, #tpu.memory_space<hbm>> -> memref<1x10112x16xf32, #tpu.memory_space<hbm>>
      %dma_wait3A_296 = tpu.memref_squeeze %dma_wait3A_295 : memref<1x10112x16xf32, #tpu.memory_space<hbm>> -> memref<10112x16xf32, #tpu.memory_space<hbm>>
      %dma_wait3A_297 = arith.constant 0 : i32
      %dma_wait3A_298 = tpu.memref_slice %dma_wait3A_296[%add3A_249, %dma_wait3A_297] : memref<10112x16xf32, #tpu.memory_space<hbm>> -> memref<128x16xf32, #tpu.memory_space<hbm>>
      %dma_wait3A_299 = arith.constant 0 : i32
      %dma_wait3A_300 = arith.constant 0 : i32
      %dma_wait3A_301 = tpu.memref_slice %arg8[%dma_wait3A_299, %dma_wait3A_300] : memref<1280x16xf32, #tpu.memory_space<vmem>> -> memref<128x16xf32, #tpu.memory_space<vmem>>
      tpu.wait_dma2 semaphore(%run_scoped3A : memref<!tpu.dma_semaphore, #tpu.memory_space<semaphore_mem>>) src(%dma_wait3A_301 : memref<128x16xf32, #tpu.memory_space<vmem>>) dst(%dma_wait3A_298 : memref<128x16xf32, #tpu.memory_space<hbm>>)
      tpu.yield
    }) : () -> ()
    %add3A_250 = arith.constant 128 : i32
    %add3A_251 = arith.addi %mul3A_2, %add3A_250 : i32
    "tpu.region"() ({
      %run_scoped3A = tpu.sem_alloc : memref<!tpu.dma_semaphore, #tpu.memory_space<semaphore_mem>>
      %dma_start3A_266 = arith.constant 0 : i32
      %dma_start3A_267 = arith.constant 0 : i32
      %dma_start3A_268 = tpu.memref_slice %arg8[%dma_start3A_266, %dma_start3A_267] : memref<1280x16xf32, #tpu.memory_space<vmem>> -> memref<128x16xf32, #tpu.memory_space<vmem>>
      %dma_start3A_269 = arith.constant 0 : i32
      %dma_start3A_270 = tpu.memref_slice %arg12[%add3A_251, %dma_start3A_269] : memref<10112x16xf32, #tpu.memory_space<vmem_shared>> -> memref<128x16xf32, #tpu.memory_space<vmem_shared>>
      %dma_start3A_271 = arith.constant 0 : i32
      %dma_start3A_272 = arith.constant 0 : i32
      %dma_start3A_273 = tpu.memref_slice %arg8[%dma_start3A_271, %dma_start3A_272] : memref<1280x16xf32, #tpu.memory_space<vmem>> -> memref<128x16xf32, #tpu.memory_space<vmem>>
      %dma_start3A_274 = arith.constant 0 : i32
      %dma_start3A_275 = tpu.memref_slice %arg12[%add3A_251, %dma_start3A_274] : memref<10112x16xf32, #tpu.memory_space<vmem_shared>> -> memref<128x16xf32, #tpu.memory_space<vmem_shared>>
      tpu.enqueue_dma source(%dma_start3A_275 : memref<128x16xf32, #tpu.memory_space<vmem_shared>>) target(%dma_start3A_273 : memref<128x16xf32, #tpu.memory_space<vmem>>) target_semaphore(%run_scoped3A : memref<!tpu.dma_semaphore, #tpu.memory_space<semaphore_mem>>)
      %dma_wait3A_276 = arith.constant 0 : i32
      %dma_wait3A_277 = arith.constant 0 : i32
      %dma_wait3A_278 = tpu.memref_slice %arg8[%dma_wait3A_276, %dma_wait3A_277] : memref<1280x16xf32, #tpu.memory_space<vmem>> -> memref<128x16xf32, #tpu.memory_space<vmem>>
      %dma_wait3A_279 = arith.constant 0 : i32
      %dma_wait3A_280 = tpu.memref_slice %arg12[%add3A_251, %dma_wait3A_279] : memref<10112x16xf32, #tpu.memory_space<vmem_shared>> -> memref<128x16xf32, #tpu.memory_space<vmem_shared>>
      %dma_wait3A_281 = arith.constant 0 : i32
      %dma_wait3A_282 = arith.constant 0 : i32
      %dma_wait3A_283 = tpu.memref_slice %arg8[%dma_wait3A_281, %dma_wait3A_282] : memref<1280x16xf32, #tpu.memory_space<vmem>> -> memref<128x16xf32, #tpu.memory_space<vmem>>
      %dma_wait3A_284 = arith.constant 0 : i32
      %dma_wait3A_285 = tpu.memref_slice %arg12[%add3A_251, %dma_wait3A_284] : memref<10112x16xf32, #tpu.memory_space<vmem_shared>> -> memref<128x16xf32, #tpu.memory_space<vmem_shared>>
      tpu.wait_dma2 semaphore(%run_scoped3A : memref<!tpu.dma_semaphore, #tpu.memory_space<semaphore_mem>>) src(%dma_wait3A_285 : memref<128x16xf32, #tpu.memory_space<vmem_shared>>) dst(%dma_wait3A_283 : memref<128x16xf32, #tpu.memory_space<vmem>>)
      tpu.yield
    }) : () -> ()
    %add3A_252 = arith.constant 128 : i32
    %add3A_253 = arith.addi %mul3A_2, %add3A_252 : i32
    "tpu.region"() ({
      %run_scoped3A = tpu.sem_alloc : memref<!tpu.dma_semaphore, #tpu.memory_space<semaphore_mem>>
      %dma_start3A_266 = arith.constant 0 : i32
      %dma_start3A_267 = arith.constant 0 : i32
      %dma_start3A_268 = tpu.memref_slice %arg8[%dma_start3A_266, %dma_start3A_267] : memref<1280x16xf32, #tpu.memory_space<vmem>> -> memref<128x16xf32, #tpu.memory_space<vmem>>
      %dma_start3A_269 = arith.constant 0 : i32
      %dma_start3A_270 = arith.constant 0 : i32
      %dma_start3A_271 = tpu.memref_slice %arg5[%arg0, %dma_start3A_269, %dma_start3A_270] : memref<2x10112x16xf32, #tpu.memory_space<hbm>> -> memref<1x10112x16xf32, #tpu.memory_space<hbm>>
      %dma_start3A_272 = tpu.memref_squeeze %dma_start3A_271 : memref<1x10112x16xf32, #tpu.memory_space<hbm>> -> memref<10112x16xf32, #tpu.memory_space<hbm>>
      %dma_start3A_273 = arith.constant 0 : i32
      %dma_start3A_274 = tpu.memref_slice %dma_start3A_272[%add3A_253, %dma_start3A_273] : memref<10112x16xf32, #tpu.memory_space<hbm>> -> memref<128x16xf32, #tpu.memory_space<hbm>>
      %dma_start3A_275 = arith.constant 0 : i32
      %dma_start3A_276 = arith.constant 0 : i32
      %dma_start3A_277 = tpu.memref_slice %arg5[%arg0, %dma_start3A_275, %dma_start3A_276] : memref<2x10112x16xf32, #tpu.memory_space<hbm>> -> memref<1x10112x16xf32, #tpu.memory_space<hbm>>
      %dma_start3A_278 = tpu.memref_squeeze %dma_start3A_277 : memref<1x10112x16xf32, #tpu.memory_space<hbm>> -> memref<10112x16xf32, #tpu.memory_space<hbm>>
      %dma_start3A_279 = arith.constant 0 : i32
      %dma_start3A_280 = tpu.memref_slice %dma_start3A_278[%add3A_253, %dma_start3A_279] : memref<10112x16xf32, #tpu.memory_space<hbm>> -> memref<128x16xf32, #tpu.memory_space<hbm>>
      %dma_start3A_281 = arith.constant 0 : i32
      %dma_start3A_282 = arith.constant 0 : i32
      %dma_start3A_283 = tpu.memref_slice %arg8[%dma_start3A_281, %dma_start3A_282] : memref<1280x16xf32, #tpu.memory_space<vmem>> -> memref<128x16xf32, #tpu.memory_space<vmem>>
      tpu.enqueue_dma source(%dma_start3A_283 : memref<128x16xf32, #tpu.memory_space<vmem>>) target(%dma_start3A_280 : memref<128x16xf32, #tpu.memory_space<hbm>>) target_semaphore(%run_scoped3A : memref<!tpu.dma_semaphore, #tpu.memory_space<semaphore_mem>>)
      %dma_wait3A_284 = arith.constant 0 : i32
      %dma_wait3A_285 = arith.constant 0 : i32
      %dma_wait3A_286 = tpu.memref_slice %arg8[%dma_wait3A_284, %dma_wait3A_285] : memref<1280x16xf32, #tpu.memory_space<vmem>> -> memref<128x16xf32, #tpu.memory_space<vmem>>
      %dma_wait3A_287 = arith.constant 0 : i32
      %dma_wait3A_288 = arith.constant 0 : i32
      %dma_wait3A_289 = tpu.memref_slice %arg5[%arg0, %dma_wait3A_287, %dma_wait3A_288] : memref<2x10112x16xf32, #tpu.memory_space<hbm>> -> memref<1x10112x16xf32, #tpu.memory_space<hbm>>
      %dma_wait3A_290 = tpu.memref_squeeze %dma_wait3A_289 : memref<1x10112x16xf32, #tpu.memory_space<hbm>> -> memref<10112x16xf32, #tpu.memory_space<hbm>>
      %dma_wait3A_291 = arith.constant 0 : i32
      %dma_wait3A_292 = tpu.memref_slice %dma_wait3A_290[%add3A_253, %dma_wait3A_291] : memref<10112x16xf32, #tpu.memory_space<hbm>> -> memref<128x16xf32, #tpu.memory_space<hbm>>
      %dma_wait3A_293 = arith.constant 0 : i32
      %dma_wait3A_294 = arith.constant 0 : i32
      %dma_wait3A_295 = tpu.memref_slice %arg5[%arg0, %dma_wait3A_293, %dma_wait3A_294] : memref<2x10112x16xf32, #tpu.memory_space<hbm>> -> memref<1x10112x16xf32, #tpu.memory_space<hbm>>
      %dma_wait3A_296 = tpu.memref_squeeze %dma_wait3A_295 : memref<1x10112x16xf32, #tpu.memory_space<hbm>> -> memref<10112x16xf32, #tpu.memory_space<hbm>>
      %dma_wait3A_297 = arith.constant 0 : i32
      %dma_wait3A_298 = tpu.memref_slice %dma_wait3A_296[%add3A_253, %dma_wait3A_297] : memref<10112x16xf32, #tpu.memory_space<hbm>> -> memref<128x16xf32, #tpu.memory_space<hbm>>
      %dma_wait3A_299 = arith.constant 0 : i32
      %dma_wait3A_300 = arith.constant 0 : i32
      %dma_wait3A_301 = tpu.memref_slice %arg8[%dma_wait3A_299, %dma_wait3A_300] : memref<1280x16xf32, #tpu.memory_space<vmem>> -> memref<128x16xf32, #tpu.memory_space<vmem>>
      tpu.wait_dma2 semaphore(%run_scoped3A : memref<!tpu.dma_semaphore, #tpu.memory_space<semaphore_mem>>) src(%dma_wait3A_301 : memref<128x16xf32, #tpu.memory_space<vmem>>) dst(%dma_wait3A_298 : memref<128x16xf32, #tpu.memory_space<hbm>>)
      tpu.yield
    }) : () -> ()
    %add3A_254 = arith.constant 256 : i32
    %add3A_255 = arith.addi %mul3A_2, %add3A_254 : i32
    "tpu.region"() ({
      %run_scoped3A = tpu.sem_alloc : memref<!tpu.dma_semaphore, #tpu.memory_space<semaphore_mem>>
      %dma_start3A_266 = arith.constant 0 : i32
      %dma_start3A_267 = arith.constant 0 : i32
      %dma_start3A_268 = tpu.memref_slice %arg8[%dma_start3A_266, %dma_start3A_267] : memref<1280x16xf32, #tpu.memory_space<vmem>> -> memref<128x16xf32, #tpu.memory_space<vmem>>
      %dma_start3A_269 = arith.constant 0 : i32
      %dma_start3A_270 = tpu.memref_slice %arg12[%add3A_255, %dma_start3A_269] : memref<10112x16xf32, #tpu.memory_space<vmem_shared>> -> memref<128x16xf32, #tpu.memory_space<vmem_shared>>
      %dma_start3A_271 = arith.constant 0 : i32
      %dma_start3A_272 = arith.constant 0 : i32
      %dma_start3A_273 = tpu.memref_slice %arg8[%dma_start3A_271, %dma_start3A_272] : memref<1280x16xf32, #tpu.memory_space<vmem>> -> memref<128x16xf32, #tpu.memory_space<vmem>>
      %dma_start3A_274 = arith.constant 0 : i32
      %dma_start3A_275 = tpu.memref_slice %arg12[%add3A_255, %dma_start3A_274] : memref<10112x16xf32, #tpu.memory_space<vmem_shared>> -> memref<128x16xf32, #tpu.memory_space<vmem_shared>>
      tpu.enqueue_dma source(%dma_start3A_275 : memref<128x16xf32, #tpu.memory_space<vmem_shared>>) target(%dma_start3A_273 : memref<128x16xf32, #tpu.memory_space<vmem>>) target_semaphore(%run_scoped3A : memref<!tpu.dma_semaphore, #tpu.memory_space<semaphore_mem>>)
      %dma_wait3A_276 = arith.constant 0 : i32
      %dma_wait3A_277 = arith.constant 0 : i32
      %dma_wait3A_278 = tpu.memref_slice %arg8[%dma_wait3A_276, %dma_wait3A_277] : memref<1280x16xf32, #tpu.memory_space<vmem>> -> memref<128x16xf32, #tpu.memory_space<vmem>>
      %dma_wait3A_279 = arith.constant 0 : i32
      %dma_wait3A_280 = tpu.memref_slice %arg12[%add3A_255, %dma_wait3A_279] : memref<10112x16xf32, #tpu.memory_space<vmem_shared>> -> memref<128x16xf32, #tpu.memory_space<vmem_shared>>
      %dma_wait3A_281 = arith.constant 0 : i32
      %dma_wait3A_282 = arith.constant 0 : i32
      %dma_wait3A_283 = tpu.memref_slice %arg8[%dma_wait3A_281, %dma_wait3A_282] : memref<1280x16xf32, #tpu.memory_space<vmem>> -> memref<128x16xf32, #tpu.memory_space<vmem>>
      %dma_wait3A_284 = arith.constant 0 : i32
      %dma_wait3A_285 = tpu.memref_slice %arg12[%add3A_255, %dma_wait3A_284] : memref<10112x16xf32, #tpu.memory_space<vmem_shared>> -> memref<128x16xf32, #tpu.memory_space<vmem_shared>>
      tpu.wait_dma2 semaphore(%run_scoped3A : memref<!tpu.dma_semaphore, #tpu.memory_space<semaphore_mem>>) src(%dma_wait3A_285 : memref<128x16xf32, #tpu.memory_space<vmem_shared>>) dst(%dma_wait3A_283 : memref<128x16xf32, #tpu.memory_space<vmem>>)
      tpu.yield
    }) : () -> ()
    %add3A_256 = arith.constant 256 : i32
    %add3A_257 = arith.addi %mul3A_2, %add3A_256 : i32
    "tpu.region"() ({
      %run_scoped3A = tpu.sem_alloc : memref<!tpu.dma_semaphore, #tpu.memory_space<semaphore_mem>>
      %dma_start3A_266 = arith.constant 0 : i32
      %dma_start3A_267 = arith.constant 0 : i32
      %dma_start3A_268 = tpu.memref_slice %arg8[%dma_start3A_266, %dma_start3A_267] : memref<1280x16xf32, #tpu.memory_space<vmem>> -> memref<128x16xf32, #tpu.memory_space<vmem>>
      %dma_start3A_269 = arith.constant 0 : i32
      %dma_start3A_270 = arith.constant 0 : i32
      %dma_start3A_271 = tpu.memref_slice %arg5[%arg0, %dma_start3A_269, %dma_start3A_270] : memref<2x10112x16xf32, #tpu.memory_space<hbm>> -> memref<1x10112x16xf32, #tpu.memory_space<hbm>>
      %dma_start3A_272 = tpu.memref_squeeze %dma_start3A_271 : memref<1x10112x16xf32, #tpu.memory_space<hbm>> -> memref<10112x16xf32, #tpu.memory_space<hbm>>
      %dma_start3A_273 = arith.constant 0 : i32
      %dma_start3A_274 = tpu.memref_slice %dma_start3A_272[%add3A_257, %dma_start3A_273] : memref<10112x16xf32, #tpu.memory_space<hbm>> -> memref<128x16xf32, #tpu.memory_space<hbm>>
      %dma_start3A_275 = arith.constant 0 : i32
      %dma_start3A_276 = arith.constant 0 : i32
      %dma_start3A_277 = tpu.memref_slice %arg5[%arg0, %dma_start3A_275, %dma_start3A_276] : memref<2x10112x16xf32, #tpu.memory_space<hbm>> -> memref<1x10112x16xf32, #tpu.memory_space<hbm>>
      %dma_start3A_278 = tpu.memref_squeeze %dma_start3A_277 : memref<1x10112x16xf32, #tpu.memory_space<hbm>> -> memref<10112x16xf32, #tpu.memory_space<hbm>>
      %dma_start3A_279 = arith.constant 0 : i32
      %dma_start3A_280 = tpu.memref_slice %dma_start3A_278[%add3A_257, %dma_start3A_279] : memref<10112x16xf32, #tpu.memory_space<hbm>> -> memref<128x16xf32, #tpu.memory_space<hbm>>
      %dma_start3A_281 = arith.constant 0 : i32
      %dma_start3A_282 = arith.constant 0 : i32
      %dma_start3A_283 = tpu.memref_slice %arg8[%dma_start3A_281, %dma_start3A_282] : memref<1280x16xf32, #tpu.memory_space<vmem>> -> memref<128x16xf32, #tpu.memory_space<vmem>>
      tpu.enqueue_dma source(%dma_start3A_283 : memref<128x16xf32, #tpu.memory_space<vmem>>) target(%dma_start3A_280 : memref<128x16xf32, #tpu.memory_space<hbm>>) target_semaphore(%run_scoped3A : memref<!tpu.dma_semaphore, #tpu.memory_space<semaphore_mem>>)
      %dma_wait3A_284 = arith.constant 0 : i32
      %dma_wait3A_285 = arith.constant 0 : i32
      %dma_wait3A_286 = tpu.memref_slice %arg8[%dma_wait3A_284, %dma_wait3A_285] : memref<1280x16xf32, #tpu.memory_space<vmem>> -> memref<128x16xf32, #tpu.memory_space<vmem>>
      %dma_wait3A_287 = arith.constant 0 : i32
      %dma_wait3A_288 = arith.constant 0 : i32
      %dma_wait3A_289 = tpu.memref_slice %arg5[%arg0, %dma_wait3A_287, %dma_wait3A_288] : memref<2x10112x16xf32, #tpu.memory_space<hbm>> -> memref<1x10112x16xf32, #tpu.memory_space<hbm>>
      %dma_wait3A_290 = tpu.memref_squeeze %dma_wait3A_289 : memref<1x10112x16xf32, #tpu.memory_space<hbm>> -> memref<10112x16xf32, #tpu.memory_space<hbm>>
      %dma_wait3A_291 = arith.constant 0 : i32
      %dma_wait3A_292 = tpu.memref_slice %dma_wait3A_290[%add3A_257, %dma_wait3A_291] : memref<10112x16xf32, #tpu.memory_space<hbm>> -> memref<128x16xf32, #tpu.memory_space<hbm>>
      %dma_wait3A_293 = arith.constant 0 : i32
      %dma_wait3A_294 = arith.constant 0 : i32
      %dma_wait3A_295 = tpu.memref_slice %arg5[%arg0, %dma_wait3A_293, %dma_wait3A_294] : memref<2x10112x16xf32, #tpu.memory_space<hbm>> -> memref<1x10112x16xf32, #tpu.memory_space<hbm>>
      %dma_wait3A_296 = tpu.memref_squeeze %dma_wait3A_295 : memref<1x10112x16xf32, #tpu.memory_space<hbm>> -> memref<10112x16xf32, #tpu.memory_space<hbm>>
      %dma_wait3A_297 = arith.constant 0 : i32
      %dma_wait3A_298 = tpu.memref_slice %dma_wait3A_296[%add3A_257, %dma_wait3A_297] : memref<10112x16xf32, #tpu.memory_space<hbm>> -> memref<128x16xf32, #tpu.memory_space<hbm>>
      %dma_wait3A_299 = arith.constant 0 : i32
      %dma_wait3A_300 = arith.constant 0 : i32
      %dma_wait3A_301 = tpu.memref_slice %arg8[%dma_wait3A_299, %dma_wait3A_300] : memref<1280x16xf32, #tpu.memory_space<vmem>> -> memref<128x16xf32, #tpu.memory_space<vmem>>
      tpu.wait_dma2 semaphore(%run_scoped3A : memref<!tpu.dma_semaphore, #tpu.memory_space<semaphore_mem>>) src(%dma_wait3A_301 : memref<128x16xf32, #tpu.memory_space<vmem>>) dst(%dma_wait3A_298 : memref<128x16xf32, #tpu.memory_space<hbm>>)
      tpu.yield
    }) : () -> ()
    %add3A_258 = arith.constant 384 : i32
    %add3A_259 = arith.addi %mul3A_2, %add3A_258 : i32
    "tpu.region"() ({
      %run_scoped3A = tpu.sem_alloc : memref<!tpu.dma_semaphore, #tpu.memory_space<semaphore_mem>>
      %dma_start3A_266 = arith.constant 0 : i32
      %dma_start3A_267 = arith.constant 0 : i32
      %dma_start3A_268 = tpu.memref_slice %arg8[%dma_start3A_266, %dma_start3A_267] : memref<1280x16xf32, #tpu.memory_space<vmem>> -> memref<128x16xf32, #tpu.memory_space<vmem>>
      %dma_start3A_269 = arith.constant 0 : i32
      %dma_start3A_270 = tpu.memref_slice %arg12[%add3A_259, %dma_start3A_269] : memref<10112x16xf32, #tpu.memory_space<vmem_shared>> -> memref<128x16xf32, #tpu.memory_space<vmem_shared>>
      %dma_start3A_271 = arith.constant 0 : i32
      %dma_start3A_272 = arith.constant 0 : i32
      %dma_start3A_273 = tpu.memref_slice %arg8[%dma_start3A_271, %dma_start3A_272] : memref<1280x16xf32, #tpu.memory_space<vmem>> -> memref<128x16xf32, #tpu.memory_space<vmem>>
      %dma_start3A_274 = arith.constant 0 : i32
      %dma_start3A_275 = tpu.memref_slice %arg12[%add3A_259, %dma_start3A_274] : memref<10112x16xf32, #tpu.memory_space<vmem_shared>> -> memref<128x16xf32, #tpu.memory_space<vmem_shared>>
      tpu.enqueue_dma source(%dma_start3A_275 : memref<128x16xf32, #tpu.memory_space<vmem_shared>>) target(%dma_start3A_273 : memref<128x16xf32, #tpu.memory_space<vmem>>) target_semaphore(%run_scoped3A : memref<!tpu.dma_semaphore, #tpu.memory_space<semaphore_mem>>)
      %dma_wait3A_276 = arith.constant 0 : i32
      %dma_wait3A_277 = arith.constant 0 : i32
      %dma_wait3A_278 = tpu.memref_slice %arg8[%dma_wait3A_276, %dma_wait3A_277] : memref<1280x16xf32, #tpu.memory_space<vmem>> -> memref<128x16xf32, #tpu.memory_space<vmem>>
      %dma_wait3A_279 = arith.constant 0 : i32
      %dma_wait3A_280 = tpu.memref_slice %arg12[%add3A_259, %dma_wait3A_279] : memref<10112x16xf32, #tpu.memory_space<vmem_shared>> -> memref<128x16xf32, #tpu.memory_space<vmem_shared>>
      %dma_wait3A_281 = arith.constant 0 : i32
      %dma_wait3A_282 = arith.constant 0 : i32
      %dma_wait3A_283 = tpu.memref_slice %arg8[%dma_wait3A_281, %dma_wait3A_282] : memref<1280x16xf32, #tpu.memory_space<vmem>> -> memref<128x16xf32, #tpu.memory_space<vmem>>
      %dma_wait3A_284 = arith.constant 0 : i32
      %dma_wait3A_285 = tpu.memref_slice %arg12[%add3A_259, %dma_wait3A_284] : memref<10112x16xf32, #tpu.memory_space<vmem_shared>> -> memref<128x16xf32, #tpu.memory_space<vmem_shared>>
      tpu.wait_dma2 semaphore(%run_scoped3A : memref<!tpu.dma_semaphore, #tpu.memory_space<semaphore_mem>>) src(%dma_wait3A_285 : memref<128x16xf32, #tpu.memory_space<vmem_shared>>) dst(%dma_wait3A_283 : memref<128x16xf32, #tpu.memory_space<vmem>>)
      tpu.yield
    }) : () -> ()
    %add3A_260 = arith.constant 384 : i32
    %add3A_261 = arith.addi %mul3A_2, %add3A_260 : i32
    "tpu.region"() ({
      %run_scoped3A = tpu.sem_alloc : memref<!tpu.dma_semaphore, #tpu.memory_space<semaphore_mem>>
      %dma_start3A_266 = arith.constant 0 : i32
      %dma_start3A_267 = arith.constant 0 : i32
      %dma_start3A_268 = tpu.memref_slice %arg8[%dma_start3A_266, %dma_start3A_267] : memref<1280x16xf32, #tpu.memory_space<vmem>> -> memref<128x16xf32, #tpu.memory_space<vmem>>
      %dma_start3A_269 = arith.constant 0 : i32
      %dma_start3A_270 = arith.constant 0 : i32
      %dma_start3A_271 = tpu.memref_slice %arg5[%arg0, %dma_start3A_269, %dma_start3A_270] : memref<2x10112x16xf32, #tpu.memory_space<hbm>> -> memref<1x10112x16xf32, #tpu.memory_space<hbm>>
      %dma_start3A_272 = tpu.memref_squeeze %dma_start3A_271 : memref<1x10112x16xf32, #tpu.memory_space<hbm>> -> memref<10112x16xf32, #tpu.memory_space<hbm>>
      %dma_start3A_273 = arith.constant 0 : i32
      %dma_start3A_274 = tpu.memref_slice %dma_start3A_272[%add3A_261, %dma_start3A_273] : memref<10112x16xf32, #tpu.memory_space<hbm>> -> memref<128x16xf32, #tpu.memory_space<hbm>>
      %dma_start3A_275 = arith.constant 0 : i32
      %dma_start3A_276 = arith.constant 0 : i32
      %dma_start3A_277 = tpu.memref_slice %arg5[%arg0, %dma_start3A_275, %dma_start3A_276] : memref<2x10112x16xf32, #tpu.memory_space<hbm>> -> memref<1x10112x16xf32, #tpu.memory_space<hbm>>
      %dma_start3A_278 = tpu.memref_squeeze %dma_start3A_277 : memref<1x10112x16xf32, #tpu.memory_space<hbm>> -> memref<10112x16xf32, #tpu.memory_space<hbm>>
      %dma_start3A_279 = arith.constant 0 : i32
      %dma_start3A_280 = tpu.memref_slice %dma_start3A_278[%add3A_261, %dma_start3A_279] : memref<10112x16xf32, #tpu.memory_space<hbm>> -> memref<128x16xf32, #tpu.memory_space<hbm>>
      %dma_start3A_281 = arith.constant 0 : i32
      %dma_start3A_282 = arith.constant 0 : i32
      %dma_start3A_283 = tpu.memref_slice %arg8[%dma_start3A_281, %dma_start3A_282] : memref<1280x16xf32, #tpu.memory_space<vmem>> -> memref<128x16xf32, #tpu.memory_space<vmem>>
      tpu.enqueue_dma source(%dma_start3A_283 : memref<128x16xf32, #tpu.memory_space<vmem>>) target(%dma_start3A_280 : memref<128x16xf32, #tpu.memory_space<hbm>>) target_semaphore(%run_scoped3A : memref<!tpu.dma_semaphore, #tpu.memory_space<semaphore_mem>>)
      %dma_wait3A_284 = arith.constant 0 : i32
      %dma_wait3A_285 = arith.constant 0 : i32
      %dma_wait3A_286 = tpu.memref_slice %arg8[%dma_wait3A_284, %dma_wait3A_285] : memref<1280x16xf32, #tpu.memory_space<vmem>> -> memref<128x16xf32, #tpu.memory_space<vmem>>
      %dma_wait3A_287 = arith.constant 0 : i32
      %dma_wait3A_288 = arith.constant 0 : i32
      %dma_wait3A_289 = tpu.memref_slice %arg5[%arg0, %dma_wait3A_287, %dma_wait3A_288] : memref<2x10112x16xf32, #tpu.memory_space<hbm>> -> memref<1x10112x16xf32, #tpu.memory_space<hbm>>
      %dma_wait3A_290 = tpu.memref_squeeze %dma_wait3A_289 : memref<1x10112x16xf32, #tpu.memory_space<hbm>> -> memref<10112x16xf32, #tpu.memory_space<hbm>>
      %dma_wait3A_291 = arith.constant 0 : i32
      %dma_wait3A_292 = tpu.memref_slice %dma_wait3A_290[%add3A_261, %dma_wait3A_291] : memref<10112x16xf32, #tpu.memory_space<hbm>> -> memref<128x16xf32, #tpu.memory_space<hbm>>
      %dma_wait3A_293 = arith.constant 0 : i32
      %dma_wait3A_294 = arith.constant 0 : i32
      %dma_wait3A_295 = tpu.memref_slice %arg5[%arg0, %dma_wait3A_293, %dma_wait3A_294] : memref<2x10112x16xf32, #tpu.memory_space<hbm>> -> memref<1x10112x16xf32, #tpu.memory_space<hbm>>
      %dma_wait3A_296 = tpu.memref_squeeze %dma_wait3A_295 : memref<1x10112x16xf32, #tpu.memory_space<hbm>> -> memref<10112x16xf32, #tpu.memory_space<hbm>>
      %dma_wait3A_297 = arith.constant 0 : i32
      %dma_wait3A_298 = tpu.memref_slice %dma_wait3A_296[%add3A_261, %dma_wait3A_297] : memref<10112x16xf32, #tpu.memory_space<hbm>> -> memref<128x16xf32, #tpu.memory_space<hbm>>
      %dma_wait3A_299 = arith.constant 0 : i32
      %dma_wait3A_300 = arith.constant 0 : i32
      %dma_wait3A_301 = tpu.memref_slice %arg8[%dma_wait3A_299, %dma_wait3A_300] : memref<1280x16xf32, #tpu.memory_space<vmem>> -> memref<128x16xf32, #tpu.memory_space<vmem>>
      tpu.wait_dma2 semaphore(%run_scoped3A : memref<!tpu.dma_semaphore, #tpu.memory_space<semaphore_mem>>) src(%dma_wait3A_301 : memref<128x16xf32, #tpu.memory_space<vmem>>) dst(%dma_wait3A_298 : memref<128x16xf32, #tpu.memory_space<hbm>>)
      tpu.yield
    }) : () -> ()
    %add3A_262 = arith.constant 512 : i32
    %add3A_263 = arith.addi %mul3A_2, %add3A_262 : i32
    "tpu.region"() ({
      %run_scoped3A = tpu.sem_alloc : memref<!tpu.dma_semaphore, #tpu.memory_space<semaphore_mem>>
      %dma_start3A_266 = arith.constant 0 : i32
      %dma_start3A_267 = arith.constant 0 : i32
      %dma_start3A_268 = tpu.memref_slice %arg8[%dma_start3A_266, %dma_start3A_267] : memref<1280x16xf32, #tpu.memory_space<vmem>> -> memref<128x16xf32, #tpu.memory_space<vmem>>
      %dma_start3A_269 = arith.constant 0 : i32
      %dma_start3A_270 = arith.constant 0 : i32
      %dma_start3A_271 = tpu.memref_slice %dma_start3A_268[%dma_start3A_269, %dma_start3A_270] : memref<128x16xf32, #tpu.memory_space<vmem>> -> memref<120x16xf32, #tpu.memory_space<vmem>>
      %dma_start3A_272 = arith.constant 0 : i32
      %dma_start3A_273 = tpu.memref_slice %arg12[%add3A_263, %dma_start3A_272] : memref<10112x16xf32, #tpu.memory_space<vmem_shared>> -> memref<120x16xf32, #tpu.memory_space<vmem_shared>>
      %dma_start3A_274 = arith.constant 0 : i32
      %dma_start3A_275 = arith.constant 0 : i32
      %dma_start3A_276 = tpu.memref_slice %arg8[%dma_start3A_274, %dma_start3A_275] : memref<1280x16xf32, #tpu.memory_space<vmem>> -> memref<128x16xf32, #tpu.memory_space<vmem>>
      %dma_start3A_277 = arith.constant 0 : i32
      %dma_start3A_278 = arith.constant 0 : i32
      %dma_start3A_279 = tpu.memref_slice %dma_start3A_276[%dma_start3A_277, %dma_start3A_278] : memref<128x16xf32, #tpu.memory_space<vmem>> -> memref<120x16xf32, #tpu.memory_space<vmem>>
      %dma_start3A_280 = arith.constant 0 : i32
      %dma_start3A_281 = tpu.memref_slice %arg12[%add3A_263, %dma_start3A_280] : memref<10112x16xf32, #tpu.memory_space<vmem_shared>> -> memref<120x16xf32, #tpu.memory_space<vmem_shared>>
      tpu.enqueue_dma source(%dma_start3A_281 : memref<120x16xf32, #tpu.memory_space<vmem_shared>>) target(%dma_start3A_279 : memref<120x16xf32, #tpu.memory_space<vmem>>) target_semaphore(%run_scoped3A : memref<!tpu.dma_semaphore, #tpu.memory_space<semaphore_mem>>)
      %dma_wait3A_282 = arith.constant 0 : i32
      %dma_wait3A_283 = arith.constant 0 : i32
      %dma_wait3A_284 = tpu.memref_slice %arg8[%dma_wait3A_282, %dma_wait3A_283] : memref<1280x16xf32, #tpu.memory_space<vmem>> -> memref<128x16xf32, #tpu.memory_space<vmem>>
      %dma_wait3A_285 = arith.constant 0 : i32
      %dma_wait3A_286 = arith.constant 0 : i32
      %dma_wait3A_287 = tpu.memref_slice %dma_wait3A_284[%dma_wait3A_285, %dma_wait3A_286] : memref<128x16xf32, #tpu.memory_space<vmem>> -> memref<120x16xf32, #tpu.memory_space<vmem>>
      %dma_wait3A_288 = arith.constant 0 : i32
      %dma_wait3A_289 = tpu.memref_slice %arg12[%add3A_263, %dma_wait3A_288] : memref<10112x16xf32, #tpu.memory_space<vmem_shared>> -> memref<120x16xf32, #tpu.memory_space<vmem_shared>>
      %dma_wait3A_290 = arith.constant 0 : i32
      %dma_wait3A_291 = arith.constant 0 : i32
      %dma_wait3A_292 = tpu.memref_slice %arg8[%dma_wait3A_290, %dma_wait3A_291] : memref<1280x16xf32, #tpu.memory_space<vmem>> -> memref<128x16xf32, #tpu.memory_space<vmem>>
      %dma_wait3A_293 = arith.constant 0 : i32
      %dma_wait3A_294 = arith.constant 0 : i32
      %dma_wait3A_295 = tpu.memref_slice %dma_wait3A_292[%dma_wait3A_293, %dma_wait3A_294] : memref<128x16xf32, #tpu.memory_space<vmem>> -> memref<120x16xf32, #tpu.memory_space<vmem>>
      %dma_wait3A_296 = arith.constant 0 : i32
      %dma_wait3A_297 = tpu.memref_slice %arg12[%add3A_263, %dma_wait3A_296] : memref<10112x16xf32, #tpu.memory_space<vmem_shared>> -> memref<120x16xf32, #tpu.memory_space<vmem_shared>>
      tpu.wait_dma2 semaphore(%run_scoped3A : memref<!tpu.dma_semaphore, #tpu.memory_space<semaphore_mem>>) src(%dma_wait3A_297 : memref<120x16xf32, #tpu.memory_space<vmem_shared>>) dst(%dma_wait3A_295 : memref<120x16xf32, #tpu.memory_space<vmem>>)
      tpu.yield
    }) : () -> ()
    %add3A_264 = arith.constant 512 : i32
    %add3A_265 = arith.addi %mul3A_2, %add3A_264 : i32
    "tpu.region"() ({
      %run_scoped3A = tpu.sem_alloc : memref<!tpu.dma_semaphore, #tpu.memory_space<semaphore_mem>>
      %dma_start3A_266 = arith.constant 0 : i32
      %dma_start3A_267 = arith.constant 0 : i32
      %dma_start3A_268 = tpu.memref_slice %arg8[%dma_start3A_266, %dma_start3A_267] : memref<1280x16xf32, #tpu.memory_space<vmem>> -> memref<128x16xf32, #tpu.memory_space<vmem>>
      %dma_start3A_269 = arith.constant 0 : i32
      %dma_start3A_270 = arith.constant 0 : i32
      %dma_start3A_271 = tpu.memref_slice %dma_start3A_268[%dma_start3A_269, %dma_start3A_270] : memref<128x16xf32, #tpu.memory_space<vmem>> -> memref<120x16xf32, #tpu.memory_space<vmem>>
      %dma_start3A_272 = arith.constant 0 : i32
      %dma_start3A_273 = arith.constant 0 : i32
      %dma_start3A_274 = tpu.memref_slice %arg5[%arg0, %dma_start3A_272, %dma_start3A_273] : memref<2x10112x16xf32, #tpu.memory_space<hbm>> -> memref<1x10112x16xf32, #tpu.memory_space<hbm>>
      %dma_start3A_275 = tpu.memref_squeeze %dma_start3A_274 : memref<1x10112x16xf32, #tpu.memory_space<hbm>> -> memref<10112x16xf32, #tpu.memory_space<hbm>>
      %dma_start3A_276 = arith.constant 0 : i32
      %dma_start3A_277 = tpu.memref_slice %dma_start3A_275[%add3A_265, %dma_start3A_276] : memref<10112x16xf32, #tpu.memory_space<hbm>> -> memref<120x16xf32, #tpu.memory_space<hbm>>
      %dma_start3A_278 = arith.constant 0 : i32
      %dma_start3A_279 = arith.constant 0 : i32
      %dma_start3A_280 = tpu.memref_slice %arg5[%arg0, %dma_start3A_278, %dma_start3A_279] : memref<2x10112x16xf32, #tpu.memory_space<hbm>> -> memref<1x10112x16xf32, #tpu.memory_space<hbm>>
      %dma_start3A_281 = tpu.memref_squeeze %dma_start3A_280 : memref<1x10112x16xf32, #tpu.memory_space<hbm>> -> memref<10112x16xf32, #tpu.memory_space<hbm>>
      %dma_start3A_282 = arith.constant 0 : i32
      %dma_start3A_283 = tpu.memref_slice %dma_start3A_281[%add3A_265, %dma_start3A_282] : memref<10112x16xf32, #tpu.memory_space<hbm>> -> memref<120x16xf32, #tpu.memory_space<hbm>>
      %dma_start3A_284 = arith.constant 0 : i32
      %dma_start3A_285 = arith.constant 0 : i32
      %dma_start3A_286 = tpu.memref_slice %arg8[%dma_start3A_284, %dma_start3A_285] : memref<1280x16xf32, #tpu.memory_space<vmem>> -> memref<128x16xf32, #tpu.memory_space<vmem>>
      %dma_start3A_287 = arith.constant 0 : i32
      %dma_start3A_288 = arith.constant 0 : i32
      %dma_start3A_289 = tpu.memref_slice %dma_start3A_286[%dma_start3A_287, %dma_start3A_288] : memref<128x16xf32, #tpu.memory_space<vmem>> -> memref<120x16xf32, #tpu.memory_space<vmem>>
      tpu.enqueue_dma source(%dma_start3A_289 : memref<120x16xf32, #tpu.memory_space<vmem>>) target(%dma_start3A_283 : memref<120x16xf32, #tpu.memory_space<hbm>>) target_semaphore(%run_scoped3A : memref<!tpu.dma_semaphore, #tpu.memory_space<semaphore_mem>>)
      %dma_wait3A_290 = arith.constant 0 : i32
      %dma_wait3A_291 = arith.constant 0 : i32
      %dma_wait3A_292 = tpu.memref_slice %arg8[%dma_wait3A_290, %dma_wait3A_291] : memref<1280x16xf32, #tpu.memory_space<vmem>> -> memref<128x16xf32, #tpu.memory_space<vmem>>
      %dma_wait3A_293 = arith.constant 0 : i32
      %dma_wait3A_294 = arith.constant 0 : i32
      %dma_wait3A_295 = tpu.memref_slice %dma_wait3A_292[%dma_wait3A_293, %dma_wait3A_294] : memref<128x16xf32, #tpu.memory_space<vmem>> -> memref<120x16xf32, #tpu.memory_space<vmem>>
      %dma_wait3A_296 = arith.constant 0 : i32
      %dma_wait3A_297 = arith.constant 0 : i32
      %dma_wait3A_298 = tpu.memref_slice %arg5[%arg0, %dma_wait3A_296, %dma_wait3A_297] : memref<2x10112x16xf32, #tpu.memory_space<hbm>> -> memref<1x10112x16xf32, #tpu.memory_space<hbm>>
      %dma_wait3A_299 = tpu.memref_squeeze %dma_wait3A_298 : memref<1x10112x16xf32, #tpu.memory_space<hbm>> -> memref<10112x16xf32, #tpu.memory_space<hbm>>
      %dma_wait3A_300 = arith.constant 0 : i32
      %dma_wait3A_301 = tpu.memref_slice %dma_wait3A_299[%add3A_265, %dma_wait3A_300] : memref<10112x16xf32, #tpu.memory_space<hbm>> -> memref<120x16xf32, #tpu.memory_space<hbm>>
      %dma_wait3A_302 = arith.constant 0 : i32
      %dma_wait3A_303 = arith.constant 0 : i32
      %dma_wait3A_304 = tpu.memref_slice %arg5[%arg0, %dma_wait3A_302, %dma_wait3A_303] : memref<2x10112x16xf32, #tpu.memory_space<hbm>> -> memref<1x10112x16xf32, #tpu.memory_space<hbm>>
      %dma_wait3A_305 = tpu.memref_squeeze %dma_wait3A_304 : memref<1x10112x16xf32, #tpu.memory_space<hbm>> -> memref<10112x16xf32, #tpu.memory_space<hbm>>
      %dma_wait3A_306 = arith.constant 0 : i32
      %dma_wait3A_307 = tpu.memref_slice %dma_wait3A_305[%add3A_265, %dma_wait3A_306] : memref<10112x16xf32, #tpu.memory_space<hbm>> -> memref<120x16xf32, #tpu.memory_space<hbm>>
      %dma_wait3A_308 = arith.constant 0 : i32
      %dma_wait3A_309 = arith.constant 0 : i32
      %dma_wait3A_310 = tpu.memref_slice %arg8[%dma_wait3A_308, %dma_wait3A_309] : memref<1280x16xf32, #tpu.memory_space<vmem>> -> memref<128x16xf32, #tpu.memory_space<vmem>>
      %dma_wait3A_311 = arith.constant 0 : i32
      %dma_wait3A_312 = arith.constant 0 : i32
      %dma_wait3A_313 = tpu.memref_slice %dma_wait3A_310[%dma_wait3A_311, %dma_wait3A_312] : memref<128x16xf32, #tpu.memory_space<vmem>> -> memref<120x16xf32, #tpu.memory_space<vmem>>
      tpu.wait_dma2 semaphore(%run_scoped3A : memref<!tpu.dma_semaphore, #tpu.memory_space<semaphore_mem>>) src(%dma_wait3A_313 : memref<120x16xf32, #tpu.memory_space<vmem>>) dst(%dma_wait3A_307 : memref<120x16xf32, #tpu.memory_space<hbm>>)
      tpu.yield
    }) : () -> ()
    return
  }
}

#map = affine_map<(d0, d1) -> (0, 0, 0)>
#map1 = affine_map<(d0, d1) -> (0, 0)>
module attributes {stable_mosaic.version = 14 : i64} {
  func.func @deg(%arg0: i32, %arg1: i32, %arg2: memref<32x80x128xi32, #tpu.memory_space<hbm>>, %arg3: memref<2x10240xf32, #tpu.memory_space<hbm>>, %arg4: memref<80x128xi32, #tpu.memory_space<vmem>>, %arg5: memref<128xf32, #tpu.memory_space<vmem>>, %arg6: memref<640xf32, #tpu.memory_space<vmem>>, %arg7: memref<10240xf32, #tpu.memory_space<vmem_shared>>) attributes {dimension_semantics = [#tpu.dimension_semantics<core_parallel>, #tpu.dimension_semantics<subcore_parallel>], iteration_bounds = array<i64: 2, 16>, scalar_prefetch = 0 : i64, scratch_operands = 4 : i64, tpu.core_type = #tpu.core_type<sc_vector_subcore>, window_params = [{transform_indices = #map}, {transform_indices = #map1}]} {
    %mul3A = arith.constant 16 : i32
    %mul3A_0 = arith.muli %arg0, %mul3A : i32
    %add3A = arith.addi %mul3A_0, %arg1 : i32
    %broadcast_in_dim3A = arith.constant 1.000000e+00 : f32
    %broadcast_in_dim3A_1 = vector.broadcast %broadcast_in_dim3A : f32 to vector<16xf32>
    %swap3A = arith.constant 0 : index
    %swap3A_2 = tpu.vector_load %arg5[%swap3A] {strides = array<i32>} : memref<128xf32, #tpu.memory_space<vmem>>, vector<16xf32>,
    %swap3A_3 = vector.shape_cast %swap3A_2 : vector<16xf32> to vector<16xf32>
    %swap3A_4 = vector.shape_cast %broadcast_in_dim3A_1 : vector<16xf32> to vector<16xf32>
    tpu.vector_store %arg5[%swap3A], %swap3A_4 {strides = array<i32>} : memref<128xf32, #tpu.memory_space<vmem>>, vector<16xf32>,
    %broadcast_in_dim3A_5 = arith.constant 1.000000e+00 : f32
    %broadcast_in_dim3A_6 = vector.broadcast %broadcast_in_dim3A_5 : f32 to vector<16xf32>
    %swap3A_7 = arith.constant 16 : index
    %swap3A_8 = tpu.vector_load %arg5[%swap3A_7] {strides = array<i32>} : memref<128xf32, #tpu.memory_space<vmem>>, vector<16xf32>,
    %swap3A_9 = vector.shape_cast %swap3A_8 : vector<16xf32> to vector<16xf32>
    %swap3A_10 = vector.shape_cast %broadcast_in_dim3A_6 : vector<16xf32> to vector<16xf32>
    tpu.vector_store %arg5[%swap3A_7], %swap3A_10 {strides = array<i32>} : memref<128xf32, #tpu.memory_space<vmem>>, vector<16xf32>,
    %broadcast_in_dim3A_11 = arith.constant 1.000000e+00 : f32
    %broadcast_in_dim3A_12 = vector.broadcast %broadcast_in_dim3A_11 : f32 to vector<16xf32>
    %swap3A_13 = arith.constant 32 : index
    %swap3A_14 = tpu.vector_load %arg5[%swap3A_13] {strides = array<i32>} : memref<128xf32, #tpu.memory_space<vmem>>, vector<16xf32>,
    %swap3A_15 = vector.shape_cast %swap3A_14 : vector<16xf32> to vector<16xf32>
    %swap3A_16 = vector.shape_cast %broadcast_in_dim3A_12 : vector<16xf32> to vector<16xf32>
    tpu.vector_store %arg5[%swap3A_13], %swap3A_16 {strides = array<i32>} : memref<128xf32, #tpu.memory_space<vmem>>, vector<16xf32>,
    %broadcast_in_dim3A_17 = arith.constant 1.000000e+00 : f32
    %broadcast_in_dim3A_18 = vector.broadcast %broadcast_in_dim3A_17 : f32 to vector<16xf32>
    %swap3A_19 = arith.constant 48 : index
    %swap3A_20 = tpu.vector_load %arg5[%swap3A_19] {strides = array<i32>} : memref<128xf32, #tpu.memory_space<vmem>>, vector<16xf32>,
    %swap3A_21 = vector.shape_cast %swap3A_20 : vector<16xf32> to vector<16xf32>
    %swap3A_22 = vector.shape_cast %broadcast_in_dim3A_18 : vector<16xf32> to vector<16xf32>
    tpu.vector_store %arg5[%swap3A_19], %swap3A_22 {strides = array<i32>} : memref<128xf32, #tpu.memory_space<vmem>>, vector<16xf32>,
    %broadcast_in_dim3A_23 = arith.constant 1.000000e+00 : f32
    %broadcast_in_dim3A_24 = vector.broadcast %broadcast_in_dim3A_23 : f32 to vector<16xf32>
    %swap3A_25 = arith.constant 64 : index
    %swap3A_26 = tpu.vector_load %arg5[%swap3A_25] {strides = array<i32>} : memref<128xf32, #tpu.memory_space<vmem>>, vector<16xf32>,
    %swap3A_27 = vector.shape_cast %swap3A_26 : vector<16xf32> to vector<16xf32>
    %swap3A_28 = vector.shape_cast %broadcast_in_dim3A_24 : vector<16xf32> to vector<16xf32>
    tpu.vector_store %arg5[%swap3A_25], %swap3A_28 {strides = array<i32>} : memref<128xf32, #tpu.memory_space<vmem>>, vector<16xf32>,
    %broadcast_in_dim3A_29 = arith.constant 1.000000e+00 : f32
    %broadcast_in_dim3A_30 = vector.broadcast %broadcast_in_dim3A_29 : f32 to vector<16xf32>
    %swap3A_31 = arith.constant 80 : index
    %swap3A_32 = tpu.vector_load %arg5[%swap3A_31] {strides = array<i32>} : memref<128xf32, #tpu.memory_space<vmem>>, vector<16xf32>,
    %swap3A_33 = vector.shape_cast %swap3A_32 : vector<16xf32> to vector<16xf32>
    %swap3A_34 = vector.shape_cast %broadcast_in_dim3A_30 : vector<16xf32> to vector<16xf32>
    tpu.vector_store %arg5[%swap3A_31], %swap3A_34 {strides = array<i32>} : memref<128xf32, #tpu.memory_space<vmem>>, vector<16xf32>,
    %broadcast_in_dim3A_35 = arith.constant 1.000000e+00 : f32
    %broadcast_in_dim3A_36 = vector.broadcast %broadcast_in_dim3A_35 : f32 to vector<16xf32>
    %swap3A_37 = arith.constant 96 : index
    %swap3A_38 = tpu.vector_load %arg5[%swap3A_37] {strides = array<i32>} : memref<128xf32, #tpu.memory_space<vmem>>, vector<16xf32>,
    %swap3A_39 = vector.shape_cast %swap3A_38 : vector<16xf32> to vector<16xf32>
    %swap3A_40 = vector.shape_cast %broadcast_in_dim3A_36 : vector<16xf32> to vector<16xf32>
    tpu.vector_store %arg5[%swap3A_37], %swap3A_40 {strides = array<i32>} : memref<128xf32, #tpu.memory_space<vmem>>, vector<16xf32>,
    %broadcast_in_dim3A_41 = arith.constant 1.000000e+00 : f32
    %broadcast_in_dim3A_42 = vector.broadcast %broadcast_in_dim3A_41 : f32 to vector<16xf32>
    %swap3A_43 = arith.constant 112 : index
    %swap3A_44 = tpu.vector_load %arg5[%swap3A_43] {strides = array<i32>} : memref<128xf32, #tpu.memory_space<vmem>>, vector<16xf32>,
    %swap3A_45 = vector.shape_cast %swap3A_44 : vector<16xf32> to vector<16xf32>
    %swap3A_46 = vector.shape_cast %broadcast_in_dim3A_42 : vector<16xf32> to vector<16xf32>
    tpu.vector_store %arg5[%swap3A_43], %swap3A_46 {strides = array<i32>} : memref<128xf32, #tpu.memory_space<vmem>>, vector<16xf32>,
    %scan3A = arith.constant 0 : i32
    %scan3A_47 = arith.constant 0 : i32
    %scan3A_48 = arith.constant 40 : i32
    %scan3A_49 = arith.addi %scan3A_47, %scan3A_48 : i32
    %scan3A_50 = arith.constant 1 : i32
    scf.for %scan3A_61 = %scan3A_47 to %scan3A_49 step %scan3A_50  : i32 {
      %broadcast_in_dim3A_62 = arith.constant 0.000000e+00 : f32
      %broadcast_in_dim3A_63 = vector.broadcast %broadcast_in_dim3A_62 : f32 to vector<16xf32>
      %mul3A_64 = arith.constant 16 : i32
      %mul3A_65 = arith.muli %scan3A_61, %mul3A_64 : i32
      %swap3A_66 = arith.index_cast %mul3A_65 : i32 to index
      %swap3A_67 = tpu.vector_load %arg6[%swap3A_66] {strides = array<i32>} : memref<640xf32, #tpu.memory_space<vmem>>, vector<16xf32>,
      %swap3A_68 = vector.shape_cast %swap3A_67 : vector<16xf32> to vector<16xf32>
      %swap3A_69 = vector.shape_cast %broadcast_in_dim3A_63 : vector<16xf32> to vector<16xf32>
      tpu.vector_store %arg6[%swap3A_66], %swap3A_69 {strides = array<i32>} : memref<640xf32, #tpu.memory_space<vmem>>, vector<16xf32>,
    }
    %scan3A_51 = arith.constant 40 : i32
    %mul3A_52 = arith.constant 640 : i32
    %mul3A_53 = arith.muli %arg1, %mul3A_52 : i32
    "tpu.region"() ({
      %run_scoped3A = tpu.sem_alloc : memref<!tpu.dma_semaphore, #tpu.memory_space<semaphore_mem>>
      %dma_start3A = tpu.memref_slice %arg7[%mul3A_53] : memref<10240xf32, #tpu.memory_space<vmem_shared>> -> memref<640xf32, #tpu.memory_space<vmem_shared>>
      %dma_start3A_61 = tpu.memref_slice %arg7[%mul3A_53] : memref<10240xf32, #tpu.memory_space<vmem_shared>> -> memref<640xf32, #tpu.memory_space<vmem_shared>>
      tpu.enqueue_dma source(%arg6 : memref<640xf32, #tpu.memory_space<vmem>>) target(%dma_start3A_61 : memref<640xf32, #tpu.memory_space<vmem_shared>>) target_semaphore(%run_scoped3A : memref<!tpu.dma_semaphore, #tpu.memory_space<semaphore_mem>>)
      %dma_wait3A = tpu.memref_slice %arg7[%mul3A_53] : memref<10240xf32, #tpu.memory_space<vmem_shared>> -> memref<640xf32, #tpu.memory_space<vmem_shared>>
      %dma_wait3A_62 = tpu.memref_slice %arg7[%mul3A_53] : memref<10240xf32, #tpu.memory_space<vmem_shared>> -> memref<640xf32, #tpu.memory_space<vmem_shared>>
      tpu.wait_dma2 semaphore(%run_scoped3A : memref<!tpu.dma_semaphore, #tpu.memory_space<semaphore_mem>>) src(%arg6 : memref<640xf32, #tpu.memory_space<vmem>>) dst(%dma_wait3A_62 : memref<640xf32, #tpu.memory_space<vmem_shared>>)
      tpu.yield
    }) : () -> ()
    "tpu.region"() ({
      %run_scoped3A = tpu.sem_alloc : memref<!tpu.dma_semaphore, #tpu.memory_space<semaphore_mem>>
      %dma_start3A = arith.constant 0 : i32
      %dma_start3A_61 = arith.constant 0 : i32
      %dma_start3A_62 = tpu.memref_slice %arg2[%add3A, %dma_start3A, %dma_start3A_61] : memref<32x80x128xi32, #tpu.memory_space<hbm>> -> memref<1x80x128xi32, #tpu.memory_space<hbm>>
      %dma_start3A_63 = tpu.memref_squeeze %dma_start3A_62 : memref<1x80x128xi32, #tpu.memory_space<hbm>> -> memref<80x128xi32, #tpu.memory_space<hbm>>
      %dma_start3A_64 = arith.constant 0 : i32
      %dma_start3A_65 = arith.constant 0 : i32
      %dma_start3A_66 = tpu.memref_slice %arg2[%add3A, %dma_start3A_64, %dma_start3A_65] : memref<32x80x128xi32, #tpu.memory_space<hbm>> -> memref<1x80x128xi32, #tpu.memory_space<hbm>>
      %dma_start3A_67 = tpu.memref_squeeze %dma_start3A_66 : memref<1x80x128xi32, #tpu.memory_space<hbm>> -> memref<80x128xi32, #tpu.memory_space<hbm>>
      tpu.enqueue_dma source(%dma_start3A_67 : memref<80x128xi32, #tpu.memory_space<hbm>>) target(%arg4 : memref<80x128xi32, #tpu.memory_space<vmem>>) target_semaphore(%run_scoped3A : memref<!tpu.dma_semaphore, #tpu.memory_space<semaphore_mem>>)
      %dma_wait3A = arith.constant 0 : i32
      %dma_wait3A_68 = arith.constant 0 : i32
      %dma_wait3A_69 = tpu.memref_slice %arg2[%add3A, %dma_wait3A, %dma_wait3A_68] : memref<32x80x128xi32, #tpu.memory_space<hbm>> -> memref<1x80x128xi32, #tpu.memory_space<hbm>>
      %dma_wait3A_70 = tpu.memref_squeeze %dma_wait3A_69 : memref<1x80x128xi32, #tpu.memory_space<hbm>> -> memref<80x128xi32, #tpu.memory_space<hbm>>
      %dma_wait3A_71 = arith.constant 0 : i32
      %dma_wait3A_72 = arith.constant 0 : i32
      %dma_wait3A_73 = tpu.memref_slice %arg2[%add3A, %dma_wait3A_71, %dma_wait3A_72] : memref<32x80x128xi32, #tpu.memory_space<hbm>> -> memref<1x80x128xi32, #tpu.memory_space<hbm>>
      %dma_wait3A_74 = tpu.memref_squeeze %dma_wait3A_73 : memref<1x80x128xi32, #tpu.memory_space<hbm>> -> memref<80x128xi32, #tpu.memory_space<hbm>>
      tpu.wait_dma2 semaphore(%run_scoped3A : memref<!tpu.dma_semaphore, #tpu.memory_space<semaphore_mem>>) src(%dma_wait3A_74 : memref<80x128xi32, #tpu.memory_space<hbm>>) dst(%arg4 : memref<80x128xi32, #tpu.memory_space<vmem>>)
      tpu.yield
    }) : () -> ()
    %barrier3A = arith.constant 0 : index
    tpu.barrier barrier_id(%barrier3A)
    %scan3A_54 = arith.constant 0 : i32
    %scan3A_55 = arith.constant 0 : i32
    %scan3A_56 = arith.constant 80 : i32
    %scan3A_57 = arith.addi %scan3A_55, %scan3A_56 : i32
    %scan3A_58 = arith.constant 1 : i32
    scf.for %scan3A_61 = %scan3A_55 to %scan3A_57 step %scan3A_58  : i32 {
      "tpu.region"() ({
        %run_scoped3A = tpu.sem_alloc : memref<!tpu.dma_semaphore, #tpu.memory_space<semaphore_mem>>
        %dma_start3A = arith.constant 0 : i32
        %dma_start3A_62 = tpu.memref_slice %arg4[%scan3A_61, %dma_start3A] : memref<80x128xi32, #tpu.memory_space<vmem>> -> memref<1x128xi32, #tpu.memory_space<vmem>>
        %dma_start3A_63 = tpu.memref_squeeze %dma_start3A_62 : memref<1x128xi32, #tpu.memory_space<vmem>> -> memref<128xi32, #tpu.memory_space<vmem>>
        %dma_start3A_64 = arith.constant 0 : i32
        %dma_start3A_65 = tpu.memref_slice %arg7[%dma_start3A_64] : memref<10240xf32, #tpu.memory_space<vmem_shared>> -> memref<10240xf32, #tpu.memory_space<vmem_shared>>
        tpu.enqueue_indirect_dma source(%arg5 : memref<128xf32, #tpu.memory_space<vmem>>) target(%dma_start3A_65 : memref<10240xf32, #tpu.memory_space<vmem_shared>>) offsets(%dma_start3A_63 : memref<128xi32, #tpu.memory_space<vmem>>) semaphore(%run_scoped3A : memref<!tpu.dma_semaphore, #tpu.memory_space<semaphore_mem>>) {add = true}
        %dma_wait3A = arith.constant 0 : i32
        %dma_wait3A_66 = tpu.memref_slice %arg4[%scan3A_61, %dma_wait3A] : memref<80x128xi32, #tpu.memory_space<vmem>> -> memref<1x128xi32, #tpu.memory_space<vmem>>
        %dma_wait3A_67 = tpu.memref_squeeze %dma_wait3A_66 : memref<1x128xi32, #tpu.memory_space<vmem>> -> memref<128xi32, #tpu.memory_space<vmem>>
        %dma_wait3A_68 = arith.constant 0 : i32
        %dma_wait3A_69 = tpu.memref_slice %arg7[%dma_wait3A_68] : memref<10240xf32, #tpu.memory_space<vmem_shared>> -> memref<10240xf32, #tpu.memory_space<vmem_shared>>
        tpu.wait_indirect_dma semaphore(%run_scoped3A : memref<!tpu.dma_semaphore, #tpu.memory_space<semaphore_mem>>) src(%arg5 : memref<128xf32, #tpu.memory_space<vmem>>) dst(%dma_wait3A_69 : memref<10240xf32, #tpu.memory_space<vmem_shared>>)
        tpu.yield
      }) : () -> ()
    }
    %scan3A_59 = arith.constant 80 : i32
    %barrier3A_60 = arith.constant 0 : index
    tpu.barrier barrier_id(%barrier3A_60)
    "tpu.region"() ({
      %run_scoped3A = tpu.sem_alloc : memref<!tpu.dma_semaphore, #tpu.memory_space<semaphore_mem>>
      %dma_start3A = tpu.memref_slice %arg7[%mul3A_53] : memref<10240xf32, #tpu.memory_space<vmem_shared>> -> memref<640xf32, #tpu.memory_space<vmem_shared>>
      %dma_start3A_61 = tpu.memref_slice %arg7[%mul3A_53] : memref<10240xf32, #tpu.memory_space<vmem_shared>> -> memref<640xf32, #tpu.memory_space<vmem_shared>>
      tpu.enqueue_dma source(%dma_start3A_61 : memref<640xf32, #tpu.memory_space<vmem_shared>>) target(%arg6 : memref<640xf32, #tpu.memory_space<vmem>>) target_semaphore(%run_scoped3A : memref<!tpu.dma_semaphore, #tpu.memory_space<semaphore_mem>>)
      %dma_wait3A = tpu.memref_slice %arg7[%mul3A_53] : memref<10240xf32, #tpu.memory_space<vmem_shared>> -> memref<640xf32, #tpu.memory_space<vmem_shared>>
      %dma_wait3A_62 = tpu.memref_slice %arg7[%mul3A_53] : memref<10240xf32, #tpu.memory_space<vmem_shared>> -> memref<640xf32, #tpu.memory_space<vmem_shared>>
      tpu.wait_dma2 semaphore(%run_scoped3A : memref<!tpu.dma_semaphore, #tpu.memory_space<semaphore_mem>>) src(%dma_wait3A_62 : memref<640xf32, #tpu.memory_space<vmem_shared>>) dst(%arg6 : memref<640xf32, #tpu.memory_space<vmem>>)
      tpu.yield
    }) : () -> ()
    "tpu.region"() ({
      %run_scoped3A = tpu.sem_alloc : memref<!tpu.dma_semaphore, #tpu.memory_space<semaphore_mem>>
      %dma_start3A = tpu.memref_slice %arg3[%arg0, %mul3A_53] : memref<2x10240xf32, #tpu.memory_space<hbm>> -> memref<1x640xf32, #tpu.memory_space<hbm>>
      %dma_start3A_61 = tpu.memref_squeeze %dma_start3A : memref<1x640xf32, #tpu.memory_space<hbm>> -> memref<640xf32, #tpu.memory_space<hbm>>
      %dma_start3A_62 = tpu.memref_slice %arg3[%arg0, %mul3A_53] : memref<2x10240xf32, #tpu.memory_space<hbm>> -> memref<1x640xf32, #tpu.memory_space<hbm>>
      %dma_start3A_63 = tpu.memref_squeeze %dma_start3A_62 : memref<1x640xf32, #tpu.memory_space<hbm>> -> memref<640xf32, #tpu.memory_space<hbm>>
      tpu.enqueue_dma source(%arg6 : memref<640xf32, #tpu.memory_space<vmem>>) target(%dma_start3A_63 : memref<640xf32, #tpu.memory_space<hbm>>) target_semaphore(%run_scoped3A : memref<!tpu.dma_semaphore, #tpu.memory_space<semaphore_mem>>)
      %dma_wait3A = tpu.memref_slice %arg3[%arg0, %mul3A_53] : memref<2x10240xf32, #tpu.memory_space<hbm>> -> memref<1x640xf32, #tpu.memory_space<hbm>>
      %dma_wait3A_64 = tpu.memref_squeeze %dma_wait3A : memref<1x640xf32, #tpu.memory_space<hbm>> -> memref<640xf32, #tpu.memory_space<hbm>>
      %dma_wait3A_65 = tpu.memref_slice %arg3[%arg0, %mul3A_53] : memref<2x10240xf32, #tpu.memory_space<hbm>> -> memref<1x640xf32, #tpu.memory_space<hbm>>
      %dma_wait3A_66 = tpu.memref_squeeze %dma_wait3A_65 : memref<1x640xf32, #tpu.memory_space<hbm>> -> memref<640xf32, #tpu.memory_space<hbm>>
      tpu.wait_dma2 semaphore(%run_scoped3A : memref<!tpu.dma_semaphore, #tpu.memory_space<semaphore_mem>>) src(%arg6 : memref<640xf32, #tpu.memory_space<vmem>>) dst(%dma_wait3A_66 : memref<640xf32, #tpu.memory_space<hbm>>)
      tpu.yield
    }) : () -> ()
    return
  }
}

#map = affine_map<(d0, d1) -> (0, 0, 0)>
module attributes {stable_mosaic.version = 14 : i64} {
  func.func @agg1(%arg0: i32, %arg1: i32, %arg2: memref<2x10000x64xf32, #tpu.memory_space<hbm>>, %arg3: memref<16x80x256xi32, #tpu.memory_space<hbm>>, %arg4: memref<16x80x256xi32, #tpu.memory_space<hbm>>, %arg5: memref<2x10112x64xf32, #tpu.memory_space<hbm>>, %arg6: memref<40x256xi32, #tpu.memory_space<vmem>>, %arg7: memref<40x256xi32, #tpu.memory_space<vmem>>, %arg8: memref<256x64xf32, #tpu.memory_space<vmem>>, %arg9: memref<256x64xf32, #tpu.memory_space<vmem>>, %arg10: memref<256x64xf32, #tpu.memory_space<vmem>>, %arg11: memref<256x64xf32, #tpu.memory_space<vmem>>, %arg12: memref<10112x64xf32, #tpu.memory_space<vmem_shared>>, %arg13: memref<!tpu.dma_semaphore, #tpu.memory_space<semaphore_mem>>, %arg14: memref<!tpu.dma_semaphore, #tpu.memory_space<semaphore_mem>>, %arg15: memref<!tpu.dma_semaphore, #tpu.memory_space<semaphore_mem>>, %arg16: memref<!tpu.dma_semaphore, #tpu.memory_space<semaphore_mem>>, %arg17: memref<!tpu.dma_semaphore, #tpu.memory_space<semaphore_mem>>, %arg18: memref<!tpu.dma_semaphore, #tpu.memory_space<semaphore_mem>>, %arg19: memref<!tpu.dma_semaphore, #tpu.memory_space<semaphore_mem>>, %arg20: memref<!tpu.dma_semaphore, #tpu.memory_space<semaphore_mem>>) attributes {dimension_semantics = [#tpu.dimension_semantics<core_parallel>, #tpu.dimension_semantics<subcore_parallel>], iteration_bounds = array<i64: 2, 16>, scalar_prefetch = 0 : i64, scratch_operands = 15 : i64, tpu.core_type = #tpu.core_type<sc_vector_subcore>, window_params = [{transform_indices = #map}, {transform_indices = #map}, {transform_indices = #map}, {transform_indices = #map}]} {
    %mul3A = arith.constant 632 : i32
    %mul3A_0 = arith.muli %arg1, %mul3A : i32
    %scan3A = arith.constant 0 : i32
    %scan3A_1 = arith.constant 0 : i32
    %scan3A_2 = arith.constant 128 : i32
    %scan3A_3 = arith.addi %scan3A_1, %scan3A_2 : i32
    %scan3A_4 = arith.constant 1 : i32
    scf.for %scan3A_622 = %scan3A_1 to %scan3A_3 step %scan3A_4  : i32 {
      %broadcast_in_dim3A = arith.constant 0.000000e+00 : f32
      %broadcast_in_dim3A_623 = vector.broadcast %broadcast_in_dim3A : f32 to vector<16xf32>
      %swap3A = arith.constant 0 : i32
      %swap3A_624 = arith.constant 0 : i32
      %swap3A_625 = tpu.memref_slice %arg8[%swap3A, %swap3A_624] : memref<256x64xf32, #tpu.memory_space<vmem>> -> memref<128x64xf32, #tpu.memory_space<vmem>>
      %swap3A_626 = arith.index_cast %scan3A_622 : i32 to index
      %swap3A_627 = arith.constant 0 : index
      %swap3A_628 = tpu.vector_load %swap3A_625[%swap3A_626, %swap3A_627] {strides = array<i32>} : memref<128x64xf32, #tpu.memory_space<vmem>>, vector<1x16xf32>,
      %swap3A_629 = vector.shape_cast %swap3A_628 : vector<1x16xf32> to vector<16xf32>
      %swap3A_630 = vector.shape_cast %broadcast_in_dim3A_623 : vector<16xf32> to vector<1x16xf32>
      tpu.vector_store %swap3A_625[%swap3A_626, %swap3A_627], %swap3A_630 {strides = array<i32>} : memref<128x64xf32, #tpu.memory_space<vmem>>, vector<1x16xf32>,
      %broadcast_in_dim3A_631 = arith.constant 0.000000e+00 : f32
      %broadcast_in_dim3A_632 = vector.broadcast %broadcast_in_dim3A_631 : f32 to vector<16xf32>
      %swap3A_633 = arith.constant 0 : i32
      %swap3A_634 = arith.constant 0 : i32
      %swap3A_635 = tpu.memref_slice %arg8[%swap3A_633, %swap3A_634] : memref<256x64xf32, #tpu.memory_space<vmem>> -> memref<128x64xf32, #tpu.memory_space<vmem>>
      %swap3A_636 = arith.index_cast %scan3A_622 : i32 to index
      %swap3A_637 = arith.constant 16 : index
      %swap3A_638 = tpu.vector_load %swap3A_635[%swap3A_636, %swap3A_637] {strides = array<i32>} : memref<128x64xf32, #tpu.memory_space<vmem>>, vector<1x16xf32>,
      %swap3A_639 = vector.shape_cast %swap3A_638 : vector<1x16xf32> to vector<16xf32>
      %swap3A_640 = vector.shape_cast %broadcast_in_dim3A_632 : vector<16xf32> to vector<1x16xf32>
      tpu.vector_store %swap3A_635[%swap3A_636, %swap3A_637], %swap3A_640 {strides = array<i32>} : memref<128x64xf32, #tpu.memory_space<vmem>>, vector<1x16xf32>,
      %broadcast_in_dim3A_641 = arith.constant 0.000000e+00 : f32
      %broadcast_in_dim3A_642 = vector.broadcast %broadcast_in_dim3A_641 : f32 to vector<16xf32>
      %swap3A_643 = arith.constant 0 : i32
      %swap3A_644 = arith.constant 0 : i32
      %swap3A_645 = tpu.memref_slice %arg8[%swap3A_643, %swap3A_644] : memref<256x64xf32, #tpu.memory_space<vmem>> -> memref<128x64xf32, #tpu.memory_space<vmem>>
      %swap3A_646 = arith.index_cast %scan3A_622 : i32 to index
      %swap3A_647 = arith.constant 32 : index
      %swap3A_648 = tpu.vector_load %swap3A_645[%swap3A_646, %swap3A_647] {strides = array<i32>} : memref<128x64xf32, #tpu.memory_space<vmem>>, vector<1x16xf32>,
      %swap3A_649 = vector.shape_cast %swap3A_648 : vector<1x16xf32> to vector<16xf32>
      %swap3A_650 = vector.shape_cast %broadcast_in_dim3A_642 : vector<16xf32> to vector<1x16xf32>
      tpu.vector_store %swap3A_645[%swap3A_646, %swap3A_647], %swap3A_650 {strides = array<i32>} : memref<128x64xf32, #tpu.memory_space<vmem>>, vector<1x16xf32>,
      %broadcast_in_dim3A_651 = arith.constant 0.000000e+00 : f32
      %broadcast_in_dim3A_652 = vector.broadcast %broadcast_in_dim3A_651 : f32 to vector<16xf32>
      %swap3A_653 = arith.constant 0 : i32
      %swap3A_654 = arith.constant 0 : i32
      %swap3A_655 = tpu.memref_slice %arg8[%swap3A_653, %swap3A_654] : memref<256x64xf32, #tpu.memory_space<vmem>> -> memref<128x64xf32, #tpu.memory_space<vmem>>
      %swap3A_656 = arith.index_cast %scan3A_622 : i32 to index
      %swap3A_657 = arith.constant 48 : index
      %swap3A_658 = tpu.vector_load %swap3A_655[%swap3A_656, %swap3A_657] {strides = array<i32>} : memref<128x64xf32, #tpu.memory_space<vmem>>, vector<1x16xf32>,
      %swap3A_659 = vector.shape_cast %swap3A_658 : vector<1x16xf32> to vector<16xf32>
      %swap3A_660 = vector.shape_cast %broadcast_in_dim3A_652 : vector<16xf32> to vector<1x16xf32>
      tpu.vector_store %swap3A_655[%swap3A_656, %swap3A_657], %swap3A_660 {strides = array<i32>} : memref<128x64xf32, #tpu.memory_space<vmem>>, vector<1x16xf32>,
    }
    %scan3A_5 = arith.constant 128 : i32
    %add3A = arith.constant 0 : i32
    %add3A_6 = arith.addi %mul3A_0, %add3A : i32
    "tpu.region"() ({
      %run_scoped3A = tpu.sem_alloc : memref<!tpu.dma_semaphore, #tpu.memory_space<semaphore_mem>>
      %dma_start3A_622 = arith.constant 0 : i32
      %dma_start3A_623 = arith.constant 0 : i32
      %dma_start3A_624 = tpu.memref_slice %arg8[%dma_start3A_622, %dma_start3A_623] : memref<256x64xf32, #tpu.memory_space<vmem>> -> memref<128x64xf32, #tpu.memory_space<vmem>>
      %dma_start3A_625 = arith.constant 0 : i32
      %dma_start3A_626 = tpu.memref_slice %arg12[%add3A_6, %dma_start3A_625] : memref<10112x64xf32, #tpu.memory_space<vmem_shared>> -> memref<128x64xf32, #tpu.memory_space<vmem_shared>>
      %dma_start3A_627 = arith.constant 0 : i32
      %dma_start3A_628 = tpu.memref_slice %arg12[%add3A_6, %dma_start3A_627] : memref<10112x64xf32, #tpu.memory_space<vmem_shared>> -> memref<128x64xf32, #tpu.memory_space<vmem_shared>>
      %dma_start3A_629 = arith.constant 0 : i32
      %dma_start3A_630 = arith.constant 0 : i32
      %dma_start3A_631 = tpu.memref_slice %arg8[%dma_start3A_629, %dma_start3A_630] : memref<256x64xf32, #tpu.memory_space<vmem>> -> memref<128x64xf32, #tpu.memory_space<vmem>>
      tpu.enqueue_dma source(%dma_start3A_631 : memref<128x64xf32, #tpu.memory_space<vmem>>) target(%dma_start3A_628 : memref<128x64xf32, #tpu.memory_space<vmem_shared>>) target_semaphore(%run_scoped3A : memref<!tpu.dma_semaphore, #tpu.memory_space<semaphore_mem>>)
      %dma_wait3A_632 = arith.constant 0 : i32
      %dma_wait3A_633 = arith.constant 0 : i32
      %dma_wait3A_634 = tpu.memref_slice %arg8[%dma_wait3A_632, %dma_wait3A_633] : memref<256x64xf32, #tpu.memory_space<vmem>> -> memref<128x64xf32, #tpu.memory_space<vmem>>
      %dma_wait3A_635 = arith.constant 0 : i32
      %dma_wait3A_636 = tpu.memref_slice %arg12[%add3A_6, %dma_wait3A_635] : memref<10112x64xf32, #tpu.memory_space<vmem_shared>> -> memref<128x64xf32, #tpu.memory_space<vmem_shared>>
      %dma_wait3A_637 = arith.constant 0 : i32
      %dma_wait3A_638 = tpu.memref_slice %arg12[%add3A_6, %dma_wait3A_637] : memref<10112x64xf32, #tpu.memory_space<vmem_shared>> -> memref<128x64xf32, #tpu.memory_space<vmem_shared>>
      %dma_wait3A_639 = arith.constant 0 : i32
      %dma_wait3A_640 = arith.constant 0 : i32
      %dma_wait3A_641 = tpu.memref_slice %arg8[%dma_wait3A_639, %dma_wait3A_640] : memref<256x64xf32, #tpu.memory_space<vmem>> -> memref<128x64xf32, #tpu.memory_space<vmem>>
      tpu.wait_dma2 semaphore(%run_scoped3A : memref<!tpu.dma_semaphore, #tpu.memory_space<semaphore_mem>>) src(%dma_wait3A_641 : memref<128x64xf32, #tpu.memory_space<vmem>>) dst(%dma_wait3A_638 : memref<128x64xf32, #tpu.memory_space<vmem_shared>>)
      tpu.yield
    }) : () -> ()
    %add3A_7 = arith.constant 128 : i32
    %add3A_8 = arith.addi %mul3A_0, %add3A_7 : i32
    "tpu.region"() ({
      %run_scoped3A = tpu.sem_alloc : memref<!tpu.dma_semaphore, #tpu.memory_space<semaphore_mem>>
      %dma_start3A_622 = arith.constant 0 : i32
      %dma_start3A_623 = arith.constant 0 : i32
      %dma_start3A_624 = tpu.memref_slice %arg8[%dma_start3A_622, %dma_start3A_623] : memref<256x64xf32, #tpu.memory_space<vmem>> -> memref<128x64xf32, #tpu.memory_space<vmem>>
      %dma_start3A_625 = arith.constant 0 : i32
      %dma_start3A_626 = tpu.memref_slice %arg12[%add3A_8, %dma_start3A_625] : memref<10112x64xf32, #tpu.memory_space<vmem_shared>> -> memref<128x64xf32, #tpu.memory_space<vmem_shared>>
      %dma_start3A_627 = arith.constant 0 : i32
      %dma_start3A_628 = tpu.memref_slice %arg12[%add3A_8, %dma_start3A_627] : memref<10112x64xf32, #tpu.memory_space<vmem_shared>> -> memref<128x64xf32, #tpu.memory_space<vmem_shared>>
      %dma_start3A_629 = arith.constant 0 : i32
      %dma_start3A_630 = arith.constant 0 : i32
      %dma_start3A_631 = tpu.memref_slice %arg8[%dma_start3A_629, %dma_start3A_630] : memref<256x64xf32, #tpu.memory_space<vmem>> -> memref<128x64xf32, #tpu.memory_space<vmem>>
      tpu.enqueue_dma source(%dma_start3A_631 : memref<128x64xf32, #tpu.memory_space<vmem>>) target(%dma_start3A_628 : memref<128x64xf32, #tpu.memory_space<vmem_shared>>) target_semaphore(%run_scoped3A : memref<!tpu.dma_semaphore, #tpu.memory_space<semaphore_mem>>)
      %dma_wait3A_632 = arith.constant 0 : i32
      %dma_wait3A_633 = arith.constant 0 : i32
      %dma_wait3A_634 = tpu.memref_slice %arg8[%dma_wait3A_632, %dma_wait3A_633] : memref<256x64xf32, #tpu.memory_space<vmem>> -> memref<128x64xf32, #tpu.memory_space<vmem>>
      %dma_wait3A_635 = arith.constant 0 : i32
      %dma_wait3A_636 = tpu.memref_slice %arg12[%add3A_8, %dma_wait3A_635] : memref<10112x64xf32, #tpu.memory_space<vmem_shared>> -> memref<128x64xf32, #tpu.memory_space<vmem_shared>>
      %dma_wait3A_637 = arith.constant 0 : i32
      %dma_wait3A_638 = tpu.memref_slice %arg12[%add3A_8, %dma_wait3A_637] : memref<10112x64xf32, #tpu.memory_space<vmem_shared>> -> memref<128x64xf32, #tpu.memory_space<vmem_shared>>
      %dma_wait3A_639 = arith.constant 0 : i32
      %dma_wait3A_640 = arith.constant 0 : i32
      %dma_wait3A_641 = tpu.memref_slice %arg8[%dma_wait3A_639, %dma_wait3A_640] : memref<256x64xf32, #tpu.memory_space<vmem>> -> memref<128x64xf32, #tpu.memory_space<vmem>>
      tpu.wait_dma2 semaphore(%run_scoped3A : memref<!tpu.dma_semaphore, #tpu.memory_space<semaphore_mem>>) src(%dma_wait3A_641 : memref<128x64xf32, #tpu.memory_space<vmem>>) dst(%dma_wait3A_638 : memref<128x64xf32, #tpu.memory_space<vmem_shared>>)
      tpu.yield
    }) : () -> ()
    %add3A_9 = arith.constant 256 : i32
    %add3A_10 = arith.addi %mul3A_0, %add3A_9 : i32
    "tpu.region"() ({
      %run_scoped3A = tpu.sem_alloc : memref<!tpu.dma_semaphore, #tpu.memory_space<semaphore_mem>>
      %dma_start3A_622 = arith.constant 0 : i32
      %dma_start3A_623 = arith.constant 0 : i32
      %dma_start3A_624 = tpu.memref_slice %arg8[%dma_start3A_622, %dma_start3A_623] : memref<256x64xf32, #tpu.memory_space<vmem>> -> memref<128x64xf32, #tpu.memory_space<vmem>>
      %dma_start3A_625 = arith.constant 0 : i32
      %dma_start3A_626 = tpu.memref_slice %arg12[%add3A_10, %dma_start3A_625] : memref<10112x64xf32, #tpu.memory_space<vmem_shared>> -> memref<128x64xf32, #tpu.memory_space<vmem_shared>>
      %dma_start3A_627 = arith.constant 0 : i32
      %dma_start3A_628 = tpu.memref_slice %arg12[%add3A_10, %dma_start3A_627] : memref<10112x64xf32, #tpu.memory_space<vmem_shared>> -> memref<128x64xf32, #tpu.memory_space<vmem_shared>>
      %dma_start3A_629 = arith.constant 0 : i32
      %dma_start3A_630 = arith.constant 0 : i32
      %dma_start3A_631 = tpu.memref_slice %arg8[%dma_start3A_629, %dma_start3A_630] : memref<256x64xf32, #tpu.memory_space<vmem>> -> memref<128x64xf32, #tpu.memory_space<vmem>>
      tpu.enqueue_dma source(%dma_start3A_631 : memref<128x64xf32, #tpu.memory_space<vmem>>) target(%dma_start3A_628 : memref<128x64xf32, #tpu.memory_space<vmem_shared>>) target_semaphore(%run_scoped3A : memref<!tpu.dma_semaphore, #tpu.memory_space<semaphore_mem>>)
      %dma_wait3A_632 = arith.constant 0 : i32
      %dma_wait3A_633 = arith.constant 0 : i32
      %dma_wait3A_634 = tpu.memref_slice %arg8[%dma_wait3A_632, %dma_wait3A_633] : memref<256x64xf32, #tpu.memory_space<vmem>> -> memref<128x64xf32, #tpu.memory_space<vmem>>
      %dma_wait3A_635 = arith.constant 0 : i32
      %dma_wait3A_636 = tpu.memref_slice %arg12[%add3A_10, %dma_wait3A_635] : memref<10112x64xf32, #tpu.memory_space<vmem_shared>> -> memref<128x64xf32, #tpu.memory_space<vmem_shared>>
      %dma_wait3A_637 = arith.constant 0 : i32
      %dma_wait3A_638 = tpu.memref_slice %arg12[%add3A_10, %dma_wait3A_637] : memref<10112x64xf32, #tpu.memory_space<vmem_shared>> -> memref<128x64xf32, #tpu.memory_space<vmem_shared>>
      %dma_wait3A_639 = arith.constant 0 : i32
      %dma_wait3A_640 = arith.constant 0 : i32
      %dma_wait3A_641 = tpu.memref_slice %arg8[%dma_wait3A_639, %dma_wait3A_640] : memref<256x64xf32, #tpu.memory_space<vmem>> -> memref<128x64xf32, #tpu.memory_space<vmem>>
      tpu.wait_dma2 semaphore(%run_scoped3A : memref<!tpu.dma_semaphore, #tpu.memory_space<semaphore_mem>>) src(%dma_wait3A_641 : memref<128x64xf32, #tpu.memory_space<vmem>>) dst(%dma_wait3A_638 : memref<128x64xf32, #tpu.memory_space<vmem_shared>>)
      tpu.yield
    }) : () -> ()
    %add3A_11 = arith.constant 384 : i32
    %add3A_12 = arith.addi %mul3A_0, %add3A_11 : i32
    "tpu.region"() ({
      %run_scoped3A = tpu.sem_alloc : memref<!tpu.dma_semaphore, #tpu.memory_space<semaphore_mem>>
      %dma_start3A_622 = arith.constant 0 : i32
      %dma_start3A_623 = arith.constant 0 : i32
      %dma_start3A_624 = tpu.memref_slice %arg8[%dma_start3A_622, %dma_start3A_623] : memref<256x64xf32, #tpu.memory_space<vmem>> -> memref<128x64xf32, #tpu.memory_space<vmem>>
      %dma_start3A_625 = arith.constant 0 : i32
      %dma_start3A_626 = tpu.memref_slice %arg12[%add3A_12, %dma_start3A_625] : memref<10112x64xf32, #tpu.memory_space<vmem_shared>> -> memref<128x64xf32, #tpu.memory_space<vmem_shared>>
      %dma_start3A_627 = arith.constant 0 : i32
      %dma_start3A_628 = tpu.memref_slice %arg12[%add3A_12, %dma_start3A_627] : memref<10112x64xf32, #tpu.memory_space<vmem_shared>> -> memref<128x64xf32, #tpu.memory_space<vmem_shared>>
      %dma_start3A_629 = arith.constant 0 : i32
      %dma_start3A_630 = arith.constant 0 : i32
      %dma_start3A_631 = tpu.memref_slice %arg8[%dma_start3A_629, %dma_start3A_630] : memref<256x64xf32, #tpu.memory_space<vmem>> -> memref<128x64xf32, #tpu.memory_space<vmem>>
      tpu.enqueue_dma source(%dma_start3A_631 : memref<128x64xf32, #tpu.memory_space<vmem>>) target(%dma_start3A_628 : memref<128x64xf32, #tpu.memory_space<vmem_shared>>) target_semaphore(%run_scoped3A : memref<!tpu.dma_semaphore, #tpu.memory_space<semaphore_mem>>)
      %dma_wait3A_632 = arith.constant 0 : i32
      %dma_wait3A_633 = arith.constant 0 : i32
      %dma_wait3A_634 = tpu.memref_slice %arg8[%dma_wait3A_632, %dma_wait3A_633] : memref<256x64xf32, #tpu.memory_space<vmem>> -> memref<128x64xf32, #tpu.memory_space<vmem>>
      %dma_wait3A_635 = arith.constant 0 : i32
      %dma_wait3A_636 = tpu.memref_slice %arg12[%add3A_12, %dma_wait3A_635] : memref<10112x64xf32, #tpu.memory_space<vmem_shared>> -> memref<128x64xf32, #tpu.memory_space<vmem_shared>>
      %dma_wait3A_637 = arith.constant 0 : i32
      %dma_wait3A_638 = tpu.memref_slice %arg12[%add3A_12, %dma_wait3A_637] : memref<10112x64xf32, #tpu.memory_space<vmem_shared>> -> memref<128x64xf32, #tpu.memory_space<vmem_shared>>
      %dma_wait3A_639 = arith.constant 0 : i32
      %dma_wait3A_640 = arith.constant 0 : i32
      %dma_wait3A_641 = tpu.memref_slice %arg8[%dma_wait3A_639, %dma_wait3A_640] : memref<256x64xf32, #tpu.memory_space<vmem>> -> memref<128x64xf32, #tpu.memory_space<vmem>>
      tpu.wait_dma2 semaphore(%run_scoped3A : memref<!tpu.dma_semaphore, #tpu.memory_space<semaphore_mem>>) src(%dma_wait3A_641 : memref<128x64xf32, #tpu.memory_space<vmem>>) dst(%dma_wait3A_638 : memref<128x64xf32, #tpu.memory_space<vmem_shared>>)
      tpu.yield
    }) : () -> ()
    %add3A_13 = arith.constant 512 : i32
    %add3A_14 = arith.addi %mul3A_0, %add3A_13 : i32
    "tpu.region"() ({
      %run_scoped3A = tpu.sem_alloc : memref<!tpu.dma_semaphore, #tpu.memory_space<semaphore_mem>>
      %dma_start3A_622 = arith.constant 0 : i32
      %dma_start3A_623 = arith.constant 0 : i32
      %dma_start3A_624 = tpu.memref_slice %arg8[%dma_start3A_622, %dma_start3A_623] : memref<256x64xf32, #tpu.memory_space<vmem>> -> memref<128x64xf32, #tpu.memory_space<vmem>>
      %dma_start3A_625 = arith.constant 0 : i32
      %dma_start3A_626 = arith.constant 0 : i32
      %dma_start3A_627 = tpu.memref_slice %dma_start3A_624[%dma_start3A_625, %dma_start3A_626] : memref<128x64xf32, #tpu.memory_space<vmem>> -> memref<120x64xf32, #tpu.memory_space<vmem>>
      %dma_start3A_628 = arith.constant 0 : i32
      %dma_start3A_629 = tpu.memref_slice %arg12[%add3A_14, %dma_start3A_628] : memref<10112x64xf32, #tpu.memory_space<vmem_shared>> -> memref<120x64xf32, #tpu.memory_space<vmem_shared>>
      %dma_start3A_630 = arith.constant 0 : i32
      %dma_start3A_631 = tpu.memref_slice %arg12[%add3A_14, %dma_start3A_630] : memref<10112x64xf32, #tpu.memory_space<vmem_shared>> -> memref<120x64xf32, #tpu.memory_space<vmem_shared>>
      %dma_start3A_632 = arith.constant 0 : i32
      %dma_start3A_633 = arith.constant 0 : i32
      %dma_start3A_634 = tpu.memref_slice %arg8[%dma_start3A_632, %dma_start3A_633] : memref<256x64xf32, #tpu.memory_space<vmem>> -> memref<128x64xf32, #tpu.memory_space<vmem>>
      %dma_start3A_635 = arith.constant 0 : i32
      %dma_start3A_636 = arith.constant 0 : i32
      %dma_start3A_637 = tpu.memref_slice %dma_start3A_634[%dma_start3A_635, %dma_start3A_636] : memref<128x64xf32, #tpu.memory_space<vmem>> -> memref<120x64xf32, #tpu.memory_space<vmem>>
      tpu.enqueue_dma source(%dma_start3A_637 : memref<120x64xf32, #tpu.memory_space<vmem>>) target(%dma_start3A_631 : memref<120x64xf32, #tpu.memory_space<vmem_shared>>) target_semaphore(%run_scoped3A : memref<!tpu.dma_semaphore, #tpu.memory_space<semaphore_mem>>)
      %dma_wait3A_638 = arith.constant 0 : i32
      %dma_wait3A_639 = arith.constant 0 : i32
      %dma_wait3A_640 = tpu.memref_slice %arg8[%dma_wait3A_638, %dma_wait3A_639] : memref<256x64xf32, #tpu.memory_space<vmem>> -> memref<128x64xf32, #tpu.memory_space<vmem>>
      %dma_wait3A_641 = arith.constant 0 : i32
      %dma_wait3A_642 = arith.constant 0 : i32
      %dma_wait3A_643 = tpu.memref_slice %dma_wait3A_640[%dma_wait3A_641, %dma_wait3A_642] : memref<128x64xf32, #tpu.memory_space<vmem>> -> memref<120x64xf32, #tpu.memory_space<vmem>>
      %dma_wait3A_644 = arith.constant 0 : i32
      %dma_wait3A_645 = tpu.memref_slice %arg12[%add3A_14, %dma_wait3A_644] : memref<10112x64xf32, #tpu.memory_space<vmem_shared>> -> memref<120x64xf32, #tpu.memory_space<vmem_shared>>
      %dma_wait3A_646 = arith.constant 0 : i32
      %dma_wait3A_647 = tpu.memref_slice %arg12[%add3A_14, %dma_wait3A_646] : memref<10112x64xf32, #tpu.memory_space<vmem_shared>> -> memref<120x64xf32, #tpu.memory_space<vmem_shared>>
      %dma_wait3A_648 = arith.constant 0 : i32
      %dma_wait3A_649 = arith.constant 0 : i32
      %dma_wait3A_650 = tpu.memref_slice %arg8[%dma_wait3A_648, %dma_wait3A_649] : memref<256x64xf32, #tpu.memory_space<vmem>> -> memref<128x64xf32, #tpu.memory_space<vmem>>
      %dma_wait3A_651 = arith.constant 0 : i32
      %dma_wait3A_652 = arith.constant 0 : i32
      %dma_wait3A_653 = tpu.memref_slice %dma_wait3A_650[%dma_wait3A_651, %dma_wait3A_652] : memref<128x64xf32, #tpu.memory_space<vmem>> -> memref<120x64xf32, #tpu.memory_space<vmem>>
      tpu.wait_dma2 semaphore(%run_scoped3A : memref<!tpu.dma_semaphore, #tpu.memory_space<semaphore_mem>>) src(%dma_wait3A_653 : memref<120x64xf32, #tpu.memory_space<vmem>>) dst(%dma_wait3A_647 : memref<120x64xf32, #tpu.memory_space<vmem_shared>>)
      tpu.yield
    }) : () -> ()
    %barrier3A = arith.constant 0 : index
    tpu.barrier barrier_id(%barrier3A)
    "tpu.region"() ({
      %run_scoped3A = tpu.sem_alloc : memref<!tpu.dma_semaphore, #tpu.memory_space<semaphore_mem>>
      %dma_start3A_622 = arith.constant 0 : i32
      %dma_start3A_623 = arith.constant 0 : i32
      %dma_start3A_624 = tpu.memref_slice %arg3[%arg1, %dma_start3A_622, %dma_start3A_623] : memref<16x80x256xi32, #tpu.memory_space<hbm>> -> memref<1x40x256xi32, #tpu.memory_space<hbm>>
      %dma_start3A_625 = tpu.memref_squeeze %dma_start3A_624 : memref<1x40x256xi32, #tpu.memory_space<hbm>> -> memref<40x256xi32, #tpu.memory_space<hbm>>
      %dma_start3A_626 = arith.constant 0 : i32
      %dma_start3A_627 = arith.constant 0 : i32
      %dma_start3A_628 = tpu.memref_slice %arg3[%arg1, %dma_start3A_626, %dma_start3A_627] : memref<16x80x256xi32, #tpu.memory_space<hbm>> -> memref<1x40x256xi32, #tpu.memory_space<hbm>>
      %dma_start3A_629 = tpu.memref_squeeze %dma_start3A_628 : memref<1x40x256xi32, #tpu.memory_space<hbm>> -> memref<40x256xi32, #tpu.memory_space<hbm>>
      tpu.enqueue_dma source(%dma_start3A_629 : memref<40x256xi32, #tpu.memory_space<hbm>>) target(%arg6 : memref<40x256xi32, #tpu.memory_space<vmem>>) target_semaphore(%run_scoped3A : memref<!tpu.dma_semaphore, #tpu.memory_space<semaphore_mem>>)
      %dma_wait3A_630 = arith.constant 0 : i32
      %dma_wait3A_631 = arith.constant 0 : i32
      %dma_wait3A_632 = tpu.memref_slice %arg3[%arg1, %dma_wait3A_630, %dma_wait3A_631] : memref<16x80x256xi32, #tpu.memory_space<hbm>> -> memref<1x40x256xi32, #tpu.memory_space<hbm>>
      %dma_wait3A_633 = tpu.memref_squeeze %dma_wait3A_632 : memref<1x40x256xi32, #tpu.memory_space<hbm>> -> memref<40x256xi32, #tpu.memory_space<hbm>>
      %dma_wait3A_634 = arith.constant 0 : i32
      %dma_wait3A_635 = arith.constant 0 : i32
      %dma_wait3A_636 = tpu.memref_slice %arg3[%arg1, %dma_wait3A_634, %dma_wait3A_635] : memref<16x80x256xi32, #tpu.memory_space<hbm>> -> memref<1x40x256xi32, #tpu.memory_space<hbm>>
      %dma_wait3A_637 = tpu.memref_squeeze %dma_wait3A_636 : memref<1x40x256xi32, #tpu.memory_space<hbm>> -> memref<40x256xi32, #tpu.memory_space<hbm>>
      tpu.wait_dma2 semaphore(%run_scoped3A : memref<!tpu.dma_semaphore, #tpu.memory_space<semaphore_mem>>) src(%dma_wait3A_637 : memref<40x256xi32, #tpu.memory_space<hbm>>) dst(%arg6 : memref<40x256xi32, #tpu.memory_space<vmem>>)
      tpu.yield
    }) : () -> ()
    "tpu.region"() ({
      %run_scoped3A = tpu.sem_alloc : memref<!tpu.dma_semaphore, #tpu.memory_space<semaphore_mem>>
      %dma_start3A_622 = arith.constant 0 : i32
      %dma_start3A_623 = arith.constant 0 : i32
      %dma_start3A_624 = tpu.memref_slice %arg4[%arg1, %dma_start3A_622, %dma_start3A_623] : memref<16x80x256xi32, #tpu.memory_space<hbm>> -> memref<1x40x256xi32, #tpu.memory_space<hbm>>
      %dma_start3A_625 = tpu.memref_squeeze %dma_start3A_624 : memref<1x40x256xi32, #tpu.memory_space<hbm>> -> memref<40x256xi32, #tpu.memory_space<hbm>>
      %dma_start3A_626 = arith.constant 0 : i32
      %dma_start3A_627 = arith.constant 0 : i32
      %dma_start3A_628 = tpu.memref_slice %arg4[%arg1, %dma_start3A_626, %dma_start3A_627] : memref<16x80x256xi32, #tpu.memory_space<hbm>> -> memref<1x40x256xi32, #tpu.memory_space<hbm>>
      %dma_start3A_629 = tpu.memref_squeeze %dma_start3A_628 : memref<1x40x256xi32, #tpu.memory_space<hbm>> -> memref<40x256xi32, #tpu.memory_space<hbm>>
      tpu.enqueue_dma source(%dma_start3A_629 : memref<40x256xi32, #tpu.memory_space<hbm>>) target(%arg7 : memref<40x256xi32, #tpu.memory_space<vmem>>) target_semaphore(%run_scoped3A : memref<!tpu.dma_semaphore, #tpu.memory_space<semaphore_mem>>)
      %dma_wait3A_630 = arith.constant 0 : i32
      %dma_wait3A_631 = arith.constant 0 : i32
      %dma_wait3A_632 = tpu.memref_slice %arg4[%arg1, %dma_wait3A_630, %dma_wait3A_631] : memref<16x80x256xi32, #tpu.memory_space<hbm>> -> memref<1x40x256xi32, #tpu.memory_space<hbm>>
      %dma_wait3A_633 = tpu.memref_squeeze %dma_wait3A_632 : memref<1x40x256xi32, #tpu.memory_space<hbm>> -> memref<40x256xi32, #tpu.memory_space<hbm>>
      %dma_wait3A_634 = arith.constant 0 : i32
      %dma_wait3A_635 = arith.constant 0 : i32
      %dma_wait3A_636 = tpu.memref_slice %arg4[%arg1, %dma_wait3A_634, %dma_wait3A_635] : memref<16x80x256xi32, #tpu.memory_space<hbm>> -> memref<1x40x256xi32, #tpu.memory_space<hbm>>
      %dma_wait3A_637 = tpu.memref_squeeze %dma_wait3A_636 : memref<1x40x256xi32, #tpu.memory_space<hbm>> -> memref<40x256xi32, #tpu.memory_space<hbm>>
      tpu.wait_dma2 semaphore(%run_scoped3A : memref<!tpu.dma_semaphore, #tpu.memory_space<semaphore_mem>>) src(%dma_wait3A_637 : memref<40x256xi32, #tpu.memory_space<hbm>>) dst(%arg7 : memref<40x256xi32, #tpu.memory_space<vmem>>)
      tpu.yield
    }) : () -> ()
    %dma_start3A = arith.constant 0 : i32
    %dma_start3A_15 = arith.constant 0 : i32
    %dma_start3A_16 = tpu.memref_slice %arg6[%dma_start3A, %dma_start3A_15] : memref<40x256xi32, #tpu.memory_space<vmem>> -> memref<1x256xi32, #tpu.memory_space<vmem>>
    %dma_start3A_17 = tpu.memref_squeeze %dma_start3A_16 : memref<1x256xi32, #tpu.memory_space<vmem>> -> memref<256xi32, #tpu.memory_space<vmem>>
    %dma_start3A_18 = arith.constant 0 : i32
    %dma_start3A_19 = arith.constant 0 : i32
    %dma_start3A_20 = tpu.memref_slice %arg2[%arg0, %dma_start3A_18, %dma_start3A_19] : memref<2x10000x64xf32, #tpu.memory_space<hbm>> -> memref<1x10000x64xf32, #tpu.memory_space<hbm>>
    %dma_start3A_21 = tpu.memref_squeeze %dma_start3A_20 : memref<1x10000x64xf32, #tpu.memory_space<hbm>> -> memref<10000x64xf32, #tpu.memory_space<hbm>>
    %dma_start3A_22 = arith.constant 0 : i32
    %dma_start3A_23 = arith.constant 0 : i32
    %dma_start3A_24 = tpu.memref_slice %dma_start3A_21[%dma_start3A_22, %dma_start3A_23] : memref<10000x64xf32, #tpu.memory_space<hbm>> -> memref<10000x64xf32, #tpu.memory_space<hbm>>
    tpu.enqueue_indirect_dma source(%dma_start3A_24 : memref<10000x64xf32, #tpu.memory_space<hbm>>) target(%arg8 : memref<256x64xf32, #tpu.memory_space<vmem>>) offsets(%dma_start3A_17 : memref<256xi32, #tpu.memory_space<vmem>>) semaphore(%arg13 : memref<!tpu.dma_semaphore, #tpu.memory_space<semaphore_mem>>)
    %dma_start3A_25 = arith.constant 1 : i32
    %dma_start3A_26 = arith.constant 0 : i32
    %dma_start3A_27 = tpu.memref_slice %arg6[%dma_start3A_25, %dma_start3A_26] : memref<40x256xi32, #tpu.memory_space<vmem>> -> memref<1x256xi32, #tpu.memory_space<vmem>>
    %dma_start3A_28 = tpu.memref_squeeze %dma_start3A_27 : memref<1x256xi32, #tpu.memory_space<vmem>> -> memref<256xi32, #tpu.memory_space<vmem>>
    %dma_start3A_29 = arith.constant 0 : i32
    %dma_start3A_30 = arith.constant 0 : i32
    %dma_start3A_31 = tpu.memref_slice %arg2[%arg0, %dma_start3A_29, %dma_start3A_30] : memref<2x10000x64xf32, #tpu.memory_space<hbm>> -> memref<1x10000x64xf32, #tpu.memory_space<hbm>>
    %dma_start3A_32 = tpu.memref_squeeze %dma_start3A_31 : memref<1x10000x64xf32, #tpu.memory_space<hbm>> -> memref<10000x64xf32, #tpu.memory_space<hbm>>
    %dma_start3A_33 = arith.constant 0 : i32
    %dma_start3A_34 = arith.constant 0 : i32
    %dma_start3A_35 = tpu.memref_slice %dma_start3A_32[%dma_start3A_33, %dma_start3A_34] : memref<10000x64xf32, #tpu.memory_space<hbm>> -> memref<10000x64xf32, #tpu.memory_space<hbm>>
    tpu.enqueue_indirect_dma source(%dma_start3A_35 : memref<10000x64xf32, #tpu.memory_space<hbm>>) target(%arg9 : memref<256x64xf32, #tpu.memory_space<vmem>>) offsets(%dma_start3A_28 : memref<256xi32, #tpu.memory_space<vmem>>) semaphore(%arg14 : memref<!tpu.dma_semaphore, #tpu.memory_space<semaphore_mem>>)
    %dma_start3A_36 = arith.constant 2 : i32
    %dma_start3A_37 = arith.constant 0 : i32
    %dma_start3A_38 = tpu.memref_slice %arg6[%dma_start3A_36, %dma_start3A_37] : memref<40x256xi32, #tpu.memory_space<vmem>> -> memref<1x256xi32, #tpu.memory_space<vmem>>
    %dma_start3A_39 = tpu.memref_squeeze %dma_start3A_38 : memref<1x256xi32, #tpu.memory_space<vmem>> -> memref<256xi32, #tpu.memory_space<vmem>>
    %dma_start3A_40 = arith.constant 0 : i32
    %dma_start3A_41 = arith.constant 0 : i32
    %dma_start3A_42 = tpu.memref_slice %arg2[%arg0, %dma_start3A_40, %dma_start3A_41] : memref<2x10000x64xf32, #tpu.memory_space<hbm>> -> memref<1x10000x64xf32, #tpu.memory_space<hbm>>
    %dma_start3A_43 = tpu.memref_squeeze %dma_start3A_42 : memref<1x10000x64xf32, #tpu.memory_space<hbm>> -> memref<10000x64xf32, #tpu.memory_space<hbm>>
    %dma_start3A_44 = arith.constant 0 : i32
    %dma_start3A_45 = arith.constant 0 : i32
    %dma_start3A_46 = tpu.memref_slice %dma_start3A_43[%dma_start3A_44, %dma_start3A_45] : memref<10000x64xf32, #tpu.memory_space<hbm>> -> memref<10000x64xf32, #tpu.memory_space<hbm>>
    tpu.enqueue_indirect_dma source(%dma_start3A_46 : memref<10000x64xf32, #tpu.memory_space<hbm>>) target(%arg10 : memref<256x64xf32, #tpu.memory_space<vmem>>) offsets(%dma_start3A_39 : memref<256xi32, #tpu.memory_space<vmem>>) semaphore(%arg15 : memref<!tpu.dma_semaphore, #tpu.memory_space<semaphore_mem>>)
    %dma_wait3A = arith.constant 0 : i32
    %dma_wait3A_47 = arith.constant 0 : i32
    %dma_wait3A_48 = tpu.memref_slice %arg6[%dma_wait3A, %dma_wait3A_47] : memref<40x256xi32, #tpu.memory_space<vmem>> -> memref<1x256xi32, #tpu.memory_space<vmem>>
    %dma_wait3A_49 = tpu.memref_squeeze %dma_wait3A_48 : memref<1x256xi32, #tpu.memory_space<vmem>> -> memref<256xi32, #tpu.memory_space<vmem>>
    %dma_wait3A_50 = arith.constant 0 : i32
    %dma_wait3A_51 = arith.constant 0 : i32
    %dma_wait3A_52 = tpu.memref_slice %arg2[%arg0, %dma_wait3A_50, %dma_wait3A_51] : memref<2x10000x64xf32, #tpu.memory_space<hbm>> -> memref<1x10000x64xf32, #tpu.memory_space<hbm>>
    %dma_wait3A_53 = tpu.memref_squeeze %dma_wait3A_52 : memref<1x10000x64xf32, #tpu.memory_space<hbm>> -> memref<10000x64xf32, #tpu.memory_space<hbm>>
    %dma_wait3A_54 = arith.constant 0 : i32
    %dma_wait3A_55 = arith.constant 0 : i32
    %dma_wait3A_56 = tpu.memref_slice %dma_wait3A_53[%dma_wait3A_54, %dma_wait3A_55] : memref<10000x64xf32, #tpu.memory_space<hbm>> -> memref<10000x64xf32, #tpu.memory_space<hbm>>
    tpu.wait_indirect_dma semaphore(%arg13 : memref<!tpu.dma_semaphore, #tpu.memory_space<semaphore_mem>>) src(%dma_wait3A_56 : memref<10000x64xf32, #tpu.memory_space<hbm>>) dst(%arg8 : memref<256x64xf32, #tpu.memory_space<vmem>>)
    %dma_start3A_57 = arith.constant 0 : i32
    %dma_start3A_58 = arith.constant 0 : i32
    %dma_start3A_59 = tpu.memref_slice %arg7[%dma_start3A_57, %dma_start3A_58] : memref<40x256xi32, #tpu.memory_space<vmem>> -> memref<1x256xi32, #tpu.memory_space<vmem>>
    %dma_start3A_60 = tpu.memref_squeeze %dma_start3A_59 : memref<1x256xi32, #tpu.memory_space<vmem>> -> memref<256xi32, #tpu.memory_space<vmem>>
    %dma_start3A_61 = arith.constant 0 : i32
    %dma_start3A_62 = arith.constant 0 : i32
    %dma_start3A_63 = tpu.memref_slice %arg12[%dma_start3A_61, %dma_start3A_62] : memref<10112x64xf32, #tpu.memory_space<vmem_shared>> -> memref<10112x64xf32, #tpu.memory_space<vmem_shared>>
    tpu.enqueue_indirect_dma source(%arg8 : memref<256x64xf32, #tpu.memory_space<vmem>>) target(%dma_start3A_63 : memref<10112x64xf32, #tpu.memory_space<vmem_shared>>) offsets(%dma_start3A_60 : memref<256xi32, #tpu.memory_space<vmem>>) semaphore(%arg17 : memref<!tpu.dma_semaphore, #tpu.memory_space<semaphore_mem>>) {add = true}
    %dma_start3A_64 = arith.constant 3 : i32
    %dma_start3A_65 = arith.constant 0 : i32
    %dma_start3A_66 = tpu.memref_slice %arg6[%dma_start3A_64, %dma_start3A_65] : memref<40x256xi32, #tpu.memory_space<vmem>> -> memref<1x256xi32, #tpu.memory_space<vmem>>
    %dma_start3A_67 = tpu.memref_squeeze %dma_start3A_66 : memref<1x256xi32, #tpu.memory_space<vmem>> -> memref<256xi32, #tpu.memory_space<vmem>>
    %dma_start3A_68 = arith.constant 0 : i32
    %dma_start3A_69 = arith.constant 0 : i32
    %dma_start3A_70 = tpu.memref_slice %arg2[%arg0, %dma_start3A_68, %dma_start3A_69] : memref<2x10000x64xf32, #tpu.memory_space<hbm>> -> memref<1x10000x64xf32, #tpu.memory_space<hbm>>
    %dma_start3A_71 = tpu.memref_squeeze %dma_start3A_70 : memref<1x10000x64xf32, #tpu.memory_space<hbm>> -> memref<10000x64xf32, #tpu.memory_space<hbm>>
    %dma_start3A_72 = arith.constant 0 : i32
    %dma_start3A_73 = arith.constant 0 : i32
    %dma_start3A_74 = tpu.memref_slice %dma_start3A_71[%dma_start3A_72, %dma_start3A_73] : memref<10000x64xf32, #tpu.memory_space<hbm>> -> memref<10000x64xf32, #tpu.memory_space<hbm>>
    tpu.enqueue_indirect_dma source(%dma_start3A_74 : memref<10000x64xf32, #tpu.memory_space<hbm>>) target(%arg11 : memref<256x64xf32, #tpu.memory_space<vmem>>) offsets(%dma_start3A_67 : memref<256xi32, #tpu.memory_space<vmem>>) semaphore(%arg16 : memref<!tpu.dma_semaphore, #tpu.memory_space<semaphore_mem>>)
    %dma_wait3A_75 = arith.constant 1 : i32
    %dma_wait3A_76 = arith.constant 0 : i32
    %dma_wait3A_77 = tpu.memref_slice %arg6[%dma_wait3A_75, %dma_wait3A_76] : memref<40x256xi32, #tpu.memory_space<vmem>> -> memref<1x256xi32, #tpu.memory_space<vmem>>
    %dma_wait3A_78 = tpu.memref_squeeze %dma_wait3A_77 : memref<1x256xi32, #tpu.memory_space<vmem>> -> memref<256xi32, #tpu.memory_space<vmem>>
    %dma_wait3A_79 = arith.constant 0 : i32
    %dma_wait3A_80 = arith.constant 0 : i32
    %dma_wait3A_81 = tpu.memref_slice %arg2[%arg0, %dma_wait3A_79, %dma_wait3A_80] : memref<2x10000x64xf32, #tpu.memory_space<hbm>> -> memref<1x10000x64xf32, #tpu.memory_space<hbm>>
    %dma_wait3A_82 = tpu.memref_squeeze %dma_wait3A_81 : memref<1x10000x64xf32, #tpu.memory_space<hbm>> -> memref<10000x64xf32, #tpu.memory_space<hbm>>
    %dma_wait3A_83 = arith.constant 0 : i32
    %dma_wait3A_84 = arith.constant 0 : i32
    %dma_wait3A_85 = tpu.memref_slice %dma_wait3A_82[%dma_wait3A_83, %dma_wait3A_84] : memref<10000x64xf32, #tpu.memory_space<hbm>> -> memref<10000x64xf32, #tpu.memory_space<hbm>>
    tpu.wait_indirect_dma semaphore(%arg14 : memref<!tpu.dma_semaphore, #tpu.memory_space<semaphore_mem>>) src(%dma_wait3A_85 : memref<10000x64xf32, #tpu.memory_space<hbm>>) dst(%arg9 : memref<256x64xf32, #tpu.memory_space<vmem>>)
    %dma_start3A_86 = arith.constant 1 : i32
    %dma_start3A_87 = arith.constant 0 : i32
    %dma_start3A_88 = tpu.memref_slice %arg7[%dma_start3A_86, %dma_start3A_87] : memref<40x256xi32, #tpu.memory_space<vmem>> -> memref<1x256xi32, #tpu.memory_space<vmem>>
    %dma_start3A_89 = tpu.memref_squeeze %dma_start3A_88 : memref<1x256xi32, #tpu.memory_space<vmem>> -> memref<256xi32, #tpu.memory_space<vmem>>
    %dma_start3A_90 = arith.constant 0 : i32
    %dma_start3A_91 = arith.constant 0 : i32
    %dma_start3A_92 = tpu.memref_slice %arg12[%dma_start3A_90, %dma_start3A_91] : memref<10112x64xf32, #tpu.memory_space<vmem_shared>> -> memref<10112x64xf32, #tpu.memory_space<vmem_shared>>
    tpu.enqueue_indirect_dma source(%arg9 : memref<256x64xf32, #tpu.memory_space<vmem>>) target(%dma_start3A_92 : memref<10112x64xf32, #tpu.memory_space<vmem_shared>>) offsets(%dma_start3A_89 : memref<256xi32, #tpu.memory_space<vmem>>) semaphore(%arg18 : memref<!tpu.dma_semaphore, #tpu.memory_space<semaphore_mem>>) {add = true}
    %dma_wait3A_93 = arith.constant 0 : i32
    %dma_wait3A_94 = arith.constant 0 : i32
    %dma_wait3A_95 = tpu.memref_slice %arg7[%dma_wait3A_93, %dma_wait3A_94] : memref<40x256xi32, #tpu.memory_space<vmem>> -> memref<1x256xi32, #tpu.memory_space<vmem>>
    %dma_wait3A_96 = tpu.memref_squeeze %dma_wait3A_95 : memref<1x256xi32, #tpu.memory_space<vmem>> -> memref<256xi32, #tpu.memory_space<vmem>>
    %dma_wait3A_97 = arith.constant 0 : i32
    %dma_wait3A_98 = arith.constant 0 : i32
    %dma_wait3A_99 = tpu.memref_slice %arg12[%dma_wait3A_97, %dma_wait3A_98] : memref<10112x64xf32, #tpu.memory_space<vmem_shared>> -> memref<10112x64xf32, #tpu.memory_space<vmem_shared>>
    tpu.wait_indirect_dma semaphore(%arg17 : memref<!tpu.dma_semaphore, #tpu.memory_space<semaphore_mem>>) src(%arg8 : memref<256x64xf32, #tpu.memory_space<vmem>>) dst(%dma_wait3A_99 : memref<10112x64xf32, #tpu.memory_space<vmem_shared>>)
    %dma_start3A_100 = arith.constant 4 : i32
    %dma_start3A_101 = arith.constant 0 : i32
    %dma_start3A_102 = tpu.memref_slice %arg6[%dma_start3A_100, %dma_start3A_101] : memref<40x256xi32, #tpu.memory_space<vmem>> -> memref<1x256xi32, #tpu.memory_space<vmem>>
    %dma_start3A_103 = tpu.memref_squeeze %dma_start3A_102 : memref<1x256xi32, #tpu.memory_space<vmem>> -> memref<256xi32, #tpu.memory_space<vmem>>
    %dma_start3A_104 = arith.constant 0 : i32
    %dma_start3A_105 = arith.constant 0 : i32
    %dma_start3A_106 = tpu.memref_slice %arg2[%arg0, %dma_start3A_104, %dma_start3A_105] : memref<2x10000x64xf32, #tpu.memory_space<hbm>> -> memref<1x10000x64xf32, #tpu.memory_space<hbm>>
    %dma_start3A_107 = tpu.memref_squeeze %dma_start3A_106 : memref<1x10000x64xf32, #tpu.memory_space<hbm>> -> memref<10000x64xf32, #tpu.memory_space<hbm>>
    %dma_start3A_108 = arith.constant 0 : i32
    %dma_start3A_109 = arith.constant 0 : i32
    %dma_start3A_110 = tpu.memref_slice %dma_start3A_107[%dma_start3A_108, %dma_start3A_109] : memref<10000x64xf32, #tpu.memory_space<hbm>> -> memref<10000x64xf32, #tpu.memory_space<hbm>>
    tpu.enqueue_indirect_dma source(%dma_start3A_110 : memref<10000x64xf32, #tpu.memory_space<hbm>>) target(%arg8 : memref<256x64xf32, #tpu.memory_space<vmem>>) offsets(%dma_start3A_103 : memref<256xi32, #tpu.memory_space<vmem>>) semaphore(%arg13 : memref<!tpu.dma_semaphore, #tpu.memory_space<semaphore_mem>>)
    %dma_wait3A_111 = arith.constant 2 : i32
    %dma_wait3A_112 = arith.constant 0 : i32
    %dma_wait3A_113 = tpu.memref_slice %arg6[%dma_wait3A_111, %dma_wait3A_112] : memref<40x256xi32, #tpu.memory_space<vmem>> -> memref<1x256xi32, #tpu.memory_space<vmem>>
    %dma_wait3A_114 = tpu.memref_squeeze %dma_wait3A_113 : memref<1x256xi32, #tpu.memory_space<vmem>> -> memref<256xi32, #tpu.memory_space<vmem>>
    %dma_wait3A_115 = arith.constant 0 : i32
    %dma_wait3A_116 = arith.constant 0 : i32
    %dma_wait3A_117 = tpu.memref_slice %arg2[%arg0, %dma_wait3A_115, %dma_wait3A_116] : memref<2x10000x64xf32, #tpu.memory_space<hbm>> -> memref<1x10000x64xf32, #tpu.memory_space<hbm>>
    %dma_wait3A_118 = tpu.memref_squeeze %dma_wait3A_117 : memref<1x10000x64xf32, #tpu.memory_space<hbm>> -> memref<10000x64xf32, #tpu.memory_space<hbm>>
    %dma_wait3A_119 = arith.constant 0 : i32
    %dma_wait3A_120 = arith.constant 0 : i32
    %dma_wait3A_121 = tpu.memref_slice %dma_wait3A_118[%dma_wait3A_119, %dma_wait3A_120] : memref<10000x64xf32, #tpu.memory_space<hbm>> -> memref<10000x64xf32, #tpu.memory_space<hbm>>
    tpu.wait_indirect_dma semaphore(%arg15 : memref<!tpu.dma_semaphore, #tpu.memory_space<semaphore_mem>>) src(%dma_wait3A_121 : memref<10000x64xf32, #tpu.memory_space<hbm>>) dst(%arg10 : memref<256x64xf32, #tpu.memory_space<vmem>>)
    %dma_start3A_122 = arith.constant 2 : i32
    %dma_start3A_123 = arith.constant 0 : i32
    %dma_start3A_124 = tpu.memref_slice %arg7[%dma_start3A_122, %dma_start3A_123] : memref<40x256xi32, #tpu.memory_space<vmem>> -> memref<1x256xi32, #tpu.memory_space<vmem>>
    %dma_start3A_125 = tpu.memref_squeeze %dma_start3A_124 : memref<1x256xi32, #tpu.memory_space<vmem>> -> memref<256xi32, #tpu.memory_space<vmem>>
    %dma_start3A_126 = arith.constant 0 : i32
    %dma_start3A_127 = arith.constant 0 : i32
    %dma_start3A_128 = tpu.memref_slice %arg12[%dma_start3A_126, %dma_start3A_127] : memref<10112x64xf32, #tpu.memory_space<vmem_shared>> -> memref<10112x64xf32, #tpu.memory_space<vmem_shared>>
    tpu.enqueue_indirect_dma source(%arg10 : memref<256x64xf32, #tpu.memory_space<vmem>>) target(%dma_start3A_128 : memref<10112x64xf32, #tpu.memory_space<vmem_shared>>) offsets(%dma_start3A_125 : memref<256xi32, #tpu.memory_space<vmem>>) semaphore(%arg19 : memref<!tpu.dma_semaphore, #tpu.memory_space<semaphore_mem>>) {add = true}
    %dma_wait3A_129 = arith.constant 1 : i32
    %dma_wait3A_130 = arith.constant 0 : i32
    %dma_wait3A_131 = tpu.memref_slice %arg7[%dma_wait3A_129, %dma_wait3A_130] : memref<40x256xi32, #tpu.memory_space<vmem>> -> memref<1x256xi32, #tpu.memory_space<vmem>>
    %dma_wait3A_132 = tpu.memref_squeeze %dma_wait3A_131 : memref<1x256xi32, #tpu.memory_space<vmem>> -> memref<256xi32, #tpu.memory_space<vmem>>
    %dma_wait3A_133 = arith.constant 0 : i32
    %dma_wait3A_134 = arith.constant 0 : i32
    %dma_wait3A_135 = tpu.memref_slice %arg12[%dma_wait3A_133, %dma_wait3A_134] : memref<10112x64xf32, #tpu.memory_space<vmem_shared>> -> memref<10112x64xf32, #tpu.memory_space<vmem_shared>>
    tpu.wait_indirect_dma semaphore(%arg18 : memref<!tpu.dma_semaphore, #tpu.memory_space<semaphore_mem>>) src(%arg9 : memref<256x64xf32, #tpu.memory_space<vmem>>) dst(%dma_wait3A_135 : memref<10112x64xf32, #tpu.memory_space<vmem_shared>>)
    %dma_start3A_136 = arith.constant 5 : i32
    %dma_start3A_137 = arith.constant 0 : i32
    %dma_start3A_138 = tpu.memref_slice %arg6[%dma_start3A_136, %dma_start3A_137] : memref<40x256xi32, #tpu.memory_space<vmem>> -> memref<1x256xi32, #tpu.memory_space<vmem>>
    %dma_start3A_139 = tpu.memref_squeeze %dma_start3A_138 : memref<1x256xi32, #tpu.memory_space<vmem>> -> memref<256xi32, #tpu.memory_space<vmem>>
    %dma_start3A_140 = arith.constant 0 : i32
    %dma_start3A_141 = arith.constant 0 : i32
    %dma_start3A_142 = tpu.memref_slice %arg2[%arg0, %dma_start3A_140, %dma_start3A_141] : memref<2x10000x64xf32, #tpu.memory_space<hbm>> -> memref<1x10000x64xf32, #tpu.memory_space<hbm>>
    %dma_start3A_143 = tpu.memref_squeeze %dma_start3A_142 : memref<1x10000x64xf32, #tpu.memory_space<hbm>> -> memref<10000x64xf32, #tpu.memory_space<hbm>>
    %dma_start3A_144 = arith.constant 0 : i32
    %dma_start3A_145 = arith.constant 0 : i32
    %dma_start3A_146 = tpu.memref_slice %dma_start3A_143[%dma_start3A_144, %dma_start3A_145] : memref<10000x64xf32, #tpu.memory_space<hbm>> -> memref<10000x64xf32, #tpu.memory_space<hbm>>
    tpu.enqueue_indirect_dma source(%dma_start3A_146 : memref<10000x64xf32, #tpu.memory_space<hbm>>) target(%arg9 : memref<256x64xf32, #tpu.memory_space<vmem>>) offsets(%dma_start3A_139 : memref<256xi32, #tpu.memory_space<vmem>>) semaphore(%arg14 : memref<!tpu.dma_semaphore, #tpu.memory_space<semaphore_mem>>)
    %dma_wait3A_147 = arith.constant 3 : i32
    %dma_wait3A_148 = arith.constant 0 : i32
    %dma_wait3A_149 = tpu.memref_slice %arg6[%dma_wait3A_147, %dma_wait3A_148] : memref<40x256xi32, #tpu.memory_space<vmem>> -> memref<1x256xi32, #tpu.memory_space<vmem>>
    %dma_wait3A_150 = tpu.memref_squeeze %dma_wait3A_149 : memref<1x256xi32, #tpu.memory_space<vmem>> -> memref<256xi32, #tpu.memory_space<vmem>>
    %dma_wait3A_151 = arith.constant 0 : i32
    %dma_wait3A_152 = arith.constant 0 : i32
    %dma_wait3A_153 = tpu.memref_slice %arg2[%arg0, %dma_wait3A_151, %dma_wait3A_152] : memref<2x10000x64xf32, #tpu.memory_space<hbm>> -> memref<1x10000x64xf32, #tpu.memory_space<hbm>>
    %dma_wait3A_154 = tpu.memref_squeeze %dma_wait3A_153 : memref<1x10000x64xf32, #tpu.memory_space<hbm>> -> memref<10000x64xf32, #tpu.memory_space<hbm>>
    %dma_wait3A_155 = arith.constant 0 : i32
    %dma_wait3A_156 = arith.constant 0 : i32
    %dma_wait3A_157 = tpu.memref_slice %dma_wait3A_154[%dma_wait3A_155, %dma_wait3A_156] : memref<10000x64xf32, #tpu.memory_space<hbm>> -> memref<10000x64xf32, #tpu.memory_space<hbm>>
    tpu.wait_indirect_dma semaphore(%arg16 : memref<!tpu.dma_semaphore, #tpu.memory_space<semaphore_mem>>) src(%dma_wait3A_157 : memref<10000x64xf32, #tpu.memory_space<hbm>>) dst(%arg11 : memref<256x64xf32, #tpu.memory_space<vmem>>)
    %dma_start3A_158 = arith.constant 3 : i32
    %dma_start3A_159 = arith.constant 0 : i32
    %dma_start3A_160 = tpu.memref_slice %arg7[%dma_start3A_158, %dma_start3A_159] : memref<40x256xi32, #tpu.memory_space<vmem>> -> memref<1x256xi32, #tpu.memory_space<vmem>>
    %dma_start3A_161 = tpu.memref_squeeze %dma_start3A_160 : memref<1x256xi32, #tpu.memory_space<vmem>> -> memref<256xi32, #tpu.memory_space<vmem>>
    %dma_start3A_162 = arith.constant 0 : i32
    %dma_start3A_163 = arith.constant 0 : i32
    %dma_start3A_164 = tpu.memref_slice %arg12[%dma_start3A_162, %dma_start3A_163] : memref<10112x64xf32, #tpu.memory_space<vmem_shared>> -> memref<10112x64xf32, #tpu.memory_space<vmem_shared>>
    tpu.enqueue_indirect_dma source(%arg11 : memref<256x64xf32, #tpu.memory_space<vmem>>) target(%dma_start3A_164 : memref<10112x64xf32, #tpu.memory_space<vmem_shared>>) offsets(%dma_start3A_161 : memref<256xi32, #tpu.memory_space<vmem>>) semaphore(%arg20 : memref<!tpu.dma_semaphore, #tpu.memory_space<semaphore_mem>>) {add = true}
    %dma_wait3A_165 = arith.constant 2 : i32
    %dma_wait3A_166 = arith.constant 0 : i32
    %dma_wait3A_167 = tpu.memref_slice %arg7[%dma_wait3A_165, %dma_wait3A_166] : memref<40x256xi32, #tpu.memory_space<vmem>> -> memref<1x256xi32, #tpu.memory_space<vmem>>
    %dma_wait3A_168 = tpu.memref_squeeze %dma_wait3A_167 : memref<1x256xi32, #tpu.memory_space<vmem>> -> memref<256xi32, #tpu.memory_space<vmem>>
    %dma_wait3A_169 = arith.constant 0 : i32
    %dma_wait3A_170 = arith.constant 0 : i32
    %dma_wait3A_171 = tpu.memref_slice %arg12[%dma_wait3A_169, %dma_wait3A_170] : memref<10112x64xf32, #tpu.memory_space<vmem_shared>> -> memref<10112x64xf32, #tpu.memory_space<vmem_shared>>
    tpu.wait_indirect_dma semaphore(%arg19 : memref<!tpu.dma_semaphore, #tpu.memory_space<semaphore_mem>>) src(%arg10 : memref<256x64xf32, #tpu.memory_space<vmem>>) dst(%dma_wait3A_171 : memref<10112x64xf32, #tpu.memory_space<vmem_shared>>)
    %dma_start3A_172 = arith.constant 6 : i32
    %dma_start3A_173 = arith.constant 0 : i32
    %dma_start3A_174 = tpu.memref_slice %arg6[%dma_start3A_172, %dma_start3A_173] : memref<40x256xi32, #tpu.memory_space<vmem>> -> memref<1x256xi32, #tpu.memory_space<vmem>>
    %dma_start3A_175 = tpu.memref_squeeze %dma_start3A_174 : memref<1x256xi32, #tpu.memory_space<vmem>> -> memref<256xi32, #tpu.memory_space<vmem>>
    %dma_start3A_176 = arith.constant 0 : i32
    %dma_start3A_177 = arith.constant 0 : i32
    %dma_start3A_178 = tpu.memref_slice %arg2[%arg0, %dma_start3A_176, %dma_start3A_177] : memref<2x10000x64xf32, #tpu.memory_space<hbm>> -> memref<1x10000x64xf32, #tpu.memory_space<hbm>>
    %dma_start3A_179 = tpu.memref_squeeze %dma_start3A_178 : memref<1x10000x64xf32, #tpu.memory_space<hbm>> -> memref<10000x64xf32, #tpu.memory_space<hbm>>
    %dma_start3A_180 = arith.constant 0 : i32
    %dma_start3A_181 = arith.constant 0 : i32
    %dma_start3A_182 = tpu.memref_slice %dma_start3A_179[%dma_start3A_180, %dma_start3A_181] : memref<10000x64xf32, #tpu.memory_space<hbm>> -> memref<10000x64xf32, #tpu.memory_space<hbm>>
    tpu.enqueue_indirect_dma source(%dma_start3A_182 : memref<10000x64xf32, #tpu.memory_space<hbm>>) target(%arg10 : memref<256x64xf32, #tpu.memory_space<vmem>>) offsets(%dma_start3A_175 : memref<256xi32, #tpu.memory_space<vmem>>) semaphore(%arg15 : memref<!tpu.dma_semaphore, #tpu.memory_space<semaphore_mem>>)
    %scan3A_183 = arith.constant 0 : i32
    %scan3A_184 = arith.constant 1 : i32
    %scan3A_185 = arith.constant 8 : i32
    %scan3A_186 = arith.addi %scan3A_184, %scan3A_185 : i32
    %scan3A_187 = arith.constant 1 : i32
    scf.for %scan3A_622 = %scan3A_184 to %scan3A_186 step %scan3A_187  : i32 {
      %mul3A_623 = arith.constant 4 : i32
      %mul3A_624 = arith.muli %mul3A_623, %scan3A_622 : i32
      %add3A_625 = arith.constant 0 : i32
      %add3A_626 = arith.addi %mul3A_624, %add3A_625 : i32
      %dma_wait3A_627 = arith.constant 0 : i32
      %dma_wait3A_628 = tpu.memref_slice %arg6[%add3A_626, %dma_wait3A_627] : memref<40x256xi32, #tpu.memory_space<vmem>> -> memref<1x256xi32, #tpu.memory_space<vmem>>
      %dma_wait3A_629 = tpu.memref_squeeze %dma_wait3A_628 : memref<1x256xi32, #tpu.memory_space<vmem>> -> memref<256xi32, #tpu.memory_space<vmem>>
      %dma_wait3A_630 = arith.constant 0 : i32
      %dma_wait3A_631 = arith.constant 0 : i32
      %dma_wait3A_632 = tpu.memref_slice %arg2[%arg0, %dma_wait3A_630, %dma_wait3A_631] : memref<2x10000x64xf32, #tpu.memory_space<hbm>> -> memref<1x10000x64xf32, #tpu.memory_space<hbm>>
      %dma_wait3A_633 = tpu.memref_squeeze %dma_wait3A_632 : memref<1x10000x64xf32, #tpu.memory_space<hbm>> -> memref<10000x64xf32, #tpu.memory_space<hbm>>
      %dma_wait3A_634 = arith.constant 0 : i32
      %dma_wait3A_635 = arith.constant 0 : i32
      %dma_wait3A_636 = tpu.memref_slice %dma_wait3A_633[%dma_wait3A_634, %dma_wait3A_635] : memref<10000x64xf32, #tpu.memory_space<hbm>> -> memref<10000x64xf32, #tpu.memory_space<hbm>>
      tpu.wait_indirect_dma semaphore(%arg13 : memref<!tpu.dma_semaphore, #tpu.memory_space<semaphore_mem>>) src(%dma_wait3A_636 : memref<10000x64xf32, #tpu.memory_space<hbm>>) dst(%arg8 : memref<256x64xf32, #tpu.memory_space<vmem>>)
      %dma_start3A_637 = arith.constant 0 : i32
      %dma_start3A_638 = tpu.memref_slice %arg7[%add3A_626, %dma_start3A_637] : memref<40x256xi32, #tpu.memory_space<vmem>> -> memref<1x256xi32, #tpu.memory_space<vmem>>
      %dma_start3A_639 = tpu.memref_squeeze %dma_start3A_638 : memref<1x256xi32, #tpu.memory_space<vmem>> -> memref<256xi32, #tpu.memory_space<vmem>>
      %dma_start3A_640 = arith.constant 0 : i32
      %dma_start3A_641 = arith.constant 0 : i32
      %dma_start3A_642 = tpu.memref_slice %arg12[%dma_start3A_640, %dma_start3A_641] : memref<10112x64xf32, #tpu.memory_space<vmem_shared>> -> memref<10112x64xf32, #tpu.memory_space<vmem_shared>>
      tpu.enqueue_indirect_dma source(%arg8 : memref<256x64xf32, #tpu.memory_space<vmem>>) target(%dma_start3A_642 : memref<10112x64xf32, #tpu.memory_space<vmem_shared>>) offsets(%dma_start3A_639 : memref<256xi32, #tpu.memory_space<vmem>>) semaphore(%arg17 : memref<!tpu.dma_semaphore, #tpu.memory_space<semaphore_mem>>) {add = true}
      %sub3A = arith.constant 1 : i32
      %sub3A_643 = arith.subi %add3A_626, %sub3A : i32
      %dma_wait3A_644 = arith.constant 0 : i32
      %dma_wait3A_645 = tpu.memref_slice %arg7[%sub3A_643, %dma_wait3A_644] : memref<40x256xi32, #tpu.memory_space<vmem>> -> memref<1x256xi32, #tpu.memory_space<vmem>>
      %dma_wait3A_646 = tpu.memref_squeeze %dma_wait3A_645 : memref<1x256xi32, #tpu.memory_space<vmem>> -> memref<256xi32, #tpu.memory_space<vmem>>
      %dma_wait3A_647 = arith.constant 0 : i32
      %dma_wait3A_648 = arith.constant 0 : i32
      %dma_wait3A_649 = tpu.memref_slice %arg12[%dma_wait3A_647, %dma_wait3A_648] : memref<10112x64xf32, #tpu.memory_space<vmem_shared>> -> memref<10112x64xf32, #tpu.memory_space<vmem_shared>>
      tpu.wait_indirect_dma semaphore(%arg20 : memref<!tpu.dma_semaphore, #tpu.memory_space<semaphore_mem>>) src(%arg11 : memref<256x64xf32, #tpu.memory_space<vmem>>) dst(%dma_wait3A_649 : memref<10112x64xf32, #tpu.memory_space<vmem_shared>>)
      %add3A_650 = arith.constant 3 : i32
      %add3A_651 = arith.addi %add3A_626, %add3A_650 : i32
      %dma_start3A_652 = arith.constant 0 : i32
      %dma_start3A_653 = tpu.memref_slice %arg6[%add3A_651, %dma_start3A_652] : memref<40x256xi32, #tpu.memory_space<vmem>> -> memref<1x256xi32, #tpu.memory_space<vmem>>
      %dma_start3A_654 = tpu.memref_squeeze %dma_start3A_653 : memref<1x256xi32, #tpu.memory_space<vmem>> -> memref<256xi32, #tpu.memory_space<vmem>>
      %dma_start3A_655 = arith.constant 0 : i32
      %dma_start3A_656 = arith.constant 0 : i32
      %dma_start3A_657 = tpu.memref_slice %arg2[%arg0, %dma_start3A_655, %dma_start3A_656] : memref<2x10000x64xf32, #tpu.memory_space<hbm>> -> memref<1x10000x64xf32, #tpu.memory_space<hbm>>
      %dma_start3A_658 = tpu.memref_squeeze %dma_start3A_657 : memref<1x10000x64xf32, #tpu.memory_space<hbm>> -> memref<10000x64xf32, #tpu.memory_space<hbm>>
      %dma_start3A_659 = arith.constant 0 : i32
      %dma_start3A_660 = arith.constant 0 : i32
      %dma_start3A_661 = tpu.memref_slice %dma_start3A_658[%dma_start3A_659, %dma_start3A_660] : memref<10000x64xf32, #tpu.memory_space<hbm>> -> memref<10000x64xf32, #tpu.memory_space<hbm>>
      tpu.enqueue_indirect_dma source(%dma_start3A_661 : memref<10000x64xf32, #tpu.memory_space<hbm>>) target(%arg11 : memref<256x64xf32, #tpu.memory_space<vmem>>) offsets(%dma_start3A_654 : memref<256xi32, #tpu.memory_space<vmem>>) semaphore(%arg16 : memref<!tpu.dma_semaphore, #tpu.memory_space<semaphore_mem>>)
      %add3A_662 = arith.constant 1 : i32
      %add3A_663 = arith.addi %mul3A_624, %add3A_662 : i32
      %dma_wait3A_664 = arith.constant 0 : i32
      %dma_wait3A_665 = tpu.memref_slice %arg6[%add3A_663, %dma_wait3A_664] : memref<40x256xi32, #tpu.memory_space<vmem>> -> memref<1x256xi32, #tpu.memory_space<vmem>>
      %dma_wait3A_666 = tpu.memref_squeeze %dma_wait3A_665 : memref<1x256xi32, #tpu.memory_space<vmem>> -> memref<256xi32, #tpu.memory_space<vmem>>
      %dma_wait3A_667 = arith.constant 0 : i32
      %dma_wait3A_668 = arith.constant 0 : i32
      %dma_wait3A_669 = tpu.memref_slice %arg2[%arg0, %dma_wait3A_667, %dma_wait3A_668] : memref<2x10000x64xf32, #tpu.memory_space<hbm>> -> memref<1x10000x64xf32, #tpu.memory_space<hbm>>
      %dma_wait3A_670 = tpu.memref_squeeze %dma_wait3A_669 : memref<1x10000x64xf32, #tpu.memory_space<hbm>> -> memref<10000x64xf32, #tpu.memory_space<hbm>>
      %dma_wait3A_671 = arith.constant 0 : i32
      %dma_wait3A_672 = arith.constant 0 : i32
      %dma_wait3A_673 = tpu.memref_slice %dma_wait3A_670[%dma_wait3A_671, %dma_wait3A_672] : memref<10000x64xf32, #tpu.memory_space<hbm>> -> memref<10000x64xf32, #tpu.memory_space<hbm>>
      tpu.wait_indirect_dma semaphore(%arg14 : memref<!tpu.dma_semaphore, #tpu.memory_space<semaphore_mem>>) src(%dma_wait3A_673 : memref<10000x64xf32, #tpu.memory_space<hbm>>) dst(%arg9 : memref<256x64xf32, #tpu.memory_space<vmem>>)
      %dma_start3A_674 = arith.constant 0 : i32
      %dma_start3A_675 = tpu.memref_slice %arg7[%add3A_663, %dma_start3A_674] : memref<40x256xi32, #tpu.memory_space<vmem>> -> memref<1x256xi32, #tpu.memory_space<vmem>>
      %dma_start3A_676 = tpu.memref_squeeze %dma_start3A_675 : memref<1x256xi32, #tpu.memory_space<vmem>> -> memref<256xi32, #tpu.memory_space<vmem>>
      %dma_start3A_677 = arith.constant 0 : i32
      %dma_start3A_678 = arith.constant 0 : i32
      %dma_start3A_679 = tpu.memref_slice %arg12[%dma_start3A_677, %dma_start3A_678] : memref<10112x64xf32, #tpu.memory_space<vmem_shared>> -> memref<10112x64xf32, #tpu.memory_space<vmem_shared>>
      tpu.enqueue_indirect_dma source(%arg9 : memref<256x64xf32, #tpu.memory_space<vmem>>) target(%dma_start3A_679 : memref<10112x64xf32, #tpu.memory_space<vmem_shared>>) offsets(%dma_start3A_676 : memref<256xi32, #tpu.memory_space<vmem>>) semaphore(%arg18 : memref<!tpu.dma_semaphore, #tpu.memory_space<semaphore_mem>>) {add = true}
      %sub3A_680 = arith.constant 1 : i32
      %sub3A_681 = arith.subi %add3A_663, %sub3A_680 : i32
      %dma_wait3A_682 = arith.constant 0 : i32
      %dma_wait3A_683 = tpu.memref_slice %arg7[%sub3A_681, %dma_wait3A_682] : memref<40x256xi32, #tpu.memory_space<vmem>> -> memref<1x256xi32, #tpu.memory_space<vmem>>
      %dma_wait3A_684 = tpu.memref_squeeze %dma_wait3A_683 : memref<1x256xi32, #tpu.memory_space<vmem>> -> memref<256xi32, #tpu.memory_space<vmem>>
      %dma_wait3A_685 = arith.constant 0 : i32
      %dma_wait3A_686 = arith.constant 0 : i32
      %dma_wait3A_687 = tpu.memref_slice %arg12[%dma_wait3A_685, %dma_wait3A_686] : memref<10112x64xf32, #tpu.memory_space<vmem_shared>> -> memref<10112x64xf32, #tpu.memory_space<vmem_shared>>
      tpu.wait_indirect_dma semaphore(%arg17 : memref<!tpu.dma_semaphore, #tpu.memory_space<semaphore_mem>>) src(%arg8 : memref<256x64xf32, #tpu.memory_space<vmem>>) dst(%dma_wait3A_687 : memref<10112x64xf32, #tpu.memory_space<vmem_shared>>)
      %add3A_688 = arith.constant 3 : i32
      %add3A_689 = arith.addi %add3A_663, %add3A_688 : i32
      %dma_start3A_690 = arith.constant 0 : i32
      %dma_start3A_691 = tpu.memref_slice %arg6[%add3A_689, %dma_start3A_690] : memref<40x256xi32, #tpu.memory_space<vmem>> -> memref<1x256xi32, #tpu.memory_space<vmem>>
      %dma_start3A_692 = tpu.memref_squeeze %dma_start3A_691 : memref<1x256xi32, #tpu.memory_space<vmem>> -> memref<256xi32, #tpu.memory_space<vmem>>
      %dma_start3A_693 = arith.constant 0 : i32
      %dma_start3A_694 = arith.constant 0 : i32
      %dma_start3A_695 = tpu.memref_slice %arg2[%arg0, %dma_start3A_693, %dma_start3A_694] : memref<2x10000x64xf32, #tpu.memory_space<hbm>> -> memref<1x10000x64xf32, #tpu.memory_space<hbm>>
      %dma_start3A_696 = tpu.memref_squeeze %dma_start3A_695 : memref<1x10000x64xf32, #tpu.memory_space<hbm>> -> memref<10000x64xf32, #tpu.memory_space<hbm>>
      %dma_start3A_697 = arith.constant 0 : i32
      %dma_start3A_698 = arith.constant 0 : i32
      %dma_start3A_699 = tpu.memref_slice %dma_start3A_696[%dma_start3A_697, %dma_start3A_698] : memref<10000x64xf32, #tpu.memory_space<hbm>> -> memref<10000x64xf32, #tpu.memory_space<hbm>>
      tpu.enqueue_indirect_dma source(%dma_start3A_699 : memref<10000x64xf32, #tpu.memory_space<hbm>>) target(%arg8 : memref<256x64xf32, #tpu.memory_space<vmem>>) offsets(%dma_start3A_692 : memref<256xi32, #tpu.memory_space<vmem>>) semaphore(%arg13 : memref<!tpu.dma_semaphore, #tpu.memory_space<semaphore_mem>>)
      %add3A_700 = arith.constant 2 : i32
      %add3A_701 = arith.addi %mul3A_624, %add3A_700 : i32
      %dma_wait3A_702 = arith.constant 0 : i32
      %dma_wait3A_703 = tpu.memref_slice %arg6[%add3A_701, %dma_wait3A_702] : memref<40x256xi32, #tpu.memory_space<vmem>> -> memref<1x256xi32, #tpu.memory_space<vmem>>
      %dma_wait3A_704 = tpu.memref_squeeze %dma_wait3A_703 : memref<1x256xi32, #tpu.memory_space<vmem>> -> memref<256xi32, #tpu.memory_space<vmem>>
      %dma_wait3A_705 = arith.constant 0 : i32
      %dma_wait3A_706 = arith.constant 0 : i32
      %dma_wait3A_707 = tpu.memref_slice %arg2[%arg0, %dma_wait3A_705, %dma_wait3A_706] : memref<2x10000x64xf32, #tpu.memory_space<hbm>> -> memref<1x10000x64xf32, #tpu.memory_space<hbm>>
      %dma_wait3A_708 = tpu.memref_squeeze %dma_wait3A_707 : memref<1x10000x64xf32, #tpu.memory_space<hbm>> -> memref<10000x64xf32, #tpu.memory_space<hbm>>
      %dma_wait3A_709 = arith.constant 0 : i32
      %dma_wait3A_710 = arith.constant 0 : i32
      %dma_wait3A_711 = tpu.memref_slice %dma_wait3A_708[%dma_wait3A_709, %dma_wait3A_710] : memref<10000x64xf32, #tpu.memory_space<hbm>> -> memref<10000x64xf32, #tpu.memory_space<hbm>>
      tpu.wait_indirect_dma semaphore(%arg15 : memref<!tpu.dma_semaphore, #tpu.memory_space<semaphore_mem>>) src(%dma_wait3A_711 : memref<10000x64xf32, #tpu.memory_space<hbm>>) dst(%arg10 : memref<256x64xf32, #tpu.memory_space<vmem>>)
      %dma_start3A_712 = arith.constant 0 : i32
      %dma_start3A_713 = tpu.memref_slice %arg7[%add3A_701, %dma_start3A_712] : memref<40x256xi32, #tpu.memory_space<vmem>> -> memref<1x256xi32, #tpu.memory_space<vmem>>
      %dma_start3A_714 = tpu.memref_squeeze %dma_start3A_713 : memref<1x256xi32, #tpu.memory_space<vmem>> -> memref<256xi32, #tpu.memory_space<vmem>>
      %dma_start3A_715 = arith.constant 0 : i32
      %dma_start3A_716 = arith.constant 0 : i32
      %dma_start3A_717 = tpu.memref_slice %arg12[%dma_start3A_715, %dma_start3A_716] : memref<10112x64xf32, #tpu.memory_space<vmem_shared>> -> memref<10112x64xf32, #tpu.memory_space<vmem_shared>>
      tpu.enqueue_indirect_dma source(%arg10 : memref<256x64xf32, #tpu.memory_space<vmem>>) target(%dma_start3A_717 : memref<10112x64xf32, #tpu.memory_space<vmem_shared>>) offsets(%dma_start3A_714 : memref<256xi32, #tpu.memory_space<vmem>>) semaphore(%arg19 : memref<!tpu.dma_semaphore, #tpu.memory_space<semaphore_mem>>) {add = true}
      %sub3A_718 = arith.constant 1 : i32
      %sub3A_719 = arith.subi %add3A_701, %sub3A_718 : i32
      %dma_wait3A_720 = arith.constant 0 : i32
      %dma_wait3A_721 = tpu.memref_slice %arg7[%sub3A_719, %dma_wait3A_720] : memref<40x256xi32, #tpu.memory_space<vmem>> -> memref<1x256xi32, #tpu.memory_space<vmem>>
      %dma_wait3A_722 = tpu.memref_squeeze %dma_wait3A_721 : memref<1x256xi32, #tpu.memory_space<vmem>> -> memref<256xi32, #tpu.memory_space<vmem>>
      %dma_wait3A_723 = arith.constant 0 : i32
      %dma_wait3A_724 = arith.constant 0 : i32
      %dma_wait3A_725 = tpu.memref_slice %arg12[%dma_wait3A_723, %dma_wait3A_724] : memref<10112x64xf32, #tpu.memory_space<vmem_shared>> -> memref<10112x64xf32, #tpu.memory_space<vmem_shared>>
      tpu.wait_indirect_dma semaphore(%arg18 : memref<!tpu.dma_semaphore, #tpu.memory_space<semaphore_mem>>) src(%arg9 : memref<256x64xf32, #tpu.memory_space<vmem>>) dst(%dma_wait3A_725 : memref<10112x64xf32, #tpu.memory_space<vmem_shared>>)
      %add3A_726 = arith.constant 3 : i32
      %add3A_727 = arith.addi %add3A_701, %add3A_726 : i32
      %dma_start3A_728 = arith.constant 0 : i32
      %dma_start3A_729 = tpu.memref_slice %arg6[%add3A_727, %dma_start3A_728] : memref<40x256xi32, #tpu.memory_space<vmem>> -> memref<1x256xi32, #tpu.memory_space<vmem>>
      %dma_start3A_730 = tpu.memref_squeeze %dma_start3A_729 : memref<1x256xi32, #tpu.memory_space<vmem>> -> memref<256xi32, #tpu.memory_space<vmem>>
      %dma_start3A_731 = arith.constant 0 : i32
      %dma_start3A_732 = arith.constant 0 : i32
      %dma_start3A_733 = tpu.memref_slice %arg2[%arg0, %dma_start3A_731, %dma_start3A_732] : memref<2x10000x64xf32, #tpu.memory_space<hbm>> -> memref<1x10000x64xf32, #tpu.memory_space<hbm>>
      %dma_start3A_734 = tpu.memref_squeeze %dma_start3A_733 : memref<1x10000x64xf32, #tpu.memory_space<hbm>> -> memref<10000x64xf32, #tpu.memory_space<hbm>>
      %dma_start3A_735 = arith.constant 0 : i32
      %dma_start3A_736 = arith.constant 0 : i32
      %dma_start3A_737 = tpu.memref_slice %dma_start3A_734[%dma_start3A_735, %dma_start3A_736] : memref<10000x64xf32, #tpu.memory_space<hbm>> -> memref<10000x64xf32, #tpu.memory_space<hbm>>
      tpu.enqueue_indirect_dma source(%dma_start3A_737 : memref<10000x64xf32, #tpu.memory_space<hbm>>) target(%arg9 : memref<256x64xf32, #tpu.memory_space<vmem>>) offsets(%dma_start3A_730 : memref<256xi32, #tpu.memory_space<vmem>>) semaphore(%arg14 : memref<!tpu.dma_semaphore, #tpu.memory_space<semaphore_mem>>)
      %add3A_738 = arith.constant 3 : i32
      %add3A_739 = arith.addi %mul3A_624, %add3A_738 : i32
      %dma_wait3A_740 = arith.constant 0 : i32
      %dma_wait3A_741 = tpu.memref_slice %arg6[%add3A_739, %dma_wait3A_740] : memref<40x256xi32, #tpu.memory_space<vmem>> -> memref<1x256xi32, #tpu.memory_space<vmem>>
      %dma_wait3A_742 = tpu.memref_squeeze %dma_wait3A_741 : memref<1x256xi32, #tpu.memory_space<vmem>> -> memref<256xi32, #tpu.memory_space<vmem>>
      %dma_wait3A_743 = arith.constant 0 : i32
      %dma_wait3A_744 = arith.constant 0 : i32
      %dma_wait3A_745 = tpu.memref_slice %arg2[%arg0, %dma_wait3A_743, %dma_wait3A_744] : memref<2x10000x64xf32, #tpu.memory_space<hbm>> -> memref<1x10000x64xf32, #tpu.memory_space<hbm>>
      %dma_wait3A_746 = tpu.memref_squeeze %dma_wait3A_745 : memref<1x10000x64xf32, #tpu.memory_space<hbm>> -> memref<10000x64xf32, #tpu.memory_space<hbm>>
      %dma_wait3A_747 = arith.constant 0 : i32
      %dma_wait3A_748 = arith.constant 0 : i32
      %dma_wait3A_749 = tpu.memref_slice %dma_wait3A_746[%dma_wait3A_747, %dma_wait3A_748] : memref<10000x64xf32, #tpu.memory_space<hbm>> -> memref<10000x64xf32, #tpu.memory_space<hbm>>
      tpu.wait_indirect_dma semaphore(%arg16 : memref<!tpu.dma_semaphore, #tpu.memory_space<semaphore_mem>>) src(%dma_wait3A_749 : memref<10000x64xf32, #tpu.memory_space<hbm>>) dst(%arg11 : memref<256x64xf32, #tpu.memory_space<vmem>>)
      %dma_start3A_750 = arith.constant 0 : i32
      %dma_start3A_751 = tpu.memref_slice %arg7[%add3A_739, %dma_start3A_750] : memref<40x256xi32, #tpu.memory_space<vmem>> -> memref<1x256xi32, #tpu.memory_space<vmem>>
      %dma_start3A_752 = tpu.memref_squeeze %dma_start3A_751 : memref<1x256xi32, #tpu.memory_space<vmem>> -> memref<256xi32, #tpu.memory_space<vmem>>
      %dma_start3A_753 = arith.constant 0 : i32
      %dma_start3A_754 = arith.constant 0 : i32
      %dma_start3A_755 = tpu.memref_slice %arg12[%dma_start3A_753, %dma_start3A_754] : memref<10112x64xf32, #tpu.memory_space<vmem_shared>> -> memref<10112x64xf32, #tpu.memory_space<vmem_shared>>
      tpu.enqueue_indirect_dma source(%arg11 : memref<256x64xf32, #tpu.memory_space<vmem>>) target(%dma_start3A_755 : memref<10112x64xf32, #tpu.memory_space<vmem_shared>>) offsets(%dma_start3A_752 : memref<256xi32, #tpu.memory_space<vmem>>) semaphore(%arg20 : memref<!tpu.dma_semaphore, #tpu.memory_space<semaphore_mem>>) {add = true}
      %sub3A_756 = arith.constant 1 : i32
      %sub3A_757 = arith.subi %add3A_739, %sub3A_756 : i32
      %dma_wait3A_758 = arith.constant 0 : i32
      %dma_wait3A_759 = tpu.memref_slice %arg7[%sub3A_757, %dma_wait3A_758] : memref<40x256xi32, #tpu.memory_space<vmem>> -> memref<1x256xi32, #tpu.memory_space<vmem>>
      %dma_wait3A_760 = tpu.memref_squeeze %dma_wait3A_759 : memref<1x256xi32, #tpu.memory_space<vmem>> -> memref<256xi32, #tpu.memory_space<vmem>>
      %dma_wait3A_761 = arith.constant 0 : i32
      %dma_wait3A_762 = arith.constant 0 : i32
      %dma_wait3A_763 = tpu.memref_slice %arg12[%dma_wait3A_761, %dma_wait3A_762] : memref<10112x64xf32, #tpu.memory_space<vmem_shared>> -> memref<10112x64xf32, #tpu.memory_space<vmem_shared>>
      tpu.wait_indirect_dma semaphore(%arg19 : memref<!tpu.dma_semaphore, #tpu.memory_space<semaphore_mem>>) src(%arg10 : memref<256x64xf32, #tpu.memory_space<vmem>>) dst(%dma_wait3A_763 : memref<10112x64xf32, #tpu.memory_space<vmem_shared>>)
      %add3A_764 = arith.constant 3 : i32
      %add3A_765 = arith.addi %add3A_739, %add3A_764 : i32
      %dma_start3A_766 = arith.constant 0 : i32
      %dma_start3A_767 = tpu.memref_slice %arg6[%add3A_765, %dma_start3A_766] : memref<40x256xi32, #tpu.memory_space<vmem>> -> memref<1x256xi32, #tpu.memory_space<vmem>>
      %dma_start3A_768 = tpu.memref_squeeze %dma_start3A_767 : memref<1x256xi32, #tpu.memory_space<vmem>> -> memref<256xi32, #tpu.memory_space<vmem>>
      %dma_start3A_769 = arith.constant 0 : i32
      %dma_start3A_770 = arith.constant 0 : i32
      %dma_start3A_771 = tpu.memref_slice %arg2[%arg0, %dma_start3A_769, %dma_start3A_770] : memref<2x10000x64xf32, #tpu.memory_space<hbm>> -> memref<1x10000x64xf32, #tpu.memory_space<hbm>>
      %dma_start3A_772 = tpu.memref_squeeze %dma_start3A_771 : memref<1x10000x64xf32, #tpu.memory_space<hbm>> -> memref<10000x64xf32, #tpu.memory_space<hbm>>
      %dma_start3A_773 = arith.constant 0 : i32
      %dma_start3A_774 = arith.constant 0 : i32
      %dma_start3A_775 = tpu.memref_slice %dma_start3A_772[%dma_start3A_773, %dma_start3A_774] : memref<10000x64xf32, #tpu.memory_space<hbm>> -> memref<10000x64xf32, #tpu.memory_space<hbm>>
      tpu.enqueue_indirect_dma source(%dma_start3A_775 : memref<10000x64xf32, #tpu.memory_space<hbm>>) target(%arg10 : memref<256x64xf32, #tpu.memory_space<vmem>>) offsets(%dma_start3A_768 : memref<256xi32, #tpu.memory_space<vmem>>) semaphore(%arg15 : memref<!tpu.dma_semaphore, #tpu.memory_space<semaphore_mem>>)
    }
    %scan3A_188 = arith.constant 8 : i32
    %dma_wait3A_189 = arith.constant 36 : i32
    %dma_wait3A_190 = arith.constant 0 : i32
    %dma_wait3A_191 = tpu.memref_slice %arg6[%dma_wait3A_189, %dma_wait3A_190] : memref<40x256xi32, #tpu.memory_space<vmem>> -> memref<1x256xi32, #tpu.memory_space<vmem>>
    %dma_wait3A_192 = tpu.memref_squeeze %dma_wait3A_191 : memref<1x256xi32, #tpu.memory_space<vmem>> -> memref<256xi32, #tpu.memory_space<vmem>>
    %dma_wait3A_193 = arith.constant 0 : i32
    %dma_wait3A_194 = arith.constant 0 : i32
    %dma_wait3A_195 = tpu.memref_slice %arg2[%arg0, %dma_wait3A_193, %dma_wait3A_194] : memref<2x10000x64xf32, #tpu.memory_space<hbm>> -> memref<1x10000x64xf32, #tpu.memory_space<hbm>>
    %dma_wait3A_196 = tpu.memref_squeeze %dma_wait3A_195 : memref<1x10000x64xf32, #tpu.memory_space<hbm>> -> memref<10000x64xf32, #tpu.memory_space<hbm>>
    %dma_wait3A_197 = arith.constant 0 : i32
    %dma_wait3A_198 = arith.constant 0 : i32
    %dma_wait3A_199 = tpu.memref_slice %dma_wait3A_196[%dma_wait3A_197, %dma_wait3A_198] : memref<10000x64xf32, #tpu.memory_space<hbm>> -> memref<10000x64xf32, #tpu.memory_space<hbm>>
    tpu.wait_indirect_dma semaphore(%arg13 : memref<!tpu.dma_semaphore, #tpu.memory_space<semaphore_mem>>) src(%dma_wait3A_199 : memref<10000x64xf32, #tpu.memory_space<hbm>>) dst(%arg8 : memref<256x64xf32, #tpu.memory_space<vmem>>)
    %dma_start3A_200 = arith.constant 36 : i32
    %dma_start3A_201 = arith.constant 0 : i32
    %dma_start3A_202 = tpu.memref_slice %arg7[%dma_start3A_200, %dma_start3A_201] : memref<40x256xi32, #tpu.memory_space<vmem>> -> memref<1x256xi32, #tpu.memory_space<vmem>>
    %dma_start3A_203 = tpu.memref_squeeze %dma_start3A_202 : memref<1x256xi32, #tpu.memory_space<vmem>> -> memref<256xi32, #tpu.memory_space<vmem>>
    %dma_start3A_204 = arith.constant 0 : i32
    %dma_start3A_205 = arith.constant 0 : i32
    %dma_start3A_206 = tpu.memref_slice %arg12[%dma_start3A_204, %dma_start3A_205] : memref<10112x64xf32, #tpu.memory_space<vmem_shared>> -> memref<10112x64xf32, #tpu.memory_space<vmem_shared>>
    tpu.enqueue_indirect_dma source(%arg8 : memref<256x64xf32, #tpu.memory_space<vmem>>) target(%dma_start3A_206 : memref<10112x64xf32, #tpu.memory_space<vmem_shared>>) offsets(%dma_start3A_203 : memref<256xi32, #tpu.memory_space<vmem>>) semaphore(%arg17 : memref<!tpu.dma_semaphore, #tpu.memory_space<semaphore_mem>>) {add = true}
    %dma_wait3A_207 = arith.constant 35 : i32
    %dma_wait3A_208 = arith.constant 0 : i32
    %dma_wait3A_209 = tpu.memref_slice %arg7[%dma_wait3A_207, %dma_wait3A_208] : memref<40x256xi32, #tpu.memory_space<vmem>> -> memref<1x256xi32, #tpu.memory_space<vmem>>
    %dma_wait3A_210 = tpu.memref_squeeze %dma_wait3A_209 : memref<1x256xi32, #tpu.memory_space<vmem>> -> memref<256xi32, #tpu.memory_space<vmem>>
    %dma_wait3A_211 = arith.constant 0 : i32
    %dma_wait3A_212 = arith.constant 0 : i32
    %dma_wait3A_213 = tpu.memref_slice %arg12[%dma_wait3A_211, %dma_wait3A_212] : memref<10112x64xf32, #tpu.memory_space<vmem_shared>> -> memref<10112x64xf32, #tpu.memory_space<vmem_shared>>
    tpu.wait_indirect_dma semaphore(%arg20 : memref<!tpu.dma_semaphore, #tpu.memory_space<semaphore_mem>>) src(%arg11 : memref<256x64xf32, #tpu.memory_space<vmem>>) dst(%dma_wait3A_213 : memref<10112x64xf32, #tpu.memory_space<vmem_shared>>)
    %dma_start3A_214 = arith.constant 39 : i32
    %dma_start3A_215 = arith.constant 0 : i32
    %dma_start3A_216 = tpu.memref_slice %arg6[%dma_start3A_214, %dma_start3A_215] : memref<40x256xi32, #tpu.memory_space<vmem>> -> memref<1x256xi32, #tpu.memory_space<vmem>>
    %dma_start3A_217 = tpu.memref_squeeze %dma_start3A_216 : memref<1x256xi32, #tpu.memory_space<vmem>> -> memref<256xi32, #tpu.memory_space<vmem>>
    %dma_start3A_218 = arith.constant 0 : i32
    %dma_start3A_219 = arith.constant 0 : i32
    %dma_start3A_220 = tpu.memref_slice %arg2[%arg0, %dma_start3A_218, %dma_start3A_219] : memref<2x10000x64xf32, #tpu.memory_space<hbm>> -> memref<1x10000x64xf32, #tpu.memory_space<hbm>>
    %dma_start3A_221 = tpu.memref_squeeze %dma_start3A_220 : memref<1x10000x64xf32, #tpu.memory_space<hbm>> -> memref<10000x64xf32, #tpu.memory_space<hbm>>
    %dma_start3A_222 = arith.constant 0 : i32
    %dma_start3A_223 = arith.constant 0 : i32
    %dma_start3A_224 = tpu.memref_slice %dma_start3A_221[%dma_start3A_222, %dma_start3A_223] : memref<10000x64xf32, #tpu.memory_space<hbm>> -> memref<10000x64xf32, #tpu.memory_space<hbm>>
    tpu.enqueue_indirect_dma source(%dma_start3A_224 : memref<10000x64xf32, #tpu.memory_space<hbm>>) target(%arg11 : memref<256x64xf32, #tpu.memory_space<vmem>>) offsets(%dma_start3A_217 : memref<256xi32, #tpu.memory_space<vmem>>) semaphore(%arg16 : memref<!tpu.dma_semaphore, #tpu.memory_space<semaphore_mem>>)
    %dma_wait3A_225 = arith.constant 37 : i32
    %dma_wait3A_226 = arith.constant 0 : i32
    %dma_wait3A_227 = tpu.memref_slice %arg6[%dma_wait3A_225, %dma_wait3A_226] : memref<40x256xi32, #tpu.memory_space<vmem>> -> memref<1x256xi32, #tpu.memory_space<vmem>>
    %dma_wait3A_228 = tpu.memref_squeeze %dma_wait3A_227 : memref<1x256xi32, #tpu.memory_space<vmem>> -> memref<256xi32, #tpu.memory_space<vmem>>
    %dma_wait3A_229 = arith.constant 0 : i32
    %dma_wait3A_230 = arith.constant 0 : i32
    %dma_wait3A_231 = tpu.memref_slice %arg2[%arg0, %dma_wait3A_229, %dma_wait3A_230] : memref<2x10000x64xf32, #tpu.memory_space<hbm>> -> memref<1x10000x64xf32, #tpu.memory_space<hbm>>
    %dma_wait3A_232 = tpu.memref_squeeze %dma_wait3A_231 : memref<1x10000x64xf32, #tpu.memory_space<hbm>> -> memref<10000x64xf32, #tpu.memory_space<hbm>>
    %dma_wait3A_233 = arith.constant 0 : i32
    %dma_wait3A_234 = arith.constant 0 : i32
    %dma_wait3A_235 = tpu.memref_slice %dma_wait3A_232[%dma_wait3A_233, %dma_wait3A_234] : memref<10000x64xf32, #tpu.memory_space<hbm>> -> memref<10000x64xf32, #tpu.memory_space<hbm>>
    tpu.wait_indirect_dma semaphore(%arg14 : memref<!tpu.dma_semaphore, #tpu.memory_space<semaphore_mem>>) src(%dma_wait3A_235 : memref<10000x64xf32, #tpu.memory_space<hbm>>) dst(%arg9 : memref<256x64xf32, #tpu.memory_space<vmem>>)
    %dma_start3A_236 = arith.constant 37 : i32
    %dma_start3A_237 = arith.constant 0 : i32
    %dma_start3A_238 = tpu.memref_slice %arg7[%dma_start3A_236, %dma_start3A_237] : memref<40x256xi32, #tpu.memory_space<vmem>> -> memref<1x256xi32, #tpu.memory_space<vmem>>
    %dma_start3A_239 = tpu.memref_squeeze %dma_start3A_238 : memref<1x256xi32, #tpu.memory_space<vmem>> -> memref<256xi32, #tpu.memory_space<vmem>>
    %dma_start3A_240 = arith.constant 0 : i32
    %dma_start3A_241 = arith.constant 0 : i32
    %dma_start3A_242 = tpu.memref_slice %arg12[%dma_start3A_240, %dma_start3A_241] : memref<10112x64xf32, #tpu.memory_space<vmem_shared>> -> memref<10112x64xf32, #tpu.memory_space<vmem_shared>>
    tpu.enqueue_indirect_dma source(%arg9 : memref<256x64xf32, #tpu.memory_space<vmem>>) target(%dma_start3A_242 : memref<10112x64xf32, #tpu.memory_space<vmem_shared>>) offsets(%dma_start3A_239 : memref<256xi32, #tpu.memory_space<vmem>>) semaphore(%arg18 : memref<!tpu.dma_semaphore, #tpu.memory_space<semaphore_mem>>) {add = true}
    %dma_wait3A_243 = arith.constant 36 : i32
    %dma_wait3A_244 = arith.constant 0 : i32
    %dma_wait3A_245 = tpu.memref_slice %arg7[%dma_wait3A_243, %dma_wait3A_244] : memref<40x256xi32, #tpu.memory_space<vmem>> -> memref<1x256xi32, #tpu.memory_space<vmem>>
    %dma_wait3A_246 = tpu.memref_squeeze %dma_wait3A_245 : memref<1x256xi32, #tpu.memory_space<vmem>> -> memref<256xi32, #tpu.memory_space<vmem>>
    %dma_wait3A_247 = arith.constant 0 : i32
    %dma_wait3A_248 = arith.constant 0 : i32
    %dma_wait3A_249 = tpu.memref_slice %arg12[%dma_wait3A_247, %dma_wait3A_248] : memref<10112x64xf32, #tpu.memory_space<vmem_shared>> -> memref<10112x64xf32, #tpu.memory_space<vmem_shared>>
    tpu.wait_indirect_dma semaphore(%arg17 : memref<!tpu.dma_semaphore, #tpu.memory_space<semaphore_mem>>) src(%arg8 : memref<256x64xf32, #tpu.memory_space<vmem>>) dst(%dma_wait3A_249 : memref<10112x64xf32, #tpu.memory_space<vmem_shared>>)
    %dma_wait3A_250 = arith.constant 38 : i32
    %dma_wait3A_251 = arith.constant 0 : i32
    %dma_wait3A_252 = tpu.memref_slice %arg6[%dma_wait3A_250, %dma_wait3A_251] : memref<40x256xi32, #tpu.memory_space<vmem>> -> memref<1x256xi32, #tpu.memory_space<vmem>>
    %dma_wait3A_253 = tpu.memref_squeeze %dma_wait3A_252 : memref<1x256xi32, #tpu.memory_space<vmem>> -> memref<256xi32, #tpu.memory_space<vmem>>
    %dma_wait3A_254 = arith.constant 0 : i32
    %dma_wait3A_255 = arith.constant 0 : i32
    %dma_wait3A_256 = tpu.memref_slice %arg2[%arg0, %dma_wait3A_254, %dma_wait3A_255] : memref<2x10000x64xf32, #tpu.memory_space<hbm>> -> memref<1x10000x64xf32, #tpu.memory_space<hbm>>
    %dma_wait3A_257 = tpu.memref_squeeze %dma_wait3A_256 : memref<1x10000x64xf32, #tpu.memory_space<hbm>> -> memref<10000x64xf32, #tpu.memory_space<hbm>>
    %dma_wait3A_258 = arith.constant 0 : i32
    %dma_wait3A_259 = arith.constant 0 : i32
    %dma_wait3A_260 = tpu.memref_slice %dma_wait3A_257[%dma_wait3A_258, %dma_wait3A_259] : memref<10000x64xf32, #tpu.memory_space<hbm>> -> memref<10000x64xf32, #tpu.memory_space<hbm>>
    tpu.wait_indirect_dma semaphore(%arg15 : memref<!tpu.dma_semaphore, #tpu.memory_space<semaphore_mem>>) src(%dma_wait3A_260 : memref<10000x64xf32, #tpu.memory_space<hbm>>) dst(%arg10 : memref<256x64xf32, #tpu.memory_space<vmem>>)
    %dma_start3A_261 = arith.constant 38 : i32
    %dma_start3A_262 = arith.constant 0 : i32
    %dma_start3A_263 = tpu.memref_slice %arg7[%dma_start3A_261, %dma_start3A_262] : memref<40x256xi32, #tpu.memory_space<vmem>> -> memref<1x256xi32, #tpu.memory_space<vmem>>
    %dma_start3A_264 = tpu.memref_squeeze %dma_start3A_263 : memref<1x256xi32, #tpu.memory_space<vmem>> -> memref<256xi32, #tpu.memory_space<vmem>>
    %dma_start3A_265 = arith.constant 0 : i32
    %dma_start3A_266 = arith.constant 0 : i32
    %dma_start3A_267 = tpu.memref_slice %arg12[%dma_start3A_265, %dma_start3A_266] : memref<10112x64xf32, #tpu.memory_space<vmem_shared>> -> memref<10112x64xf32, #tpu.memory_space<vmem_shared>>
    tpu.enqueue_indirect_dma source(%arg10 : memref<256x64xf32, #tpu.memory_space<vmem>>) target(%dma_start3A_267 : memref<10112x64xf32, #tpu.memory_space<vmem_shared>>) offsets(%dma_start3A_264 : memref<256xi32, #tpu.memory_space<vmem>>) semaphore(%arg19 : memref<!tpu.dma_semaphore, #tpu.memory_space<semaphore_mem>>) {add = true}
    %dma_wait3A_268 = arith.constant 37 : i32
    %dma_wait3A_269 = arith.constant 0 : i32
    %dma_wait3A_270 = tpu.memref_slice %arg7[%dma_wait3A_268, %dma_wait3A_269] : memref<40x256xi32, #tpu.memory_space<vmem>> -> memref<1x256xi32, #tpu.memory_space<vmem>>
    %dma_wait3A_271 = tpu.memref_squeeze %dma_wait3A_270 : memref<1x256xi32, #tpu.memory_space<vmem>> -> memref<256xi32, #tpu.memory_space<vmem>>
    %dma_wait3A_272 = arith.constant 0 : i32
    %dma_wait3A_273 = arith.constant 0 : i32
    %dma_wait3A_274 = tpu.memref_slice %arg12[%dma_wait3A_272, %dma_wait3A_273] : memref<10112x64xf32, #tpu.memory_space<vmem_shared>> -> memref<10112x64xf32, #tpu.memory_space<vmem_shared>>
    tpu.wait_indirect_dma semaphore(%arg18 : memref<!tpu.dma_semaphore, #tpu.memory_space<semaphore_mem>>) src(%arg9 : memref<256x64xf32, #tpu.memory_space<vmem>>) dst(%dma_wait3A_274 : memref<10112x64xf32, #tpu.memory_space<vmem_shared>>)
    %dma_wait3A_275 = arith.constant 39 : i32
    %dma_wait3A_276 = arith.constant 0 : i32
    %dma_wait3A_277 = tpu.memref_slice %arg6[%dma_wait3A_275, %dma_wait3A_276] : memref<40x256xi32, #tpu.memory_space<vmem>> -> memref<1x256xi32, #tpu.memory_space<vmem>>
    %dma_wait3A_278 = tpu.memref_squeeze %dma_wait3A_277 : memref<1x256xi32, #tpu.memory_space<vmem>> -> memref<256xi32, #tpu.memory_space<vmem>>
    %dma_wait3A_279 = arith.constant 0 : i32
    %dma_wait3A_280 = arith.constant 0 : i32
    %dma_wait3A_281 = tpu.memref_slice %arg2[%arg0, %dma_wait3A_279, %dma_wait3A_280] : memref<2x10000x64xf32, #tpu.memory_space<hbm>> -> memref<1x10000x64xf32, #tpu.memory_space<hbm>>
    %dma_wait3A_282 = tpu.memref_squeeze %dma_wait3A_281 : memref<1x10000x64xf32, #tpu.memory_space<hbm>> -> memref<10000x64xf32, #tpu.memory_space<hbm>>
    %dma_wait3A_283 = arith.constant 0 : i32
    %dma_wait3A_284 = arith.constant 0 : i32
    %dma_wait3A_285 = tpu.memref_slice %dma_wait3A_282[%dma_wait3A_283, %dma_wait3A_284] : memref<10000x64xf32, #tpu.memory_space<hbm>> -> memref<10000x64xf32, #tpu.memory_space<hbm>>
    tpu.wait_indirect_dma semaphore(%arg16 : memref<!tpu.dma_semaphore, #tpu.memory_space<semaphore_mem>>) src(%dma_wait3A_285 : memref<10000x64xf32, #tpu.memory_space<hbm>>) dst(%arg11 : memref<256x64xf32, #tpu.memory_space<vmem>>)
    %dma_start3A_286 = arith.constant 39 : i32
    %dma_start3A_287 = arith.constant 0 : i32
    %dma_start3A_288 = tpu.memref_slice %arg7[%dma_start3A_286, %dma_start3A_287] : memref<40x256xi32, #tpu.memory_space<vmem>> -> memref<1x256xi32, #tpu.memory_space<vmem>>
    %dma_start3A_289 = tpu.memref_squeeze %dma_start3A_288 : memref<1x256xi32, #tpu.memory_space<vmem>> -> memref<256xi32, #tpu.memory_space<vmem>>
    %dma_start3A_290 = arith.constant 0 : i32
    %dma_start3A_291 = arith.constant 0 : i32
    %dma_start3A_292 = tpu.memref_slice %arg12[%dma_start3A_290, %dma_start3A_291] : memref<10112x64xf32, #tpu.memory_space<vmem_shared>> -> memref<10112x64xf32, #tpu.memory_space<vmem_shared>>
    tpu.enqueue_indirect_dma source(%arg11 : memref<256x64xf32, #tpu.memory_space<vmem>>) target(%dma_start3A_292 : memref<10112x64xf32, #tpu.memory_space<vmem_shared>>) offsets(%dma_start3A_289 : memref<256xi32, #tpu.memory_space<vmem>>) semaphore(%arg20 : memref<!tpu.dma_semaphore, #tpu.memory_space<semaphore_mem>>) {add = true}
    %dma_wait3A_293 = arith.constant 38 : i32
    %dma_wait3A_294 = arith.constant 0 : i32
    %dma_wait3A_295 = tpu.memref_slice %arg7[%dma_wait3A_293, %dma_wait3A_294] : memref<40x256xi32, #tpu.memory_space<vmem>> -> memref<1x256xi32, #tpu.memory_space<vmem>>
    %dma_wait3A_296 = tpu.memref_squeeze %dma_wait3A_295 : memref<1x256xi32, #tpu.memory_space<vmem>> -> memref<256xi32, #tpu.memory_space<vmem>>
    %dma_wait3A_297 = arith.constant 0 : i32
    %dma_wait3A_298 = arith.constant 0 : i32
    %dma_wait3A_299 = tpu.memref_slice %arg12[%dma_wait3A_297, %dma_wait3A_298] : memref<10112x64xf32, #tpu.memory_space<vmem_shared>> -> memref<10112x64xf32, #tpu.memory_space<vmem_shared>>
    tpu.wait_indirect_dma semaphore(%arg19 : memref<!tpu.dma_semaphore, #tpu.memory_space<semaphore_mem>>) src(%arg10 : memref<256x64xf32, #tpu.memory_space<vmem>>) dst(%dma_wait3A_299 : memref<10112x64xf32, #tpu.memory_space<vmem_shared>>)
    %dma_wait3A_300 = arith.constant 39 : i32
    %dma_wait3A_301 = arith.constant 0 : i32
    %dma_wait3A_302 = tpu.memref_slice %arg7[%dma_wait3A_300, %dma_wait3A_301] : memref<40x256xi32, #tpu.memory_space<vmem>> -> memref<1x256xi32, #tpu.memory_space<vmem>>
    %dma_wait3A_303 = tpu.memref_squeeze %dma_wait3A_302 : memref<1x256xi32, #tpu.memory_space<vmem>> -> memref<256xi32, #tpu.memory_space<vmem>>
    %dma_wait3A_304 = arith.constant 0 : i32
    %dma_wait3A_305 = arith.constant 0 : i32
    %dma_wait3A_306 = tpu.memref_slice %arg12[%dma_wait3A_304, %dma_wait3A_305] : memref<10112x64xf32, #tpu.memory_space<vmem_shared>> -> memref<10112x64xf32, #tpu.memory_space<vmem_shared>>
    tpu.wait_indirect_dma semaphore(%arg20 : memref<!tpu.dma_semaphore, #tpu.memory_space<semaphore_mem>>) src(%arg11 : memref<256x64xf32, #tpu.memory_space<vmem>>) dst(%dma_wait3A_306 : memref<10112x64xf32, #tpu.memory_space<vmem_shared>>)
    "tpu.region"() ({
      %run_scoped3A = tpu.sem_alloc : memref<!tpu.dma_semaphore, #tpu.memory_space<semaphore_mem>>
      %dma_start3A_622 = arith.constant 40 : i32
      %dma_start3A_623 = arith.constant 0 : i32
      %dma_start3A_624 = tpu.memref_slice %arg3[%arg1, %dma_start3A_622, %dma_start3A_623] : memref<16x80x256xi32, #tpu.memory_space<hbm>> -> memref<1x40x256xi32, #tpu.memory_space<hbm>>
      %dma_start3A_625 = tpu.memref_squeeze %dma_start3A_624 : memref<1x40x256xi32, #tpu.memory_space<hbm>> -> memref<40x256xi32, #tpu.memory_space<hbm>>
      %dma_start3A_626 = arith.constant 40 : i32
      %dma_start3A_627 = arith.constant 0 : i32
      %dma_start3A_628 = tpu.memref_slice %arg3[%arg1, %dma_start3A_626, %dma_start3A_627] : memref<16x80x256xi32, #tpu.memory_space<hbm>> -> memref<1x40x256xi32, #tpu.memory_space<hbm>>
      %dma_start3A_629 = tpu.memref_squeeze %dma_start3A_628 : memref<1x40x256xi32, #tpu.memory_space<hbm>> -> memref<40x256xi32, #tpu.memory_space<hbm>>
      tpu.enqueue_dma source(%dma_start3A_629 : memref<40x256xi32, #tpu.memory_space<hbm>>) target(%arg6 : memref<40x256xi32, #tpu.memory_space<vmem>>) target_semaphore(%run_scoped3A : memref<!tpu.dma_semaphore, #tpu.memory_space<semaphore_mem>>)
      %dma_wait3A_630 = arith.constant 40 : i32
      %dma_wait3A_631 = arith.constant 0 : i32
      %dma_wait3A_632 = tpu.memref_slice %arg3[%arg1, %dma_wait3A_630, %dma_wait3A_631] : memref<16x80x256xi32, #tpu.memory_space<hbm>> -> memref<1x40x256xi32, #tpu.memory_space<hbm>>
      %dma_wait3A_633 = tpu.memref_squeeze %dma_wait3A_632 : memref<1x40x256xi32, #tpu.memory_space<hbm>> -> memref<40x256xi32, #tpu.memory_space<hbm>>
      %dma_wait3A_634 = arith.constant 40 : i32
      %dma_wait3A_635 = arith.constant 0 : i32
      %dma_wait3A_636 = tpu.memref_slice %arg3[%arg1, %dma_wait3A_634, %dma_wait3A_635] : memref<16x80x256xi32, #tpu.memory_space<hbm>> -> memref<1x40x256xi32, #tpu.memory_space<hbm>>
      %dma_wait3A_637 = tpu.memref_squeeze %dma_wait3A_636 : memref<1x40x256xi32, #tpu.memory_space<hbm>> -> memref<40x256xi32, #tpu.memory_space<hbm>>
      tpu.wait_dma2 semaphore(%run_scoped3A : memref<!tpu.dma_semaphore, #tpu.memory_space<semaphore_mem>>) src(%dma_wait3A_637 : memref<40x256xi32, #tpu.memory_space<hbm>>) dst(%arg6 : memref<40x256xi32, #tpu.memory_space<vmem>>)
      tpu.yield
    }) : () -> ()
    "tpu.region"() ({
      %run_scoped3A = tpu.sem_alloc : memref<!tpu.dma_semaphore, #tpu.memory_space<semaphore_mem>>
      %dma_start3A_622 = arith.constant 40 : i32
      %dma_start3A_623 = arith.constant 0 : i32
      %dma_start3A_624 = tpu.memref_slice %arg4[%arg1, %dma_start3A_622, %dma_start3A_623] : memref<16x80x256xi32, #tpu.memory_space<hbm>> -> memref<1x40x256xi32, #tpu.memory_space<hbm>>
      %dma_start3A_625 = tpu.memref_squeeze %dma_start3A_624 : memref<1x40x256xi32, #tpu.memory_space<hbm>> -> memref<40x256xi32, #tpu.memory_space<hbm>>
      %dma_start3A_626 = arith.constant 40 : i32
      %dma_start3A_627 = arith.constant 0 : i32
      %dma_start3A_628 = tpu.memref_slice %arg4[%arg1, %dma_start3A_626, %dma_start3A_627] : memref<16x80x256xi32, #tpu.memory_space<hbm>> -> memref<1x40x256xi32, #tpu.memory_space<hbm>>
      %dma_start3A_629 = tpu.memref_squeeze %dma_start3A_628 : memref<1x40x256xi32, #tpu.memory_space<hbm>> -> memref<40x256xi32, #tpu.memory_space<hbm>>
      tpu.enqueue_dma source(%dma_start3A_629 : memref<40x256xi32, #tpu.memory_space<hbm>>) target(%arg7 : memref<40x256xi32, #tpu.memory_space<vmem>>) target_semaphore(%run_scoped3A : memref<!tpu.dma_semaphore, #tpu.memory_space<semaphore_mem>>)
      %dma_wait3A_630 = arith.constant 40 : i32
      %dma_wait3A_631 = arith.constant 0 : i32
      %dma_wait3A_632 = tpu.memref_slice %arg4[%arg1, %dma_wait3A_630, %dma_wait3A_631] : memref<16x80x256xi32, #tpu.memory_space<hbm>> -> memref<1x40x256xi32, #tpu.memory_space<hbm>>
      %dma_wait3A_633 = tpu.memref_squeeze %dma_wait3A_632 : memref<1x40x256xi32, #tpu.memory_space<hbm>> -> memref<40x256xi32, #tpu.memory_space<hbm>>
      %dma_wait3A_634 = arith.constant 40 : i32
      %dma_wait3A_635 = arith.constant 0 : i32
      %dma_wait3A_636 = tpu.memref_slice %arg4[%arg1, %dma_wait3A_634, %dma_wait3A_635] : memref<16x80x256xi32, #tpu.memory_space<hbm>> -> memref<1x40x256xi32, #tpu.memory_space<hbm>>
      %dma_wait3A_637 = tpu.memref_squeeze %dma_wait3A_636 : memref<1x40x256xi32, #tpu.memory_space<hbm>> -> memref<40x256xi32, #tpu.memory_space<hbm>>
      tpu.wait_dma2 semaphore(%run_scoped3A : memref<!tpu.dma_semaphore, #tpu.memory_space<semaphore_mem>>) src(%dma_wait3A_637 : memref<40x256xi32, #tpu.memory_space<hbm>>) dst(%arg7 : memref<40x256xi32, #tpu.memory_space<vmem>>)
      tpu.yield
    }) : () -> ()
    %dma_start3A_307 = arith.constant 0 : i32
    %dma_start3A_308 = arith.constant 0 : i32
    %dma_start3A_309 = tpu.memref_slice %arg6[%dma_start3A_307, %dma_start3A_308] : memref<40x256xi32, #tpu.memory_space<vmem>> -> memref<1x256xi32, #tpu.memory_space<vmem>>
    %dma_start3A_310 = tpu.memref_squeeze %dma_start3A_309 : memref<1x256xi32, #tpu.memory_space<vmem>> -> memref<256xi32, #tpu.memory_space<vmem>>
    %dma_start3A_311 = arith.constant 0 : i32
    %dma_start3A_312 = arith.constant 0 : i32
    %dma_start3A_313 = tpu.memref_slice %arg2[%arg0, %dma_start3A_311, %dma_start3A_312] : memref<2x10000x64xf32, #tpu.memory_space<hbm>> -> memref<1x10000x64xf32, #tpu.memory_space<hbm>>
    %dma_start3A_314 = tpu.memref_squeeze %dma_start3A_313 : memref<1x10000x64xf32, #tpu.memory_space<hbm>> -> memref<10000x64xf32, #tpu.memory_space<hbm>>
    %dma_start3A_315 = arith.constant 0 : i32
    %dma_start3A_316 = arith.constant 0 : i32
    %dma_start3A_317 = tpu.memref_slice %dma_start3A_314[%dma_start3A_315, %dma_start3A_316] : memref<10000x64xf32, #tpu.memory_space<hbm>> -> memref<10000x64xf32, #tpu.memory_space<hbm>>
    tpu.enqueue_indirect_dma source(%dma_start3A_317 : memref<10000x64xf32, #tpu.memory_space<hbm>>) target(%arg8 : memref<256x64xf32, #tpu.memory_space<vmem>>) offsets(%dma_start3A_310 : memref<256xi32, #tpu.memory_space<vmem>>) semaphore(%arg13 : memref<!tpu.dma_semaphore, #tpu.memory_space<semaphore_mem>>)
    %dma_start3A_318 = arith.constant 1 : i32
    %dma_start3A_319 = arith.constant 0 : i32
    %dma_start3A_320 = tpu.memref_slice %arg6[%dma_start3A_318, %dma_start3A_319] : memref<40x256xi32, #tpu.memory_space<vmem>> -> memref<1x256xi32, #tpu.memory_space<vmem>>
    %dma_start3A_321 = tpu.memref_squeeze %dma_start3A_320 : memref<1x256xi32, #tpu.memory_space<vmem>> -> memref<256xi32, #tpu.memory_space<vmem>>
    %dma_start3A_322 = arith.constant 0 : i32
    %dma_start3A_323 = arith.constant 0 : i32
    %dma_start3A_324 = tpu.memref_slice %arg2[%arg0, %dma_start3A_322, %dma_start3A_323] : memref<2x10000x64xf32, #tpu.memory_space<hbm>> -> memref<1x10000x64xf32, #tpu.memory_space<hbm>>
    %dma_start3A_325 = tpu.memref_squeeze %dma_start3A_324 : memref<1x10000x64xf32, #tpu.memory_space<hbm>> -> memref<10000x64xf32, #tpu.memory_space<hbm>>
    %dma_start3A_326 = arith.constant 0 : i32
    %dma_start3A_327 = arith.constant 0 : i32
    %dma_start3A_328 = tpu.memref_slice %dma_start3A_325[%dma_start3A_326, %dma_start3A_327] : memref<10000x64xf32, #tpu.memory_space<hbm>> -> memref<10000x64xf32, #tpu.memory_space<hbm>>
    tpu.enqueue_indirect_dma source(%dma_start3A_328 : memref<10000x64xf32, #tpu.memory_space<hbm>>) target(%arg9 : memref<256x64xf32, #tpu.memory_space<vmem>>) offsets(%dma_start3A_321 : memref<256xi32, #tpu.memory_space<vmem>>) semaphore(%arg14 : memref<!tpu.dma_semaphore, #tpu.memory_space<semaphore_mem>>)
    %dma_start3A_329 = arith.constant 2 : i32
    %dma_start3A_330 = arith.constant 0 : i32
    %dma_start3A_331 = tpu.memref_slice %arg6[%dma_start3A_329, %dma_start3A_330] : memref<40x256xi32, #tpu.memory_space<vmem>> -> memref<1x256xi32, #tpu.memory_space<vmem>>
    %dma_start3A_332 = tpu.memref_squeeze %dma_start3A_331 : memref<1x256xi32, #tpu.memory_space<vmem>> -> memref<256xi32, #tpu.memory_space<vmem>>
    %dma_start3A_333 = arith.constant 0 : i32
    %dma_start3A_334 = arith.constant 0 : i32
    %dma_start3A_335 = tpu.memref_slice %arg2[%arg0, %dma_start3A_333, %dma_start3A_334] : memref<2x10000x64xf32, #tpu.memory_space<hbm>> -> memref<1x10000x64xf32, #tpu.memory_space<hbm>>
    %dma_start3A_336 = tpu.memref_squeeze %dma_start3A_335 : memref<1x10000x64xf32, #tpu.memory_space<hbm>> -> memref<10000x64xf32, #tpu.memory_space<hbm>>
    %dma_start3A_337 = arith.constant 0 : i32
    %dma_start3A_338 = arith.constant 0 : i32
    %dma_start3A_339 = tpu.memref_slice %dma_start3A_336[%dma_start3A_337, %dma_start3A_338] : memref<10000x64xf32, #tpu.memory_space<hbm>> -> memref<10000x64xf32, #tpu.memory_space<hbm>>
    tpu.enqueue_indirect_dma source(%dma_start3A_339 : memref<10000x64xf32, #tpu.memory_space<hbm>>) target(%arg10 : memref<256x64xf32, #tpu.memory_space<vmem>>) offsets(%dma_start3A_332 : memref<256xi32, #tpu.memory_space<vmem>>) semaphore(%arg15 : memref<!tpu.dma_semaphore, #tpu.memory_space<semaphore_mem>>)
    %dma_wait3A_340 = arith.constant 0 : i32
    %dma_wait3A_341 = arith.constant 0 : i32
    %dma_wait3A_342 = tpu.memref_slice %arg6[%dma_wait3A_340, %dma_wait3A_341] : memref<40x256xi32, #tpu.memory_space<vmem>> -> memref<1x256xi32, #tpu.memory_space<vmem>>
    %dma_wait3A_343 = tpu.memref_squeeze %dma_wait3A_342 : memref<1x256xi32, #tpu.memory_space<vmem>> -> memref<256xi32, #tpu.memory_space<vmem>>
    %dma_wait3A_344 = arith.constant 0 : i32
    %dma_wait3A_345 = arith.constant 0 : i32
    %dma_wait3A_346 = tpu.memref_slice %arg2[%arg0, %dma_wait3A_344, %dma_wait3A_345] : memref<2x10000x64xf32, #tpu.memory_space<hbm>> -> memref<1x10000x64xf32, #tpu.memory_space<hbm>>
    %dma_wait3A_347 = tpu.memref_squeeze %dma_wait3A_346 : memref<1x10000x64xf32, #tpu.memory_space<hbm>> -> memref<10000x64xf32, #tpu.memory_space<hbm>>
    %dma_wait3A_348 = arith.constant 0 : i32
    %dma_wait3A_349 = arith.constant 0 : i32
    %dma_wait3A_350 = tpu.memref_slice %dma_wait3A_347[%dma_wait3A_348, %dma_wait3A_349] : memref<10000x64xf32, #tpu.memory_space<hbm>> -> memref<10000x64xf32, #tpu.memory_space<hbm>>
    tpu.wait_indirect_dma semaphore(%arg13 : memref<!tpu.dma_semaphore, #tpu.memory_space<semaphore_mem>>) src(%dma_wait3A_350 : memref<10000x64xf32, #tpu.memory_space<hbm>>) dst(%arg8 : memref<256x64xf32, #tpu.memory_space<vmem>>)
    %dma_start3A_351 = arith.constant 0 : i32
    %dma_start3A_352 = arith.constant 0 : i32
    %dma_start3A_353 = tpu.memref_slice %arg7[%dma_start3A_351, %dma_start3A_352] : memref<40x256xi32, #tpu.memory_space<vmem>> -> memref<1x256xi32, #tpu.memory_space<vmem>>
    %dma_start3A_354 = tpu.memref_squeeze %dma_start3A_353 : memref<1x256xi32, #tpu.memory_space<vmem>> -> memref<256xi32, #tpu.memory_space<vmem>>
    %dma_start3A_355 = arith.constant 0 : i32
    %dma_start3A_356 = arith.constant 0 : i32
    %dma_start3A_357 = tpu.memref_slice %arg12[%dma_start3A_355, %dma_start3A_356] : memref<10112x64xf32, #tpu.memory_space<vmem_shared>> -> memref<10112x64xf32, #tpu.memory_space<vmem_shared>>
    tpu.enqueue_indirect_dma source(%arg8 : memref<256x64xf32, #tpu.memory_space<vmem>>) target(%dma_start3A_357 : memref<10112x64xf32, #tpu.memory_space<vmem_shared>>) offsets(%dma_start3A_354 : memref<256xi32, #tpu.memory_space<vmem>>) semaphore(%arg17 : memref<!tpu.dma_semaphore, #tpu.memory_space<semaphore_mem>>) {add = true}
    %dma_start3A_358 = arith.constant 3 : i32
    %dma_start3A_359 = arith.constant 0 : i32
    %dma_start3A_360 = tpu.memref_slice %arg6[%dma_start3A_358, %dma_start3A_359] : memref<40x256xi32, #tpu.memory_space<vmem>> -> memref<1x256xi32, #tpu.memory_space<vmem>>
    %dma_start3A_361 = tpu.memref_squeeze %dma_start3A_360 : memref<1x256xi32, #tpu.memory_space<vmem>> -> memref<256xi32, #tpu.memory_space<vmem>>
    %dma_start3A_362 = arith.constant 0 : i32
    %dma_start3A_363 = arith.constant 0 : i32
    %dma_start3A_364 = tpu.memref_slice %arg2[%arg0, %dma_start3A_362, %dma_start3A_363] : memref<2x10000x64xf32, #tpu.memory_space<hbm>> -> memref<1x10000x64xf32, #tpu.memory_space<hbm>>
    %dma_start3A_365 = tpu.memref_squeeze %dma_start3A_364 : memref<1x10000x64xf32, #tpu.memory_space<hbm>> -> memref<10000x64xf32, #tpu.memory_space<hbm>>
    %dma_start3A_366 = arith.constant 0 : i32
    %dma_start3A_367 = arith.constant 0 : i32
    %dma_start3A_368 = tpu.memref_slice %dma_start3A_365[%dma_start3A_366, %dma_start3A_367] : memref<10000x64xf32, #tpu.memory_space<hbm>> -> memref<10000x64xf32, #tpu.memory_space<hbm>>
    tpu.enqueue_indirect_dma source(%dma_start3A_368 : memref<10000x64xf32, #tpu.memory_space<hbm>>) target(%arg11 : memref<256x64xf32, #tpu.memory_space<vmem>>) offsets(%dma_start3A_361 : memref<256xi32, #tpu.memory_space<vmem>>) semaphore(%arg16 : memref<!tpu.dma_semaphore, #tpu.memory_space<semaphore_mem>>)
    %dma_wait3A_369 = arith.constant 1 : i32
    %dma_wait3A_370 = arith.constant 0 : i32
    %dma_wait3A_371 = tpu.memref_slice %arg6[%dma_wait3A_369, %dma_wait3A_370] : memref<40x256xi32, #tpu.memory_space<vmem>> -> memref<1x256xi32, #tpu.memory_space<vmem>>
    %dma_wait3A_372 = tpu.memref_squeeze %dma_wait3A_371 : memref<1x256xi32, #tpu.memory_space<vmem>> -> memref<256xi32, #tpu.memory_space<vmem>>
    %dma_wait3A_373 = arith.constant 0 : i32
    %dma_wait3A_374 = arith.constant 0 : i32
    %dma_wait3A_375 = tpu.memref_slice %arg2[%arg0, %dma_wait3A_373, %dma_wait3A_374] : memref<2x10000x64xf32, #tpu.memory_space<hbm>> -> memref<1x10000x64xf32, #tpu.memory_space<hbm>>
    %dma_wait3A_376 = tpu.memref_squeeze %dma_wait3A_375 : memref<1x10000x64xf32, #tpu.memory_space<hbm>> -> memref<10000x64xf32, #tpu.memory_space<hbm>>
    %dma_wait3A_377 = arith.constant 0 : i32
    %dma_wait3A_378 = arith.constant 0 : i32
    %dma_wait3A_379 = tpu.memref_slice %dma_wait3A_376[%dma_wait3A_377, %dma_wait3A_378] : memref<10000x64xf32, #tpu.memory_space<hbm>> -> memref<10000x64xf32, #tpu.memory_space<hbm>>
    tpu.wait_indirect_dma semaphore(%arg14 : memref<!tpu.dma_semaphore, #tpu.memory_space<semaphore_mem>>) src(%dma_wait3A_379 : memref<10000x64xf32, #tpu.memory_space<hbm>>) dst(%arg9 : memref<256x64xf32, #tpu.memory_space<vmem>>)
    %dma_start3A_380 = arith.constant 1 : i32
    %dma_start3A_381 = arith.constant 0 : i32
    %dma_start3A_382 = tpu.memref_slice %arg7[%dma_start3A_380, %dma_start3A_381] : memref<40x256xi32, #tpu.memory_space<vmem>> -> memref<1x256xi32, #tpu.memory_space<vmem>>
    %dma_start3A_383 = tpu.memref_squeeze %dma_start3A_382 : memref<1x256xi32, #tpu.memory_space<vmem>> -> memref<256xi32, #tpu.memory_space<vmem>>
    %dma_start3A_384 = arith.constant 0 : i32
    %dma_start3A_385 = arith.constant 0 : i32
    %dma_start3A_386 = tpu.memref_slice %arg12[%dma_start3A_384, %dma_start3A_385] : memref<10112x64xf32, #tpu.memory_space<vmem_shared>> -> memref<10112x64xf32, #tpu.memory_space<vmem_shared>>
    tpu.enqueue_indirect_dma source(%arg9 : memref<256x64xf32, #tpu.memory_space<vmem>>) target(%dma_start3A_386 : memref<10112x64xf32, #tpu.memory_space<vmem_shared>>) offsets(%dma_start3A_383 : memref<256xi32, #tpu.memory_space<vmem>>) semaphore(%arg18 : memref<!tpu.dma_semaphore, #tpu.memory_space<semaphore_mem>>) {add = true}
    %dma_wait3A_387 = arith.constant 0 : i32
    %dma_wait3A_388 = arith.constant 0 : i32
    %dma_wait3A_389 = tpu.memref_slice %arg7[%dma_wait3A_387, %dma_wait3A_388] : memref<40x256xi32, #tpu.memory_space<vmem>> -> memref<1x256xi32, #tpu.memory_space<vmem>>
    %dma_wait3A_390 = tpu.memref_squeeze %dma_wait3A_389 : memref<1x256xi32, #tpu.memory_space<vmem>> -> memref<256xi32, #tpu.memory_space<vmem>>
    %dma_wait3A_391 = arith.constant 0 : i32
    %dma_wait3A_392 = arith.constant 0 : i32
    %dma_wait3A_393 = tpu.memref_slice %arg12[%dma_wait3A_391, %dma_wait3A_392] : memref<10112x64xf32, #tpu.memory_space<vmem_shared>> -> memref<10112x64xf32, #tpu.memory_space<vmem_shared>>
    tpu.wait_indirect_dma semaphore(%arg17 : memref<!tpu.dma_semaphore, #tpu.memory_space<semaphore_mem>>) src(%arg8 : memref<256x64xf32, #tpu.memory_space<vmem>>) dst(%dma_wait3A_393 : memref<10112x64xf32, #tpu.memory_space<vmem_shared>>)
    %dma_start3A_394 = arith.constant 4 : i32
    %dma_start3A_395 = arith.constant 0 : i32
    %dma_start3A_396 = tpu.memref_slice %arg6[%dma_start3A_394, %dma_start3A_395] : memref<40x256xi32, #tpu.memory_space<vmem>> -> memref<1x256xi32, #tpu.memory_space<vmem>>
    %dma_start3A_397 = tpu.memref_squeeze %dma_start3A_396 : memref<1x256xi32, #tpu.memory_space<vmem>> -> memref<256xi32, #tpu.memory_space<vmem>>
    %dma_start3A_398 = arith.constant 0 : i32
    %dma_start3A_399 = arith.constant 0 : i32
    %dma_start3A_400 = tpu.memref_slice %arg2[%arg0, %dma_start3A_398, %dma_start3A_399] : memref<2x10000x64xf32, #tpu.memory_space<hbm>> -> memref<1x10000x64xf32, #tpu.memory_space<hbm>>
    %dma_start3A_401 = tpu.memref_squeeze %dma_start3A_400 : memref<1x10000x64xf32, #tpu.memory_space<hbm>> -> memref<10000x64xf32, #tpu.memory_space<hbm>>
    %dma_start3A_402 = arith.constant 0 : i32
    %dma_start3A_403 = arith.constant 0 : i32
    %dma_start3A_404 = tpu.memref_slice %dma_start3A_401[%dma_start3A_402, %dma_start3A_403] : memref<10000x64xf32, #tpu.memory_space<hbm>> -> memref<10000x64xf32, #tpu.memory_space<hbm>>
    tpu.enqueue_indirect_dma source(%dma_start3A_404 : memref<10000x64xf32, #tpu.memory_space<hbm>>) target(%arg8 : memref<256x64xf32, #tpu.memory_space<vmem>>) offsets(%dma_start3A_397 : memref<256xi32, #tpu.memory_space<vmem>>) semaphore(%arg13 : memref<!tpu.dma_semaphore, #tpu.memory_space<semaphore_mem>>)
    %dma_wait3A_405 = arith.constant 2 : i32
    %dma_wait3A_406 = arith.constant 0 : i32
    %dma_wait3A_407 = tpu.memref_slice %arg6[%dma_wait3A_405, %dma_wait3A_406] : memref<40x256xi32, #tpu.memory_space<vmem>> -> memref<1x256xi32, #tpu.memory_space<vmem>>
    %dma_wait3A_408 = tpu.memref_squeeze %dma_wait3A_407 : memref<1x256xi32, #tpu.memory_space<vmem>> -> memref<256xi32, #tpu.memory_space<vmem>>
    %dma_wait3A_409 = arith.constant 0 : i32
    %dma_wait3A_410 = arith.constant 0 : i32
    %dma_wait3A_411 = tpu.memref_slice %arg2[%arg0, %dma_wait3A_409, %dma_wait3A_410] : memref<2x10000x64xf32, #tpu.memory_space<hbm>> -> memref<1x10000x64xf32, #tpu.memory_space<hbm>>
    %dma_wait3A_412 = tpu.memref_squeeze %dma_wait3A_411 : memref<1x10000x64xf32, #tpu.memory_space<hbm>> -> memref<10000x64xf32, #tpu.memory_space<hbm>>
    %dma_wait3A_413 = arith.constant 0 : i32
    %dma_wait3A_414 = arith.constant 0 : i32
    %dma_wait3A_415 = tpu.memref_slice %dma_wait3A_412[%dma_wait3A_413, %dma_wait3A_414] : memref<10000x64xf32, #tpu.memory_space<hbm>> -> memref<10000x64xf32, #tpu.memory_space<hbm>>
    tpu.wait_indirect_dma semaphore(%arg15 : memref<!tpu.dma_semaphore, #tpu.memory_space<semaphore_mem>>) src(%dma_wait3A_415 : memref<10000x64xf32, #tpu.memory_space<hbm>>) dst(%arg10 : memref<256x64xf32, #tpu.memory_space<vmem>>)
    %dma_start3A_416 = arith.constant 2 : i32
    %dma_start3A_417 = arith.constant 0 : i32
    %dma_start3A_418 = tpu.memref_slice %arg7[%dma_start3A_416, %dma_start3A_417] : memref<40x256xi32, #tpu.memory_space<vmem>> -> memref<1x256xi32, #tpu.memory_space<vmem>>
    %dma_start3A_419 = tpu.memref_squeeze %dma_start3A_418 : memref<1x256xi32, #tpu.memory_space<vmem>> -> memref<256xi32, #tpu.memory_space<vmem>>
    %dma_start3A_420 = arith.constant 0 : i32
    %dma_start3A_421 = arith.constant 0 : i32
    %dma_start3A_422 = tpu.memref_slice %arg12[%dma_start3A_420, %dma_start3A_421] : memref<10112x64xf32, #tpu.memory_space<vmem_shared>> -> memref<10112x64xf32, #tpu.memory_space<vmem_shared>>
    tpu.enqueue_indirect_dma source(%arg10 : memref<256x64xf32, #tpu.memory_space<vmem>>) target(%dma_start3A_422 : memref<10112x64xf32, #tpu.memory_space<vmem_shared>>) offsets(%dma_start3A_419 : memref<256xi32, #tpu.memory_space<vmem>>) semaphore(%arg19 : memref<!tpu.dma_semaphore, #tpu.memory_space<semaphore_mem>>) {add = true}
    %dma_wait3A_423 = arith.constant 1 : i32
    %dma_wait3A_424 = arith.constant 0 : i32
    %dma_wait3A_425 = tpu.memref_slice %arg7[%dma_wait3A_423, %dma_wait3A_424] : memref<40x256xi32, #tpu.memory_space<vmem>> -> memref<1x256xi32, #tpu.memory_space<vmem>>
    %dma_wait3A_426 = tpu.memref_squeeze %dma_wait3A_425 : memref<1x256xi32, #tpu.memory_space<vmem>> -> memref<256xi32, #tpu.memory_space<vmem>>
    %dma_wait3A_427 = arith.constant 0 : i32
    %dma_wait3A_428 = arith.constant 0 : i32
    %dma_wait3A_429 = tpu.memref_slice %arg12[%dma_wait3A_427, %dma_wait3A_428] : memref<10112x64xf32, #tpu.memory_space<vmem_shared>> -> memref<10112x64xf32, #tpu.memory_space<vmem_shared>>
    tpu.wait_indirect_dma semaphore(%arg18 : memref<!tpu.dma_semaphore, #tpu.memory_space<semaphore_mem>>) src(%arg9 : memref<256x64xf32, #tpu.memory_space<vmem>>) dst(%dma_wait3A_429 : memref<10112x64xf32, #tpu.memory_space<vmem_shared>>)
    %dma_start3A_430 = arith.constant 5 : i32
    %dma_start3A_431 = arith.constant 0 : i32
    %dma_start3A_432 = tpu.memref_slice %arg6[%dma_start3A_430, %dma_start3A_431] : memref<40x256xi32, #tpu.memory_space<vmem>> -> memref<1x256xi32, #tpu.memory_space<vmem>>
    %dma_start3A_433 = tpu.memref_squeeze %dma_start3A_432 : memref<1x256xi32, #tpu.memory_space<vmem>> -> memref<256xi32, #tpu.memory_space<vmem>>
    %dma_start3A_434 = arith.constant 0 : i32
    %dma_start3A_435 = arith.constant 0 : i32
    %dma_start3A_436 = tpu.memref_slice %arg2[%arg0, %dma_start3A_434, %dma_start3A_435] : memref<2x10000x64xf32, #tpu.memory_space<hbm>> -> memref<1x10000x64xf32, #tpu.memory_space<hbm>>
    %dma_start3A_437 = tpu.memref_squeeze %dma_start3A_436 : memref<1x10000x64xf32, #tpu.memory_space<hbm>> -> memref<10000x64xf32, #tpu.memory_space<hbm>>
    %dma_start3A_438 = arith.constant 0 : i32
    %dma_start3A_439 = arith.constant 0 : i32
    %dma_start3A_440 = tpu.memref_slice %dma_start3A_437[%dma_start3A_438, %dma_start3A_439] : memref<10000x64xf32, #tpu.memory_space<hbm>> -> memref<10000x64xf32, #tpu.memory_space<hbm>>
    tpu.enqueue_indirect_dma source(%dma_start3A_440 : memref<10000x64xf32, #tpu.memory_space<hbm>>) target(%arg9 : memref<256x64xf32, #tpu.memory_space<vmem>>) offsets(%dma_start3A_433 : memref<256xi32, #tpu.memory_space<vmem>>) semaphore(%arg14 : memref<!tpu.dma_semaphore, #tpu.memory_space<semaphore_mem>>)
    %dma_wait3A_441 = arith.constant 3 : i32
    %dma_wait3A_442 = arith.constant 0 : i32
    %dma_wait3A_443 = tpu.memref_slice %arg6[%dma_wait3A_441, %dma_wait3A_442] : memref<40x256xi32, #tpu.memory_space<vmem>> -> memref<1x256xi32, #tpu.memory_space<vmem>>
    %dma_wait3A_444 = tpu.memref_squeeze %dma_wait3A_443 : memref<1x256xi32, #tpu.memory_space<vmem>> -> memref<256xi32, #tpu.memory_space<vmem>>
    %dma_wait3A_445 = arith.constant 0 : i32
    %dma_wait3A_446 = arith.constant 0 : i32
    %dma_wait3A_447 = tpu.memref_slice %arg2[%arg0, %dma_wait3A_445, %dma_wait3A_446] : memref<2x10000x64xf32, #tpu.memory_space<hbm>> -> memref<1x10000x64xf32, #tpu.memory_space<hbm>>
    %dma_wait3A_448 = tpu.memref_squeeze %dma_wait3A_447 : memref<1x10000x64xf32, #tpu.memory_space<hbm>> -> memref<10000x64xf32, #tpu.memory_space<hbm>>
    %dma_wait3A_449 = arith.constant 0 : i32
    %dma_wait3A_450 = arith.constant 0 : i32
    %dma_wait3A_451 = tpu.memref_slice %dma_wait3A_448[%dma_wait3A_449, %dma_wait3A_450] : memref<10000x64xf32, #tpu.memory_space<hbm>> -> memref<10000x64xf32, #tpu.memory_space<hbm>>
    tpu.wait_indirect_dma semaphore(%arg16 : memref<!tpu.dma_semaphore, #tpu.memory_space<semaphore_mem>>) src(%dma_wait3A_451 : memref<10000x64xf32, #tpu.memory_space<hbm>>) dst(%arg11 : memref<256x64xf32, #tpu.memory_space<vmem>>)
    %dma_start3A_452 = arith.constant 3 : i32
    %dma_start3A_453 = arith.constant 0 : i32
    %dma_start3A_454 = tpu.memref_slice %arg7[%dma_start3A_452, %dma_start3A_453] : memref<40x256xi32, #tpu.memory_space<vmem>> -> memref<1x256xi32, #tpu.memory_space<vmem>>
    %dma_start3A_455 = tpu.memref_squeeze %dma_start3A_454 : memref<1x256xi32, #tpu.memory_space<vmem>> -> memref<256xi32, #tpu.memory_space<vmem>>
    %dma_start3A_456 = arith.constant 0 : i32
    %dma_start3A_457 = arith.constant 0 : i32
    %dma_start3A_458 = tpu.memref_slice %arg12[%dma_start3A_456, %dma_start3A_457] : memref<10112x64xf32, #tpu.memory_space<vmem_shared>> -> memref<10112x64xf32, #tpu.memory_space<vmem_shared>>
    tpu.enqueue_indirect_dma source(%arg11 : memref<256x64xf32, #tpu.memory_space<vmem>>) target(%dma_start3A_458 : memref<10112x64xf32, #tpu.memory_space<vmem_shared>>) offsets(%dma_start3A_455 : memref<256xi32, #tpu.memory_space<vmem>>) semaphore(%arg20 : memref<!tpu.dma_semaphore, #tpu.memory_space<semaphore_mem>>) {add = true}
    %dma_wait3A_459 = arith.constant 2 : i32
    %dma_wait3A_460 = arith.constant 0 : i32
    %dma_wait3A_461 = tpu.memref_slice %arg7[%dma_wait3A_459, %dma_wait3A_460] : memref<40x256xi32, #tpu.memory_space<vmem>> -> memref<1x256xi32, #tpu.memory_space<vmem>>
    %dma_wait3A_462 = tpu.memref_squeeze %dma_wait3A_461 : memref<1x256xi32, #tpu.memory_space<vmem>> -> memref<256xi32, #tpu.memory_space<vmem>>
    %dma_wait3A_463 = arith.constant 0 : i32
    %dma_wait3A_464 = arith.constant 0 : i32
    %dma_wait3A_465 = tpu.memref_slice %arg12[%dma_wait3A_463, %dma_wait3A_464] : memref<10112x64xf32, #tpu.memory_space<vmem_shared>> -> memref<10112x64xf32, #tpu.memory_space<vmem_shared>>
    tpu.wait_indirect_dma semaphore(%arg19 : memref<!tpu.dma_semaphore, #tpu.memory_space<semaphore_mem>>) src(%arg10 : memref<256x64xf32, #tpu.memory_space<vmem>>) dst(%dma_wait3A_465 : memref<10112x64xf32, #tpu.memory_space<vmem_shared>>)
    %dma_start3A_466 = arith.constant 6 : i32
    %dma_start3A_467 = arith.constant 0 : i32
    %dma_start3A_468 = tpu.memref_slice %arg6[%dma_start3A_466, %dma_start3A_467] : memref<40x256xi32, #tpu.memory_space<vmem>> -> memref<1x256xi32, #tpu.memory_space<vmem>>
    %dma_start3A_469 = tpu.memref_squeeze %dma_start3A_468 : memref<1x256xi32, #tpu.memory_space<vmem>> -> memref<256xi32, #tpu.memory_space<vmem>>
    %dma_start3A_470 = arith.constant 0 : i32
    %dma_start3A_471 = arith.constant 0 : i32
    %dma_start3A_472 = tpu.memref_slice %arg2[%arg0, %dma_start3A_470, %dma_start3A_471] : memref<2x10000x64xf32, #tpu.memory_space<hbm>> -> memref<1x10000x64xf32, #tpu.memory_space<hbm>>
    %dma_start3A_473 = tpu.memref_squeeze %dma_start3A_472 : memref<1x10000x64xf32, #tpu.memory_space<hbm>> -> memref<10000x64xf32, #tpu.memory_space<hbm>>
    %dma_start3A_474 = arith.constant 0 : i32
    %dma_start3A_475 = arith.constant 0 : i32
    %dma_start3A_476 = tpu.memref_slice %dma_start3A_473[%dma_start3A_474, %dma_start3A_475] : memref<10000x64xf32, #tpu.memory_space<hbm>> -> memref<10000x64xf32, #tpu.memory_space<hbm>>
    tpu.enqueue_indirect_dma source(%dma_start3A_476 : memref<10000x64xf32, #tpu.memory_space<hbm>>) target(%arg10 : memref<256x64xf32, #tpu.memory_space<vmem>>) offsets(%dma_start3A_469 : memref<256xi32, #tpu.memory_space<vmem>>) semaphore(%arg15 : memref<!tpu.dma_semaphore, #tpu.memory_space<semaphore_mem>>)
    %scan3A_477 = arith.constant 0 : i32
    %scan3A_478 = arith.constant 1 : i32
    %scan3A_479 = arith.constant 8 : i32
    %scan3A_480 = arith.addi %scan3A_478, %scan3A_479 : i32
    %scan3A_481 = arith.constant 1 : i32
    scf.for %scan3A_622 = %scan3A_478 to %scan3A_480 step %scan3A_481  : i32 {
      %mul3A_623 = arith.constant 4 : i32
      %mul3A_624 = arith.muli %mul3A_623, %scan3A_622 : i32
      %add3A_625 = arith.constant 0 : i32
      %add3A_626 = arith.addi %mul3A_624, %add3A_625 : i32
      %dma_wait3A_627 = arith.constant 0 : i32
      %dma_wait3A_628 = tpu.memref_slice %arg6[%add3A_626, %dma_wait3A_627] : memref<40x256xi32, #tpu.memory_space<vmem>> -> memref<1x256xi32, #tpu.memory_space<vmem>>
      %dma_wait3A_629 = tpu.memref_squeeze %dma_wait3A_628 : memref<1x256xi32, #tpu.memory_space<vmem>> -> memref<256xi32, #tpu.memory_space<vmem>>
      %dma_wait3A_630 = arith.constant 0 : i32
      %dma_wait3A_631 = arith.constant 0 : i32
      %dma_wait3A_632 = tpu.memref_slice %arg2[%arg0, %dma_wait3A_630, %dma_wait3A_631] : memref<2x10000x64xf32, #tpu.memory_space<hbm>> -> memref<1x10000x64xf32, #tpu.memory_space<hbm>>
      %dma_wait3A_633 = tpu.memref_squeeze %dma_wait3A_632 : memref<1x10000x64xf32, #tpu.memory_space<hbm>> -> memref<10000x64xf32, #tpu.memory_space<hbm>>
      %dma_wait3A_634 = arith.constant 0 : i32
      %dma_wait3A_635 = arith.constant 0 : i32
      %dma_wait3A_636 = tpu.memref_slice %dma_wait3A_633[%dma_wait3A_634, %dma_wait3A_635] : memref<10000x64xf32, #tpu.memory_space<hbm>> -> memref<10000x64xf32, #tpu.memory_space<hbm>>
      tpu.wait_indirect_dma semaphore(%arg13 : memref<!tpu.dma_semaphore, #tpu.memory_space<semaphore_mem>>) src(%dma_wait3A_636 : memref<10000x64xf32, #tpu.memory_space<hbm>>) dst(%arg8 : memref<256x64xf32, #tpu.memory_space<vmem>>)
      %dma_start3A_637 = arith.constant 0 : i32
      %dma_start3A_638 = tpu.memref_slice %arg7[%add3A_626, %dma_start3A_637] : memref<40x256xi32, #tpu.memory_space<vmem>> -> memref<1x256xi32, #tpu.memory_space<vmem>>
      %dma_start3A_639 = tpu.memref_squeeze %dma_start3A_638 : memref<1x256xi32, #tpu.memory_space<vmem>> -> memref<256xi32, #tpu.memory_space<vmem>>
      %dma_start3A_640 = arith.constant 0 : i32
      %dma_start3A_641 = arith.constant 0 : i32
      %dma_start3A_642 = tpu.memref_slice %arg12[%dma_start3A_640, %dma_start3A_641] : memref<10112x64xf32, #tpu.memory_space<vmem_shared>> -> memref<10112x64xf32, #tpu.memory_space<vmem_shared>>
      tpu.enqueue_indirect_dma source(%arg8 : memref<256x64xf32, #tpu.memory_space<vmem>>) target(%dma_start3A_642 : memref<10112x64xf32, #tpu.memory_space<vmem_shared>>) offsets(%dma_start3A_639 : memref<256xi32, #tpu.memory_space<vmem>>) semaphore(%arg17 : memref<!tpu.dma_semaphore, #tpu.memory_space<semaphore_mem>>) {add = true}
      %sub3A = arith.constant 1 : i32
      %sub3A_643 = arith.subi %add3A_626, %sub3A : i32
      %dma_wait3A_644 = arith.constant 0 : i32
      %dma_wait3A_645 = tpu.memref_slice %arg7[%sub3A_643, %dma_wait3A_644] : memref<40x256xi32, #tpu.memory_space<vmem>> -> memref<1x256xi32, #tpu.memory_space<vmem>>
      %dma_wait3A_646 = tpu.memref_squeeze %dma_wait3A_645 : memref<1x256xi32, #tpu.memory_space<vmem>> -> memref<256xi32, #tpu.memory_space<vmem>>
      %dma_wait3A_647 = arith.constant 0 : i32
      %dma_wait3A_648 = arith.constant 0 : i32
      %dma_wait3A_649 = tpu.memref_slice %arg12[%dma_wait3A_647, %dma_wait3A_648] : memref<10112x64xf32, #tpu.memory_space<vmem_shared>> -> memref<10112x64xf32, #tpu.memory_space<vmem_shared>>
      tpu.wait_indirect_dma semaphore(%arg20 : memref<!tpu.dma_semaphore, #tpu.memory_space<semaphore_mem>>) src(%arg11 : memref<256x64xf32, #tpu.memory_space<vmem>>) dst(%dma_wait3A_649 : memref<10112x64xf32, #tpu.memory_space<vmem_shared>>)
      %add3A_650 = arith.constant 3 : i32
      %add3A_651 = arith.addi %add3A_626, %add3A_650 : i32
      %dma_start3A_652 = arith.constant 0 : i32
      %dma_start3A_653 = tpu.memref_slice %arg6[%add3A_651, %dma_start3A_652] : memref<40x256xi32, #tpu.memory_space<vmem>> -> memref<1x256xi32, #tpu.memory_space<vmem>>
      %dma_start3A_654 = tpu.memref_squeeze %dma_start3A_653 : memref<1x256xi32, #tpu.memory_space<vmem>> -> memref<256xi32, #tpu.memory_space<vmem>>
      %dma_start3A_655 = arith.constant 0 : i32
      %dma_start3A_656 = arith.constant 0 : i32
      %dma_start3A_657 = tpu.memref_slice %arg2[%arg0, %dma_start3A_655, %dma_start3A_656] : memref<2x10000x64xf32, #tpu.memory_space<hbm>> -> memref<1x10000x64xf32, #tpu.memory_space<hbm>>
      %dma_start3A_658 = tpu.memref_squeeze %dma_start3A_657 : memref<1x10000x64xf32, #tpu.memory_space<hbm>> -> memref<10000x64xf32, #tpu.memory_space<hbm>>
      %dma_start3A_659 = arith.constant 0 : i32
      %dma_start3A_660 = arith.constant 0 : i32
      %dma_start3A_661 = tpu.memref_slice %dma_start3A_658[%dma_start3A_659, %dma_start3A_660] : memref<10000x64xf32, #tpu.memory_space<hbm>> -> memref<10000x64xf32, #tpu.memory_space<hbm>>
      tpu.enqueue_indirect_dma source(%dma_start3A_661 : memref<10000x64xf32, #tpu.memory_space<hbm>>) target(%arg11 : memref<256x64xf32, #tpu.memory_space<vmem>>) offsets(%dma_start3A_654 : memref<256xi32, #tpu.memory_space<vmem>>) semaphore(%arg16 : memref<!tpu.dma_semaphore, #tpu.memory_space<semaphore_mem>>)
      %add3A_662 = arith.constant 1 : i32
      %add3A_663 = arith.addi %mul3A_624, %add3A_662 : i32
      %dma_wait3A_664 = arith.constant 0 : i32
      %dma_wait3A_665 = tpu.memref_slice %arg6[%add3A_663, %dma_wait3A_664] : memref<40x256xi32, #tpu.memory_space<vmem>> -> memref<1x256xi32, #tpu.memory_space<vmem>>
      %dma_wait3A_666 = tpu.memref_squeeze %dma_wait3A_665 : memref<1x256xi32, #tpu.memory_space<vmem>> -> memref<256xi32, #tpu.memory_space<vmem>>
      %dma_wait3A_667 = arith.constant 0 : i32
      %dma_wait3A_668 = arith.constant 0 : i32
      %dma_wait3A_669 = tpu.memref_slice %arg2[%arg0, %dma_wait3A_667, %dma_wait3A_668] : memref<2x10000x64xf32, #tpu.memory_space<hbm>> -> memref<1x10000x64xf32, #tpu.memory_space<hbm>>
      %dma_wait3A_670 = tpu.memref_squeeze %dma_wait3A_669 : memref<1x10000x64xf32, #tpu.memory_space<hbm>> -> memref<10000x64xf32, #tpu.memory_space<hbm>>
      %dma_wait3A_671 = arith.constant 0 : i32
      %dma_wait3A_672 = arith.constant 0 : i32
      %dma_wait3A_673 = tpu.memref_slice %dma_wait3A_670[%dma_wait3A_671, %dma_wait3A_672] : memref<10000x64xf32, #tpu.memory_space<hbm>> -> memref<10000x64xf32, #tpu.memory_space<hbm>>
      tpu.wait_indirect_dma semaphore(%arg14 : memref<!tpu.dma_semaphore, #tpu.memory_space<semaphore_mem>>) src(%dma_wait3A_673 : memref<10000x64xf32, #tpu.memory_space<hbm>>) dst(%arg9 : memref<256x64xf32, #tpu.memory_space<vmem>>)
      %dma_start3A_674 = arith.constant 0 : i32
      %dma_start3A_675 = tpu.memref_slice %arg7[%add3A_663, %dma_start3A_674] : memref<40x256xi32, #tpu.memory_space<vmem>> -> memref<1x256xi32, #tpu.memory_space<vmem>>
      %dma_start3A_676 = tpu.memref_squeeze %dma_start3A_675 : memref<1x256xi32, #tpu.memory_space<vmem>> -> memref<256xi32, #tpu.memory_space<vmem>>
      %dma_start3A_677 = arith.constant 0 : i32
      %dma_start3A_678 = arith.constant 0 : i32
      %dma_start3A_679 = tpu.memref_slice %arg12[%dma_start3A_677, %dma_start3A_678] : memref<10112x64xf32, #tpu.memory_space<vmem_shared>> -> memref<10112x64xf32, #tpu.memory_space<vmem_shared>>
      tpu.enqueue_indirect_dma source(%arg9 : memref<256x64xf32, #tpu.memory_space<vmem>>) target(%dma_start3A_679 : memref<10112x64xf32, #tpu.memory_space<vmem_shared>>) offsets(%dma_start3A_676 : memref<256xi32, #tpu.memory_space<vmem>>) semaphore(%arg18 : memref<!tpu.dma_semaphore, #tpu.memory_space<semaphore_mem>>) {add = true}
      %sub3A_680 = arith.constant 1 : i32
      %sub3A_681 = arith.subi %add3A_663, %sub3A_680 : i32
      %dma_wait3A_682 = arith.constant 0 : i32
      %dma_wait3A_683 = tpu.memref_slice %arg7[%sub3A_681, %dma_wait3A_682] : memref<40x256xi32, #tpu.memory_space<vmem>> -> memref<1x256xi32, #tpu.memory_space<vmem>>
      %dma_wait3A_684 = tpu.memref_squeeze %dma_wait3A_683 : memref<1x256xi32, #tpu.memory_space<vmem>> -> memref<256xi32, #tpu.memory_space<vmem>>
      %dma_wait3A_685 = arith.constant 0 : i32
      %dma_wait3A_686 = arith.constant 0 : i32
      %dma_wait3A_687 = tpu.memref_slice %arg12[%dma_wait3A_685, %dma_wait3A_686] : memref<10112x64xf32, #tpu.memory_space<vmem_shared>> -> memref<10112x64xf32, #tpu.memory_space<vmem_shared>>
      tpu.wait_indirect_dma semaphore(%arg17 : memref<!tpu.dma_semaphore, #tpu.memory_space<semaphore_mem>>) src(%arg8 : memref<256x64xf32, #tpu.memory_space<vmem>>) dst(%dma_wait3A_687 : memref<10112x64xf32, #tpu.memory_space<vmem_shared>>)
      %add3A_688 = arith.constant 3 : i32
      %add3A_689 = arith.addi %add3A_663, %add3A_688 : i32
      %dma_start3A_690 = arith.constant 0 : i32
      %dma_start3A_691 = tpu.memref_slice %arg6[%add3A_689, %dma_start3A_690] : memref<40x256xi32, #tpu.memory_space<vmem>> -> memref<1x256xi32, #tpu.memory_space<vmem>>
      %dma_start3A_692 = tpu.memref_squeeze %dma_start3A_691 : memref<1x256xi32, #tpu.memory_space<vmem>> -> memref<256xi32, #tpu.memory_space<vmem>>
      %dma_start3A_693 = arith.constant 0 : i32
      %dma_start3A_694 = arith.constant 0 : i32
      %dma_start3A_695 = tpu.memref_slice %arg2[%arg0, %dma_start3A_693, %dma_start3A_694] : memref<2x10000x64xf32, #tpu.memory_space<hbm>> -> memref<1x10000x64xf32, #tpu.memory_space<hbm>>
      %dma_start3A_696 = tpu.memref_squeeze %dma_start3A_695 : memref<1x10000x64xf32, #tpu.memory_space<hbm>> -> memref<10000x64xf32, #tpu.memory_space<hbm>>
      %dma_start3A_697 = arith.constant 0 : i32
      %dma_start3A_698 = arith.constant 0 : i32
      %dma_start3A_699 = tpu.memref_slice %dma_start3A_696[%dma_start3A_697, %dma_start3A_698] : memref<10000x64xf32, #tpu.memory_space<hbm>> -> memref<10000x64xf32, #tpu.memory_space<hbm>>
      tpu.enqueue_indirect_dma source(%dma_start3A_699 : memref<10000x64xf32, #tpu.memory_space<hbm>>) target(%arg8 : memref<256x64xf32, #tpu.memory_space<vmem>>) offsets(%dma_start3A_692 : memref<256xi32, #tpu.memory_space<vmem>>) semaphore(%arg13 : memref<!tpu.dma_semaphore, #tpu.memory_space<semaphore_mem>>)
      %add3A_700 = arith.constant 2 : i32
      %add3A_701 = arith.addi %mul3A_624, %add3A_700 : i32
      %dma_wait3A_702 = arith.constant 0 : i32
      %dma_wait3A_703 = tpu.memref_slice %arg6[%add3A_701, %dma_wait3A_702] : memref<40x256xi32, #tpu.memory_space<vmem>> -> memref<1x256xi32, #tpu.memory_space<vmem>>
      %dma_wait3A_704 = tpu.memref_squeeze %dma_wait3A_703 : memref<1x256xi32, #tpu.memory_space<vmem>> -> memref<256xi32, #tpu.memory_space<vmem>>
      %dma_wait3A_705 = arith.constant 0 : i32
      %dma_wait3A_706 = arith.constant 0 : i32
      %dma_wait3A_707 = tpu.memref_slice %arg2[%arg0, %dma_wait3A_705, %dma_wait3A_706] : memref<2x10000x64xf32, #tpu.memory_space<hbm>> -> memref<1x10000x64xf32, #tpu.memory_space<hbm>>
      %dma_wait3A_708 = tpu.memref_squeeze %dma_wait3A_707 : memref<1x10000x64xf32, #tpu.memory_space<hbm>> -> memref<10000x64xf32, #tpu.memory_space<hbm>>
      %dma_wait3A_709 = arith.constant 0 : i32
      %dma_wait3A_710 = arith.constant 0 : i32
      %dma_wait3A_711 = tpu.memref_slice %dma_wait3A_708[%dma_wait3A_709, %dma_wait3A_710] : memref<10000x64xf32, #tpu.memory_space<hbm>> -> memref<10000x64xf32, #tpu.memory_space<hbm>>
      tpu.wait_indirect_dma semaphore(%arg15 : memref<!tpu.dma_semaphore, #tpu.memory_space<semaphore_mem>>) src(%dma_wait3A_711 : memref<10000x64xf32, #tpu.memory_space<hbm>>) dst(%arg10 : memref<256x64xf32, #tpu.memory_space<vmem>>)
      %dma_start3A_712 = arith.constant 0 : i32
      %dma_start3A_713 = tpu.memref_slice %arg7[%add3A_701, %dma_start3A_712] : memref<40x256xi32, #tpu.memory_space<vmem>> -> memref<1x256xi32, #tpu.memory_space<vmem>>
      %dma_start3A_714 = tpu.memref_squeeze %dma_start3A_713 : memref<1x256xi32, #tpu.memory_space<vmem>> -> memref<256xi32, #tpu.memory_space<vmem>>
      %dma_start3A_715 = arith.constant 0 : i32
      %dma_start3A_716 = arith.constant 0 : i32
      %dma_start3A_717 = tpu.memref_slice %arg12[%dma_start3A_715, %dma_start3A_716] : memref<10112x64xf32, #tpu.memory_space<vmem_shared>> -> memref<10112x64xf32, #tpu.memory_space<vmem_shared>>
      tpu.enqueue_indirect_dma source(%arg10 : memref<256x64xf32, #tpu.memory_space<vmem>>) target(%dma_start3A_717 : memref<10112x64xf32, #tpu.memory_space<vmem_shared>>) offsets(%dma_start3A_714 : memref<256xi32, #tpu.memory_space<vmem>>) semaphore(%arg19 : memref<!tpu.dma_semaphore, #tpu.memory_space<semaphore_mem>>) {add = true}
      %sub3A_718 = arith.constant 1 : i32
      %sub3A_719 = arith.subi %add3A_701, %sub3A_718 : i32
      %dma_wait3A_720 = arith.constant 0 : i32
      %dma_wait3A_721 = tpu.memref_slice %arg7[%sub3A_719, %dma_wait3A_720] : memref<40x256xi32, #tpu.memory_space<vmem>> -> memref<1x256xi32, #tpu.memory_space<vmem>>
      %dma_wait3A_722 = tpu.memref_squeeze %dma_wait3A_721 : memref<1x256xi32, #tpu.memory_space<vmem>> -> memref<256xi32, #tpu.memory_space<vmem>>
      %dma_wait3A_723 = arith.constant 0 : i32
      %dma_wait3A_724 = arith.constant 0 : i32
      %dma_wait3A_725 = tpu.memref_slice %arg12[%dma_wait3A_723, %dma_wait3A_724] : memref<10112x64xf32, #tpu.memory_space<vmem_shared>> -> memref<10112x64xf32, #tpu.memory_space<vmem_shared>>
      tpu.wait_indirect_dma semaphore(%arg18 : memref<!tpu.dma_semaphore, #tpu.memory_space<semaphore_mem>>) src(%arg9 : memref<256x64xf32, #tpu.memory_space<vmem>>) dst(%dma_wait3A_725 : memref<10112x64xf32, #tpu.memory_space<vmem_shared>>)
      %add3A_726 = arith.constant 3 : i32
      %add3A_727 = arith.addi %add3A_701, %add3A_726 : i32
      %dma_start3A_728 = arith.constant 0 : i32
      %dma_start3A_729 = tpu.memref_slice %arg6[%add3A_727, %dma_start3A_728] : memref<40x256xi32, #tpu.memory_space<vmem>> -> memref<1x256xi32, #tpu.memory_space<vmem>>
      %dma_start3A_730 = tpu.memref_squeeze %dma_start3A_729 : memref<1x256xi32, #tpu.memory_space<vmem>> -> memref<256xi32, #tpu.memory_space<vmem>>
      %dma_start3A_731 = arith.constant 0 : i32
      %dma_start3A_732 = arith.constant 0 : i32
      %dma_start3A_733 = tpu.memref_slice %arg2[%arg0, %dma_start3A_731, %dma_start3A_732] : memref<2x10000x64xf32, #tpu.memory_space<hbm>> -> memref<1x10000x64xf32, #tpu.memory_space<hbm>>
      %dma_start3A_734 = tpu.memref_squeeze %dma_start3A_733 : memref<1x10000x64xf32, #tpu.memory_space<hbm>> -> memref<10000x64xf32, #tpu.memory_space<hbm>>
      %dma_start3A_735 = arith.constant 0 : i32
      %dma_start3A_736 = arith.constant 0 : i32
      %dma_start3A_737 = tpu.memref_slice %dma_start3A_734[%dma_start3A_735, %dma_start3A_736] : memref<10000x64xf32, #tpu.memory_space<hbm>> -> memref<10000x64xf32, #tpu.memory_space<hbm>>
      tpu.enqueue_indirect_dma source(%dma_start3A_737 : memref<10000x64xf32, #tpu.memory_space<hbm>>) target(%arg9 : memref<256x64xf32, #tpu.memory_space<vmem>>) offsets(%dma_start3A_730 : memref<256xi32, #tpu.memory_space<vmem>>) semaphore(%arg14 : memref<!tpu.dma_semaphore, #tpu.memory_space<semaphore_mem>>)
      %add3A_738 = arith.constant 3 : i32
      %add3A_739 = arith.addi %mul3A_624, %add3A_738 : i32
      %dma_wait3A_740 = arith.constant 0 : i32
      %dma_wait3A_741 = tpu.memref_slice %arg6[%add3A_739, %dma_wait3A_740] : memref<40x256xi32, #tpu.memory_space<vmem>> -> memref<1x256xi32, #tpu.memory_space<vmem>>
      %dma_wait3A_742 = tpu.memref_squeeze %dma_wait3A_741 : memref<1x256xi32, #tpu.memory_space<vmem>> -> memref<256xi32, #tpu.memory_space<vmem>>
      %dma_wait3A_743 = arith.constant 0 : i32
      %dma_wait3A_744 = arith.constant 0 : i32
      %dma_wait3A_745 = tpu.memref_slice %arg2[%arg0, %dma_wait3A_743, %dma_wait3A_744] : memref<2x10000x64xf32, #tpu.memory_space<hbm>> -> memref<1x10000x64xf32, #tpu.memory_space<hbm>>
      %dma_wait3A_746 = tpu.memref_squeeze %dma_wait3A_745 : memref<1x10000x64xf32, #tpu.memory_space<hbm>> -> memref<10000x64xf32, #tpu.memory_space<hbm>>
      %dma_wait3A_747 = arith.constant 0 : i32
      %dma_wait3A_748 = arith.constant 0 : i32
      %dma_wait3A_749 = tpu.memref_slice %dma_wait3A_746[%dma_wait3A_747, %dma_wait3A_748] : memref<10000x64xf32, #tpu.memory_space<hbm>> -> memref<10000x64xf32, #tpu.memory_space<hbm>>
      tpu.wait_indirect_dma semaphore(%arg16 : memref<!tpu.dma_semaphore, #tpu.memory_space<semaphore_mem>>) src(%dma_wait3A_749 : memref<10000x64xf32, #tpu.memory_space<hbm>>) dst(%arg11 : memref<256x64xf32, #tpu.memory_space<vmem>>)
      %dma_start3A_750 = arith.constant 0 : i32
      %dma_start3A_751 = tpu.memref_slice %arg7[%add3A_739, %dma_start3A_750] : memref<40x256xi32, #tpu.memory_space<vmem>> -> memref<1x256xi32, #tpu.memory_space<vmem>>
      %dma_start3A_752 = tpu.memref_squeeze %dma_start3A_751 : memref<1x256xi32, #tpu.memory_space<vmem>> -> memref<256xi32, #tpu.memory_space<vmem>>
      %dma_start3A_753 = arith.constant 0 : i32
      %dma_start3A_754 = arith.constant 0 : i32
      %dma_start3A_755 = tpu.memref_slice %arg12[%dma_start3A_753, %dma_start3A_754] : memref<10112x64xf32, #tpu.memory_space<vmem_shared>> -> memref<10112x64xf32, #tpu.memory_space<vmem_shared>>
      tpu.enqueue_indirect_dma source(%arg11 : memref<256x64xf32, #tpu.memory_space<vmem>>) target(%dma_start3A_755 : memref<10112x64xf32, #tpu.memory_space<vmem_shared>>) offsets(%dma_start3A_752 : memref<256xi32, #tpu.memory_space<vmem>>) semaphore(%arg20 : memref<!tpu.dma_semaphore, #tpu.memory_space<semaphore_mem>>) {add = true}
      %sub3A_756 = arith.constant 1 : i32
      %sub3A_757 = arith.subi %add3A_739, %sub3A_756 : i32
      %dma_wait3A_758 = arith.constant 0 : i32
      %dma_wait3A_759 = tpu.memref_slice %arg7[%sub3A_757, %dma_wait3A_758] : memref<40x256xi32, #tpu.memory_space<vmem>> -> memref<1x256xi32, #tpu.memory_space<vmem>>
      %dma_wait3A_760 = tpu.memref_squeeze %dma_wait3A_759 : memref<1x256xi32, #tpu.memory_space<vmem>> -> memref<256xi32, #tpu.memory_space<vmem>>
      %dma_wait3A_761 = arith.constant 0 : i32
      %dma_wait3A_762 = arith.constant 0 : i32
      %dma_wait3A_763 = tpu.memref_slice %arg12[%dma_wait3A_761, %dma_wait3A_762] : memref<10112x64xf32, #tpu.memory_space<vmem_shared>> -> memref<10112x64xf32, #tpu.memory_space<vmem_shared>>
      tpu.wait_indirect_dma semaphore(%arg19 : memref<!tpu.dma_semaphore, #tpu.memory_space<semaphore_mem>>) src(%arg10 : memref<256x64xf32, #tpu.memory_space<vmem>>) dst(%dma_wait3A_763 : memref<10112x64xf32, #tpu.memory_space<vmem_shared>>)
      %add3A_764 = arith.constant 3 : i32
      %add3A_765 = arith.addi %add3A_739, %add3A_764 : i32
      %dma_start3A_766 = arith.constant 0 : i32
      %dma_start3A_767 = tpu.memref_slice %arg6[%add3A_765, %dma_start3A_766] : memref<40x256xi32, #tpu.memory_space<vmem>> -> memref<1x256xi32, #tpu.memory_space<vmem>>
      %dma_start3A_768 = tpu.memref_squeeze %dma_start3A_767 : memref<1x256xi32, #tpu.memory_space<vmem>> -> memref<256xi32, #tpu.memory_space<vmem>>
      %dma_start3A_769 = arith.constant 0 : i32
      %dma_start3A_770 = arith.constant 0 : i32
      %dma_start3A_771 = tpu.memref_slice %arg2[%arg0, %dma_start3A_769, %dma_start3A_770] : memref<2x10000x64xf32, #tpu.memory_space<hbm>> -> memref<1x10000x64xf32, #tpu.memory_space<hbm>>
      %dma_start3A_772 = tpu.memref_squeeze %dma_start3A_771 : memref<1x10000x64xf32, #tpu.memory_space<hbm>> -> memref<10000x64xf32, #tpu.memory_space<hbm>>
      %dma_start3A_773 = arith.constant 0 : i32
      %dma_start3A_774 = arith.constant 0 : i32
      %dma_start3A_775 = tpu.memref_slice %dma_start3A_772[%dma_start3A_773, %dma_start3A_774] : memref<10000x64xf32, #tpu.memory_space<hbm>> -> memref<10000x64xf32, #tpu.memory_space<hbm>>
      tpu.enqueue_indirect_dma source(%dma_start3A_775 : memref<10000x64xf32, #tpu.memory_space<hbm>>) target(%arg10 : memref<256x64xf32, #tpu.memory_space<vmem>>) offsets(%dma_start3A_768 : memref<256xi32, #tpu.memory_space<vmem>>) semaphore(%arg15 : memref<!tpu.dma_semaphore, #tpu.memory_space<semaphore_mem>>)
    }
    %scan3A_482 = arith.constant 8 : i32
    %dma_wait3A_483 = arith.constant 36 : i32
    %dma_wait3A_484 = arith.constant 0 : i32
    %dma_wait3A_485 = tpu.memref_slice %arg6[%dma_wait3A_483, %dma_wait3A_484] : memref<40x256xi32, #tpu.memory_space<vmem>> -> memref<1x256xi32, #tpu.memory_space<vmem>>
    %dma_wait3A_486 = tpu.memref_squeeze %dma_wait3A_485 : memref<1x256xi32, #tpu.memory_space<vmem>> -> memref<256xi32, #tpu.memory_space<vmem>>
    %dma_wait3A_487 = arith.constant 0 : i32
    %dma_wait3A_488 = arith.constant 0 : i32
    %dma_wait3A_489 = tpu.memref_slice %arg2[%arg0, %dma_wait3A_487, %dma_wait3A_488] : memref<2x10000x64xf32, #tpu.memory_space<hbm>> -> memref<1x10000x64xf32, #tpu.memory_space<hbm>>
    %dma_wait3A_490 = tpu.memref_squeeze %dma_wait3A_489 : memref<1x10000x64xf32, #tpu.memory_space<hbm>> -> memref<10000x64xf32, #tpu.memory_space<hbm>>
    %dma_wait3A_491 = arith.constant 0 : i32
    %dma_wait3A_492 = arith.constant 0 : i32
    %dma_wait3A_493 = tpu.memref_slice %dma_wait3A_490[%dma_wait3A_491, %dma_wait3A_492] : memref<10000x64xf32, #tpu.memory_space<hbm>> -> memref<10000x64xf32, #tpu.memory_space<hbm>>
    tpu.wait_indirect_dma semaphore(%arg13 : memref<!tpu.dma_semaphore, #tpu.memory_space<semaphore_mem>>) src(%dma_wait3A_493 : memref<10000x64xf32, #tpu.memory_space<hbm>>) dst(%arg8 : memref<256x64xf32, #tpu.memory_space<vmem>>)
    %dma_start3A_494 = arith.constant 36 : i32
    %dma_start3A_495 = arith.constant 0 : i32
    %dma_start3A_496 = tpu.memref_slice %arg7[%dma_start3A_494, %dma_start3A_495] : memref<40x256xi32, #tpu.memory_space<vmem>> -> memref<1x256xi32, #tpu.memory_space<vmem>>
    %dma_start3A_497 = tpu.memref_squeeze %dma_start3A_496 : memref<1x256xi32, #tpu.memory_space<vmem>> -> memref<256xi32, #tpu.memory_space<vmem>>
    %dma_start3A_498 = arith.constant 0 : i32
    %dma_start3A_499 = arith.constant 0 : i32
    %dma_start3A_500 = tpu.memref_slice %arg12[%dma_start3A_498, %dma_start3A_499] : memref<10112x64xf32, #tpu.memory_space<vmem_shared>> -> memref<10112x64xf32, #tpu.memory_space<vmem_shared>>
    tpu.enqueue_indirect_dma source(%arg8 : memref<256x64xf32, #tpu.memory_space<vmem>>) target(%dma_start3A_500 : memref<10112x64xf32, #tpu.memory_space<vmem_shared>>) offsets(%dma_start3A_497 : memref<256xi32, #tpu.memory_space<vmem>>) semaphore(%arg17 : memref<!tpu.dma_semaphore, #tpu.memory_space<semaphore_mem>>) {add = true}
    %dma_wait3A_501 = arith.constant 35 : i32
    %dma_wait3A_502 = arith.constant 0 : i32
    %dma_wait3A_503 = tpu.memref_slice %arg7[%dma_wait3A_501, %dma_wait3A_502] : memref<40x256xi32, #tpu.memory_space<vmem>> -> memref<1x256xi32, #tpu.memory_space<vmem>>
    %dma_wait3A_504 = tpu.memref_squeeze %dma_wait3A_503 : memref<1x256xi32, #tpu.memory_space<vmem>> -> memref<256xi32, #tpu.memory_space<vmem>>
    %dma_wait3A_505 = arith.constant 0 : i32
    %dma_wait3A_506 = arith.constant 0 : i32
    %dma_wait3A_507 = tpu.memref_slice %arg12[%dma_wait3A_505, %dma_wait3A_506] : memref<10112x64xf32, #tpu.memory_space<vmem_shared>> -> memref<10112x64xf32, #tpu.memory_space<vmem_shared>>
    tpu.wait_indirect_dma semaphore(%arg20 : memref<!tpu.dma_semaphore, #tpu.memory_space<semaphore_mem>>) src(%arg11 : memref<256x64xf32, #tpu.memory_space<vmem>>) dst(%dma_wait3A_507 : memref<10112x64xf32, #tpu.memory_space<vmem_shared>>)
    %dma_start3A_508 = arith.constant 39 : i32
    %dma_start3A_509 = arith.constant 0 : i32
    %dma_start3A_510 = tpu.memref_slice %arg6[%dma_start3A_508, %dma_start3A_509] : memref<40x256xi32, #tpu.memory_space<vmem>> -> memref<1x256xi32, #tpu.memory_space<vmem>>
    %dma_start3A_511 = tpu.memref_squeeze %dma_start3A_510 : memref<1x256xi32, #tpu.memory_space<vmem>> -> memref<256xi32, #tpu.memory_space<vmem>>
    %dma_start3A_512 = arith.constant 0 : i32
    %dma_start3A_513 = arith.constant 0 : i32
    %dma_start3A_514 = tpu.memref_slice %arg2[%arg0, %dma_start3A_512, %dma_start3A_513] : memref<2x10000x64xf32, #tpu.memory_space<hbm>> -> memref<1x10000x64xf32, #tpu.memory_space<hbm>>
    %dma_start3A_515 = tpu.memref_squeeze %dma_start3A_514 : memref<1x10000x64xf32, #tpu.memory_space<hbm>> -> memref<10000x64xf32, #tpu.memory_space<hbm>>
    %dma_start3A_516 = arith.constant 0 : i32
    %dma_start3A_517 = arith.constant 0 : i32
    %dma_start3A_518 = tpu.memref_slice %dma_start3A_515[%dma_start3A_516, %dma_start3A_517] : memref<10000x64xf32, #tpu.memory_space<hbm>> -> memref<10000x64xf32, #tpu.memory_space<hbm>>
    tpu.enqueue_indirect_dma source(%dma_start3A_518 : memref<10000x64xf32, #tpu.memory_space<hbm>>) target(%arg11 : memref<256x64xf32, #tpu.memory_space<vmem>>) offsets(%dma_start3A_511 : memref<256xi32, #tpu.memory_space<vmem>>) semaphore(%arg16 : memref<!tpu.dma_semaphore, #tpu.memory_space<semaphore_mem>>)
    %dma_wait3A_519 = arith.constant 37 : i32
    %dma_wait3A_520 = arith.constant 0 : i32
    %dma_wait3A_521 = tpu.memref_slice %arg6[%dma_wait3A_519, %dma_wait3A_520] : memref<40x256xi32, #tpu.memory_space<vmem>> -> memref<1x256xi32, #tpu.memory_space<vmem>>
    %dma_wait3A_522 = tpu.memref_squeeze %dma_wait3A_521 : memref<1x256xi32, #tpu.memory_space<vmem>> -> memref<256xi32, #tpu.memory_space<vmem>>
    %dma_wait3A_523 = arith.constant 0 : i32
    %dma_wait3A_524 = arith.constant 0 : i32
    %dma_wait3A_525 = tpu.memref_slice %arg2[%arg0, %dma_wait3A_523, %dma_wait3A_524] : memref<2x10000x64xf32, #tpu.memory_space<hbm>> -> memref<1x10000x64xf32, #tpu.memory_space<hbm>>
    %dma_wait3A_526 = tpu.memref_squeeze %dma_wait3A_525 : memref<1x10000x64xf32, #tpu.memory_space<hbm>> -> memref<10000x64xf32, #tpu.memory_space<hbm>>
    %dma_wait3A_527 = arith.constant 0 : i32
    %dma_wait3A_528 = arith.constant 0 : i32
    %dma_wait3A_529 = tpu.memref_slice %dma_wait3A_526[%dma_wait3A_527, %dma_wait3A_528] : memref<10000x64xf32, #tpu.memory_space<hbm>> -> memref<10000x64xf32, #tpu.memory_space<hbm>>
    tpu.wait_indirect_dma semaphore(%arg14 : memref<!tpu.dma_semaphore, #tpu.memory_space<semaphore_mem>>) src(%dma_wait3A_529 : memref<10000x64xf32, #tpu.memory_space<hbm>>) dst(%arg9 : memref<256x64xf32, #tpu.memory_space<vmem>>)
    %dma_start3A_530 = arith.constant 37 : i32
    %dma_start3A_531 = arith.constant 0 : i32
    %dma_start3A_532 = tpu.memref_slice %arg7[%dma_start3A_530, %dma_start3A_531] : memref<40x256xi32, #tpu.memory_space<vmem>> -> memref<1x256xi32, #tpu.memory_space<vmem>>
    %dma_start3A_533 = tpu.memref_squeeze %dma_start3A_532 : memref<1x256xi32, #tpu.memory_space<vmem>> -> memref<256xi32, #tpu.memory_space<vmem>>
    %dma_start3A_534 = arith.constant 0 : i32
    %dma_start3A_535 = arith.constant 0 : i32
    %dma_start3A_536 = tpu.memref_slice %arg12[%dma_start3A_534, %dma_start3A_535] : memref<10112x64xf32, #tpu.memory_space<vmem_shared>> -> memref<10112x64xf32, #tpu.memory_space<vmem_shared>>
    tpu.enqueue_indirect_dma source(%arg9 : memref<256x64xf32, #tpu.memory_space<vmem>>) target(%dma_start3A_536 : memref<10112x64xf32, #tpu.memory_space<vmem_shared>>) offsets(%dma_start3A_533 : memref<256xi32, #tpu.memory_space<vmem>>) semaphore(%arg18 : memref<!tpu.dma_semaphore, #tpu.memory_space<semaphore_mem>>) {add = true}
    %dma_wait3A_537 = arith.constant 36 : i32
    %dma_wait3A_538 = arith.constant 0 : i32
    %dma_wait3A_539 = tpu.memref_slice %arg7[%dma_wait3A_537, %dma_wait3A_538] : memref<40x256xi32, #tpu.memory_space<vmem>> -> memref<1x256xi32, #tpu.memory_space<vmem>>
    %dma_wait3A_540 = tpu.memref_squeeze %dma_wait3A_539 : memref<1x256xi32, #tpu.memory_space<vmem>> -> memref<256xi32, #tpu.memory_space<vmem>>
    %dma_wait3A_541 = arith.constant 0 : i32
    %dma_wait3A_542 = arith.constant 0 : i32
    %dma_wait3A_543 = tpu.memref_slice %arg12[%dma_wait3A_541, %dma_wait3A_542] : memref<10112x64xf32, #tpu.memory_space<vmem_shared>> -> memref<10112x64xf32, #tpu.memory_space<vmem_shared>>
    tpu.wait_indirect_dma semaphore(%arg17 : memref<!tpu.dma_semaphore, #tpu.memory_space<semaphore_mem>>) src(%arg8 : memref<256x64xf32, #tpu.memory_space<vmem>>) dst(%dma_wait3A_543 : memref<10112x64xf32, #tpu.memory_space<vmem_shared>>)
    %dma_wait3A_544 = arith.constant 38 : i32
    %dma_wait3A_545 = arith.constant 0 : i32
    %dma_wait3A_546 = tpu.memref_slice %arg6[%dma_wait3A_544, %dma_wait3A_545] : memref<40x256xi32, #tpu.memory_space<vmem>> -> memref<1x256xi32, #tpu.memory_space<vmem>>
    %dma_wait3A_547 = tpu.memref_squeeze %dma_wait3A_546 : memref<1x256xi32, #tpu.memory_space<vmem>> -> memref<256xi32, #tpu.memory_space<vmem>>
    %dma_wait3A_548 = arith.constant 0 : i32
    %dma_wait3A_549 = arith.constant 0 : i32
    %dma_wait3A_550 = tpu.memref_slice %arg2[%arg0, %dma_wait3A_548, %dma_wait3A_549] : memref<2x10000x64xf32, #tpu.memory_space<hbm>> -> memref<1x10000x64xf32, #tpu.memory_space<hbm>>
    %dma_wait3A_551 = tpu.memref_squeeze %dma_wait3A_550 : memref<1x10000x64xf32, #tpu.memory_space<hbm>> -> memref<10000x64xf32, #tpu.memory_space<hbm>>
    %dma_wait3A_552 = arith.constant 0 : i32
    %dma_wait3A_553 = arith.constant 0 : i32
    %dma_wait3A_554 = tpu.memref_slice %dma_wait3A_551[%dma_wait3A_552, %dma_wait3A_553] : memref<10000x64xf32, #tpu.memory_space<hbm>> -> memref<10000x64xf32, #tpu.memory_space<hbm>>
    tpu.wait_indirect_dma semaphore(%arg15 : memref<!tpu.dma_semaphore, #tpu.memory_space<semaphore_mem>>) src(%dma_wait3A_554 : memref<10000x64xf32, #tpu.memory_space<hbm>>) dst(%arg10 : memref<256x64xf32, #tpu.memory_space<vmem>>)
    %dma_start3A_555 = arith.constant 38 : i32
    %dma_start3A_556 = arith.constant 0 : i32
    %dma_start3A_557 = tpu.memref_slice %arg7[%dma_start3A_555, %dma_start3A_556] : memref<40x256xi32, #tpu.memory_space<vmem>> -> memref<1x256xi32, #tpu.memory_space<vmem>>
    %dma_start3A_558 = tpu.memref_squeeze %dma_start3A_557 : memref<1x256xi32, #tpu.memory_space<vmem>> -> memref<256xi32, #tpu.memory_space<vmem>>
    %dma_start3A_559 = arith.constant 0 : i32
    %dma_start3A_560 = arith.constant 0 : i32
    %dma_start3A_561 = tpu.memref_slice %arg12[%dma_start3A_559, %dma_start3A_560] : memref<10112x64xf32, #tpu.memory_space<vmem_shared>> -> memref<10112x64xf32, #tpu.memory_space<vmem_shared>>
    tpu.enqueue_indirect_dma source(%arg10 : memref<256x64xf32, #tpu.memory_space<vmem>>) target(%dma_start3A_561 : memref<10112x64xf32, #tpu.memory_space<vmem_shared>>) offsets(%dma_start3A_558 : memref<256xi32, #tpu.memory_space<vmem>>) semaphore(%arg19 : memref<!tpu.dma_semaphore, #tpu.memory_space<semaphore_mem>>) {add = true}
    %dma_wait3A_562 = arith.constant 37 : i32
    %dma_wait3A_563 = arith.constant 0 : i32
    %dma_wait3A_564 = tpu.memref_slice %arg7[%dma_wait3A_562, %dma_wait3A_563] : memref<40x256xi32, #tpu.memory_space<vmem>> -> memref<1x256xi32, #tpu.memory_space<vmem>>
    %dma_wait3A_565 = tpu.memref_squeeze %dma_wait3A_564 : memref<1x256xi32, #tpu.memory_space<vmem>> -> memref<256xi32, #tpu.memory_space<vmem>>
    %dma_wait3A_566 = arith.constant 0 : i32
    %dma_wait3A_567 = arith.constant 0 : i32
    %dma_wait3A_568 = tpu.memref_slice %arg12[%dma_wait3A_566, %dma_wait3A_567] : memref<10112x64xf32, #tpu.memory_space<vmem_shared>> -> memref<10112x64xf32, #tpu.memory_space<vmem_shared>>
    tpu.wait_indirect_dma semaphore(%arg18 : memref<!tpu.dma_semaphore, #tpu.memory_space<semaphore_mem>>) src(%arg9 : memref<256x64xf32, #tpu.memory_space<vmem>>) dst(%dma_wait3A_568 : memref<10112x64xf32, #tpu.memory_space<vmem_shared>>)
    %dma_wait3A_569 = arith.constant 39 : i32
    %dma_wait3A_570 = arith.constant 0 : i32
    %dma_wait3A_571 = tpu.memref_slice %arg6[%dma_wait3A_569, %dma_wait3A_570] : memref<40x256xi32, #tpu.memory_space<vmem>> -> memref<1x256xi32, #tpu.memory_space<vmem>>
    %dma_wait3A_572 = tpu.memref_squeeze %dma_wait3A_571 : memref<1x256xi32, #tpu.memory_space<vmem>> -> memref<256xi32, #tpu.memory_space<vmem>>
    %dma_wait3A_573 = arith.constant 0 : i32
    %dma_wait3A_574 = arith.constant 0 : i32
    %dma_wait3A_575 = tpu.memref_slice %arg2[%arg0, %dma_wait3A_573, %dma_wait3A_574] : memref<2x10000x64xf32, #tpu.memory_space<hbm>> -> memref<1x10000x64xf32, #tpu.memory_space<hbm>>
    %dma_wait3A_576 = tpu.memref_squeeze %dma_wait3A_575 : memref<1x10000x64xf32, #tpu.memory_space<hbm>> -> memref<10000x64xf32, #tpu.memory_space<hbm>>
    %dma_wait3A_577 = arith.constant 0 : i32
    %dma_wait3A_578 = arith.constant 0 : i32
    %dma_wait3A_579 = tpu.memref_slice %dma_wait3A_576[%dma_wait3A_577, %dma_wait3A_578] : memref<10000x64xf32, #tpu.memory_space<hbm>> -> memref<10000x64xf32, #tpu.memory_space<hbm>>
    tpu.wait_indirect_dma semaphore(%arg16 : memref<!tpu.dma_semaphore, #tpu.memory_space<semaphore_mem>>) src(%dma_wait3A_579 : memref<10000x64xf32, #tpu.memory_space<hbm>>) dst(%arg11 : memref<256x64xf32, #tpu.memory_space<vmem>>)
    %dma_start3A_580 = arith.constant 39 : i32
    %dma_start3A_581 = arith.constant 0 : i32
    %dma_start3A_582 = tpu.memref_slice %arg7[%dma_start3A_580, %dma_start3A_581] : memref<40x256xi32, #tpu.memory_space<vmem>> -> memref<1x256xi32, #tpu.memory_space<vmem>>
    %dma_start3A_583 = tpu.memref_squeeze %dma_start3A_582 : memref<1x256xi32, #tpu.memory_space<vmem>> -> memref<256xi32, #tpu.memory_space<vmem>>
    %dma_start3A_584 = arith.constant 0 : i32
    %dma_start3A_585 = arith.constant 0 : i32
    %dma_start3A_586 = tpu.memref_slice %arg12[%dma_start3A_584, %dma_start3A_585] : memref<10112x64xf32, #tpu.memory_space<vmem_shared>> -> memref<10112x64xf32, #tpu.memory_space<vmem_shared>>
    tpu.enqueue_indirect_dma source(%arg11 : memref<256x64xf32, #tpu.memory_space<vmem>>) target(%dma_start3A_586 : memref<10112x64xf32, #tpu.memory_space<vmem_shared>>) offsets(%dma_start3A_583 : memref<256xi32, #tpu.memory_space<vmem>>) semaphore(%arg20 : memref<!tpu.dma_semaphore, #tpu.memory_space<semaphore_mem>>) {add = true}
    %dma_wait3A_587 = arith.constant 38 : i32
    %dma_wait3A_588 = arith.constant 0 : i32
    %dma_wait3A_589 = tpu.memref_slice %arg7[%dma_wait3A_587, %dma_wait3A_588] : memref<40x256xi32, #tpu.memory_space<vmem>> -> memref<1x256xi32, #tpu.memory_space<vmem>>
    %dma_wait3A_590 = tpu.memref_squeeze %dma_wait3A_589 : memref<1x256xi32, #tpu.memory_space<vmem>> -> memref<256xi32, #tpu.memory_space<vmem>>
    %dma_wait3A_591 = arith.constant 0 : i32
    %dma_wait3A_592 = arith.constant 0 : i32
    %dma_wait3A_593 = tpu.memref_slice %arg12[%dma_wait3A_591, %dma_wait3A_592] : memref<10112x64xf32, #tpu.memory_space<vmem_shared>> -> memref<10112x64xf32, #tpu.memory_space<vmem_shared>>
    tpu.wait_indirect_dma semaphore(%arg19 : memref<!tpu.dma_semaphore, #tpu.memory_space<semaphore_mem>>) src(%arg10 : memref<256x64xf32, #tpu.memory_space<vmem>>) dst(%dma_wait3A_593 : memref<10112x64xf32, #tpu.memory_space<vmem_shared>>)
    %dma_wait3A_594 = arith.constant 39 : i32
    %dma_wait3A_595 = arith.constant 0 : i32
    %dma_wait3A_596 = tpu.memref_slice %arg7[%dma_wait3A_594, %dma_wait3A_595] : memref<40x256xi32, #tpu.memory_space<vmem>> -> memref<1x256xi32, #tpu.memory_space<vmem>>
    %dma_wait3A_597 = tpu.memref_squeeze %dma_wait3A_596 : memref<1x256xi32, #tpu.memory_space<vmem>> -> memref<256xi32, #tpu.memory_space<vmem>>
    %dma_wait3A_598 = arith.constant 0 : i32
    %dma_wait3A_599 = arith.constant 0 : i32
    %dma_wait3A_600 = tpu.memref_slice %arg12[%dma_wait3A_598, %dma_wait3A_599] : memref<10112x64xf32, #tpu.memory_space<vmem_shared>> -> memref<10112x64xf32, #tpu.memory_space<vmem_shared>>
    tpu.wait_indirect_dma semaphore(%arg20 : memref<!tpu.dma_semaphore, #tpu.memory_space<semaphore_mem>>) src(%arg11 : memref<256x64xf32, #tpu.memory_space<vmem>>) dst(%dma_wait3A_600 : memref<10112x64xf32, #tpu.memory_space<vmem_shared>>)
    %barrier3A_601 = arith.constant 0 : index
    tpu.barrier barrier_id(%barrier3A_601)
    %add3A_602 = arith.constant 0 : i32
    %add3A_603 = arith.addi %mul3A_0, %add3A_602 : i32
    "tpu.region"() ({
      %run_scoped3A = tpu.sem_alloc : memref<!tpu.dma_semaphore, #tpu.memory_space<semaphore_mem>>
      %dma_start3A_622 = arith.constant 0 : i32
      %dma_start3A_623 = arith.constant 0 : i32
      %dma_start3A_624 = tpu.memref_slice %arg8[%dma_start3A_622, %dma_start3A_623] : memref<256x64xf32, #tpu.memory_space<vmem>> -> memref<128x64xf32, #tpu.memory_space<vmem>>
      %dma_start3A_625 = arith.constant 0 : i32
      %dma_start3A_626 = tpu.memref_slice %arg12[%add3A_603, %dma_start3A_625] : memref<10112x64xf32, #tpu.memory_space<vmem_shared>> -> memref<128x64xf32, #tpu.memory_space<vmem_shared>>
      %dma_start3A_627 = arith.constant 0 : i32
      %dma_start3A_628 = arith.constant 0 : i32
      %dma_start3A_629 = tpu.memref_slice %arg8[%dma_start3A_627, %dma_start3A_628] : memref<256x64xf32, #tpu.memory_space<vmem>> -> memref<128x64xf32, #tpu.memory_space<vmem>>
      %dma_start3A_630 = arith.constant 0 : i32
      %dma_start3A_631 = tpu.memref_slice %arg12[%add3A_603, %dma_start3A_630] : memref<10112x64xf32, #tpu.memory_space<vmem_shared>> -> memref<128x64xf32, #tpu.memory_space<vmem_shared>>
      tpu.enqueue_dma source(%dma_start3A_631 : memref<128x64xf32, #tpu.memory_space<vmem_shared>>) target(%dma_start3A_629 : memref<128x64xf32, #tpu.memory_space<vmem>>) target_semaphore(%run_scoped3A : memref<!tpu.dma_semaphore, #tpu.memory_space<semaphore_mem>>)
      %dma_wait3A_632 = arith.constant 0 : i32
      %dma_wait3A_633 = arith.constant 0 : i32
      %dma_wait3A_634 = tpu.memref_slice %arg8[%dma_wait3A_632, %dma_wait3A_633] : memref<256x64xf32, #tpu.memory_space<vmem>> -> memref<128x64xf32, #tpu.memory_space<vmem>>
      %dma_wait3A_635 = arith.constant 0 : i32
      %dma_wait3A_636 = tpu.memref_slice %arg12[%add3A_603, %dma_wait3A_635] : memref<10112x64xf32, #tpu.memory_space<vmem_shared>> -> memref<128x64xf32, #tpu.memory_space<vmem_shared>>
      %dma_wait3A_637 = arith.constant 0 : i32
      %dma_wait3A_638 = arith.constant 0 : i32
      %dma_wait3A_639 = tpu.memref_slice %arg8[%dma_wait3A_637, %dma_wait3A_638] : memref<256x64xf32, #tpu.memory_space<vmem>> -> memref<128x64xf32, #tpu.memory_space<vmem>>
      %dma_wait3A_640 = arith.constant 0 : i32
      %dma_wait3A_641 = tpu.memref_slice %arg12[%add3A_603, %dma_wait3A_640] : memref<10112x64xf32, #tpu.memory_space<vmem_shared>> -> memref<128x64xf32, #tpu.memory_space<vmem_shared>>
      tpu.wait_dma2 semaphore(%run_scoped3A : memref<!tpu.dma_semaphore, #tpu.memory_space<semaphore_mem>>) src(%dma_wait3A_641 : memref<128x64xf32, #tpu.memory_space<vmem_shared>>) dst(%dma_wait3A_639 : memref<128x64xf32, #tpu.memory_space<vmem>>)
      tpu.yield
    }) : () -> ()
    %add3A_604 = arith.constant 0 : i32
    %add3A_605 = arith.addi %mul3A_0, %add3A_604 : i32
    "tpu.region"() ({
      %run_scoped3A = tpu.sem_alloc : memref<!tpu.dma_semaphore, #tpu.memory_space<semaphore_mem>>
      %dma_start3A_622 = arith.constant 0 : i32
      %dma_start3A_623 = arith.constant 0 : i32
      %dma_start3A_624 = tpu.memref_slice %arg8[%dma_start3A_622, %dma_start3A_623] : memref<256x64xf32, #tpu.memory_space<vmem>> -> memref<128x64xf32, #tpu.memory_space<vmem>>
      %dma_start3A_625 = arith.constant 0 : i32
      %dma_start3A_626 = arith.constant 0 : i32
      %dma_start3A_627 = tpu.memref_slice %arg5[%arg0, %dma_start3A_625, %dma_start3A_626] : memref<2x10112x64xf32, #tpu.memory_space<hbm>> -> memref<1x10112x64xf32, #tpu.memory_space<hbm>>
      %dma_start3A_628 = tpu.memref_squeeze %dma_start3A_627 : memref<1x10112x64xf32, #tpu.memory_space<hbm>> -> memref<10112x64xf32, #tpu.memory_space<hbm>>
      %dma_start3A_629 = arith.constant 0 : i32
      %dma_start3A_630 = tpu.memref_slice %dma_start3A_628[%add3A_605, %dma_start3A_629] : memref<10112x64xf32, #tpu.memory_space<hbm>> -> memref<128x64xf32, #tpu.memory_space<hbm>>
      %dma_start3A_631 = arith.constant 0 : i32
      %dma_start3A_632 = arith.constant 0 : i32
      %dma_start3A_633 = tpu.memref_slice %arg5[%arg0, %dma_start3A_631, %dma_start3A_632] : memref<2x10112x64xf32, #tpu.memory_space<hbm>> -> memref<1x10112x64xf32, #tpu.memory_space<hbm>>
      %dma_start3A_634 = tpu.memref_squeeze %dma_start3A_633 : memref<1x10112x64xf32, #tpu.memory_space<hbm>> -> memref<10112x64xf32, #tpu.memory_space<hbm>>
      %dma_start3A_635 = arith.constant 0 : i32
      %dma_start3A_636 = tpu.memref_slice %dma_start3A_634[%add3A_605, %dma_start3A_635] : memref<10112x64xf32, #tpu.memory_space<hbm>> -> memref<128x64xf32, #tpu.memory_space<hbm>>
      %dma_start3A_637 = arith.constant 0 : i32
      %dma_start3A_638 = arith.constant 0 : i32
      %dma_start3A_639 = tpu.memref_slice %arg8[%dma_start3A_637, %dma_start3A_638] : memref<256x64xf32, #tpu.memory_space<vmem>> -> memref<128x64xf32, #tpu.memory_space<vmem>>
      tpu.enqueue_dma source(%dma_start3A_639 : memref<128x64xf32, #tpu.memory_space<vmem>>) target(%dma_start3A_636 : memref<128x64xf32, #tpu.memory_space<hbm>>) target_semaphore(%run_scoped3A : memref<!tpu.dma_semaphore, #tpu.memory_space<semaphore_mem>>)
      %dma_wait3A_640 = arith.constant 0 : i32
      %dma_wait3A_641 = arith.constant 0 : i32
      %dma_wait3A_642 = tpu.memref_slice %arg8[%dma_wait3A_640, %dma_wait3A_641] : memref<256x64xf32, #tpu.memory_space<vmem>> -> memref<128x64xf32, #tpu.memory_space<vmem>>
      %dma_wait3A_643 = arith.constant 0 : i32
      %dma_wait3A_644 = arith.constant 0 : i32
      %dma_wait3A_645 = tpu.memref_slice %arg5[%arg0, %dma_wait3A_643, %dma_wait3A_644] : memref<2x10112x64xf32, #tpu.memory_space<hbm>> -> memref<1x10112x64xf32, #tpu.memory_space<hbm>>
      %dma_wait3A_646 = tpu.memref_squeeze %dma_wait3A_645 : memref<1x10112x64xf32, #tpu.memory_space<hbm>> -> memref<10112x64xf32, #tpu.memory_space<hbm>>
      %dma_wait3A_647 = arith.constant 0 : i32
      %dma_wait3A_648 = tpu.memref_slice %dma_wait3A_646[%add3A_605, %dma_wait3A_647] : memref<10112x64xf32, #tpu.memory_space<hbm>> -> memref<128x64xf32, #tpu.memory_space<hbm>>
      %dma_wait3A_649 = arith.constant 0 : i32
      %dma_wait3A_650 = arith.constant 0 : i32
      %dma_wait3A_651 = tpu.memref_slice %arg5[%arg0, %dma_wait3A_649, %dma_wait3A_650] : memref<2x10112x64xf32, #tpu.memory_space<hbm>> -> memref<1x10112x64xf32, #tpu.memory_space<hbm>>
      %dma_wait3A_652 = tpu.memref_squeeze %dma_wait3A_651 : memref<1x10112x64xf32, #tpu.memory_space<hbm>> -> memref<10112x64xf32, #tpu.memory_space<hbm>>
      %dma_wait3A_653 = arith.constant 0 : i32
      %dma_wait3A_654 = tpu.memref_slice %dma_wait3A_652[%add3A_605, %dma_wait3A_653] : memref<10112x64xf32, #tpu.memory_space<hbm>> -> memref<128x64xf32, #tpu.memory_space<hbm>>
      %dma_wait3A_655 = arith.constant 0 : i32
      %dma_wait3A_656 = arith.constant 0 : i32
      %dma_wait3A_657 = tpu.memref_slice %arg8[%dma_wait3A_655, %dma_wait3A_656] : memref<256x64xf32, #tpu.memory_space<vmem>> -> memref<128x64xf32, #tpu.memory_space<vmem>>
      tpu.wait_dma2 semaphore(%run_scoped3A : memref<!tpu.dma_semaphore, #tpu.memory_space<semaphore_mem>>) src(%dma_wait3A_657 : memref<128x64xf32, #tpu.memory_space<vmem>>) dst(%dma_wait3A_654 : memref<128x64xf32, #tpu.memory_space<hbm>>)
      tpu.yield
    }) : () -> ()
    %add3A_606 = arith.constant 128 : i32
    %add3A_607 = arith.addi %mul3A_0, %add3A_606 : i32
    "tpu.region"() ({
      %run_scoped3A = tpu.sem_alloc : memref<!tpu.dma_semaphore, #tpu.memory_space<semaphore_mem>>
      %dma_start3A_622 = arith.constant 0 : i32
      %dma_start3A_623 = arith.constant 0 : i32
      %dma_start3A_624 = tpu.memref_slice %arg8[%dma_start3A_622, %dma_start3A_623] : memref<256x64xf32, #tpu.memory_space<vmem>> -> memref<128x64xf32, #tpu.memory_space<vmem>>
      %dma_start3A_625 = arith.constant 0 : i32
      %dma_start3A_626 = tpu.memref_slice %arg12[%add3A_607, %dma_start3A_625] : memref<10112x64xf32, #tpu.memory_space<vmem_shared>> -> memref<128x64xf32, #tpu.memory_space<vmem_shared>>
      %dma_start3A_627 = arith.constant 0 : i32
      %dma_start3A_628 = arith.constant 0 : i32
      %dma_start3A_629 = tpu.memref_slice %arg8[%dma_start3A_627, %dma_start3A_628] : memref<256x64xf32, #tpu.memory_space<vmem>> -> memref<128x64xf32, #tpu.memory_space<vmem>>
      %dma_start3A_630 = arith.constant 0 : i32
      %dma_start3A_631 = tpu.memref_slice %arg12[%add3A_607, %dma_start3A_630] : memref<10112x64xf32, #tpu.memory_space<vmem_shared>> -> memref<128x64xf32, #tpu.memory_space<vmem_shared>>
      tpu.enqueue_dma source(%dma_start3A_631 : memref<128x64xf32, #tpu.memory_space<vmem_shared>>) target(%dma_start3A_629 : memref<128x64xf32, #tpu.memory_space<vmem>>) target_semaphore(%run_scoped3A : memref<!tpu.dma_semaphore, #tpu.memory_space<semaphore_mem>>)
      %dma_wait3A_632 = arith.constant 0 : i32
      %dma_wait3A_633 = arith.constant 0 : i32
      %dma_wait3A_634 = tpu.memref_slice %arg8[%dma_wait3A_632, %dma_wait3A_633] : memref<256x64xf32, #tpu.memory_space<vmem>> -> memref<128x64xf32, #tpu.memory_space<vmem>>
      %dma_wait3A_635 = arith.constant 0 : i32
      %dma_wait3A_636 = tpu.memref_slice %arg12[%add3A_607, %dma_wait3A_635] : memref<10112x64xf32, #tpu.memory_space<vmem_shared>> -> memref<128x64xf32, #tpu.memory_space<vmem_shared>>
      %dma_wait3A_637 = arith.constant 0 : i32
      %dma_wait3A_638 = arith.constant 0 : i32
      %dma_wait3A_639 = tpu.memref_slice %arg8[%dma_wait3A_637, %dma_wait3A_638] : memref<256x64xf32, #tpu.memory_space<vmem>> -> memref<128x64xf32, #tpu.memory_space<vmem>>
      %dma_wait3A_640 = arith.constant 0 : i32
      %dma_wait3A_641 = tpu.memref_slice %arg12[%add3A_607, %dma_wait3A_640] : memref<10112x64xf32, #tpu.memory_space<vmem_shared>> -> memref<128x64xf32, #tpu.memory_space<vmem_shared>>
      tpu.wait_dma2 semaphore(%run_scoped3A : memref<!tpu.dma_semaphore, #tpu.memory_space<semaphore_mem>>) src(%dma_wait3A_641 : memref<128x64xf32, #tpu.memory_space<vmem_shared>>) dst(%dma_wait3A_639 : memref<128x64xf32, #tpu.memory_space<vmem>>)
      tpu.yield
    }) : () -> ()
    %add3A_608 = arith.constant 128 : i32
    %add3A_609 = arith.addi %mul3A_0, %add3A_608 : i32
    "tpu.region"() ({
      %run_scoped3A = tpu.sem_alloc : memref<!tpu.dma_semaphore, #tpu.memory_space<semaphore_mem>>
      %dma_start3A_622 = arith.constant 0 : i32
      %dma_start3A_623 = arith.constant 0 : i32
      %dma_start3A_624 = tpu.memref_slice %arg8[%dma_start3A_622, %dma_start3A_623] : memref<256x64xf32, #tpu.memory_space<vmem>> -> memref<128x64xf32, #tpu.memory_space<vmem>>
      %dma_start3A_625 = arith.constant 0 : i32
      %dma_start3A_626 = arith.constant 0 : i32
      %dma_start3A_627 = tpu.memref_slice %arg5[%arg0, %dma_start3A_625, %dma_start3A_626] : memref<2x10112x64xf32, #tpu.memory_space<hbm>> -> memref<1x10112x64xf32, #tpu.memory_space<hbm>>
      %dma_start3A_628 = tpu.memref_squeeze %dma_start3A_627 : memref<1x10112x64xf32, #tpu.memory_space<hbm>> -> memref<10112x64xf32, #tpu.memory_space<hbm>>
      %dma_start3A_629 = arith.constant 0 : i32
      %dma_start3A_630 = tpu.memref_slice %dma_start3A_628[%add3A_609, %dma_start3A_629] : memref<10112x64xf32, #tpu.memory_space<hbm>> -> memref<128x64xf32, #tpu.memory_space<hbm>>
      %dma_start3A_631 = arith.constant 0 : i32
      %dma_start3A_632 = arith.constant 0 : i32
      %dma_start3A_633 = tpu.memref_slice %arg5[%arg0, %dma_start3A_631, %dma_start3A_632] : memref<2x10112x64xf32, #tpu.memory_space<hbm>> -> memref<1x10112x64xf32, #tpu.memory_space<hbm>>
      %dma_start3A_634 = tpu.memref_squeeze %dma_start3A_633 : memref<1x10112x64xf32, #tpu.memory_space<hbm>> -> memref<10112x64xf32, #tpu.memory_space<hbm>>
      %dma_start3A_635 = arith.constant 0 : i32
      %dma_start3A_636 = tpu.memref_slice %dma_start3A_634[%add3A_609, %dma_start3A_635] : memref<10112x64xf32, #tpu.memory_space<hbm>> -> memref<128x64xf32, #tpu.memory_space<hbm>>
      %dma_start3A_637 = arith.constant 0 : i32
      %dma_start3A_638 = arith.constant 0 : i32
      %dma_start3A_639 = tpu.memref_slice %arg8[%dma_start3A_637, %dma_start3A_638] : memref<256x64xf32, #tpu.memory_space<vmem>> -> memref<128x64xf32, #tpu.memory_space<vmem>>
      tpu.enqueue_dma source(%dma_start3A_639 : memref<128x64xf32, #tpu.memory_space<vmem>>) target(%dma_start3A_636 : memref<128x64xf32, #tpu.memory_space<hbm>>) target_semaphore(%run_scoped3A : memref<!tpu.dma_semaphore, #tpu.memory_space<semaphore_mem>>)
      %dma_wait3A_640 = arith.constant 0 : i32
      %dma_wait3A_641 = arith.constant 0 : i32
      %dma_wait3A_642 = tpu.memref_slice %arg8[%dma_wait3A_640, %dma_wait3A_641] : memref<256x64xf32, #tpu.memory_space<vmem>> -> memref<128x64xf32, #tpu.memory_space<vmem>>
      %dma_wait3A_643 = arith.constant 0 : i32
      %dma_wait3A_644 = arith.constant 0 : i32
      %dma_wait3A_645 = tpu.memref_slice %arg5[%arg0, %dma_wait3A_643, %dma_wait3A_644] : memref<2x10112x64xf32, #tpu.memory_space<hbm>> -> memref<1x10112x64xf32, #tpu.memory_space<hbm>>
      %dma_wait3A_646 = tpu.memref_squeeze %dma_wait3A_645 : memref<1x10112x64xf32, #tpu.memory_space<hbm>> -> memref<10112x64xf32, #tpu.memory_space<hbm>>
      %dma_wait3A_647 = arith.constant 0 : i32
      %dma_wait3A_648 = tpu.memref_slice %dma_wait3A_646[%add3A_609, %dma_wait3A_647] : memref<10112x64xf32, #tpu.memory_space<hbm>> -> memref<128x64xf32, #tpu.memory_space<hbm>>
      %dma_wait3A_649 = arith.constant 0 : i32
      %dma_wait3A_650 = arith.constant 0 : i32
      %dma_wait3A_651 = tpu.memref_slice %arg5[%arg0, %dma_wait3A_649, %dma_wait3A_650] : memref<2x10112x64xf32, #tpu.memory_space<hbm>> -> memref<1x10112x64xf32, #tpu.memory_space<hbm>>
      %dma_wait3A_652 = tpu.memref_squeeze %dma_wait3A_651 : memref<1x10112x64xf32, #tpu.memory_space<hbm>> -> memref<10112x64xf32, #tpu.memory_space<hbm>>
      %dma_wait3A_653 = arith.constant 0 : i32
      %dma_wait3A_654 = tpu.memref_slice %dma_wait3A_652[%add3A_609, %dma_wait3A_653] : memref<10112x64xf32, #tpu.memory_space<hbm>> -> memref<128x64xf32, #tpu.memory_space<hbm>>
      %dma_wait3A_655 = arith.constant 0 : i32
      %dma_wait3A_656 = arith.constant 0 : i32
      %dma_wait3A_657 = tpu.memref_slice %arg8[%dma_wait3A_655, %dma_wait3A_656] : memref<256x64xf32, #tpu.memory_space<vmem>> -> memref<128x64xf32, #tpu.memory_space<vmem>>
      tpu.wait_dma2 semaphore(%run_scoped3A : memref<!tpu.dma_semaphore, #tpu.memory_space<semaphore_mem>>) src(%dma_wait3A_657 : memref<128x64xf32, #tpu.memory_space<vmem>>) dst(%dma_wait3A_654 : memref<128x64xf32, #tpu.memory_space<hbm>>)
      tpu.yield
    }) : () -> ()
    %add3A_610 = arith.constant 256 : i32
    %add3A_611 = arith.addi %mul3A_0, %add3A_610 : i32
    "tpu.region"() ({
      %run_scoped3A = tpu.sem_alloc : memref<!tpu.dma_semaphore, #tpu.memory_space<semaphore_mem>>
      %dma_start3A_622 = arith.constant 0 : i32
      %dma_start3A_623 = arith.constant 0 : i32
      %dma_start3A_624 = tpu.memref_slice %arg8[%dma_start3A_622, %dma_start3A_623] : memref<256x64xf32, #tpu.memory_space<vmem>> -> memref<128x64xf32, #tpu.memory_space<vmem>>
      %dma_start3A_625 = arith.constant 0 : i32
      %dma_start3A_626 = tpu.memref_slice %arg12[%add3A_611, %dma_start3A_625] : memref<10112x64xf32, #tpu.memory_space<vmem_shared>> -> memref<128x64xf32, #tpu.memory_space<vmem_shared>>
      %dma_start3A_627 = arith.constant 0 : i32
      %dma_start3A_628 = arith.constant 0 : i32
      %dma_start3A_629 = tpu.memref_slice %arg8[%dma_start3A_627, %dma_start3A_628] : memref<256x64xf32, #tpu.memory_space<vmem>> -> memref<128x64xf32, #tpu.memory_space<vmem>>
      %dma_start3A_630 = arith.constant 0 : i32
      %dma_start3A_631 = tpu.memref_slice %arg12[%add3A_611, %dma_start3A_630] : memref<10112x64xf32, #tpu.memory_space<vmem_shared>> -> memref<128x64xf32, #tpu.memory_space<vmem_shared>>
      tpu.enqueue_dma source(%dma_start3A_631 : memref<128x64xf32, #tpu.memory_space<vmem_shared>>) target(%dma_start3A_629 : memref<128x64xf32, #tpu.memory_space<vmem>>) target_semaphore(%run_scoped3A : memref<!tpu.dma_semaphore, #tpu.memory_space<semaphore_mem>>)
      %dma_wait3A_632 = arith.constant 0 : i32
      %dma_wait3A_633 = arith.constant 0 : i32
      %dma_wait3A_634 = tpu.memref_slice %arg8[%dma_wait3A_632, %dma_wait3A_633] : memref<256x64xf32, #tpu.memory_space<vmem>> -> memref<128x64xf32, #tpu.memory_space<vmem>>
      %dma_wait3A_635 = arith.constant 0 : i32
      %dma_wait3A_636 = tpu.memref_slice %arg12[%add3A_611, %dma_wait3A_635] : memref<10112x64xf32, #tpu.memory_space<vmem_shared>> -> memref<128x64xf32, #tpu.memory_space<vmem_shared>>
      %dma_wait3A_637 = arith.constant 0 : i32
      %dma_wait3A_638 = arith.constant 0 : i32
      %dma_wait3A_639 = tpu.memref_slice %arg8[%dma_wait3A_637, %dma_wait3A_638] : memref<256x64xf32, #tpu.memory_space<vmem>> -> memref<128x64xf32, #tpu.memory_space<vmem>>
      %dma_wait3A_640 = arith.constant 0 : i32
      %dma_wait3A_641 = tpu.memref_slice %arg12[%add3A_611, %dma_wait3A_640] : memref<10112x64xf32, #tpu.memory_space<vmem_shared>> -> memref<128x64xf32, #tpu.memory_space<vmem_shared>>
      tpu.wait_dma2 semaphore(%run_scoped3A : memref<!tpu.dma_semaphore, #tpu.memory_space<semaphore_mem>>) src(%dma_wait3A_641 : memref<128x64xf32, #tpu.memory_space<vmem_shared>>) dst(%dma_wait3A_639 : memref<128x64xf32, #tpu.memory_space<vmem>>)
      tpu.yield
    }) : () -> ()
    %add3A_612 = arith.constant 256 : i32
    %add3A_613 = arith.addi %mul3A_0, %add3A_612 : i32
    "tpu.region"() ({
      %run_scoped3A = tpu.sem_alloc : memref<!tpu.dma_semaphore, #tpu.memory_space<semaphore_mem>>
      %dma_start3A_622 = arith.constant 0 : i32
      %dma_start3A_623 = arith.constant 0 : i32
      %dma_start3A_624 = tpu.memref_slice %arg8[%dma_start3A_622, %dma_start3A_623] : memref<256x64xf32, #tpu.memory_space<vmem>> -> memref<128x64xf32, #tpu.memory_space<vmem>>
      %dma_start3A_625 = arith.constant 0 : i32
      %dma_start3A_626 = arith.constant 0 : i32
      %dma_start3A_627 = tpu.memref_slice %arg5[%arg0, %dma_start3A_625, %dma_start3A_626] : memref<2x10112x64xf32, #tpu.memory_space<hbm>> -> memref<1x10112x64xf32, #tpu.memory_space<hbm>>
      %dma_start3A_628 = tpu.memref_squeeze %dma_start3A_627 : memref<1x10112x64xf32, #tpu.memory_space<hbm>> -> memref<10112x64xf32, #tpu.memory_space<hbm>>
      %dma_start3A_629 = arith.constant 0 : i32
      %dma_start3A_630 = tpu.memref_slice %dma_start3A_628[%add3A_613, %dma_start3A_629] : memref<10112x64xf32, #tpu.memory_space<hbm>> -> memref<128x64xf32, #tpu.memory_space<hbm>>
      %dma_start3A_631 = arith.constant 0 : i32
      %dma_start3A_632 = arith.constant 0 : i32
      %dma_start3A_633 = tpu.memref_slice %arg5[%arg0, %dma_start3A_631, %dma_start3A_632] : memref<2x10112x64xf32, #tpu.memory_space<hbm>> -> memref<1x10112x64xf32, #tpu.memory_space<hbm>>
      %dma_start3A_634 = tpu.memref_squeeze %dma_start3A_633 : memref<1x10112x64xf32, #tpu.memory_space<hbm>> -> memref<10112x64xf32, #tpu.memory_space<hbm>>
      %dma_start3A_635 = arith.constant 0 : i32
      %dma_start3A_636 = tpu.memref_slice %dma_start3A_634[%add3A_613, %dma_start3A_635] : memref<10112x64xf32, #tpu.memory_space<hbm>> -> memref<128x64xf32, #tpu.memory_space<hbm>>
      %dma_start3A_637 = arith.constant 0 : i32
      %dma_start3A_638 = arith.constant 0 : i32
      %dma_start3A_639 = tpu.memref_slice %arg8[%dma_start3A_637, %dma_start3A_638] : memref<256x64xf32, #tpu.memory_space<vmem>> -> memref<128x64xf32, #tpu.memory_space<vmem>>
      tpu.enqueue_dma source(%dma_start3A_639 : memref<128x64xf32, #tpu.memory_space<vmem>>) target(%dma_start3A_636 : memref<128x64xf32, #tpu.memory_space<hbm>>) target_semaphore(%run_scoped3A : memref<!tpu.dma_semaphore, #tpu.memory_space<semaphore_mem>>)
      %dma_wait3A_640 = arith.constant 0 : i32
      %dma_wait3A_641 = arith.constant 0 : i32
      %dma_wait3A_642 = tpu.memref_slice %arg8[%dma_wait3A_640, %dma_wait3A_641] : memref<256x64xf32, #tpu.memory_space<vmem>> -> memref<128x64xf32, #tpu.memory_space<vmem>>
      %dma_wait3A_643 = arith.constant 0 : i32
      %dma_wait3A_644 = arith.constant 0 : i32
      %dma_wait3A_645 = tpu.memref_slice %arg5[%arg0, %dma_wait3A_643, %dma_wait3A_644] : memref<2x10112x64xf32, #tpu.memory_space<hbm>> -> memref<1x10112x64xf32, #tpu.memory_space<hbm>>
      %dma_wait3A_646 = tpu.memref_squeeze %dma_wait3A_645 : memref<1x10112x64xf32, #tpu.memory_space<hbm>> -> memref<10112x64xf32, #tpu.memory_space<hbm>>
      %dma_wait3A_647 = arith.constant 0 : i32
      %dma_wait3A_648 = tpu.memref_slice %dma_wait3A_646[%add3A_613, %dma_wait3A_647] : memref<10112x64xf32, #tpu.memory_space<hbm>> -> memref<128x64xf32, #tpu.memory_space<hbm>>
      %dma_wait3A_649 = arith.constant 0 : i32
      %dma_wait3A_650 = arith.constant 0 : i32
      %dma_wait3A_651 = tpu.memref_slice %arg5[%arg0, %dma_wait3A_649, %dma_wait3A_650] : memref<2x10112x64xf32, #tpu.memory_space<hbm>> -> memref<1x10112x64xf32, #tpu.memory_space<hbm>>
      %dma_wait3A_652 = tpu.memref_squeeze %dma_wait3A_651 : memref<1x10112x64xf32, #tpu.memory_space<hbm>> -> memref<10112x64xf32, #tpu.memory_space<hbm>>
      %dma_wait3A_653 = arith.constant 0 : i32
      %dma_wait3A_654 = tpu.memref_slice %dma_wait3A_652[%add3A_613, %dma_wait3A_653] : memref<10112x64xf32, #tpu.memory_space<hbm>> -> memref<128x64xf32, #tpu.memory_space<hbm>>
      %dma_wait3A_655 = arith.constant 0 : i32
      %dma_wait3A_656 = arith.constant 0 : i32
      %dma_wait3A_657 = tpu.memref_slice %arg8[%dma_wait3A_655, %dma_wait3A_656] : memref<256x64xf32, #tpu.memory_space<vmem>> -> memref<128x64xf32, #tpu.memory_space<vmem>>
      tpu.wait_dma2 semaphore(%run_scoped3A : memref<!tpu.dma_semaphore, #tpu.memory_space<semaphore_mem>>) src(%dma_wait3A_657 : memref<128x64xf32, #tpu.memory_space<vmem>>) dst(%dma_wait3A_654 : memref<128x64xf32, #tpu.memory_space<hbm>>)
      tpu.yield
    }) : () -> ()
    %add3A_614 = arith.constant 384 : i32
    %add3A_615 = arith.addi %mul3A_0, %add3A_614 : i32
    "tpu.region"() ({
      %run_scoped3A = tpu.sem_alloc : memref<!tpu.dma_semaphore, #tpu.memory_space<semaphore_mem>>
      %dma_start3A_622 = arith.constant 0 : i32
      %dma_start3A_623 = arith.constant 0 : i32
      %dma_start3A_624 = tpu.memref_slice %arg8[%dma_start3A_622, %dma_start3A_623] : memref<256x64xf32, #tpu.memory_space<vmem>> -> memref<128x64xf32, #tpu.memory_space<vmem>>
      %dma_start3A_625 = arith.constant 0 : i32
      %dma_start3A_626 = tpu.memref_slice %arg12[%add3A_615, %dma_start3A_625] : memref<10112x64xf32, #tpu.memory_space<vmem_shared>> -> memref<128x64xf32, #tpu.memory_space<vmem_shared>>
      %dma_start3A_627 = arith.constant 0 : i32
      %dma_start3A_628 = arith.constant 0 : i32
      %dma_start3A_629 = tpu.memref_slice %arg8[%dma_start3A_627, %dma_start3A_628] : memref<256x64xf32, #tpu.memory_space<vmem>> -> memref<128x64xf32, #tpu.memory_space<vmem>>
      %dma_start3A_630 = arith.constant 0 : i32
      %dma_start3A_631 = tpu.memref_slice %arg12[%add3A_615, %dma_start3A_630] : memref<10112x64xf32, #tpu.memory_space<vmem_shared>> -> memref<128x64xf32, #tpu.memory_space<vmem_shared>>
      tpu.enqueue_dma source(%dma_start3A_631 : memref<128x64xf32, #tpu.memory_space<vmem_shared>>) target(%dma_start3A_629 : memref<128x64xf32, #tpu.memory_space<vmem>>) target_semaphore(%run_scoped3A : memref<!tpu.dma_semaphore, #tpu.memory_space<semaphore_mem>>)
      %dma_wait3A_632 = arith.constant 0 : i32
      %dma_wait3A_633 = arith.constant 0 : i32
      %dma_wait3A_634 = tpu.memref_slice %arg8[%dma_wait3A_632, %dma_wait3A_633] : memref<256x64xf32, #tpu.memory_space<vmem>> -> memref<128x64xf32, #tpu.memory_space<vmem>>
      %dma_wait3A_635 = arith.constant 0 : i32
      %dma_wait3A_636 = tpu.memref_slice %arg12[%add3A_615, %dma_wait3A_635] : memref<10112x64xf32, #tpu.memory_space<vmem_shared>> -> memref<128x64xf32, #tpu.memory_space<vmem_shared>>
      %dma_wait3A_637 = arith.constant 0 : i32
      %dma_wait3A_638 = arith.constant 0 : i32
      %dma_wait3A_639 = tpu.memref_slice %arg8[%dma_wait3A_637, %dma_wait3A_638] : memref<256x64xf32, #tpu.memory_space<vmem>> -> memref<128x64xf32, #tpu.memory_space<vmem>>
      %dma_wait3A_640 = arith.constant 0 : i32
      %dma_wait3A_641 = tpu.memref_slice %arg12[%add3A_615, %dma_wait3A_640] : memref<10112x64xf32, #tpu.memory_space<vmem_shared>> -> memref<128x64xf32, #tpu.memory_space<vmem_shared>>
      tpu.wait_dma2 semaphore(%run_scoped3A : memref<!tpu.dma_semaphore, #tpu.memory_space<semaphore_mem>>) src(%dma_wait3A_641 : memref<128x64xf32, #tpu.memory_space<vmem_shared>>) dst(%dma_wait3A_639 : memref<128x64xf32, #tpu.memory_space<vmem>>)
      tpu.yield
    }) : () -> ()
    %add3A_616 = arith.constant 384 : i32
    %add3A_617 = arith.addi %mul3A_0, %add3A_616 : i32
    "tpu.region"() ({
      %run_scoped3A = tpu.sem_alloc : memref<!tpu.dma_semaphore, #tpu.memory_space<semaphore_mem>>
      %dma_start3A_622 = arith.constant 0 : i32
      %dma_start3A_623 = arith.constant 0 : i32
      %dma_start3A_624 = tpu.memref_slice %arg8[%dma_start3A_622, %dma_start3A_623] : memref<256x64xf32, #tpu.memory_space<vmem>> -> memref<128x64xf32, #tpu.memory_space<vmem>>
      %dma_start3A_625 = arith.constant 0 : i32
      %dma_start3A_626 = arith.constant 0 : i32
      %dma_start3A_627 = tpu.memref_slice %arg5[%arg0, %dma_start3A_625, %dma_start3A_626] : memref<2x10112x64xf32, #tpu.memory_space<hbm>> -> memref<1x10112x64xf32, #tpu.memory_space<hbm>>
      %dma_start3A_628 = tpu.memref_squeeze %dma_start3A_627 : memref<1x10112x64xf32, #tpu.memory_space<hbm>> -> memref<10112x64xf32, #tpu.memory_space<hbm>>
      %dma_start3A_629 = arith.constant 0 : i32
      %dma_start3A_630 = tpu.memref_slice %dma_start3A_628[%add3A_617, %dma_start3A_629] : memref<10112x64xf32, #tpu.memory_space<hbm>> -> memref<128x64xf32, #tpu.memory_space<hbm>>
      %dma_start3A_631 = arith.constant 0 : i32
      %dma_start3A_632 = arith.constant 0 : i32
      %dma_start3A_633 = tpu.memref_slice %arg5[%arg0, %dma_start3A_631, %dma_start3A_632] : memref<2x10112x64xf32, #tpu.memory_space<hbm>> -> memref<1x10112x64xf32, #tpu.memory_space<hbm>>
      %dma_start3A_634 = tpu.memref_squeeze %dma_start3A_633 : memref<1x10112x64xf32, #tpu.memory_space<hbm>> -> memref<10112x64xf32, #tpu.memory_space<hbm>>
      %dma_start3A_635 = arith.constant 0 : i32
      %dma_start3A_636 = tpu.memref_slice %dma_start3A_634[%add3A_617, %dma_start3A_635] : memref<10112x64xf32, #tpu.memory_space<hbm>> -> memref<128x64xf32, #tpu.memory_space<hbm>>
      %dma_start3A_637 = arith.constant 0 : i32
      %dma_start3A_638 = arith.constant 0 : i32
      %dma_start3A_639 = tpu.memref_slice %arg8[%dma_start3A_637, %dma_start3A_638] : memref<256x64xf32, #tpu.memory_space<vmem>> -> memref<128x64xf32, #tpu.memory_space<vmem>>
      tpu.enqueue_dma source(%dma_start3A_639 : memref<128x64xf32, #tpu.memory_space<vmem>>) target(%dma_start3A_636 : memref<128x64xf32, #tpu.memory_space<hbm>>) target_semaphore(%run_scoped3A : memref<!tpu.dma_semaphore, #tpu.memory_space<semaphore_mem>>)
      %dma_wait3A_640 = arith.constant 0 : i32
      %dma_wait3A_641 = arith.constant 0 : i32
      %dma_wait3A_642 = tpu.memref_slice %arg8[%dma_wait3A_640, %dma_wait3A_641] : memref<256x64xf32, #tpu.memory_space<vmem>> -> memref<128x64xf32, #tpu.memory_space<vmem>>
      %dma_wait3A_643 = arith.constant 0 : i32
      %dma_wait3A_644 = arith.constant 0 : i32
      %dma_wait3A_645 = tpu.memref_slice %arg5[%arg0, %dma_wait3A_643, %dma_wait3A_644] : memref<2x10112x64xf32, #tpu.memory_space<hbm>> -> memref<1x10112x64xf32, #tpu.memory_space<hbm>>
      %dma_wait3A_646 = tpu.memref_squeeze %dma_wait3A_645 : memref<1x10112x64xf32, #tpu.memory_space<hbm>> -> memref<10112x64xf32, #tpu.memory_space<hbm>>
      %dma_wait3A_647 = arith.constant 0 : i32
      %dma_wait3A_648 = tpu.memref_slice %dma_wait3A_646[%add3A_617, %dma_wait3A_647] : memref<10112x64xf32, #tpu.memory_space<hbm>> -> memref<128x64xf32, #tpu.memory_space<hbm>>
      %dma_wait3A_649 = arith.constant 0 : i32
      %dma_wait3A_650 = arith.constant 0 : i32
      %dma_wait3A_651 = tpu.memref_slice %arg5[%arg0, %dma_wait3A_649, %dma_wait3A_650] : memref<2x10112x64xf32, #tpu.memory_space<hbm>> -> memref<1x10112x64xf32, #tpu.memory_space<hbm>>
      %dma_wait3A_652 = tpu.memref_squeeze %dma_wait3A_651 : memref<1x10112x64xf32, #tpu.memory_space<hbm>> -> memref<10112x64xf32, #tpu.memory_space<hbm>>
      %dma_wait3A_653 = arith.constant 0 : i32
      %dma_wait3A_654 = tpu.memref_slice %dma_wait3A_652[%add3A_617, %dma_wait3A_653] : memref<10112x64xf32, #tpu.memory_space<hbm>> -> memref<128x64xf32, #tpu.memory_space<hbm>>
      %dma_wait3A_655 = arith.constant 0 : i32
      %dma_wait3A_656 = arith.constant 0 : i32
      %dma_wait3A_657 = tpu.memref_slice %arg8[%dma_wait3A_655, %dma_wait3A_656] : memref<256x64xf32, #tpu.memory_space<vmem>> -> memref<128x64xf32, #tpu.memory_space<vmem>>
      tpu.wait_dma2 semaphore(%run_scoped3A : memref<!tpu.dma_semaphore, #tpu.memory_space<semaphore_mem>>) src(%dma_wait3A_657 : memref<128x64xf32, #tpu.memory_space<vmem>>) dst(%dma_wait3A_654 : memref<128x64xf32, #tpu.memory_space<hbm>>)
      tpu.yield
    }) : () -> ()
    %add3A_618 = arith.constant 512 : i32
    %add3A_619 = arith.addi %mul3A_0, %add3A_618 : i32
    "tpu.region"() ({
      %run_scoped3A = tpu.sem_alloc : memref<!tpu.dma_semaphore, #tpu.memory_space<semaphore_mem>>
      %dma_start3A_622 = arith.constant 0 : i32
      %dma_start3A_623 = arith.constant 0 : i32
      %dma_start3A_624 = tpu.memref_slice %arg8[%dma_start3A_622, %dma_start3A_623] : memref<256x64xf32, #tpu.memory_space<vmem>> -> memref<128x64xf32, #tpu.memory_space<vmem>>
      %dma_start3A_625 = arith.constant 0 : i32
      %dma_start3A_626 = arith.constant 0 : i32
      %dma_start3A_627 = tpu.memref_slice %dma_start3A_624[%dma_start3A_625, %dma_start3A_626] : memref<128x64xf32, #tpu.memory_space<vmem>> -> memref<120x64xf32, #tpu.memory_space<vmem>>
      %dma_start3A_628 = arith.constant 0 : i32
      %dma_start3A_629 = tpu.memref_slice %arg12[%add3A_619, %dma_start3A_628] : memref<10112x64xf32, #tpu.memory_space<vmem_shared>> -> memref<120x64xf32, #tpu.memory_space<vmem_shared>>
      %dma_start3A_630 = arith.constant 0 : i32
      %dma_start3A_631 = arith.constant 0 : i32
      %dma_start3A_632 = tpu.memref_slice %arg8[%dma_start3A_630, %dma_start3A_631] : memref<256x64xf32, #tpu.memory_space<vmem>> -> memref<128x64xf32, #tpu.memory_space<vmem>>
      %dma_start3A_633 = arith.constant 0 : i32
      %dma_start3A_634 = arith.constant 0 : i32
      %dma_start3A_635 = tpu.memref_slice %dma_start3A_632[%dma_start3A_633, %dma_start3A_634] : memref<128x64xf32, #tpu.memory_space<vmem>> -> memref<120x64xf32, #tpu.memory_space<vmem>>
      %dma_start3A_636 = arith.constant 0 : i32
      %dma_start3A_637 = tpu.memref_slice %arg12[%add3A_619, %dma_start3A_636] : memref<10112x64xf32, #tpu.memory_space<vmem_shared>> -> memref<120x64xf32, #tpu.memory_space<vmem_shared>>
      tpu.enqueue_dma source(%dma_start3A_637 : memref<120x64xf32, #tpu.memory_space<vmem_shared>>) target(%dma_start3A_635 : memref<120x64xf32, #tpu.memory_space<vmem>>) target_semaphore(%run_scoped3A : memref<!tpu.dma_semaphore, #tpu.memory_space<semaphore_mem>>)
      %dma_wait3A_638 = arith.constant 0 : i32
      %dma_wait3A_639 = arith.constant 0 : i32
      %dma_wait3A_640 = tpu.memref_slice %arg8[%dma_wait3A_638, %dma_wait3A_639] : memref<256x64xf32, #tpu.memory_space<vmem>> -> memref<128x64xf32, #tpu.memory_space<vmem>>
      %dma_wait3A_641 = arith.constant 0 : i32
      %dma_wait3A_642 = arith.constant 0 : i32
      %dma_wait3A_643 = tpu.memref_slice %dma_wait3A_640[%dma_wait3A_641, %dma_wait3A_642] : memref<128x64xf32, #tpu.memory_space<vmem>> -> memref<120x64xf32, #tpu.memory_space<vmem>>
      %dma_wait3A_644 = arith.constant 0 : i32
      %dma_wait3A_645 = tpu.memref_slice %arg12[%add3A_619, %dma_wait3A_644] : memref<10112x64xf32, #tpu.memory_space<vmem_shared>> -> memref<120x64xf32, #tpu.memory_space<vmem_shared>>
      %dma_wait3A_646 = arith.constant 0 : i32
      %dma_wait3A_647 = arith.constant 0 : i32
      %dma_wait3A_648 = tpu.memref_slice %arg8[%dma_wait3A_646, %dma_wait3A_647] : memref<256x64xf32, #tpu.memory_space<vmem>> -> memref<128x64xf32, #tpu.memory_space<vmem>>
      %dma_wait3A_649 = arith.constant 0 : i32
      %dma_wait3A_650 = arith.constant 0 : i32
      %dma_wait3A_651 = tpu.memref_slice %dma_wait3A_648[%dma_wait3A_649, %dma_wait3A_650] : memref<128x64xf32, #tpu.memory_space<vmem>> -> memref<120x64xf32, #tpu.memory_space<vmem>>
      %dma_wait3A_652 = arith.constant 0 : i32
      %dma_wait3A_653 = tpu.memref_slice %arg12[%add3A_619, %dma_wait3A_652] : memref<10112x64xf32, #tpu.memory_space<vmem_shared>> -> memref<120x64xf32, #tpu.memory_space<vmem_shared>>
      tpu.wait_dma2 semaphore(%run_scoped3A : memref<!tpu.dma_semaphore, #tpu.memory_space<semaphore_mem>>) src(%dma_wait3A_653 : memref<120x64xf32, #tpu.memory_space<vmem_shared>>) dst(%dma_wait3A_651 : memref<120x64xf32, #tpu.memory_space<vmem>>)
      tpu.yield
    }) : () -> ()
    %add3A_620 = arith.constant 512 : i32
    %add3A_621 = arith.addi %mul3A_0, %add3A_620 : i32
    "tpu.region"() ({
      %run_scoped3A = tpu.sem_alloc : memref<!tpu.dma_semaphore, #tpu.memory_space<semaphore_mem>>
      %dma_start3A_622 = arith.constant 0 : i32
      %dma_start3A_623 = arith.constant 0 : i32
      %dma_start3A_624 = tpu.memref_slice %arg8[%dma_start3A_622, %dma_start3A_623] : memref<256x64xf32, #tpu.memory_space<vmem>> -> memref<128x64xf32, #tpu.memory_space<vmem>>
      %dma_start3A_625 = arith.constant 0 : i32
      %dma_start3A_626 = arith.constant 0 : i32
      %dma_start3A_627 = tpu.memref_slice %dma_start3A_624[%dma_start3A_625, %dma_start3A_626] : memref<128x64xf32, #tpu.memory_space<vmem>> -> memref<120x64xf32, #tpu.memory_space<vmem>>
      %dma_start3A_628 = arith.constant 0 : i32
      %dma_start3A_629 = arith.constant 0 : i32
      %dma_start3A_630 = tpu.memref_slice %arg5[%arg0, %dma_start3A_628, %dma_start3A_629] : memref<2x10112x64xf32, #tpu.memory_space<hbm>> -> memref<1x10112x64xf32, #tpu.memory_space<hbm>>
      %dma_start3A_631 = tpu.memref_squeeze %dma_start3A_630 : memref<1x10112x64xf32, #tpu.memory_space<hbm>> -> memref<10112x64xf32, #tpu.memory_space<hbm>>
      %dma_start3A_632 = arith.constant 0 : i32
      %dma_start3A_633 = tpu.memref_slice %dma_start3A_631[%add3A_621, %dma_start3A_632] : memref<10112x64xf32, #tpu.memory_space<hbm>> -> memref<120x64xf32, #tpu.memory_space<hbm>>
      %dma_start3A_634 = arith.constant 0 : i32
      %dma_start3A_635 = arith.constant 0 : i32
      %dma_start3A_636 = tpu.memref_slice %arg5[%arg0, %dma_start3A_634, %dma_start3A_635] : memref<2x10112x64xf32, #tpu.memory_space<hbm>> -> memref<1x10112x64xf32, #tpu.memory_space<hbm>>
      %dma_start3A_637 = tpu.memref_squeeze %dma_start3A_636 : memref<1x10112x64xf32, #tpu.memory_space<hbm>> -> memref<10112x64xf32, #tpu.memory_space<hbm>>
      %dma_start3A_638 = arith.constant 0 : i32
      %dma_start3A_639 = tpu.memref_slice %dma_start3A_637[%add3A_621, %dma_start3A_638] : memref<10112x64xf32, #tpu.memory_space<hbm>> -> memref<120x64xf32, #tpu.memory_space<hbm>>
      %dma_start3A_640 = arith.constant 0 : i32
      %dma_start3A_641 = arith.constant 0 : i32
      %dma_start3A_642 = tpu.memref_slice %arg8[%dma_start3A_640, %dma_start3A_641] : memref<256x64xf32, #tpu.memory_space<vmem>> -> memref<128x64xf32, #tpu.memory_space<vmem>>
      %dma_start3A_643 = arith.constant 0 : i32
      %dma_start3A_644 = arith.constant 0 : i32
      %dma_start3A_645 = tpu.memref_slice %dma_start3A_642[%dma_start3A_643, %dma_start3A_644] : memref<128x64xf32, #tpu.memory_space<vmem>> -> memref<120x64xf32, #tpu.memory_space<vmem>>
      tpu.enqueue_dma source(%dma_start3A_645 : memref<120x64xf32, #tpu.memory_space<vmem>>) target(%dma_start3A_639 : memref<120x64xf32, #tpu.memory_space<hbm>>) target_semaphore(%run_scoped3A : memref<!tpu.dma_semaphore, #tpu.memory_space<semaphore_mem>>)
      %dma_wait3A_646 = arith.constant 0 : i32
      %dma_wait3A_647 = arith.constant 0 : i32
      %dma_wait3A_648 = tpu.memref_slice %arg8[%dma_wait3A_646, %dma_wait3A_647] : memref<256x64xf32, #tpu.memory_space<vmem>> -> memref<128x64xf32, #tpu.memory_space<vmem>>
      %dma_wait3A_649 = arith.constant 0 : i32
      %dma_wait3A_650 = arith.constant 0 : i32
      %dma_wait3A_651 = tpu.memref_slice %dma_wait3A_648[%dma_wait3A_649, %dma_wait3A_650] : memref<128x64xf32, #tpu.memory_space<vmem>> -> memref<120x64xf32, #tpu.memory_space<vmem>>
      %dma_wait3A_652 = arith.constant 0 : i32
      %dma_wait3A_653 = arith.constant 0 : i32
      %dma_wait3A_654 = tpu.memref_slice %arg5[%arg0, %dma_wait3A_652, %dma_wait3A_653] : memref<2x10112x64xf32, #tpu.memory_space<hbm>> -> memref<1x10112x64xf32, #tpu.memory_space<hbm>>
      %dma_wait3A_655 = tpu.memref_squeeze %dma_wait3A_654 : memref<1x10112x64xf32, #tpu.memory_space<hbm>> -> memref<10112x64xf32, #tpu.memory_space<hbm>>
      %dma_wait3A_656 = arith.constant 0 : i32
      %dma_wait3A_657 = tpu.memref_slice %dma_wait3A_655[%add3A_621, %dma_wait3A_656] : memref<10112x64xf32, #tpu.memory_space<hbm>> -> memref<120x64xf32, #tpu.memory_space<hbm>>
      %dma_wait3A_658 = arith.constant 0 : i32
      %dma_wait3A_659 = arith.constant 0 : i32
      %dma_wait3A_660 = tpu.memref_slice %arg5[%arg0, %dma_wait3A_658, %dma_wait3A_659] : memref<2x10112x64xf32, #tpu.memory_space<hbm>> -> memref<1x10112x64xf32, #tpu.memory_space<hbm>>
      %dma_wait3A_661 = tpu.memref_squeeze %dma_wait3A_660 : memref<1x10112x64xf32, #tpu.memory_space<hbm>> -> memref<10112x64xf32, #tpu.memory_space<hbm>>
      %dma_wait3A_662 = arith.constant 0 : i32
      %dma_wait3A_663 = tpu.memref_slice %dma_wait3A_661[%add3A_621, %dma_wait3A_662] : memref<10112x64xf32, #tpu.memory_space<hbm>> -> memref<120x64xf32, #tpu.memory_space<hbm>>
      %dma_wait3A_664 = arith.constant 0 : i32
      %dma_wait3A_665 = arith.constant 0 : i32
      %dma_wait3A_666 = tpu.memref_slice %arg8[%dma_wait3A_664, %dma_wait3A_665] : memref<256x64xf32, #tpu.memory_space<vmem>> -> memref<128x64xf32, #tpu.memory_space<vmem>>
      %dma_wait3A_667 = arith.constant 0 : i32
      %dma_wait3A_668 = arith.constant 0 : i32
      %dma_wait3A_669 = tpu.memref_slice %dma_wait3A_666[%dma_wait3A_667, %dma_wait3A_668] : memref<128x64xf32, #tpu.memory_space<vmem>> -> memref<120x64xf32, #tpu.memory_space<vmem>>
      tpu.wait_dma2 semaphore(%run_scoped3A : memref<!tpu.dma_semaphore, #tpu.memory_space<semaphore_mem>>) src(%dma_wait3A_669 : memref<120x64xf32, #tpu.memory_space<vmem>>) dst(%dma_wait3A_663 : memref<120x64xf32, #tpu.memory_space<hbm>>)
      tpu.yield
    }) : () -> ()
    return
  }
}

module attributes {stable_mosaic.version = 14 : i64} {
  func.func @body(%arg0: memref<10000x128xf32, #tpu.memory_space<vmem>>, %arg1: memref<128x128xf32, #tpu.memory_space<vmem>>, %arg2: memref<10000x128xf32, #tpu.memory_space<vmem>>) attributes {dimension_semantics = [], scalar_prefetch = 0 : i64, scratch_operands = 0 : i64, tpu.core_type = #tpu.core_type<tc>} {
    %get3A = arith.constant 0 : index
    %get3A_0 = arith.constant 0 : index
    %get3A_1 = vector.load %arg0[%get3A, %get3A_0] : memref<10000x128xf32, #tpu.memory_space<vmem>>, vector<10000x128xf32>
    %get3A_2 = arith.constant 0 : index
    %get3A_3 = arith.constant 0 : index
    %get3A_4 = vector.load %arg1[%get3A_2, %get3A_3] : memref<128x128xf32, #tpu.memory_space<vmem>>, vector<128x128xf32>
    %dot_general3A = arith.constant dense<0.000000e+00> : vector<10000x128xf32>
    %dot_general3A_5 = tpu.matmul %get3A_1, %get3A_4, %dot_general3A {dimension_numbers = #tpu.dot_dimension_numbers<[1], [0], [0], [1], [0, 0, 1, 1], [], []>, transpose_lhs_hint = false} : vector<10000x128xf32>, vector<128x128xf32>, vector<10000x128xf32> -> vector<10000x128xf32>
    %swap3A = arith.constant 0 : index
    %swap3A_6 = arith.constant 0 : index
    %swap3A_7 = vector.load %arg2[%swap3A, %swap3A_6] : memref<10000x128xf32, #tpu.memory_space<vmem>>, vector<10000x128xf32>
    tpu.vector_store %arg2[%swap3A, %swap3A_6], %dot_general3A_5 {strides = array<i32>} : memref<10000x128xf32, #tpu.memory_space<vmem>>, vector<10000x128xf32>,
    return
  }
}

module attributes {stable_mosaic.version = 14 : i64} {
  func.func @body(%arg0: memref<10000x128xf32, #tpu.memory_space<vmem>>, %arg1: memref<2x10000x1xf32, #tpu.memory_space<vmem>>, %arg2: memref<2x10000x64xf32, #tpu.memory_space<vmem>>, %arg3: memref<10000x1xf32, #tpu.memory_space<vmem>>) attributes {dimension_semantics = [], scalar_prefetch = 0 : i64, scratch_operands = 0 : i64, tpu.core_type = #tpu.core_type<tc>} {
    %get3A = arith.constant 0 : index
    %get3A_0 = arith.constant 0 : index
    %get3A_1 = arith.constant 0 : index
    %get3A_2 = vector.load %arg1[%get3A, %get3A_0, %get3A_1] : memref<2x10000x1xf32, #tpu.memory_space<vmem>>, vector<1x10000x1xf32>
    %get3A_3 = vector.shape_cast %get3A_2 : vector<1x10000x1xf32> to vector<10000x1xf32>
    %get3A_4 = arith.constant 1 : index
    %get3A_5 = arith.constant 0 : index
    %get3A_6 = arith.constant 0 : index
    %get3A_7 = vector.load %arg1[%get3A_4, %get3A_5, %get3A_6] : memref<2x10000x1xf32, #tpu.memory_space<vmem>>, vector<1x10000x1xf32>
    %get3A_8 = vector.shape_cast %get3A_7 : vector<1x10000x1xf32> to vector<10000x1xf32>
    %add3A = arith.addf %get3A_3, %get3A_8 : vector<10000x1xf32>
    %add3A_9 = arith.constant 1.000000e+00 : f32
    %add3A_10 = vector.broadcast %add3A_9 : f32 to vector<10000x1xf32>
    %add3A_11 = arith.addf %add3A, %add3A_10 : vector<10000x1xf32>
    %rsqrt3A = math.rsqrt %add3A_11 : vector<10000x1xf32>
    %get3A_12 = arith.constant 0 : index
    %get3A_13 = arith.constant 0 : index
    %get3A_14 = vector.load %arg0[%get3A_12, %get3A_13] : memref<10000x128xf32, #tpu.memory_space<vmem>>, vector<10000x128xf32>
    %mul3A = vector.broadcast %rsqrt3A : vector<10000x1xf32> to vector<10000x128xf32>
    %mul3A_15 = arith.mulf %get3A_14, %mul3A : vector<10000x128xf32>
    %slice3A = vector.extract_strided_slice %mul3A_15 {offsets = [0, 0], sizes = [10000, 64], strides = [1, 1]} : vector<10000x128xf32> to vector<10000x64xf32>
    %swap3A = arith.constant 0 : index
    %swap3A_16 = arith.constant 0 : index
    %swap3A_17 = arith.constant 0 : index
    %swap3A_18 = vector.load %arg2[%swap3A, %swap3A_16, %swap3A_17] : memref<2x10000x64xf32, #tpu.memory_space<vmem>>, vector<1x10000x64xf32>
    %swap3A_19 = vector.shape_cast %swap3A_18 : vector<1x10000x64xf32> to vector<10000x64xf32>
    %swap3A_20 = vector.shape_cast %slice3A : vector<10000x64xf32> to vector<1x10000x64xf32>
    tpu.vector_store %arg2[%swap3A, %swap3A_16, %swap3A_17], %swap3A_20 {strides = array<i32>} : memref<2x10000x64xf32, #tpu.memory_space<vmem>>, vector<1x10000x64xf32>,
    %slice3A_21 = vector.extract_strided_slice %mul3A_15 {offsets = [0, 64], sizes = [10000, 64], strides = [1, 1]} : vector<10000x128xf32> to vector<10000x64xf32>
    %swap3A_22 = arith.constant 1 : index
    %swap3A_23 = arith.constant 0 : index
    %swap3A_24 = arith.constant 0 : index
    %swap3A_25 = vector.load %arg2[%swap3A_22, %swap3A_23, %swap3A_24] : memref<2x10000x64xf32, #tpu.memory_space<vmem>>, vector<1x10000x64xf32>
    %swap3A_26 = vector.shape_cast %swap3A_25 : vector<1x10000x64xf32> to vector<10000x64xf32>
    %swap3A_27 = vector.shape_cast %slice3A_21 : vector<10000x64xf32> to vector<1x10000x64xf32>
    tpu.vector_store %arg2[%swap3A_22, %swap3A_23, %swap3A_24], %swap3A_27 {strides = array<i32>} : memref<2x10000x64xf32, #tpu.memory_space<vmem>>, vector<1x10000x64xf32>,
    %swap3A_28 = arith.constant 0 : index
    %swap3A_29 = arith.constant 0 : index
    %swap3A_30 = vector.load %arg3[%swap3A_28, %swap3A_29] : memref<10000x1xf32, #tpu.memory_space<vmem>>, vector<10000x1xf32>
    tpu.vector_store %arg3[%swap3A_28, %swap3A_29], %rsqrt3A {strides = array<i32>} : memref<10000x1xf32, #tpu.memory_space<vmem>>, vector<10000x1xf32>,
    return
  }
}

module attributes {stable_mosaic.version = 14 : i64} {
  func.func @body(%arg0: memref<2x10112x64xf32, #tpu.memory_space<vmem>>, %arg1: memref<2x10000x64xf32, #tpu.memory_space<vmem>>, %arg2: memref<10000x1xf32, #tpu.memory_space<vmem>>, %arg3: memref<128xf32, #tpu.memory_space<vmem>>, %arg4: memref<128x16xf32, #tpu.memory_space<vmem>>, %arg5: memref<10000x16xf32, #tpu.memory_space<vmem>>) attributes {dimension_semantics = [], scalar_prefetch = 0 : i64, scratch_operands = 0 : i64, tpu.core_type = #tpu.core_type<tc>} {
    %get3A = arith.constant 0 : index
    %get3A_0 = arith.constant 0 : index
    %get3A_1 = vector.load %arg2[%get3A, %get3A_0] : memref<10000x1xf32, #tpu.memory_space<vmem>>, vector<10000x1xf32>
    %get3A_2 = arith.constant 0 : index
    %get3A_3 = arith.constant 0 : index
    %get3A_4 = arith.constant 0 : index
    %get3A_5 = vector.load %arg0[%get3A_2, %get3A_3, %get3A_4] : memref<2x10112x64xf32, #tpu.memory_space<vmem>>, vector<1x10000x64xf32>
    %get3A_6 = vector.shape_cast %get3A_5 : vector<1x10000x64xf32> to vector<10000x64xf32>
    %get3A_7 = arith.constant 1 : index
    %get3A_8 = arith.constant 0 : index
    %get3A_9 = arith.constant 0 : index
    %get3A_10 = vector.load %arg0[%get3A_7, %get3A_8, %get3A_9] : memref<2x10112x64xf32, #tpu.memory_space<vmem>>, vector<1x10000x64xf32>
    %get3A_11 = vector.shape_cast %get3A_10 : vector<1x10000x64xf32> to vector<10000x64xf32>
    %concatenate3A = tpu.concatenate %get3A_6, %get3A_11 in 1 : vector<10000x64xf32>, vector<10000x64xf32> -> vector<10000x128xf32>
    %get3A_12 = arith.constant 0 : index
    %get3A_13 = arith.constant 0 : index
    %get3A_14 = arith.constant 0 : index
    %get3A_15 = vector.load %arg1[%get3A_12, %get3A_13, %get3A_14] : memref<2x10000x64xf32, #tpu.memory_space<vmem>>, vector<1x10000x64xf32>
    %get3A_16 = vector.shape_cast %get3A_15 : vector<1x10000x64xf32> to vector<10000x64xf32>
    %get3A_17 = arith.constant 1 : index
    %get3A_18 = arith.constant 0 : index
    %get3A_19 = arith.constant 0 : index
    %get3A_20 = vector.load %arg1[%get3A_17, %get3A_18, %get3A_19] : memref<2x10000x64xf32, #tpu.memory_space<vmem>>, vector<1x10000x64xf32>
    %get3A_21 = vector.shape_cast %get3A_20 : vector<1x10000x64xf32> to vector<10000x64xf32>
    %concatenate3A_22 = tpu.concatenate %get3A_16, %get3A_21 in 1 : vector<10000x64xf32>, vector<10000x64xf32> -> vector<10000x128xf32>
    %add3A = arith.addf %concatenate3A, %concatenate3A_22 : vector<10000x128xf32>
    %mul3A = vector.broadcast %get3A_1 : vector<10000x1xf32> to vector<10000x128xf32>
    %mul3A_23 = arith.mulf %mul3A, %add3A : vector<10000x128xf32>
    %get3A_24 = arith.constant 0 : index
    %get3A_25 = vector.load %arg3[%get3A_24] : memref<128xf32, #tpu.memory_space<vmem>>, vector<128xf32>
    %broadcast_in_dim3A = vector.shape_cast %get3A_25 : vector<128xf32> to vector<1x128xf32>
    %add3A_26 = vector.broadcast %broadcast_in_dim3A : vector<1x128xf32> to vector<10000x128xf32>
    %add3A_27 = arith.addf %mul3A_23, %add3A_26 : vector<10000x128xf32>
    %max3A = arith.constant 0.000000e+00 : f32
    %max3A_28 = vector.broadcast %max3A : f32 to vector<10000x128xf32>
    %max3A_29 = arith.maximumf %add3A_27, %max3A_28 : vector<10000x128xf32>
    %get3A_30 = arith.constant 0 : index
    %get3A_31 = arith.constant 0 : index
    %get3A_32 = vector.load %arg4[%get3A_30, %get3A_31] : memref<128x16xf32, #tpu.memory_space<vmem>>, vector<128x16xf32>
    %dot_general3A = arith.constant dense<0.000000e+00> : vector<10000x16xf32>
    %dot_general3A_33 = tpu.matmul %max3A_29, %get3A_32, %dot_general3A {dimension_numbers = #tpu.dot_dimension_numbers<[1], [0], [0], [1], [0, 0, 1, 1], [], []>, transpose_lhs_hint = false} : vector<10000x128xf32>, vector<128x16xf32>, vector<10000x16xf32> -> vector<10000x16xf32>
    %mul3A_34 = vector.broadcast %get3A_1 : vector<10000x1xf32> to vector<10000x16xf32>
    %mul3A_35 = arith.mulf %mul3A_34, %dot_general3A_33 : vector<10000x16xf32>
    %swap3A = arith.constant 0 : index
    %swap3A_36 = arith.constant 0 : index
    %swap3A_37 = vector.load %arg5[%swap3A, %swap3A_36] : memref<10000x16xf32, #tpu.memory_space<vmem>>, vector<10000x16xf32>
    tpu.vector_store %arg5[%swap3A, %swap3A_36], %mul3A_35 {strides = array<i32>} : memref<10000x16xf32, #tpu.memory_space<vmem>>, vector<10000x16xf32>,
    return
  }
}

module attributes {stable_mosaic.version = 14 : i64} {
  func.func @body(%arg0: memref<2x10112x16xf32, #tpu.memory_space<vmem>>, %arg1: memref<10000x16xf32, #tpu.memory_space<vmem>>, %arg2: memref<10000x1xf32, #tpu.memory_space<vmem>>, %arg3: memref<16xf32, #tpu.memory_space<vmem>>, %arg4: memref<10000x16xf32, #tpu.memory_space<vmem>>) attributes {dimension_semantics = [], scalar_prefetch = 0 : i64, scratch_operands = 0 : i64, tpu.core_type = #tpu.core_type<tc>} {
    %get3A = arith.constant 0 : index
    %get3A_0 = arith.constant 0 : index
    %get3A_1 = vector.load %arg2[%get3A, %get3A_0] : memref<10000x1xf32, #tpu.memory_space<vmem>>, vector<10000x1xf32>
    %get3A_2 = arith.constant 0 : index
    %get3A_3 = arith.constant 0 : index
    %get3A_4 = arith.constant 0 : index
    %get3A_5 = vector.load %arg0[%get3A_2, %get3A_3, %get3A_4] : memref<2x10112x16xf32, #tpu.memory_space<vmem>>, vector<1x10000x16xf32>
    %get3A_6 = vector.shape_cast %get3A_5 : vector<1x10000x16xf32> to vector<10000x16xf32>
    %get3A_7 = arith.constant 1 : index
    %get3A_8 = arith.constant 0 : index
    %get3A_9 = arith.constant 0 : index
    %get3A_10 = vector.load %arg0[%get3A_7, %get3A_8, %get3A_9] : memref<2x10112x16xf32, #tpu.memory_space<vmem>>, vector<1x10000x16xf32>
    %get3A_11 = vector.shape_cast %get3A_10 : vector<1x10000x16xf32> to vector<10000x16xf32>
    %add3A = arith.addf %get3A_6, %get3A_11 : vector<10000x16xf32>
    %get3A_12 = arith.constant 0 : index
    %get3A_13 = arith.constant 0 : index
    %get3A_14 = vector.load %arg1[%get3A_12, %get3A_13] : memref<10000x16xf32, #tpu.memory_space<vmem>>, vector<10000x16xf32>
    %add3A_15 = arith.addf %add3A, %get3A_14 : vector<10000x16xf32>
    %mul3A = vector.broadcast %get3A_1 : vector<10000x1xf32> to vector<10000x16xf32>
    %mul3A_16 = arith.mulf %mul3A, %add3A_15 : vector<10000x16xf32>
    %get3A_17 = arith.constant 0 : index
    %get3A_18 = vector.load %arg3[%get3A_17] : memref<16xf32, #tpu.memory_space<vmem>>, vector<16xf32>
    %broadcast_in_dim3A = vector.shape_cast %get3A_18 : vector<16xf32> to vector<1x16xf32>
    %add3A_19 = vector.broadcast %broadcast_in_dim3A : vector<1x16xf32> to vector<10000x16xf32>
    %add3A_20 = arith.addf %mul3A_16, %add3A_19 : vector<10000x16xf32>
    %swap3A = arith.constant 0 : index
    %swap3A_21 = arith.constant 0 : index
    %swap3A_22 = vector.load %arg4[%swap3A, %swap3A_21] : memref<10000x16xf32, #tpu.memory_space<vmem>>, vector<10000x16xf32>
    tpu.vector_store %arg4[%swap3A, %swap3A_21], %add3A_20 {strides = array<i32>} : memref<10000x16xf32, #tpu.memory_space<vmem>>, vector<10000x16xf32>,
    return
  }
}

</mosaic_0001>

<sc_bundles>
// kernel: kernel.12.cloned.1.call-start
scs
__scs_entry_jumppad:
0x0: {  	(pc) =	sbr.rel $0x88, $3  }
0x1: {  	(tag) =	ssettag $0x0;
	lr =	simm.s32 $0x1  }
0x2: {  	[smem:$0x3F9B] =	sst lr;
	_ =	strace $0xD0000000  }
0x3: {  	_ = 	snop  }
0x4: {  	_ = 	snop  }
0x5: {  	_ = 	snop  }
0x6: {  	_ = 	snop  }
0x7: {  	_ = 	snop  }
__scs_overlays_trampoline_lowered:
0x8: {  	[smem:$0x3FAA] =	sst s0  }
0x9: {  	[smem:$0x3FAB] =	sst s1  }
0xa: {  	[smem:$0x3FAC] =	sst s2  }
0xb: {  	[smem:$0x3FAD] =	sst s3  }
0xc: {  	[smem:$0x3FAE] =	sst s4  }
0xd: {  	[smem:$0x3FAF] =	sst s5  }
0xe: {  	[smem:$0x3FB0] =	sst s6  }
0xf: {  	[smem:$0x3FB1] =	sst s7  }
0x10: {  	[smem:$0x3FB2] =	sst s8  }
0x11: {  	[smem:$0x3FB3] =	sst s9;
	s0 =	simm.s32 @!p0 $0x0  }
0x12: {  	s1 =	sld [smem:$0x3F99];
	s0 =	simm.s32 @p0 $0x1  }
0x13: {  	[smem:$0x3FB4] =	sst s0;
	s0 =	simm.s32 @!p1 $0x0  }
0x14: {  	s2 =	sld [smem:$0x3F98];
	s0 =	simm.s32 @p1 $0x1  }
0x15: {  	[smem:$0x3FB5] =	sst s0;
	s0 =	simm.s32 @!p2 $0x0  }
0x16: {  	s3 =	sld [smem:$0x3FDB];
	s0 =	simm.s32 @p2 $0x1  }
0x17: {  	s4 =	simm.s32 $0x1BF5;
	[smem:$0x3FB7] =	sst s0  }
0x18: {  	s0 =	sld [smem:$0x3F9A];
	_ =	swait.ge [sflag:s4], $0x0  }
0x19: {  	s7 =	sld [smem:$0x3F9B]  }
0x1a: {  	s8 =	sadd.s32 $0xFFFFE003, lr  }
0x1b: {  	s9 =	sadd.s32 $0xFFFFFEF7, lr;
	s5 =	simm.s32 $0xFFFFFFFF;
	p2 =	slt.u32 s8, $0xFFFFF086  }
0x1c: {  	p1 =	slt.u32 s9, $0xF7A;
	s5 =	simm.s32 @!p2 $0x0  }
0x1d: {  	s5 =	simm.s32 @p1 $0x1;
	p0 =	seq.s32 s7, s2  }
0x1e: {  	s7 =	smul.u32 @!p0 $0xF7A, s2;
	p2 =	seq.s32 @!p0 s5, $0x0  }
0x1f: {  	s9 =	smul.u32 $0xF7A, s1;
	s8 =	simm.s32 @!p0 $0x1BF5;
	p2 =	por !p2, p0  }
0x20: {  	[sflag:s8] =	ssyncset.s32 @!p0 $0xFFFFF086;
	s6 =	sadd.s32 @!p0 s3, s7;
	s7 =	simm.s32 @!p0 $0x108  }
0x21: {  	s3 =	sadd.s32 s3, s9;
	s6 =	sadd.s32 @!p0 $0x88, s6;
	s7 =	simm.s32 @p2 $0x1082  }
0x22: {  	[simem:s7], [sflag:s8] =	dma.local @!p0 [hbm:s6], $0xF7A  }
0x23: {  	s9 =	sor.u32 $0xD0000000, s2;
	s6 =	simm.s32 $0x108;
	_ =	swait.ge @!p0 [sflag:s8], $0x0  }
0x24: {  	s3 =	sadd.s32 $0x88, s3;
	s6 =	simm.s32 @!p1 $0x1082;
	[sflag:s4] =	ssyncset.s32 $0xFFFFF086  }
0x25: {  	[simem:s6], [sflag:s4] =	dma.local [hbm:s3], $0xF7A  }
0x26: {  	[smem:$0x3F9B] =	sst s1;
	(tag) =	ssettag s2;
	_ =	strace s9  }
0x27: {  	s1 =	sld [smem:$0x3FAB]  }
0x28: {  	s2 =	sld [smem:$0x3FAC]  }
0x29: {  	s4 =	sld [smem:$0x3FAE]  }
0x2a: {  	p0 =	seq.s32 s5, $0x0;
	s5 =	sld [smem:$0x3FAF]  }
0x2b: {  	s6 =	sld [smem:$0x3FB0]  }
0x2c: {  	s7 =	sld [smem:$0x3FB1]  }
0x2d: {  	s3 =	simm.s32 $0x108;
	s8 =	sld [smem:$0x3FB2]  }
0x2e: {  	s3 =	simm.s32 @!p0 $0x1082;
	s9 =	sld [smem:$0x3FB3]  }
0x2f: {  	lr =	sadd.s32 s0, s3;
	s0 =	sld [smem:$0x3FAA]  }
0x30: {  	s3 =	sld [smem:$0x3FAD]  }
0x31: {  	[smem:$0x3FB6] =	sst s10  }
0x32: {  	s10 =	sld [smem:$0x3FB4];
	_ =	sdelay $0x3  }
0x33: {  	p0 =	seq.s32 s10, $0x1;
	s10 =	sld [smem:$0x3FB6];
	_ =	sdelay $0x3  }
0x34: {  	[smem:$0x3FB6] =	sst s10  }
0x35: {  	s10 =	sld [smem:$0x3FB5];
	_ =	sdelay $0x3  }
0x36: {  	p1 =	seq.s32 s10, $0x1;
	s10 =	sld [smem:$0x3FB6];
	_ =	sdelay $0x3  }
0x37: {  	[smem:$0x3FB6] =	sst s10  }
0x38: {  	s10 =	sld [smem:$0x3FB7]  }
0x39: {  	_ = 	snop;
	(pc) =	sbr.ind lr, $3  }
0x3a: {  	_ = 	snop  }
0x3b: {  	_ = 	snop  }
0x3c: {  	p2 =	seq.s32 s10, $0x1;
	s10 =	sld [smem:$0x3FB6]  }
0x3d: {  	_ =	shalt  }
0x3e: {  	_ =	shalt  }
0x3f: {  	_ =	shalt  }
0x40: {  	_ =	shalt  }
0x41: {  	_ =	shalt  }
0x42: {  	_ =	shalt  }
0x43: {  	_ =	shalt  }
0x44: {  	_ =	shalt  }
0x45: {  	_ =	shalt  }
0x46: {  	_ =	shalt  }
0x47: {  	_ =	shalt  }
0x48: {  	_ =	shalt  }
0x49: {  	_ =	shalt  }
0x4a: {  	_ =	shalt  }
0x4b: {  	_ =	shalt  }
0x4c: {  	_ =	shalt  }
0x4d: {  	_ =	shalt  }
0x4e: {  	_ =	shalt  }
0x4f: {  	_ =	shalt  }
0x50: {  	_ =	shalt  }
0x51: {  	_ =	shalt  }
0x52: {  	_ =	shalt  }
0x53: {  	_ =	shalt  }
0x54: {  	_ =	shalt  }
0x55: {  	_ =	shalt  }
0x56: {  	_ =	shalt  }
0x57: {  	_ =	shalt  }
0x58: {  	_ =	shalt  }
0x59: {  	_ =	shalt  }
0x5a: {  	_ =	shalt  }
0x5b: {  	_ =	shalt  }
0x5c: {  	_ =	shalt  }
0x5d: {  	_ =	shalt  }
0x5e: {  	_ =	shalt  }
0x5f: {  	_ =	shalt  }
0x60: {  	_ =	shalt  }
0x61: {  	_ =	shalt  }
0x62: {  	_ =	shalt  }
0x63: {  	_ =	shalt  }
0x64: {  	_ =	shalt  }
0x65: {  	_ =	shalt  }
0x66: {  	_ =	shalt  }
0x67: {  	_ =	shalt  }
0x68: {  	_ =	shalt  }
0x69: {  	_ =	shalt  }
0x6a: {  	_ =	shalt  }
0x6b: {  	_ =	shalt  }
0x6c: {  	_ =	shalt  }
0x6d: {  	_ =	shalt  }
0x6e: {  	_ =	shalt  }
0x6f: {  	_ =	shalt  }
0x70: {  	_ =	shalt  }
0x71: {  	_ =	shalt  }
0x72: {  	_ =	shalt  }
0x73: {  	_ =	shalt  }
0x74: {  	_ =	shalt  }
0x75: {  	_ =	shalt  }
0x76: {  	_ =	shalt  }
0x77: {  	_ =	shalt  }
0x78: {  	_ =	shalt  }
0x79: {  	_ =	shalt  }
0x7a: {  	_ =	shalt  }
0x7b: {  	_ =	shalt  }
0x7c: {  	_ =	shalt  }
0x7d: {  	_ =	shalt  }
0x7e: {  	_ =	shalt  }
0x7f: {  	_ =	shalt  }
0x80: {  	_ =	shalt  }
0x81: {  	_ =	shalt  }
0x82: {  	_ =	shalt  }
0x83: {  	_ =	shalt  }
0x84: {  	_ =	shalt  }
0x85: {  	_ =	shalt  }
0x86: {  	_ =	shalt  }
0x87: {  	_ =	shalt  }
.Lfunc_end0:
.L_simem_size_0:
called_computation.1_lowered:
.L_overlay_start_0:
0x88: {  	s2 =	sld [smem:$0x3FD9]  }
0x89: {  	s3 =	sld [smem:$0x3FFE];
	_ =	sdelay $0x1  }
0x8a: {  	s1 =	srdreg.scid  }
0x8b: {  	s0 =	sand.u32 $0x1, s1  }
0x8c: {  	s16 =	sshll.u32 s0, $0xA;
	s2 =	sadd.s32 s3, s2  }
0x8d: {  	s2 =	sadd.s32 s2, s16  }
0x8e: {  	[smem:$0x3FC2] =	sst s2  }
0x8f: {  	_ = 	snop  }
0x90: {  	(tm) =	ssettm $0x1  }
0x91: {  	s17 =	sld [smem:$0x3FFB];
	_ =	sdelay $0x3  }
0x92: {  	_ =	strace s17  }
0x93: {  	s2 =	sld [smem:$0x3FFC];
	_ =	sdelay $0x3  }
0x94: {  	_ =	strace s2  }
0x95: {  	s2 =	sld [smem:$0x3FFD];
	_ =	sdelay $0x3  }
0x96: {  	_ =	strace s2  }
0x97: {  	_ =	strace $0x8FFFFFFF  }
0x98: {  	s18 =	sld [smem:$0x3FDB];
	_ =	sdelay $0x1  }
0x99: {  	s19 =	simm.s32 $_scs_section_size  }
0x9a: {  	s4 =	simm.s32 $_size__tile_overlayer_lowered;
	s5 =	simm.s32 $_tile_overlayer_lowered  }
0x9b: {  	s22 =	simm.s32 $0x1BFF;
	s21 =	sshll.u32 s5, $0x1;
	s2 =	sadd.s32 s19, s18  }
0x9c: {  	s6 =	simm.s32 $0x0;
	s20 =	sshll.u32 s4, $0x1;
	s4 =	sadd.s32 s21, s2  }
0x9d: {  	[timem:s6], [sflag:s22] =	dma.local [hbm:s4], s20  }
0x9e: {  	_ =	swait.ge [sflag:s22], s20  }
0x9f: {  	s3 =	ssub.s32 $0x0, s20;
	[sflag:s22] =	ssyncset.done $0x0  }
0xa0: {  	[sflag:s22] =	ssyncadd.s32 s3;
	_ =	sdelay $0x1  }
0xa1: {  	s23 =	simm.s32 $0x1B8B  }
0xa2: {  	_ =	swait.ge [sflag:s23], $0x1  }
0xa3: {  	[sflag:s23] =	ssyncset.done $0x0  }
0xa4: {  	s25 =	simm.s32 $0x1B8E;
	s24 =	sld [smem:$0x3FFE];
	[sflag:s23] =	ssyncadd.s32 $0xFFFFFFFF  }
0xa5: {  	s26 =	simm.s32 $execute0_lowered;
	[smem:$0x3FD2] =	sst s25  }
0xa6: {  	s4 =	sshll.u32 s26, $0x1;
	_ =	strace $0x80000049;
	[dreg:$0x1] =	wrdreg $0xFFFFFFFF  }
0xa7: {  	s28 =	simm.s32 $_size_execute0_lowered;
	s2 =	sadd.s32 s2, s4;
	[dreg:$0x0] =	wrdreg $0x0  }
0xa8: {  	s4 =	sshll.u32 s28, $0x1;
	[dreg:$0x2] =	wrdreg s2  }
0xa9: {  	[dreg:$0x3] =	wrdreg s4  }
0xaa: {  	[dreg:$0x4] =	wrdreg $0xC0  }
0xab: {  	_ =	task [dreg:s6], $0x5FFFF  }
0xac: {  	[dreg:$0x1] =	wrdreg $0xFFFFFFFF  }
0xad: {  	[dreg:$0x0] =	wrdreg $0x60  }
0xae: {  	[dreg:$0x2] =	wrdreg s24  }
0xaf: {  	[dreg:$0x3] =	wrdreg $0x150000  }
0xb0: {  	[dreg:$0x4] =	wrdreg $0x9  }
0xb1: {  	_ =	task.clear_ibuf [dreg:s6], $0x5FFFF;
	_ =	strace $0x90000049  }
0xb2: {  	s29 =	simm.s32 $0x9;
	_ =	strace $0x8000004B  }
0xb3: {  	_ =	swait.ge [sflag:s29], $0x1  }
0xb4: {  	[sflag:s29] =	ssyncadd.s32 $0xFFFFFFFF  }
0xb5: {  	_ =	strace $0x9000004B  }
0xb6: {  	_ =	sfence  }
0xb7: {  	s30 =	sld [smem:$0x0];
	_ =	sdelay $0x2  }
0xb8: {  	s31 =	sshll.u32 s1, $0xD;
	s1 =	sshrl.u32 s1, $0x2  }
0xb9: {  	s3 =	sand.u32 $0x4000, s31;
	s1 =	sadd.s32 s1, s30  }
0xba: {  	s0 =	sor.u32 s3, s0;
	s1 =	sshll.u32 s1, $0x11  }
0xbb: {  	s0 =	sor.u32 s1, s0  }
0xbc: {  	s0 =	sadd.s32 $0x8F2B, s0  }
0xbd: {  	[sflag:s0] =	ssyncadd.remote.s32 $0x1  }
0xbe: {  	_ =	sfence.sel $0xFFFF  }
0xbf: {  	[dreg:$0x0] =	wrdreg $0xFFFFFFFF;
	(pc) =	sbr.abs _section_cstart, $3  }
0xc0: {  	[dreg:$0x1] =	wrdreg $0xFFFFFFFF  }
0xc1: {  	_ =	task.clear_ibuf [dreg:s6], $0x2FFFF;
	_ =	strace $0x9FFFFFFF  }
0xc2: {  	(tm) =	ssettm $0x7FFFFFFF  }
0xc3: {  	_ =	shalt  }
tec
execute0_lowered:
.L_overlay_start_1:
0x0: {  	(tag) =	ssettag $0x1  }
0x1: {  	s0 =	rddreg [dreg:$0x0]  }
0x2: {  	s1 =	rddreg [dreg:$0x1]  }
0x3: {  	s3 =	srdreg.scid;
	s2 =	simm.s32 $0x0;
	s6 =	stileid.u32  }
0x4: {  	s19 =	simm.s32 $0x9000;
	s28 =	simm.s32 $0x1;
	s30 =	simm.s32 $0x11000  }
0x5: {  	s31 =	simm.s32 $0x2;
	s3 =	sand.u32 $0x1, s3;
	s10 =	smul.u32 $0x9E00, s6  }
0x6: {  	[smem:$0x7FF] =	sst s2;
	s12 =	sadd.s32 $0xB800, s0;
	s4 =	smul.u32 $0x13880, s3  }
0x7: {  	s13 =	sadd.s32 $0x1800, s0;
	s5 =	smul.u32 $0x13C00, s3;
	s3 =	ssub.s32 $0x2, s3  }
0x8: {  	s8 =	smul.u32 $0x5000, s6;
	_ =	strace $0x8000004A;
	s25 =	sshrl.u32 s3, $0x1  }
0x9: {  	s14 =	sadd.s32 $0x2000, s10;
	s15 =	sadd.s32 $0x4000, s10;
	s16 =	sadd.s32 $0x6000, s10  }
0xa: {  	s17 =	sadd.s32 $0x8000, s10;
	s11 =	sshrl.u32 s8, $0x3;
	s9 =	sadd.s32 s4, s0  }
0xb: {  	s0 =	sadd.s32 s5, s0;
	s3 =	ssub.s32 s3, s25;
	s4 =	sadd.s32 s10, s1  }
0xc: {  	s5 =	sadd.s32 s14, s1;
	s6 =	sadd.s32 s15, s1;
	s7 =	sadd.s32 s16, s1  }
0xd: {  	s8 =	sadd.s32 s17, s1;
	s18 =	sadd.s32 s12, s11;
	s26 =	sadd.s32 $0x500, s11  }
0xe: {  	s11 =	sadd.s32 s13, s11;
	s20 =	sshrl.u32 s14, $0x3;
	s21 =	sshrl.u32 s15, $0x3  }
0xf: {  	s22 =	sshrl.u32 s16, $0x3;
	s23 =	sshrl.u32 s17, $0x3;
	s15 =	simm.s32 $0x5000  }
0x10: {  	s16 =	simm.s32 $0x9;
	s17 =	simm.s32 $0x2800;
	[dreg:$0x3] =	wrdreg s18  }
0x11: {  	s14 =	simm.s32 $0x0;
	[dreg:$0x4] =	wrdreg s11;
	s11 =	sadd.s32 $0x15800, s9  }
0x12: {  	s29 =	sadd.s32 s12, s26;
	s12 =	sadd.s32 s13, s26;
	s0 =	sadd.s32 $0x3CA00, s0  }
0x13: {  	s13 =	sshrl.u32 s10, $0x3;
	s3 =	smax.u32 s3, $0x1;
	[dreg:$0x5] =	wrdreg s29  }
0x14: {  	s18 =	simm.s32 $0x100;
	s10 =	simm.s32 $0x3;
	[dreg:$0x6] =	wrdreg s12  }
0x15: {  	s9 =	simm.s32 $0x4E00;
	[dreg:$0x7] =	wrdreg s3;
	s24 =	sadd.s32 s13, s0  }
0x16: {  	s25 =	sadd.s32 s20, s0;
	s26 =	sadd.s32 s21, s0;
	[dreg:$0x8] =	wrdreg s24  }
0x17: {  	s29 =	sadd.s32 s22, s0;
	s0 =	sadd.s32 s23, s0;
	[dreg:$0x9] =	wrdreg s25  }
0x18: {  	s3 =	simm.s32 $0x5;
	s13 =	simm.s32 $0x6;
	[dreg:$0xa] =	wrdreg s26  }
0x19: {  	s20 =	simm.s32 $0x7;
	s22 =	simm.s32 $0x8;
	[dreg:$0xb] =	wrdreg s29  }
0x1a: {  	s23 =	simm.s32 $0x2700;
	s12 =	simm.s32 $0x4F00;
	[dreg:$0xc] =	wrdreg s0  }
0x1b: {  	v0 =	vimm.f32 $0.0e+00;
	s26 =	simm.s32 $0xD000;
	s25 =	simm.s32 $0x4;
	s24 =	simm.s32 $0x4D00  }
.LBB2_1:
0x1c: {  	s29 =	simm.s32 $0x100;
	s21 =	simm.s32 $0x0  }
.LBB2_2:
0x1d: {  	p0 =	sne.s32 s29, $0x7F00;
	[tilespmem:s21+$0x5030] =	vst v0;
	s0 =	smov.u32 s29;
	s29 =	sadd.s32 $0x100, s29  }
.Ltmp0:
0x1e: {  	[tilespmem:s21+$0x5020] =	vst v0;
	(pc) =	sbr.rel @p0 .LBB2_2-.Ltmp0, $3  }
0x1f: {  	[tilespmem:s21+$0x5000] =	vst v0  }
0x20: {  	[tilespmem:s21+$0x5010] =	vst v0;
	_ =	sdelay $0x1  }
0x21: {  	s21 =	sshra.s32 s0, $0x2  }
0x22: {  	[tilespmem:s21+$0x5030] =	vst v0  }
0x23: {  	[tilespmem:s21+$0x5020] =	vst v0  }
0x24: {  	[tilespmem:s21+$0x5000] =	vst v0  }
0x25: {  	[tilespmem:s21+$0x5010] =	vst v0  }
0x26: {  	[spmem:s4] =	stream.linear.scatter [tilespmem:s15], [sflag:$0x9], $0x2000, $0x38;
	[tilespmem:$0x1EE00] =	vst v63  }
0x27: {  	_ =	swait.ge [sflag:s16], $0x2000  }
0x28: {  	[sflag:s16] =	ssyncset.done $0x0  }
0x29: {  	[sflag:s16] =	ssyncadd.s32 $0xFFFFE000  }
0x2a: {  	[spmem:s5] =	stream.linear.scatter [tilespmem:s15], [sflag:$0x9], $0x2000, $0x38;
	[tilespmem:$0x1EE00] =	vst v63  }
0x2b: {  	_ =	swait.ge [sflag:s16], $0x2000  }
0x2c: {  	[sflag:s16] =	ssyncset.done $0x0  }
0x2d: {  	[sflag:s16] =	ssyncadd.s32 $0xFFFFE000  }
0x2e: {  	[spmem:s6] =	stream.linear.scatter [tilespmem:s15], [sflag:$0x9], $0x2000, $0x38;
	[tilespmem:$0x1EE00] =	vst v63  }
0x2f: {  	_ =	swait.ge [sflag:s16], $0x2000  }
0x30: {  	[sflag:s16] =	ssyncset.done $0x0  }
0x31: {  	[sflag:s16] =	ssyncadd.s32 $0xFFFFE000  }
0x32: {  	[spmem:s7] =	stream.linear.scatter [tilespmem:s15], [sflag:$0x9], $0x2000, $0x38;
	[tilespmem:$0x1EE00] =	vst v63  }
0x33: {  	_ =	swait.ge [sflag:s16], $0x2000  }
0x34: {  	[sflag:s16] =	ssyncset.done $0x0  }
0x35: {  	[sflag:s16] =	ssyncadd.s32 $0xFFFFE000  }
0x36: {  	[spmem:s8] =	stream.linear.scatter [tilespmem:s15], [sflag:$0x9], $0x1E00, $0x38;
	[tilespmem:$0x1EE00] =	vst v63  }
0x37: {  	_ =	swait.ge [sflag:s16], $0x1E00  }
0x38: {  	[sflag:s16] =	ssyncset.done $0x0  }
0x39: {  	[sflag:s16] =	ssyncadd.s32 $0xFFFFE200  }
0x3a: {  	[bflag:$0x0] =	sbarrier.arrive $0xFFFF  }
0x3b: {  	s0 =	simm.s32 $0x0;
	s21 =	rddreg [dreg:$0x3]  }
0x3c: {  	[tilespmem:s0], [sflag:$0x9] =	stream.linear.gather [hbm4b:s21+s0], $0x2800, $0x38;
	[tilespmem:$0x1EE00] =	vst v63  }
0x3d: {  	_ =	swait.ge [sflag:s16], $0x2800  }
0x3e: {  	[sflag:s16] =	ssyncset.done $0x0  }
0x3f: {  	s21 =	rddreg [dreg:$0x4];
	[sflag:s16] =	ssyncadd.s32 $0xFFFFD800  }
0x40: {  	[tilespmem:s17], [sflag:$0x9] =	stream.linear.gather [hbm4b:s21+s0], $0x2800, $0x38;
	[tilespmem:$0x1EE00] =	vst v63  }
0x41: {  	_ =	swait.ge [sflag:s16], $0x2800  }
0x42: {  	[sflag:s16] =	ssyncset.done $0x0  }
0x43: {  	[sflag:s16] =	ssyncadd.s32 $0xFFFFD800  }
0x44: {  	[tilespmem:s15], [sflag:$0x1] =	stream.indirect.gather [hbm4b:s11+s18], $0x40, s0, s18, $0xb8;
	[tilespmem:$0x1EE00] =	vst v63  }
0x45: {  	_ = 	snop  }
0x46: {  	[tilespmem:s19], [sflag:$0x2] =	stream.indirect.gather [hbm4b:s11+s18], $0x40, s18, s18, $0xb8;
	[tilespmem:$0x1EE00] =	vst v63  }
0x47: {  	s21 =	simm.s32 $0x200  }
0x48: {  	[tilespmem:s26], [sflag:$0x3] =	stream.indirect.gather [hbm4b:s11+s18], $0x40, s21, s18, $0xb8;
	[tilespmem:$0x1EE00] =	vst v63  }
0x49: {  	_ =	swait.ge [sflag:s28], $0x4000  }
0x4a: {  	[sflag:s28] =	ssyncset.done $0x0  }
0x4b: {  	[sflag:s28] =	ssyncadd.s32 $0xFFFFC000  }
0x4c: {  	[spmem:s1] =	stream.indirect.scatter.add.f32 [tilespmem:s15], [sflag:$0x5], $0x40, s17, s18, $0xb8;
	[tilespmem:$0x1EE00] =	vst v63  }
0x4d: {  	s21 =	simm.s32 $0x300  }
0x4e: {  	[tilespmem:s30], [sflag:$0x4] =	stream.indirect.gather [hbm4b:s11+s18], $0x40, s21, s18, $0xb8;
	[tilespmem:$0x1EE00] =	vst v63  }
0x4f: {  	_ =	swait.ge [sflag:s31], $0x4000  }
0x50: {  	[sflag:s31] =	ssyncset.done $0x0  }
0x51: {  	s21 =	simm.s32 $0x2900;
	[sflag:s31] =	ssyncadd.s32 $0xFFFFC000  }
0x52: {  	[spmem:s1] =	stream.indirect.scatter.add.f32 [tilespmem:s19], [sflag:$0x6], $0x40, s21, s18, $0xb8;
	[tilespmem:$0x1EE00] =	vst v63  }
0x53: {  	_ =	swait.ge [sflag:s3], $0x4000  }
0x54: {  	[sflag:s3] =	ssyncset.done $0x0  }
0x55: {  	s21 =	simm.s32 $0x400;
	[sflag:s3] =	ssyncadd.s32 $0xFFFFC000  }
0x56: {  	[tilespmem:s15], [sflag:$0x1] =	stream.indirect.gather [hbm4b:s11+s18], $0x40, s21, s18, $0xb8;
	[tilespmem:$0x1EE00] =	vst v63  }
0x57: {  	_ =	swait.ge [sflag:s10], $0x4000  }
0x58: {  	[sflag:s10] =	ssyncset.done $0x0  }
0x59: {  	s21 =	simm.s32 $0x2A00;
	[sflag:s10] =	ssyncadd.s32 $0xFFFFC000  }
0x5a: {  	[spmem:s1] =	stream.indirect.scatter.add.f32 [tilespmem:s26], [sflag:$0x7], $0x40, s21, s18, $0xb8;
	[tilespmem:$0x1EE00] =	vst v63  }
0x5b: {  	_ =	swait.ge [sflag:s13], $0x4000  }
0x5c: {  	[sflag:s13] =	ssyncset.done $0x0  }
0x5d: {  	s21 =	simm.s32 $0x500;
	[sflag:s13] =	ssyncadd.s32 $0xFFFFC000  }
0x5e: {  	[tilespmem:s19], [sflag:$0x2] =	stream.indirect.gather [hbm4b:s11+s18], $0x40, s21, s18, $0xb8;
	[tilespmem:$0x1EE00] =	vst v63  }
0x5f: {  	_ =	swait.ge [sflag:s25], $0x4000  }
0x60: {  	[sflag:s25] =	ssyncset.done $0x0  }
0x61: {  	s21 =	simm.s32 $0x2B00;
	[sflag:s25] =	ssyncadd.s32 $0xFFFFC000  }
0x62: {  	[spmem:s1] =	stream.indirect.scatter.add.f32 [tilespmem:s30], [sflag:$0x8], $0x40, s21, s18, $0xb8;
	[tilespmem:$0x1EE00] =	vst v63  }
0x63: {  	_ =	swait.ge [sflag:s20], $0x4000  }
0x64: {  	[sflag:s20] =	ssyncset.done $0x0  }
0x65: {  	s21 =	simm.s32 $0x600;
	[sflag:s20] =	ssyncadd.s32 $0xFFFFC000  }
0x66: {  	[tilespmem:s26], [sflag:$0x3] =	stream.indirect.gather [hbm4b:s11+s18], $0x40, s21, s18, $0xb8;
	[tilespmem:$0x1EE00] =	vst v63  }
0x67: {  	_ =	swait.ge [sflag:s28], $0x4000  }
0x68: {  	[sflag:s28] =	ssyncset.done $0x0  }
0x69: {  	s21 =	simm.s32 $0x2C00;
	[sflag:s28] =	ssyncadd.s32 $0xFFFFC000  }
0x6a: {  	[spmem:s1] =	stream.indirect.scatter.add.f32 [tilespmem:s15], [sflag:$0x5], $0x40, s21, s18, $0xb8;
	[tilespmem:$0x1EE00] =	vst v63  }
0x6b: {  	_ =	swait.ge [sflag:s22], $0x4000  }
0x6c: {  	[sflag:s22] =	ssyncset.done $0x0  }
0x6d: {  	s21 =	simm.s32 $0x700;
	[sflag:s22] =	ssyncadd.s32 $0xFFFFC000  }
0x6e: {  	[tilespmem:s30], [sflag:$0x4] =	stream.indirect.gather [hbm4b:s11+s18], $0x40, s21, s18, $0xb8;
	[tilespmem:$0x1EE00] =	vst v63  }
0x6f: {  	_ =	swait.ge [sflag:s31], $0x4000  }
0x70: {  	[sflag:s31] =	ssyncset.done $0x0  }
0x71: {  	s21 =	simm.s32 $0x2D00;
	[sflag:s31] =	ssyncadd.s32 $0xFFFFC000  }
0x72: {  	[spmem:s1] =	stream.indirect.scatter.add.f32 [tilespmem:s19], [sflag:$0x6], $0x40, s21, s18, $0xb8;
	[tilespmem:$0x1EE00] =	vst v63  }
0x73: {  	_ =	swait.ge [sflag:s3], $0x4000  }
0x74: {  	[sflag:s3] =	ssyncset.done $0x0  }
0x75: {  	s21 =	simm.s32 $0x800;
	[sflag:s3] =	ssyncadd.s32 $0xFFFFC000  }
0x76: {  	[tilespmem:s15], [sflag:$0x1] =	stream.indirect.gather [hbm4b:s11+s18], $0x40, s21, s18, $0xb8;
	[tilespmem:$0x1EE00] =	vst v63  }
0x77: {  	_ =	swait.ge [sflag:s10], $0x4000  }
0x78: {  	[sflag:s10] =	ssyncset.done $0x0  }
0x79: {  	s21 =	simm.s32 $0x2E00;
	[sflag:s10] =	ssyncadd.s32 $0xFFFFC000  }
0x7a: {  	[spmem:s1] =	stream.indirect.scatter.add.f32 [tilespmem:s26], [sflag:$0x7], $0x40, s21, s18, $0xb8;
	[tilespmem:$0x1EE00] =	vst v63  }
0x7b: {  	_ =	swait.ge [sflag:s13], $0x4000  }
0x7c: {  	[sflag:s13] =	ssyncset.done $0x0  }
0x7d: {  	s21 =	simm.s32 $0x900;
	[sflag:s13] =	ssyncadd.s32 $0xFFFFC000  }
0x7e: {  	[tilespmem:s19], [sflag:$0x2] =	stream.indirect.gather [hbm4b:s11+s18], $0x40, s21, s18, $0xb8;
	[tilespmem:$0x1EE00] =	vst v63  }
0x7f: {  	_ =	swait.ge [sflag:s25], $0x4000  }
0x80: {  	[sflag:s25] =	ssyncset.done $0x0  }
0x81: {  	s21 =	simm.s32 $0x2F00;
	[sflag:s25] =	ssyncadd.s32 $0xFFFFC000  }
0x82: {  	[spmem:s1] =	stream.indirect.scatter.add.f32 [tilespmem:s30], [sflag:$0x8], $0x40, s21, s18, $0xb8;
	[tilespmem:$0x1EE00] =	vst v63  }
0x83: {  	_ =	swait.ge [sflag:s20], $0x4000  }
0x84: {  	[sflag:s20] =	ssyncset.done $0x0  }
0x85: {  	s29 =	simm.s32 $0x1000;
	s21 =	simm.s32 $0xA00;
	[sflag:s20] =	ssyncadd.s32 $0xFFFFC000  }
.LBB2_4:
0x86: {  	[tilespmem:s26], [sflag:$0x3] =	stream.indirect.gather [hbm4b:s11+s18], $0x40, s21, s18, $0xb8;
	[tilespmem:$0x1EE00] =	vst v63  }
0x87: {  	s0 =	smov.u32 s29  }
0x88: {  	p0 =	sne.s32 s29, $0x7000;
	s29 =	sadd.s32 $0x1000, s29;
	_ =	swait.ge [sflag:s28], $0x4000  }
0x89: {  	s21 =	sshra.s32 s0, $0x2;
	[sflag:s28] =	ssyncset.done $0x0  }
0x8a: {  	s0 =	sadd.s32 $0x2C00, s21;
	[sflag:s28] =	ssyncadd.s32 $0xFFFFC000  }
0x8b: {  	[spmem:s1] =	stream.indirect.scatter.add.f32 [tilespmem:s15], [sflag:$0x5], $0x40, s0, s18, $0xb8;
	[tilespmem:$0x1EE00] =	vst v63  }
0x8c: {  	_ =	swait.ge [sflag:s22], $0x4000  }
0x8d: {  	[sflag:s22] =	ssyncset.done $0x0  }
0x8e: {  	s0 =	sadd.s32 $0x700, s21;
	[sflag:s22] =	ssyncadd.s32 $0xFFFFC000  }
0x8f: {  	[tilespmem:s30], [sflag:$0x4] =	stream.indirect.gather [hbm4b:s11+s18], $0x40, s0, s18, $0xb8;
	[tilespmem:$0x1EE00] =	vst v63  }
0x90: {  	_ =	swait.ge [sflag:s31], $0x4000  }
0x91: {  	[sflag:s31] =	ssyncset.done $0x0  }
0x92: {  	s0 =	sadd.s32 $0x2D00, s21;
	[sflag:s31] =	ssyncadd.s32 $0xFFFFC000  }
0x93: {  	[spmem:s1] =	stream.indirect.scatter.add.f32 [tilespmem:s19], [sflag:$0x6], $0x40, s0, s18, $0xb8;
	[tilespmem:$0x1EE00] =	vst v63  }
0x94: {  	_ =	swait.ge [sflag:s3], $0x4000  }
0x95: {  	[sflag:s3] =	ssyncset.done $0x0  }
0x96: {  	s0 =	sadd.s32 $0x800, s21;
	[sflag:s3] =	ssyncadd.s32 $0xFFFFC000  }
0x97: {  	[tilespmem:s15], [sflag:$0x1] =	stream.indirect.gather [hbm4b:s11+s18], $0x40, s0, s18, $0xb8;
	[tilespmem:$0x1EE00] =	vst v63  }
0x98: {  	_ =	swait.ge [sflag:s10], $0x4000  }
0x99: {  	[sflag:s10] =	ssyncset.done $0x0  }
0x9a: {  	s0 =	sadd.s32 $0x2E00, s21;
	[sflag:s10] =	ssyncadd.s32 $0xFFFFC000  }
0x9b: {  	[spmem:s1] =	stream.indirect.scatter.add.f32 [tilespmem:s26], [sflag:$0x7], $0x40, s0, s18, $0xb8;
	[tilespmem:$0x1EE00] =	vst v63  }
0x9c: {  	_ =	swait.ge [sflag:s13], $0x4000  }
0x9d: {  	[sflag:s13] =	ssyncset.done $0x0  }
0x9e: {  	s0 =	sadd.s32 $0x900, s21;
	[sflag:s13] =	ssyncadd.s32 $0xFFFFC000  }
0x9f: {  	[tilespmem:s19], [sflag:$0x2] =	stream.indirect.gather [hbm4b:s11+s18], $0x40, s0, s18, $0xb8;
	[tilespmem:$0x1EE00] =	vst v63  }
0xa0: {  	_ =	swait.ge [sflag:s25], $0x4000  }
0xa1: {  	[sflag:s25] =	ssyncset.done $0x0  }
.Ltmp1:
0xa2: {  	s0 =	sadd.s32 $0x2F00, s21;
	[sflag:s25] =	ssyncadd.s32 $0xFFFFC000;
	(pc) =	sbr.rel @p0 .LBB2_4-.Ltmp1, $4  }
0xa3: {  	[spmem:s1] =	stream.indirect.scatter.add.f32 [tilespmem:s30], [sflag:$0x8], $0x40, s0, s18, $0xb8;
	[tilespmem:$0x1EE00] =	vst v63  }
0xa4: {  	_ =	swait.ge [sflag:s20], $0x4000  }
0xa5: {  	[sflag:s20] =	ssyncset.done $0x0  }
0xa6: {  	s21 =	sadd.s32 $0xA00, s21;
	[sflag:s20] =	ssyncadd.s32 $0xFFFFC000  }
0xa7: {  	[tilespmem:s26], [sflag:$0x3] =	stream.indirect.gather [hbm4b:s11+s18], $0x40, s21, s18, $0xb8;
	[tilespmem:$0x1EE00] =	vst v63  }
0xa8: {  	_ =	swait.ge [sflag:s28], $0x4000  }
0xa9: {  	[sflag:s28] =	ssyncset.done $0x0  }
0xaa: {  	s0 =	simm.s32 $0x4C00;
	[sflag:s28] =	ssyncadd.s32 $0xFFFFC000  }
0xab: {  	[spmem:s1] =	stream.indirect.scatter.add.f32 [tilespmem:s15], [sflag:$0x5], $0x40, s0, s18, $0xb8;
	[tilespmem:$0x1EE00] =	vst v63  }
0xac: {  	_ =	swait.ge [sflag:s22], $0x4000  }
0xad: {  	[sflag:s22] =	ssyncset.done $0x0  }
0xae: {  	[sflag:s22] =	ssyncadd.s32 $0xFFFFC000  }
0xaf: {  	[tilespmem:s30], [sflag:$0x4] =	stream.indirect.gather [hbm4b:s11+s18], $0x40, s23, s18, $0xb8;
	[tilespmem:$0x1EE00] =	vst v63  }
0xb0: {  	_ =	swait.ge [sflag:s31], $0x4000  }
0xb1: {  	[sflag:s31] =	ssyncset.done $0x0  }
0xb2: {  	[sflag:s31] =	ssyncadd.s32 $0xFFFFC000  }
0xb3: {  	[spmem:s1] =	stream.indirect.scatter.add.f32 [tilespmem:s19], [sflag:$0x6], $0x40, s24, s18, $0xb8;
	[tilespmem:$0x1EE00] =	vst v63  }
0xb4: {  	_ =	swait.ge [sflag:s3], $0x4000  }
0xb5: {  	[sflag:s3] =	ssyncset.done $0x0  }
0xb6: {  	[sflag:s3] =	ssyncadd.s32 $0xFFFFC000  }
0xb7: {  	_ =	swait.ge [sflag:s10], $0x4000  }
0xb8: {  	[sflag:s10] =	ssyncset.done $0x0  }
0xb9: {  	[sflag:s10] =	ssyncadd.s32 $0xFFFFC000  }
0xba: {  	[spmem:s1] =	stream.indirect.scatter.add.f32 [tilespmem:s26], [sflag:$0x7], $0x40, s9, s18, $0xb8;
	[tilespmem:$0x1EE00] =	vst v63  }
0xbb: {  	_ =	swait.ge [sflag:s13], $0x4000  }
0xbc: {  	[sflag:s13] =	ssyncset.done $0x0  }
0xbd: {  	[sflag:s13] =	ssyncadd.s32 $0xFFFFC000  }
0xbe: {  	_ =	swait.ge [sflag:s25], $0x4000  }
0xbf: {  	[sflag:s25] =	ssyncset.done $0x0  }
0xc0: {  	[sflag:s25] =	ssyncadd.s32 $0xFFFFC000  }
0xc1: {  	[spmem:s1] =	stream.indirect.scatter.add.f32 [tilespmem:s30], [sflag:$0x8], $0x40, s12, s18, $0xb8;
	[tilespmem:$0x1EE00] =	vst v63  }
0xc2: {  	_ =	swait.ge [sflag:s20], $0x4000  }
0xc3: {  	[sflag:s20] =	ssyncset.done $0x0  }
0xc4: {  	[sflag:s20] =	ssyncadd.s32 $0xFFFFC000  }
0xc5: {  	_ =	swait.ge [sflag:s22], $0x4000  }
0xc6: {  	[sflag:s22] =	ssyncset.done $0x0  }
0xc7: {  	s0 =	simm.s32 $0x0;
	s21 =	rddreg [dreg:$0x5];
	[sflag:s22] =	ssyncadd.s32 $0xFFFFC000  }
0xc8: {  	[tilespmem:s0], [sflag:$0x9] =	stream.linear.gather [hbm4b:s21+s0], $0x2800, $0x38;
	[tilespmem:$0x1EE00] =	vst v63  }
0xc9: {  	_ =	swait.ge [sflag:s16], $0x2800  }
0xca: {  	[sflag:s16] =	ssyncset.done $0x0  }
0xcb: {  	s21 =	rddreg [dreg:$0x6];
	[sflag:s16] =	ssyncadd.s32 $0xFFFFD800  }
0xcc: {  	[tilespmem:s17], [sflag:$0x9] =	stream.linear.gather [hbm4b:s21+s0], $0x2800, $0x38;
	[tilespmem:$0x1EE00] =	vst v63  }
0xcd: {  	_ =	swait.ge [sflag:s16], $0x2800  }
0xce: {  	[sflag:s16] =	ssyncset.done $0x0  }
0xcf: {  	[sflag:s16] =	ssyncadd.s32 $0xFFFFD800  }
0xd0: {  	[tilespmem:s15], [sflag:$0x1] =	stream.indirect.gather [hbm4b:s11+s18], $0x40, s0, s18, $0xb8;
	[tilespmem:$0x1EE00] =	vst v63  }
0xd1: {  	_ = 	snop  }
0xd2: {  	[tilespmem:s19], [sflag:$0x2] =	stream.indirect.gather [hbm4b:s11+s18], $0x40, s18, s18, $0xb8;
	[tilespmem:$0x1EE00] =	vst v63  }
0xd3: {  	s21 =	simm.s32 $0x200  }
0xd4: {  	[tilespmem:s26], [sflag:$0x3] =	stream.indirect.gather [hbm4b:s11+s18], $0x40, s21, s18, $0xb8;
	[tilespmem:$0x1EE00] =	vst v63  }
0xd5: {  	_ =	swait.ge [sflag:s28], $0x4000  }
0xd6: {  	[sflag:s28] =	ssyncset.done $0x0  }
0xd7: {  	[sflag:s28] =	ssyncadd.s32 $0xFFFFC000  }
0xd8: {  	[spmem:s1] =	stream.indirect.scatter.add.f32 [tilespmem:s15], [sflag:$0x5], $0x40, s17, s18, $0xb8;
	[tilespmem:$0x1EE00] =	vst v63  }
0xd9: {  	s21 =	simm.s32 $0x300  }
0xda: {  	[tilespmem:s30], [sflag:$0x4] =	stream.indirect.gather [hbm4b:s11+s18], $0x40, s21, s18, $0xb8;
	[tilespmem:$0x1EE00] =	vst v63  }
0xdb: {  	_ =	swait.ge [sflag:s31], $0x4000  }
0xdc: {  	[sflag:s31] =	ssyncset.done $0x0  }
0xdd: {  	s21 =	simm.s32 $0x2900;
	[sflag:s31] =	ssyncadd.s32 $0xFFFFC000  }
0xde: {  	[spmem:s1] =	stream.indirect.scatter.add.f32 [tilespmem:s19], [sflag:$0x6], $0x40, s21, s18, $0xb8;
	[tilespmem:$0x1EE00] =	vst v63  }
0xdf: {  	_ =	swait.ge [sflag:s3], $0x4000  }
0xe0: {  	[sflag:s3] =	ssyncset.done $0x0  }
0xe1: {  	s21 =	simm.s32 $0x400;
	[sflag:s3] =	ssyncadd.s32 $0xFFFFC000  }
0xe2: {  	[tilespmem:s15], [sflag:$0x1] =	stream.indirect.gather [hbm4b:s11+s18], $0x40, s21, s18, $0xb8;
	[tilespmem:$0x1EE00] =	vst v63  }
0xe3: {  	_ =	swait.ge [sflag:s10], $0x4000  }
0xe4: {  	[sflag:s10] =	ssyncset.done $0x0  }
0xe5: {  	s21 =	simm.s32 $0x2A00;
	[sflag:s10] =	ssyncadd.s32 $0xFFFFC000  }
0xe6: {  	[spmem:s1] =	stream.indirect.scatter.add.f32 [tilespmem:s26], [sflag:$0x7], $0x40, s21, s18, $0xb8;
	[tilespmem:$0x1EE00] =	vst v63  }
0xe7: {  	_ =	swait.ge [sflag:s13], $0x4000  }
0xe8: {  	[sflag:s13] =	ssyncset.done $0x0  }
0xe9: {  	s21 =	simm.s32 $0x500;
	[sflag:s13] =	ssyncadd.s32 $0xFFFFC000  }
0xea: {  	[tilespmem:s19], [sflag:$0x2] =	stream.indirect.gather [hbm4b:s11+s18], $0x40, s21, s18, $0xb8;
	[tilespmem:$0x1EE00] =	vst v63  }
0xeb: {  	_ =	swait.ge [sflag:s25], $0x4000  }
0xec: {  	[sflag:s25] =	ssyncset.done $0x0  }
0xed: {  	s21 =	simm.s32 $0x2B00;
	[sflag:s25] =	ssyncadd.s32 $0xFFFFC000  }
0xee: {  	[spmem:s1] =	stream.indirect.scatter.add.f32 [tilespmem:s30], [sflag:$0x8], $0x40, s21, s18, $0xb8;
	[tilespmem:$0x1EE00] =	vst v63  }
0xef: {  	_ =	swait.ge [sflag:s20], $0x4000  }
0xf0: {  	[sflag:s20] =	ssyncset.done $0x0  }
0xf1: {  	s21 =	simm.s32 $0x600;
	[sflag:s20] =	ssyncadd.s32 $0xFFFFC000  }
0xf2: {  	[tilespmem:s26], [sflag:$0x3] =	stream.indirect.gather [hbm4b:s11+s18], $0x40, s21, s18, $0xb8;
	[tilespmem:$0x1EE00] =	vst v63  }
0xf3: {  	_ =	swait.ge [sflag:s28], $0x4000  }
0xf4: {  	[sflag:s28] =	ssyncset.done $0x0  }
0xf5: {  	s21 =	simm.s32 $0x2C00;
	[sflag:s28] =	ssyncadd.s32 $0xFFFFC000  }
0xf6: {  	[spmem:s1] =	stream.indirect.scatter.add.f32 [tilespmem:s15], [sflag:$0x5], $0x40, s21, s18, $0xb8;
	[tilespmem:$0x1EE00] =	vst v63  }
0xf7: {  	_ =	swait.ge [sflag:s22], $0x4000  }
0xf8: {  	[sflag:s22] =	ssyncset.done $0x0  }
0xf9: {  	s21 =	simm.s32 $0x700;
	[sflag:s22] =	ssyncadd.s32 $0xFFFFC000  }
0xfa: {  	[tilespmem:s30], [sflag:$0x4] =	stream.indirect.gather [hbm4b:s11+s18], $0x40, s21, s18, $0xb8;
	[tilespmem:$0x1EE00] =	vst v63  }
0xfb: {  	_ =	swait.ge [sflag:s31], $0x4000  }
0xfc: {  	[sflag:s31] =	ssyncset.done $0x0  }
0xfd: {  	s21 =	simm.s32 $0x2D00;
	[sflag:s31] =	ssyncadd.s32 $0xFFFFC000  }
0xfe: {  	[spmem:s1] =	stream.indirect.scatter.add.f32 [tilespmem:s19], [sflag:$0x6], $0x40, s21, s18, $0xb8;
	[tilespmem:$0x1EE00] =	vst v63  }
0xff: {  	_ =	swait.ge [sflag:s3], $0x4000  }
0x100: {  	[sflag:s3] =	ssyncset.done $0x0  }
0x101: {  	s21 =	simm.s32 $0x800;
	[sflag:s3] =	ssyncadd.s32 $0xFFFFC000  }
0x102: {  	[tilespmem:s15], [sflag:$0x1] =	stream.indirect.gather [hbm4b:s11+s18], $0x40, s21, s18, $0xb8;
	[tilespmem:$0x1EE00] =	vst v63  }
0x103: {  	_ =	swait.ge [sflag:s10], $0x4000  }
0x104: {  	[sflag:s10] =	ssyncset.done $0x0  }
0x105: {  	s21 =	simm.s32 $0x2E00;
	[sflag:s10] =	ssyncadd.s32 $0xFFFFC000  }
0x106: {  	[spmem:s1] =	stream.indirect.scatter.add.f32 [tilespmem:s26], [sflag:$0x7], $0x40, s21, s18, $0xb8;
	[tilespmem:$0x1EE00] =	vst v63  }
0x107: {  	_ =	swait.ge [sflag:s13], $0x4000  }
0x108: {  	[sflag:s13] =	ssyncset.done $0x0  }
0x109: {  	s21 =	simm.s32 $0x900;
	[sflag:s13] =	ssyncadd.s32 $0xFFFFC000  }
0x10a: {  	[tilespmem:s19], [sflag:$0x2] =	stream.indirect.gather [hbm4b:s11+s18], $0x40, s21, s18, $0xb8;
	[tilespmem:$0x1EE00] =	vst v63  }
0x10b: {  	_ =	swait.ge [sflag:s25], $0x4000  }
0x10c: {  	[sflag:s25] =	ssyncset.done $0x0  }
0x10d: {  	s21 =	simm.s32 $0x2F00;
	[sflag:s25] =	ssyncadd.s32 $0xFFFFC000  }
0x10e: {  	[spmem:s1] =	stream.indirect.scatter.add.f32 [tilespmem:s30], [sflag:$0x8], $0x40, s21, s18, $0xb8;
	[tilespmem:$0x1EE00] =	vst v63  }
0x10f: {  	_ =	swait.ge [sflag:s20], $0x4000  }
0x110: {  	[sflag:s20] =	ssyncset.done $0x0  }
0x111: {  	s29 =	simm.s32 $0x1000;
	s21 =	simm.s32 $0xA00;
	[sflag:s20] =	ssyncadd.s32 $0xFFFFC000  }
.LBB2_6:
0x112: {  	[tilespmem:s26], [sflag:$0x3] =	stream.indirect.gather [hbm4b:s11+s18], $0x40, s21, s18, $0xb8;
	[tilespmem:$0x1EE00] =	vst v63  }
0x113: {  	s0 =	smov.u32 s29  }
0x114: {  	p0 =	sne.s32 s29, $0x7000;
	s29 =	sadd.s32 $0x1000, s29;
	_ =	swait.ge [sflag:s28], $0x4000  }
0x115: {  	s21 =	sshra.s32 s0, $0x2;
	[sflag:s28] =	ssyncset.done $0x0  }
0x116: {  	s0 =	sadd.s32 $0x2C00, s21;
	[sflag:s28] =	ssyncadd.s32 $0xFFFFC000  }
0x117: {  	[spmem:s1] =	stream.indirect.scatter.add.f32 [tilespmem:s15], [sflag:$0x5], $0x40, s0, s18, $0xb8;
	[tilespmem:$0x1EE00] =	vst v63  }
0x118: {  	_ =	swait.ge [sflag:s22], $0x4000  }
0x119: {  	[sflag:s22] =	ssyncset.done $0x0  }
0x11a: {  	s0 =	sadd.s32 $0x700, s21;
	[sflag:s22] =	ssyncadd.s32 $0xFFFFC000  }
0x11b: {  	[tilespmem:s30], [sflag:$0x4] =	stream.indirect.gather [hbm4b:s11+s18], $0x40, s0, s18, $0xb8;
	[tilespmem:$0x1EE00] =	vst v63  }
0x11c: {  	_ =	swait.ge [sflag:s31], $0x4000  }
0x11d: {  	[sflag:s31] =	ssyncset.done $0x0  }
0x11e: {  	s0 =	sadd.s32 $0x2D00, s21;
	[sflag:s31] =	ssyncadd.s32 $0xFFFFC000  }
0x11f: {  	[spmem:s1] =	stream.indirect.scatter.add.f32 [tilespmem:s19], [sflag:$0x6], $0x40, s0, s18, $0xb8;
	[tilespmem:$0x1EE00] =	vst v63  }
0x120: {  	_ =	swait.ge [sflag:s3], $0x4000  }
0x121: {  	[sflag:s3] =	ssyncset.done $0x0  }
0x122: {  	s0 =	sadd.s32 $0x800, s21;
	[sflag:s3] =	ssyncadd.s32 $0xFFFFC000  }
0x123: {  	[tilespmem:s15], [sflag:$0x1] =	stream.indirect.gather [hbm4b:s11+s18], $0x40, s0, s18, $0xb8;
	[tilespmem:$0x1EE00] =	vst v63  }
0x124: {  	_ =	swait.ge [sflag:s10], $0x4000  }
0x125: {  	[sflag:s10] =	ssyncset.done $0x0  }
0x126: {  	s0 =	sadd.s32 $0x2E00, s21;
	[sflag:s10] =	ssyncadd.s32 $0xFFFFC000  }
0x127: {  	[spmem:s1] =	stream.indirect.scatter.add.f32 [tilespmem:s26], [sflag:$0x7], $0x40, s0, s18, $0xb8;
	[tilespmem:$0x1EE00] =	vst v63  }
0x128: {  	_ =	swait.ge [sflag:s13], $0x4000  }
0x129: {  	[sflag:s13] =	ssyncset.done $0x0  }
0x12a: {  	s0 =	sadd.s32 $0x900, s21;
	[sflag:s13] =	ssyncadd.s32 $0xFFFFC000  }
0x12b: {  	[tilespmem:s19], [sflag:$0x2] =	stream.indirect.gather [hbm4b:s11+s18], $0x40, s0, s18, $0xb8;
	[tilespmem:$0x1EE00] =	vst v63  }
0x12c: {  	_ =	swait.ge [sflag:s25], $0x4000  }
0x12d: {  	[sflag:s25] =	ssyncset.done $0x0  }
.Ltmp2:
0x12e: {  	s0 =	sadd.s32 $0x2F00, s21;
	[sflag:s25] =	ssyncadd.s32 $0xFFFFC000;
	(pc) =	sbr.rel @p0 .LBB2_6-.Ltmp2, $4  }
0x12f: {  	[spmem:s1] =	stream.indirect.scatter.add.f32 [tilespmem:s30], [sflag:$0x8], $0x40, s0, s18, $0xb8;
	[tilespmem:$0x1EE00] =	vst v63  }
0x130: {  	_ =	swait.ge [sflag:s20], $0x4000  }
0x131: {  	[sflag:s20] =	ssyncset.done $0x0  }
0x132: {  	s21 =	sadd.s32 $0xA00, s21;
	[sflag:s20] =	ssyncadd.s32 $0xFFFFC000  }
0x133: {  	[tilespmem:s26], [sflag:$0x3] =	stream.indirect.gather [hbm4b:s11+s18], $0x40, s21, s18, $0xb8;
	[tilespmem:$0x1EE00] =	vst v63  }
0x134: {  	_ =	swait.ge [sflag:s28], $0x4000  }
0x135: {  	[sflag:s28] =	ssyncset.done $0x0  }
0x136: {  	s0 =	simm.s32 $0x4C00;
	[sflag:s28] =	ssyncadd.s32 $0xFFFFC000  }
0x137: {  	[spmem:s1] =	stream.indirect.scatter.add.f32 [tilespmem:s15], [sflag:$0x5], $0x40, s0, s18, $0xb8;
	[tilespmem:$0x1EE00] =	vst v63  }
0x138: {  	_ =	swait.ge [sflag:s22], $0x4000  }
0x139: {  	[sflag:s22] =	ssyncset.done $0x0  }
0x13a: {  	[sflag:s22] =	ssyncadd.s32 $0xFFFFC000  }
0x13b: {  	[tilespmem:s30], [sflag:$0x4] =	stream.indirect.gather [hbm4b:s11+s18], $0x40, s23, s18, $0xb8;
	[tilespmem:$0x1EE00] =	vst v63  }
0x13c: {  	_ =	swait.ge [sflag:s31], $0x4000  }
0x13d: {  	[sflag:s31] =	ssyncset.done $0x0  }
0x13e: {  	[sflag:s31] =	ssyncadd.s32 $0xFFFFC000  }
0x13f: {  	[spmem:s1] =	stream.indirect.scatter.add.f32 [tilespmem:s19], [sflag:$0x6], $0x40, s24, s18, $0xb8;
	[tilespmem:$0x1EE00] =	vst v63  }
0x140: {  	_ =	swait.ge [sflag:s3], $0x4000  }
0x141: {  	[sflag:s3] =	ssyncset.done $0x0  }
0x142: {  	[sflag:s3] =	ssyncadd.s32 $0xFFFFC000  }
0x143: {  	_ =	swait.ge [sflag:s10], $0x4000  }
0x144: {  	[sflag:s10] =	ssyncset.done $0x0  }
0x145: {  	[sflag:s10] =	ssyncadd.s32 $0xFFFFC000  }
0x146: {  	[spmem:s1] =	stream.indirect.scatter.add.f32 [tilespmem:s26], [sflag:$0x7], $0x40, s9, s18, $0xb8;
	[tilespmem:$0x1EE00] =	vst v63  }
0x147: {  	_ =	swait.ge [sflag:s13], $0x4000  }
0x148: {  	[sflag:s13] =	ssyncset.done $0x0  }
0x149: {  	[sflag:s13] =	ssyncadd.s32 $0xFFFFC000  }
0x14a: {  	_ =	swait.ge [sflag:s25], $0x4000  }
0x14b: {  	[sflag:s25] =	ssyncset.done $0x0  }
0x14c: {  	[sflag:s25] =	ssyncadd.s32 $0xFFFFC000  }
0x14d: {  	[spmem:s1] =	stream.indirect.scatter.add.f32 [tilespmem:s30], [sflag:$0x8], $0x40, s12, s18, $0xb8;
	[tilespmem:$0x1EE00] =	vst v63  }
0x14e: {  	_ =	swait.ge [sflag:s20], $0x4000  }
0x14f: {  	[sflag:s20] =	ssyncset.done $0x0  }
0x150: {  	[sflag:s20] =	ssyncadd.s32 $0xFFFFC000  }
0x151: {  	_ =	swait.ge [sflag:s22], $0x4000  }
0x152: {  	[sflag:s22] =	ssyncset.done $0x0  }
0x153: {  	[sflag:s22] =	ssyncadd.s32 $0xFFFFC000  }
0x154: {  	[bflag:$0x0] =	sbarrier.arrive $0xFFFF  }
0x155: {  	[tilespmem:s15], [sflag:$0x9] =	stream.linear.gather [spmem:s4], $0x2000, $0x38;
	[tilespmem:$0x1EE00] =	vst v63  }
0x156: {  	_ =	swait.ge [sflag:s16], $0x2000  }
0x157: {  	[sflag:s16] =	ssyncset.done $0x0  }
0x158: {  	s21 =	rddreg [dreg:$0x8];
	[sflag:s16] =	ssyncadd.s32 $0xFFFFE000  }
0x159: {  	[hbm4b:s21+s2] =	stream.linear.scatter [tilespmem:s15], [sflag:$0x9], $0x2000, $0x38;
	[tilespmem:$0x1EE00] =	vst v63  }
0x15a: {  	_ =	swait.ge [sflag:s16], $0x2000  }
0x15b: {  	[sflag:s16] =	ssyncset.done $0x0  }
0x15c: {  	[sflag:s16] =	ssyncadd.s32 $0xFFFFE000  }
0x15d: {  	[tilespmem:s15], [sflag:$0x9] =	stream.linear.gather [spmem:s5], $0x2000, $0x38;
	[tilespmem:$0x1EE00] =	vst v63  }
0x15e: {  	_ =	swait.ge [sflag:s16], $0x2000  }
0x15f: {  	[sflag:s16] =	ssyncset.done $0x0  }
0x160: {  	s29 =	rddreg [dreg:$0x9];
	[sflag:s16] =	ssyncadd.s32 $0xFFFFE000  }
0x161: {  	[hbm4b:s29+s2] =	stream.linear.scatter [tilespmem:s15], [sflag:$0x9], $0x2000, $0x38;
	[tilespmem:$0x1EE00] =	vst v63  }
0x162: {  	_ =	swait.ge [sflag:s16], $0x2000  }
0x163: {  	[sflag:s16] =	ssyncset.done $0x0  }
0x164: {  	[sflag:s16] =	ssyncadd.s32 $0xFFFFE000  }
0x165: {  	[tilespmem:s15], [sflag:$0x9] =	stream.linear.gather [spmem:s6], $0x2000, $0x38;
	[tilespmem:$0x1EE00] =	vst v63  }
0x166: {  	_ =	swait.ge [sflag:s16], $0x2000  }
0x167: {  	[sflag:s16] =	ssyncset.done $0x0  }
0x168: {  	s21 =	rddreg [dreg:$0xa];
	[sflag:s16] =	ssyncadd.s32 $0xFFFFE000  }
0x169: {  	[hbm4b:s21+s2] =	stream.linear.scatter [tilespmem:s15], [sflag:$0x9], $0x2000, $0x38;
	[tilespmem:$0x1EE00] =	vst v63  }
0x16a: {  	_ =	swait.ge [sflag:s16], $0x2000  }
0x16b: {  	[sflag:s16] =	ssyncset.done $0x0  }
0x16c: {  	[sflag:s16] =	ssyncadd.s32 $0xFFFFE000  }
0x16d: {  	[tilespmem:s15], [sflag:$0x9] =	stream.linear.gather [spmem:s7], $0x2000, $0x38;
	[tilespmem:$0x1EE00] =	vst v63  }
0x16e: {  	_ =	swait.ge [sflag:s16], $0x2000  }
0x16f: {  	[sflag:s16] =	ssyncset.done $0x0  }
0x170: {  	s29 =	rddreg [dreg:$0xb];
	[sflag:s16] =	ssyncadd.s32 $0xFFFFE000  }
0x171: {  	[hbm4b:s29+s2] =	stream.linear.scatter [tilespmem:s15], [sflag:$0x9], $0x2000, $0x38;
	[tilespmem:$0x1EE00] =	vst v63  }
0x172: {  	_ =	swait.ge [sflag:s16], $0x2000  }
0x173: {  	[sflag:s16] =	ssyncset.done $0x0  }
0x174: {  	[sflag:s16] =	ssyncadd.s32 $0xFFFFE000  }
0x175: {  	[tilespmem:s15], [sflag:$0x9] =	stream.linear.gather [spmem:s8], $0x1E00, $0x38;
	[tilespmem:$0x1EE00] =	vst v63  }
0x176: {  	_ =	swait.ge [sflag:s16], $0x1E00  }
0x177: {  	[sflag:s16] =	ssyncset.done $0x0  }
0x178: {  	s21 =	rddreg [dreg:$0xc];
	[sflag:s16] =	ssyncadd.s32 $0xFFFFE200  }
0x179: {  	[hbm4b:s21+s2] =	stream.linear.scatter [tilespmem:s15], [sflag:$0x9], $0x1E00, $0x38;
	[tilespmem:$0x1EE00] =	vst v63  }
0x17a: {  	_ =	swait.ge [sflag:s16], $0x1E00  }
0x17b: {  	s14 =	sadd.s32 $0x1, s14;
	s29 =	rddreg [dreg:$0x7]  }
0x17c: {  	p0 =	sne.s32 s14, s29  }
.Ltmp3:
0x17d: {  	_ = 	snop;
	(pc) =	sbr.rel @p0 .LBB2_1-.Ltmp3, $3  }
0x17e: {  	_ =	sdelay $0x1  }
0x17f: {  	[sflag:s16] =	ssyncset.done $0x0  }
0x180: {  	[sflag:s16] =	ssyncadd.s32 $0xFFFFE200  }
0x181: {  	_ =	sfence.sel $0x180000  }
0x182: {  	[bflag:$0x0] =	sbarrier.arrive $0xFFFF  }
0x183: {  	_ =	strace $0x9000004A  }
0x184: {  	s0 =	stileid.u32;
	[bflag:$0x2] =	sbarrier.arrive $0xFFFF  }
0x185: {  	p0 =	sne.s32 s0, $0x0;
	s0 =	rddreg [dreg:$0x2]  }
0x186: {  	s0 =	sadd.s32 @!p0 $0x100000, s0  }
0x187: {  	[sflag:s0] =	ssyncadd.tile.s32 @!p0 $0x1;
	_ =	shalt  }
.Lfunc_end2:
_tile_overlayer_lowered:
.L_overlay_start_2:
0x188: {  	(tag) =	ssettag $0x2  }
0x189: {  	s0 =	rddreg [dreg:$0x0];
	s2 =	stileid.u32  }
0x18a: {  	s1 =	rddreg [dreg:$0x1];
	p0 =	sne.s32 s2, $0x0  }
0x18b: {  	s3 =	rddreg [dreg:$0x2];
	[bflag:$0x3] =	sbarrier.arrive $0xFFFF;
	s2 =	simm.s32 @!p0 $0x1C09  }
0x18c: {  	[timem:s3], [sflag:s2] =	dma.local @!p0 [hbm:s0], s1  }
0x18d: {  	s0 =	simm.s32 @!p0 $0x9  }
0x18e: {  	_ =	swait.ge @!p0 [sflag:s0], s1  }
0x18f: {  	s1 =	ssub.s32 @!p0 $0x0, s1;
	[sflag:s0] =	ssyncset.done @!p0 $0x0  }
0x190: {  	[sflag:s0] =	ssyncadd.s32 @!p0 s1  }
0x191: {  	[bflag:$0x3] =	sbarrier.arrive $0xFFFF  }
0x192: {  	_ =	shalt  }

// kernel: kernel.15.cloned.1.call-start
scs
__scs_entry_jumppad:
0x0: {  	(pc) =	sbr.rel $0x88, $3  }
0x1: {  	(tag) =	ssettag $0x0;
	lr =	simm.s32 $0x1  }
0x2: {  	[smem:$0x3F9B] =	sst lr;
	_ =	strace $0xD0000000  }
0x3: {  	_ = 	snop  }
0x4: {  	_ = 	snop  }
0x5: {  	_ = 	snop  }
0x6: {  	_ = 	snop  }
0x7: {  	_ = 	snop  }
__scs_overlays_trampoline_lowered:
0x8: {  	[smem:$0x3FAA] =	sst s0  }
0x9: {  	[smem:$0x3FAB] =	sst s1  }
0xa: {  	[smem:$0x3FAC] =	sst s2  }
0xb: {  	[smem:$0x3FAD] =	sst s3  }
0xc: {  	[smem:$0x3FAE] =	sst s4  }
0xd: {  	[smem:$0x3FAF] =	sst s5  }
0xe: {  	[smem:$0x3FB0] =	sst s6  }
0xf: {  	[smem:$0x3FB1] =	sst s7  }
0x10: {  	[smem:$0x3FB2] =	sst s8  }
0x11: {  	[smem:$0x3FB3] =	sst s9;
	s0 =	simm.s32 @!p0 $0x0  }
0x12: {  	s1 =	sld [smem:$0x3F99];
	s0 =	simm.s32 @p0 $0x1  }
0x13: {  	[smem:$0x3FB4] =	sst s0;
	s0 =	simm.s32 @!p1 $0x0  }
0x14: {  	s2 =	sld [smem:$0x3F98];
	s0 =	simm.s32 @p1 $0x1  }
0x15: {  	[smem:$0x3FB5] =	sst s0;
	s0 =	simm.s32 @!p2 $0x0  }
0x16: {  	s3 =	sld [smem:$0x3FDB];
	s0 =	simm.s32 @p2 $0x1  }
0x17: {  	s4 =	simm.s32 $0x1BF5;
	[smem:$0x3FB7] =	sst s0  }
0x18: {  	s0 =	sld [smem:$0x3F9A];
	_ =	swait.ge [sflag:s4], $0x0  }
0x19: {  	s7 =	sld [smem:$0x3F9B]  }
0x1a: {  	s8 =	sadd.s32 $0xFFFFE003, lr  }
0x1b: {  	s9 =	sadd.s32 $0xFFFFFEF7, lr;
	s5 =	simm.s32 $0xFFFFFFFF;
	p2 =	slt.u32 s8, $0xFFFFF086  }
0x1c: {  	p1 =	slt.u32 s9, $0xF7A;
	s5 =	simm.s32 @!p2 $0x0  }
0x1d: {  	s5 =	simm.s32 @p1 $0x1;
	p0 =	seq.s32 s7, s2  }
0x1e: {  	s7 =	smul.u32 @!p0 $0xF7A, s2;
	p2 =	seq.s32 @!p0 s5, $0x0  }
0x1f: {  	s9 =	smul.u32 $0xF7A, s1;
	s8 =	simm.s32 @!p0 $0x1BF5;
	p2 =	por !p2, p0  }
0x20: {  	[sflag:s8] =	ssyncset.s32 @!p0 $0xFFFFF086;
	s6 =	sadd.s32 @!p0 s3, s7;
	s7 =	simm.s32 @!p0 $0x108  }
0x21: {  	s3 =	sadd.s32 s3, s9;
	s6 =	sadd.s32 @!p0 $0x88, s6;
	s7 =	simm.s32 @p2 $0x1082  }
0x22: {  	[simem:s7], [sflag:s8] =	dma.local @!p0 [hbm:s6], $0xF7A  }
0x23: {  	s9 =	sor.u32 $0xD0000000, s2;
	s6 =	simm.s32 $0x108;
	_ =	swait.ge @!p0 [sflag:s8], $0x0  }
0x24: {  	s3 =	sadd.s32 $0x88, s3;
	s6 =	simm.s32 @!p1 $0x1082;
	[sflag:s4] =	ssyncset.s32 $0xFFFFF086  }
0x25: {  	[simem:s6], [sflag:s4] =	dma.local [hbm:s3], $0xF7A  }
0x26: {  	[smem:$0x3F9B] =	sst s1;
	(tag) =	ssettag s2;
	_ =	strace s9  }
0x27: {  	s1 =	sld [smem:$0x3FAB]  }
0x28: {  	s2 =	sld [smem:$0x3FAC]  }
0x29: {  	s4 =	sld [smem:$0x3FAE]  }
0x2a: {  	p0 =	seq.s32 s5, $0x0;
	s5 =	sld [smem:$0x3FAF]  }
0x2b: {  	s6 =	sld [smem:$0x3FB0]  }
0x2c: {  	s7 =	sld [smem:$0x3FB1]  }
0x2d: {  	s3 =	simm.s32 $0x108;
	s8 =	sld [smem:$0x3FB2]  }
0x2e: {  	s3 =	simm.s32 @!p0 $0x1082;
	s9 =	sld [smem:$0x3FB3]  }
0x2f: {  	lr =	sadd.s32 s0, s3;
	s0 =	sld [smem:$0x3FAA]  }
0x30: {  	s3 =	sld [smem:$0x3FAD]  }
0x31: {  	[smem:$0x3FB6] =	sst s10  }
0x32: {  	s10 =	sld [smem:$0x3FB4];
	_ =	sdelay $0x3  }
0x33: {  	p0 =	seq.s32 s10, $0x1;
	s10 =	sld [smem:$0x3FB6];
	_ =	sdelay $0x3  }
0x34: {  	[smem:$0x3FB6] =	sst s10  }
0x35: {  	s10 =	sld [smem:$0x3FB5];
	_ =	sdelay $0x3  }
0x36: {  	p1 =	seq.s32 s10, $0x1;
	s10 =	sld [smem:$0x3FB6];
	_ =	sdelay $0x3  }
0x37: {  	[smem:$0x3FB6] =	sst s10  }
0x38: {  	s10 =	sld [smem:$0x3FB7]  }
0x39: {  	_ = 	snop;
	(pc) =	sbr.ind lr, $3  }
0x3a: {  	_ = 	snop  }
0x3b: {  	_ = 	snop  }
0x3c: {  	p2 =	seq.s32 s10, $0x1;
	s10 =	sld [smem:$0x3FB6]  }
0x3d: {  	_ =	shalt  }
0x3e: {  	_ =	shalt  }
0x3f: {  	_ =	shalt  }
0x40: {  	_ =	shalt  }
0x41: {  	_ =	shalt  }
0x42: {  	_ =	shalt  }
0x43: {  	_ =	shalt  }
0x44: {  	_ =	shalt  }
0x45: {  	_ =	shalt  }
0x46: {  	_ =	shalt  }
0x47: {  	_ =	shalt  }
0x48: {  	_ =	shalt  }
0x49: {  	_ =	shalt  }
0x4a: {  	_ =	shalt  }
0x4b: {  	_ =	shalt  }
0x4c: {  	_ =	shalt  }
0x4d: {  	_ =	shalt  }
0x4e: {  	_ =	shalt  }
0x4f: {  	_ =	shalt  }
0x50: {  	_ =	shalt  }
0x51: {  	_ =	shalt  }
0x52: {  	_ =	shalt  }
0x53: {  	_ =	shalt  }
0x54: {  	_ =	shalt  }
0x55: {  	_ =	shalt  }
0x56: {  	_ =	shalt  }
0x57: {  	_ =	shalt  }
0x58: {  	_ =	shalt  }
0x59: {  	_ =	shalt  }
0x5a: {  	_ =	shalt  }
0x5b: {  	_ =	shalt  }
0x5c: {  	_ =	shalt  }
0x5d: {  	_ =	shalt  }
0x5e: {  	_ =	shalt  }
0x5f: {  	_ =	shalt  }
0x60: {  	_ =	shalt  }
0x61: {  	_ =	shalt  }
0x62: {  	_ =	shalt  }
0x63: {  	_ =	shalt  }
0x64: {  	_ =	shalt  }
0x65: {  	_ =	shalt  }
0x66: {  	_ =	shalt  }
0x67: {  	_ =	shalt  }
0x68: {  	_ =	shalt  }
0x69: {  	_ =	shalt  }
0x6a: {  	_ =	shalt  }
0x6b: {  	_ =	shalt  }
0x6c: {  	_ =	shalt  }
0x6d: {  	_ =	shalt  }
0x6e: {  	_ =	shalt  }
0x6f: {  	_ =	shalt  }
0x70: {  	_ =	shalt  }
0x71: {  	_ =	shalt  }
0x72: {  	_ =	shalt  }
0x73: {  	_ =	shalt  }
0x74: {  	_ =	shalt  }
0x75: {  	_ =	shalt  }
0x76: {  	_ =	shalt  }
0x77: {  	_ =	shalt  }
0x78: {  	_ =	shalt  }
0x79: {  	_ =	shalt  }
0x7a: {  	_ =	shalt  }
0x7b: {  	_ =	shalt  }
0x7c: {  	_ =	shalt  }
0x7d: {  	_ =	shalt  }
0x7e: {  	_ =	shalt  }
0x7f: {  	_ =	shalt  }
0x80: {  	_ =	shalt  }
0x81: {  	_ =	shalt  }
0x82: {  	_ =	shalt  }
0x83: {  	_ =	shalt  }
0x84: {  	_ =	shalt  }
0x85: {  	_ =	shalt  }
0x86: {  	_ =	shalt  }
0x87: {  	_ =	shalt  }
.Lfunc_end0:
.L_simem_size_0:
called_computation.2_lowered:
.L_overlay_start_0:
0x88: {  	s2 =	sld [smem:$0x3FD9]  }
0x89: {  	s3 =	sld [smem:$0x3FFE];
	_ =	sdelay $0x1  }
0x8a: {  	s1 =	srdreg.scid  }
0x8b: {  	s0 =	sand.u32 $0x1, s1  }
0x8c: {  	s17 =	sshll.u32 s0, $0xA;
	s2 =	sadd.s32 s3, s2  }
0x8d: {  	s2 =	sadd.s32 s2, s17  }
0x8e: {  	[smem:$0x3FC2] =	sst s2  }
0x8f: {  	_ = 	snop  }
0x90: {  	s2 =	sld [smem:$0x3FD0];
	(tm) =	ssettm $0x1  }
0x91: {  	s18 =	sld [smem:$0x3FFB];
	_ =	sdelay $0x3  }
0x92: {  	_ =	strace s18  }
0x93: {  	s3 =	sld [smem:$0x3FFC];
	_ =	sdelay $0x3  }
0x94: {  	_ =	strace s3  }
0x95: {  	s3 =	sld [smem:$0x3FFD];
	_ =	sdelay $0x3  }
0x96: {  	_ =	strace s3  }
0x97: {  	_ =	strace $0x8FFFFFFF  }
0x98: {  	s19 =	sld [smem:$0x3FDB];
	_ =	sdelay $0x1  }
0x99: {  	s4 =	simm.s32 $_scs_section_size  }
0x9a: {  	s5 =	simm.s32 $_size__tile_overlayer_lowered;
	s6 =	simm.s32 $_tile_overlayer_lowered  }
0x9b: {  	s22 =	simm.s32 $0x1BFF;
	s21 =	sshll.u32 s6, $0x1;
	s3 =	sadd.s32 s4, s19  }
0x9c: {  	s7 =	simm.s32 $0x0;
	s20 =	sshll.u32 s5, $0x1;
	s5 =	sadd.s32 s21, s3  }
0x9d: {  	[timem:s7], [sflag:s22] =	dma.local [hbm:s5], s20  }
0x9e: {  	_ =	swait.ge [sflag:s22], s20  }
0x9f: {  	s4 =	ssub.s32 $0x0, s20;
	[sflag:s22] =	ssyncset.done $0x0  }
0xa0: {  	[sflag:s22] =	ssyncadd.s32 s4;
	_ =	sdelay $0x1  }
0xa1: {  	s23 =	simm.s32 $0x1B8B  }
0xa2: {  	_ =	swait.ge [sflag:s23], $0x1  }
0xa3: {  	[sflag:s23] =	ssyncset.done $0x0  }
0xa4: {  	s25 =	simm.s32 $0x1B8E;
	s24 =	sld [smem:$0x3FFE];
	[sflag:s23] =	ssyncadd.s32 $0xFFFFFFFF  }
0xa5: {  	s26 =	simm.s32 $execute0_lowered;
	[smem:$0x3FD2] =	sst s25  }
0xa6: {  	s5 =	sshll.u32 s26, $0x1;
	_ =	strace $0x8000004C;
	[dreg:$0x1] =	wrdreg $0xFFFFFFFF  }
0xa7: {  	s28 =	simm.s32 $_size_execute0_lowered;
	s3 =	sadd.s32 s3, s5;
	[dreg:$0x0] =	wrdreg $0x0  }
0xa8: {  	s5 =	sshll.u32 s28, $0x1;
	[dreg:$0x2] =	wrdreg s3  }
0xa9: {  	[dreg:$0x3] =	wrdreg s5  }
0xaa: {  	[dreg:$0x4] =	wrdreg $0xC0  }
0xab: {  	_ =	task [dreg:s7], $0x5FFFF  }
0xac: {  	[dreg:$0x1] =	wrdreg $0xFFFFFFFF  }
0xad: {  	[dreg:$0x0] =	wrdreg $0x60  }
0xae: {  	[dreg:$0x2] =	wrdreg s2  }
0xaf: {  	[dreg:$0x3] =	wrdreg s24  }
0xb0: {  	[dreg:$0x4] =	wrdreg $0x190000  }
0xb1: {  	[dreg:$0x5] =	wrdreg $0x9  }
0xb2: {  	_ =	task.clear_ibuf [dreg:s7], $0x6FFFF;
	_ =	strace $0x9000004C  }
0xb3: {  	s29 =	simm.s32 $0x9;
	_ =	strace $0x8000004E  }
0xb4: {  	_ =	swait.ge [sflag:s29], $0x1  }
0xb5: {  	[sflag:s29] =	ssyncadd.s32 $0xFFFFFFFF  }
0xb6: {  	_ =	strace $0x9000004E  }
0xb7: {  	_ =	sfence  }
0xb8: {  	s30 =	sld [smem:$0x0];
	_ =	sdelay $0x2  }
0xb9: {  	s31 =	sshll.u32 s1, $0xD;
	s1 =	sshrl.u32 s1, $0x2  }
0xba: {  	s3 =	sand.u32 $0x4000, s31;
	s1 =	sadd.s32 s1, s30  }
0xbb: {  	s0 =	sor.u32 s3, s0;
	s1 =	sshll.u32 s1, $0x11  }
0xbc: {  	s0 =	sor.u32 s1, s0  }
0xbd: {  	s0 =	sadd.s32 $0x8F2B, s0  }
0xbe: {  	[sflag:s0] =	ssyncadd.remote.s32 $0x1  }
0xbf: {  	_ =	sfence.sel $0xFFFF  }
0xc0: {  	[dreg:$0x0] =	wrdreg $0xFFFFFFFF;
	(pc) =	sbr.abs _section_cstart, $3  }
0xc1: {  	[dreg:$0x1] =	wrdreg $0xFFFFFFFF  }
0xc2: {  	_ =	task.clear_ibuf [dreg:s7], $0x2FFFF;
	_ =	strace $0x9FFFFFFF  }
0xc3: {  	(tm) =	ssettm $0x7FFFFFFF  }
tec
execute0_lowered:
.L_overlay_start_1:
0x0: {  	(tag) =	ssettag $0x1  }
0x1: {  	s1 =	rddreg [dreg:$0x0]  }
0x2: {  	s0 =	srdreg.scid;
	s5 =	rddreg [dreg:$0x1]  }
0x3: {  	s7 =	stileid.u32;
	s3 =	rddreg [dreg:$0x2]  }
0x4: {  	s4 =	simm.s32 $0x0;
	s17 =	simm.s32 $0xA000;
	s19 =	simm.s32 $0xF000  }
0x5: {  	s28 =	simm.s32 $0x14000;
	s29 =	simm.s32 $0x2;
	s31 =	simm.s32 $0x5  }
0x6: {  	s30 =	simm.s32 $0x7;
	s0 =	sand.u32 $0x1, s0;
	s10 =	smul.u32 $0x2780, s7  }
0x7: {  	[smem:$0x7FF] =	sst s4;
	s2 =	sshll.u32 s0, $0x4;
	s6 =	smul.u32 $0x4F00, s0  }
0x8: {  	s0 =	ssub.s32 $0x2, s0;
	_ =	strace $0x8000004D;
	s2 =	sor.u32 s7, s2  }
0x9: {  	s24 =	sshrl.u32 s0, $0x1;
	s12 =	sadd.s32 $0x800, s10;
	s13 =	sadd.s32 $0x1000, s10  }
0xa: {  	s14 =	sadd.s32 $0x1800, s10;
	s15 =	sadd.s32 $0x2000, s10;
	s2 =	smul.u32 $0x500, s2  }
0xb: {  	s11 =	sadd.s32 s6, s5;
	s0 =	ssub.s32 s0, s24;
	s6 =	sadd.s32 s12, s3  }
0xc: {  	s7 =	sadd.s32 s13, s3;
	s8 =	sadd.s32 s14, s3;
	s9 =	sadd.s32 s15, s3  }
0xd: {  	s26 =	sshrl.u32 s12, $0x3;
	s18 =	sshrl.u32 s13, $0x3;
	s23 =	sshrl.u32 s14, $0x3  }
0xe: {  	s15 =	sshrl.u32 s15, $0x3;
	s13 =	simm.s32 $0x5000;
	s14 =	simm.s32 $0x9  }
0xf: {  	s25 =	sadd.s32 $0x15800, s11;
	s12 =	smax.u32 s0, $0x1;
	s0 =	simm.s32 $0x3  }
0x10: {  	s2 =	sadd.s32 s2, s5;
	s5 =	sadd.s32 s10, s3;
	s10 =	sshrl.u32 s10, $0x3  }
0x11: {  	s21 =	sadd.s32 s26, s25;
	s22 =	sadd.s32 s18, s25;
	s23 =	sadd.s32 s23, s25  }
0x12: {  	s24 =	sadd.s32 s15, s25;
	s26 =	simm.s32 $0x6;
	s18 =	simm.s32 $0x8  }
0x13: {  	s16 =	sadd.s32 $0xB800, s2;
	s2 =	sadd.s32 $0x1800, s2;
	s20 =	sadd.s32 s10, s25  }
0x14: {  	s25 =	simm.s32 $0x1;
	s10 =	simm.s32 $0x0;
	[dreg:$0x4] =	wrdreg s16  }
0x15: {  	v0 =	vimm.f32 $0.0e+00;
	[dreg:$0x5] =	wrdreg s2;
	s16 =	simm.s32 $0x500;
	s2 =	simm.s32 $0x4  }
.LBB2_1:
0x16: {  	s11 =	simm.s32 $0x40;
	s15 =	simm.s32 $0x0  }
.LBB2_2:
0x17: {  	p0 =	sne.s32 s11, $0x1FC0;
	[tilespmem:s15+$0x5000] =	vst v0;
	s15 =	smov.u32 s11;
	s11 =	sadd.s32 $0x40, s11  }
.Ltmp0:
0x18: {  	(pc) =	sbr.rel @p0 .LBB2_2-.Ltmp0, $2  }
0x19: {  	_ =	sdelay $0x2  }
0x1a: {  	s15 =	sshra.s32 s15, $0x2  }
0x1b: {  	[tilespmem:s15+$0x5000] =	vst v0  }
0x1c: {  	[spmem:s5] =	stream.linear.scatter [tilespmem:s13], [sflag:$0x9], $0x800, $0x38;
	[tilespmem:$0x1B780] =	vst v63  }
0x1d: {  	_ =	swait.ge [sflag:s14], $0x800  }
0x1e: {  	[sflag:s14] =	ssyncset.done $0x0  }
0x1f: {  	[sflag:s14] =	ssyncadd.s32 $0xFFFFF800  }
0x20: {  	[spmem:s6] =	stream.linear.scatter [tilespmem:s13], [sflag:$0x9], $0x800, $0x38;
	[tilespmem:$0x1B780] =	vst v63  }
0x21: {  	_ =	swait.ge [sflag:s14], $0x800  }
0x22: {  	[sflag:s14] =	ssyncset.done $0x0  }
0x23: {  	[sflag:s14] =	ssyncadd.s32 $0xFFFFF800  }
0x24: {  	[spmem:s7] =	stream.linear.scatter [tilespmem:s13], [sflag:$0x9], $0x800, $0x38;
	[tilespmem:$0x1B780] =	vst v63  }
0x25: {  	_ =	swait.ge [sflag:s14], $0x800  }
0x26: {  	[sflag:s14] =	ssyncset.done $0x0  }
0x27: {  	[sflag:s14] =	ssyncadd.s32 $0xFFFFF800  }
0x28: {  	[spmem:s8] =	stream.linear.scatter [tilespmem:s13], [sflag:$0x9], $0x800, $0x38;
	[tilespmem:$0x1B780] =	vst v63  }
0x29: {  	_ =	swait.ge [sflag:s14], $0x800  }
0x2a: {  	[sflag:s14] =	ssyncset.done $0x0  }
0x2b: {  	[sflag:s14] =	ssyncadd.s32 $0xFFFFF800  }
0x2c: {  	[spmem:s9] =	stream.linear.scatter [tilespmem:s13], [sflag:$0x9], $0x780, $0x38;
	[tilespmem:$0x1B780] =	vst v63  }
0x2d: {  	_ =	swait.ge [sflag:s14], $0x780  }
0x2e: {  	[sflag:s14] =	ssyncset.done $0x0  }
0x2f: {  	s11 =	rddreg [dreg:$0x4];
	[sflag:s14] =	ssyncadd.s32 $0xFFFFF880  }
0x30: {  	[tilespmem:s4], [sflag:$0x9] =	stream.linear.gather [hbm4b:s11+s4], $0x2800, $0x38;
	[tilespmem:$0x1B780] =	vst v63  }
0x31: {  	_ =	swait.ge [sflag:s14], $0x2800  }
0x32: {  	[sflag:s14] =	ssyncset.done $0x0  }
0x33: {  	s15 =	simm.s32 $0x2800;
	s11 =	rddreg [dreg:$0x5];
	[sflag:s14] =	ssyncadd.s32 $0xFFFFD800  }
0x34: {  	[tilespmem:s15], [sflag:$0x9] =	stream.linear.gather [hbm4b:s11+s4], $0x2800, $0x38;
	[tilespmem:$0x1B780] =	vst v63  }
0x35: {  	_ =	swait.ge [sflag:s14], $0x2800  }
0x36: {  	[sflag:s14] =	ssyncset.done $0x0  }
0x37: {  	[sflag:s14] =	ssyncadd.s32 $0xFFFFD800  }
0x38: {  	[bflag:$0x0] =	sbarrier.arrive $0xFFFF  }
0x39: {  	[tilespmem:s13], [sflag:$0x1] =	stream.indirect.gather [hbm4b:s1+s16], $0x10, s4, s16, $0xb8;
	[tilespmem:$0x1B780] =	vst v63  }
0x3a: {  	_ = 	snop  }
0x3b: {  	[tilespmem:s17], [sflag:$0x2] =	stream.indirect.gather [hbm4b:s1+s16], $0x10, s16, s16, $0xb8;
	[tilespmem:$0x1B780] =	vst v63  }
0x3c: {  	s11 =	simm.s32 $0xA00  }
0x3d: {  	[tilespmem:s19], [sflag:$0x3] =	stream.indirect.gather [hbm4b:s1+s16], $0x10, s11, s16, $0xb8;
	[tilespmem:$0x1B780] =	vst v63  }
0x3e: {  	_ =	swait.ge [sflag:s25], $0x5000  }
0x3f: {  	[sflag:s25] =	ssyncset.done $0x0  }
0x40: {  	[sflag:s25] =	ssyncadd.s32 $0xFFFFB000  }
0x41: {  	[spmem:s3] =	stream.indirect.scatter.add.f32 [tilespmem:s13], [sflag:$0x5], $0x10, s15, s16, $0xb8;
	[tilespmem:$0x1B780] =	vst v63  }
0x42: {  	s15 =	simm.s32 $0xF00  }
0x43: {  	[tilespmem:s28], [sflag:$0x4] =	stream.indirect.gather [hbm4b:s1+s16], $0x10, s15, s16, $0xb8;
	[tilespmem:$0x1B780] =	vst v63  }
0x44: {  	_ =	swait.ge [sflag:s29], $0x5000  }
0x45: {  	[sflag:s29] =	ssyncset.done $0x0  }
0x46: {  	s15 =	simm.s32 $0x2D00;
	[sflag:s29] =	ssyncadd.s32 $0xFFFFB000  }
0x47: {  	[spmem:s3] =	stream.indirect.scatter.add.f32 [tilespmem:s17], [sflag:$0x6], $0x10, s15, s16, $0xb8;
	[tilespmem:$0x1B780] =	vst v63  }
0x48: {  	_ =	swait.ge [sflag:s31], $0x5000  }
0x49: {  	[sflag:s31] =	ssyncset.done $0x0  }
0x4a: {  	s15 =	simm.s32 $0x1400;
	[sflag:s31] =	ssyncadd.s32 $0xFFFFB000  }
0x4b: {  	[tilespmem:s13], [sflag:$0x1] =	stream.indirect.gather [hbm4b:s1+s16], $0x10, s15, s16, $0xb8;
	[tilespmem:$0x1B780] =	vst v63  }
0x4c: {  	_ =	swait.ge [sflag:s0], $0x5000  }
0x4d: {  	[sflag:s0] =	ssyncset.done $0x0  }
0x4e: {  	s15 =	simm.s32 $0x3200;
	[sflag:s0] =	ssyncadd.s32 $0xFFFFB000  }
0x4f: {  	[spmem:s3] =	stream.indirect.scatter.add.f32 [tilespmem:s19], [sflag:$0x7], $0x10, s15, s16, $0xb8;
	[tilespmem:$0x1B780] =	vst v63  }
0x50: {  	_ =	swait.ge [sflag:s26], $0x5000  }
0x51: {  	[sflag:s26] =	ssyncset.done $0x0  }
0x52: {  	s15 =	simm.s32 $0x1900;
	[sflag:s26] =	ssyncadd.s32 $0xFFFFB000  }
0x53: {  	[tilespmem:s17], [sflag:$0x2] =	stream.indirect.gather [hbm4b:s1+s16], $0x10, s15, s16, $0xb8;
	[tilespmem:$0x1B780] =	vst v63  }
0x54: {  	_ =	swait.ge [sflag:s2], $0x5000  }
0x55: {  	[sflag:s2] =	ssyncset.done $0x0  }
0x56: {  	s15 =	simm.s32 $0x3700;
	[sflag:s2] =	ssyncadd.s32 $0xFFFFB000  }
0x57: {  	[spmem:s3] =	stream.indirect.scatter.add.f32 [tilespmem:s28], [sflag:$0x8], $0x10, s15, s16, $0xb8;
	[tilespmem:$0x1B780] =	vst v63  }
0x58: {  	_ =	swait.ge [sflag:s30], $0x5000  }
0x59: {  	[sflag:s30] =	ssyncset.done $0x0  }
0x5a: {  	s15 =	simm.s32 $0x1E00;
	[sflag:s30] =	ssyncadd.s32 $0xFFFFB000  }
0x5b: {  	[tilespmem:s19], [sflag:$0x3] =	stream.indirect.gather [hbm4b:s1+s16], $0x10, s15, s16, $0xb8;
	[tilespmem:$0x1B780] =	vst v63  }
0x5c: {  	_ =	swait.ge [sflag:s25], $0x5000  }
0x5d: {  	[sflag:s25] =	ssyncset.done $0x0  }
0x5e: {  	s15 =	simm.s32 $0x3C00;
	[sflag:s25] =	ssyncadd.s32 $0xFFFFB000  }
0x5f: {  	[spmem:s3] =	stream.indirect.scatter.add.f32 [tilespmem:s13], [sflag:$0x5], $0x10, s15, s16, $0xb8;
	[tilespmem:$0x1B780] =	vst v63  }
0x60: {  	_ =	swait.ge [sflag:s18], $0x5000  }
0x61: {  	[sflag:s18] =	ssyncset.done $0x0  }
0x62: {  	s15 =	simm.s32 $0x2300;
	[sflag:s18] =	ssyncadd.s32 $0xFFFFB000  }
0x63: {  	[tilespmem:s28], [sflag:$0x4] =	stream.indirect.gather [hbm4b:s1+s16], $0x10, s15, s16, $0xb8;
	[tilespmem:$0x1B780] =	vst v63  }
0x64: {  	_ =	swait.ge [sflag:s29], $0x5000  }
0x65: {  	[sflag:s29] =	ssyncset.done $0x0  }
0x66: {  	s15 =	simm.s32 $0x4100;
	[sflag:s29] =	ssyncadd.s32 $0xFFFFB000  }
0x67: {  	[spmem:s3] =	stream.indirect.scatter.add.f32 [tilespmem:s17], [sflag:$0x6], $0x10, s15, s16, $0xb8;
	[tilespmem:$0x1B780] =	vst v63  }
0x68: {  	_ =	swait.ge [sflag:s31], $0x5000  }
0x69: {  	[sflag:s31] =	ssyncset.done $0x0  }
0x6a: {  	[sflag:s31] =	ssyncadd.s32 $0xFFFFB000  }
0x6b: {  	_ =	swait.ge [sflag:s0], $0x5000  }
0x6c: {  	[sflag:s0] =	ssyncset.done $0x0  }
0x6d: {  	s15 =	simm.s32 $0x4600;
	[sflag:s0] =	ssyncadd.s32 $0xFFFFB000  }
0x6e: {  	[spmem:s3] =	stream.indirect.scatter.add.f32 [tilespmem:s19], [sflag:$0x7], $0x10, s15, s16, $0xb8;
	[tilespmem:$0x1B780] =	vst v63  }
0x6f: {  	_ =	swait.ge [sflag:s26], $0x5000  }
0x70: {  	[sflag:s26] =	ssyncset.done $0x0  }
0x71: {  	[sflag:s26] =	ssyncadd.s32 $0xFFFFB000  }
0x72: {  	_ =	swait.ge [sflag:s2], $0x5000  }
0x73: {  	[sflag:s2] =	ssyncset.done $0x0  }
0x74: {  	s15 =	simm.s32 $0x4B00;
	[sflag:s2] =	ssyncadd.s32 $0xFFFFB000  }
0x75: {  	[spmem:s3] =	stream.indirect.scatter.add.f32 [tilespmem:s28], [sflag:$0x8], $0x10, s15, s16, $0xb8;
	[tilespmem:$0x1B780] =	vst v63  }
0x76: {  	_ =	swait.ge [sflag:s30], $0x5000  }
0x77: {  	[sflag:s30] =	ssyncset.done $0x0  }
0x78: {  	[sflag:s30] =	ssyncadd.s32 $0xFFFFB000  }
0x79: {  	_ =	swait.ge [sflag:s18], $0x5000  }
0x7a: {  	[sflag:s18] =	ssyncset.done $0x0  }
0x7b: {  	[sflag:s18] =	ssyncadd.s32 $0xFFFFB000  }
0x7c: {  	[bflag:$0x0] =	sbarrier.arrive $0xFFFF  }
0x7d: {  	[tilespmem:s13], [sflag:$0x9] =	stream.linear.gather [spmem:s5], $0x800, $0x38;
	[tilespmem:$0x1B780] =	vst v63  }
0x7e: {  	_ =	swait.ge [sflag:s14], $0x800  }
0x7f: {  	[sflag:s14] =	ssyncset.done $0x0  }
0x80: {  	[sflag:s14] =	ssyncadd.s32 $0xFFFFF800  }
0x81: {  	[hbm4b:s20+s4] =	stream.linear.scatter [tilespmem:s13], [sflag:$0x9], $0x800, $0x38;
	[tilespmem:$0x1B780] =	vst v63  }
0x82: {  	_ =	swait.ge [sflag:s14], $0x800  }
0x83: {  	[sflag:s14] =	ssyncset.done $0x0  }
0x84: {  	[sflag:s14] =	ssyncadd.s32 $0xFFFFF800  }
0x85: {  	[tilespmem:s13], [sflag:$0x9] =	stream.linear.gather [spmem:s6], $0x800, $0x38;
	[tilespmem:$0x1B780] =	vst v63  }
0x86: {  	_ =	swait.ge [sflag:s14], $0x800  }
0x87: {  	[sflag:s14] =	ssyncset.done $0x0  }
0x88: {  	[sflag:s14] =	ssyncadd.s32 $0xFFFFF800  }
0x89: {  	[hbm4b:s21+s4] =	stream.linear.scatter [tilespmem:s13], [sflag:$0x9], $0x800, $0x38;
	[tilespmem:$0x1B780] =	vst v63  }
0x8a: {  	_ =	swait.ge [sflag:s14], $0x800  }
0x8b: {  	[sflag:s14] =	ssyncset.done $0x0  }
0x8c: {  	[sflag:s14] =	ssyncadd.s32 $0xFFFFF800  }
0x8d: {  	[tilespmem:s13], [sflag:$0x9] =	stream.linear.gather [spmem:s7], $0x800, $0x38;
	[tilespmem:$0x1B780] =	vst v63  }
0x8e: {  	_ =	swait.ge [sflag:s14], $0x800  }
0x8f: {  	[sflag:s14] =	ssyncset.done $0x0  }
0x90: {  	[sflag:s14] =	ssyncadd.s32 $0xFFFFF800  }
0x91: {  	[hbm4b:s22+s4] =	stream.linear.scatter [tilespmem:s13], [sflag:$0x9], $0x800, $0x38;
	[tilespmem:$0x1B780] =	vst v63  }
0x92: {  	_ =	swait.ge [sflag:s14], $0x800  }
0x93: {  	[sflag:s14] =	ssyncset.done $0x0  }
0x94: {  	[sflag:s14] =	ssyncadd.s32 $0xFFFFF800  }
0x95: {  	[tilespmem:s13], [sflag:$0x9] =	stream.linear.gather [spmem:s8], $0x800, $0x38;
	[tilespmem:$0x1B780] =	vst v63  }
0x96: {  	_ =	swait.ge [sflag:s14], $0x800  }
0x97: {  	[sflag:s14] =	ssyncset.done $0x0  }
0x98: {  	[sflag:s14] =	ssyncadd.s32 $0xFFFFF800  }
0x99: {  	[hbm4b:s23+s4] =	stream.linear.scatter [tilespmem:s13], [sflag:$0x9], $0x800, $0x38;
	[tilespmem:$0x1B780] =	vst v63  }
0x9a: {  	_ =	swait.ge [sflag:s14], $0x800  }
0x9b: {  	[sflag:s14] =	ssyncset.done $0x0  }
0x9c: {  	[sflag:s14] =	ssyncadd.s32 $0xFFFFF800  }
0x9d: {  	[tilespmem:s13], [sflag:$0x9] =	stream.linear.gather [spmem:s9], $0x780, $0x38;
	[tilespmem:$0x1B780] =	vst v63  }
0x9e: {  	s10 =	sadd.s32 $0x1, s10;
	_ =	swait.ge [sflag:s14], $0x780  }
0x9f: {  	p0 =	sne.s32 s10, s12;
	[sflag:s14] =	ssyncset.done $0x0  }
.Ltmp1:
0xa0: {  	[sflag:s14] =	ssyncadd.s32 $0xFFFFF880;
	(pc) =	sbr.rel @p0 .LBB2_1-.Ltmp1, $4  }
0xa1: {  	[hbm4b:s24+s4] =	stream.linear.scatter [tilespmem:s13], [sflag:$0x9], $0x780, $0x38;
	[tilespmem:$0x1B780] =	vst v63  }
0xa2: {  	_ =	swait.ge [sflag:s14], $0x780  }
0xa3: {  	[sflag:s14] =	ssyncset.done $0x0  }
0xa4: {  	[sflag:s14] =	ssyncadd.s32 $0xFFFFF880  }
0xa5: {  	_ =	sfence.sel $0x180000  }
0xa6: {  	[bflag:$0x0] =	sbarrier.arrive $0xFFFF  }
0xa7: {  	_ =	strace $0x9000004D  }
0xa8: {  	s0 =	stileid.u32;
	[bflag:$0x2] =	sbarrier.arrive $0xFFFF  }
0xa9: {  	p0 =	sne.s32 s0, $0x0;
	s0 =	rddreg [dreg:$0x3]  }
0xaa: {  	s0 =	sadd.s32 @!p0 $0x100000, s0  }
0xab: {  	[sflag:s0] =	ssyncadd.tile.s32 @!p0 $0x1;
	_ =	shalt  }
.Lfunc_end2:
_tile_overlayer_lowered:
.L_overlay_start_2:
0xac: {  	(tag) =	ssettag $0x2  }
0xad: {  	s0 =	rddreg [dreg:$0x0];
	s2 =	stileid.u32  }
0xae: {  	s1 =	rddreg [dreg:$0x1];
	p0 =	sne.s32 s2, $0x0  }
0xaf: {  	s3 =	rddreg [dreg:$0x2];
	[bflag:$0x3] =	sbarrier.arrive $0xFFFF;
	s2 =	simm.s32 @!p0 $0x1C09  }
0xb0: {  	[timem:s3], [sflag:s2] =	dma.local @!p0 [hbm:s0], s1  }
0xb1: {  	s0 =	simm.s32 @!p0 $0x9  }
0xb2: {  	_ =	swait.ge @!p0 [sflag:s0], s1  }
0xb3: {  	s1 =	ssub.s32 @!p0 $0x0, s1;
	[sflag:s0] =	ssyncset.done @!p0 $0x0  }
0xb4: {  	[sflag:s0] =	ssyncadd.s32 @!p0 s1  }
0xb5: {  	[bflag:$0x3] =	sbarrier.arrive $0xFFFF  }
0xb6: {  	_ =	shalt  }

// kernel: kernel.9.cloned.1.call-start
scs
__scs_entry_jumppad:
0x0: {  	(pc) =	sbr.rel $0x88, $3  }
0x1: {  	(tag) =	ssettag $0x0;
	lr =	simm.s32 $0x1  }
0x2: {  	[smem:$0x3F9B] =	sst lr;
	_ =	strace $0xD0000000  }
0x3: {  	_ = 	snop  }
0x4: {  	_ = 	snop  }
0x5: {  	_ = 	snop  }
0x6: {  	_ = 	snop  }
0x7: {  	_ = 	snop  }
__scs_overlays_trampoline_lowered:
0x8: {  	[smem:$0x3FAA] =	sst s0  }
0x9: {  	[smem:$0x3FAB] =	sst s1  }
0xa: {  	[smem:$0x3FAC] =	sst s2  }
0xb: {  	[smem:$0x3FAD] =	sst s3  }
0xc: {  	[smem:$0x3FAE] =	sst s4  }
0xd: {  	[smem:$0x3FAF] =	sst s5  }
0xe: {  	[smem:$0x3FB0] =	sst s6  }
0xf: {  	[smem:$0x3FB1] =	sst s7  }
0x10: {  	[smem:$0x3FB2] =	sst s8  }
0x11: {  	[smem:$0x3FB3] =	sst s9;
	s0 =	simm.s32 @!p0 $0x0  }
0x12: {  	s1 =	sld [smem:$0x3F99];
	s0 =	simm.s32 @p0 $0x1  }
0x13: {  	[smem:$0x3FB4] =	sst s0;
	s0 =	simm.s32 @!p1 $0x0  }
0x14: {  	s2 =	sld [smem:$0x3F98];
	s0 =	simm.s32 @p1 $0x1  }
0x15: {  	[smem:$0x3FB5] =	sst s0;
	s0 =	simm.s32 @!p2 $0x0  }
0x16: {  	s3 =	sld [smem:$0x3FDB];
	s0 =	simm.s32 @p2 $0x1  }
0x17: {  	s4 =	simm.s32 $0x1BF5;
	[smem:$0x3FB7] =	sst s0  }
0x18: {  	s0 =	sld [smem:$0x3F9A];
	_ =	swait.ge [sflag:s4], $0x0  }
0x19: {  	s7 =	sld [smem:$0x3F9B]  }
0x1a: {  	s8 =	sadd.s32 $0xFFFFE003, lr  }
0x1b: {  	s9 =	sadd.s32 $0xFFFFFEF7, lr;
	s5 =	simm.s32 $0xFFFFFFFF;
	p2 =	slt.u32 s8, $0xFFFFF086  }
0x1c: {  	p1 =	slt.u32 s9, $0xF7A;
	s5 =	simm.s32 @!p2 $0x0  }
0x1d: {  	s5 =	simm.s32 @p1 $0x1;
	p0 =	seq.s32 s7, s2  }
0x1e: {  	s7 =	smul.u32 @!p0 $0xF7A, s2;
	p2 =	seq.s32 @!p0 s5, $0x0  }
0x1f: {  	s9 =	smul.u32 $0xF7A, s1;
	s8 =	simm.s32 @!p0 $0x1BF5;
	p2 =	por !p2, p0  }
0x20: {  	[sflag:s8] =	ssyncset.s32 @!p0 $0xFFFFF086;
	s6 =	sadd.s32 @!p0 s3, s7;
	s7 =	simm.s32 @!p0 $0x108  }
0x21: {  	s3 =	sadd.s32 s3, s9;
	s6 =	sadd.s32 @!p0 $0x88, s6;
	s7 =	simm.s32 @p2 $0x1082  }
0x22: {  	[simem:s7], [sflag:s8] =	dma.local @!p0 [hbm:s6], $0xF7A  }
0x23: {  	s9 =	sor.u32 $0xD0000000, s2;
	s6 =	simm.s32 $0x108;
	_ =	swait.ge @!p0 [sflag:s8], $0x0  }
0x24: {  	s3 =	sadd.s32 $0x88, s3;
	s6 =	simm.s32 @!p1 $0x1082;
	[sflag:s4] =	ssyncset.s32 $0xFFFFF086  }
0x25: {  	[simem:s6], [sflag:s4] =	dma.local [hbm:s3], $0xF7A  }
0x26: {  	[smem:$0x3F9B] =	sst s1;
	(tag) =	ssettag s2;
	_ =	strace s9  }
0x27: {  	s1 =	sld [smem:$0x3FAB]  }
0x28: {  	s2 =	sld [smem:$0x3FAC]  }
0x29: {  	s4 =	sld [smem:$0x3FAE]  }
0x2a: {  	p0 =	seq.s32 s5, $0x0;
	s5 =	sld [smem:$0x3FAF]  }
0x2b: {  	s6 =	sld [smem:$0x3FB0]  }
0x2c: {  	s7 =	sld [smem:$0x3FB1]  }
0x2d: {  	s3 =	simm.s32 $0x108;
	s8 =	sld [smem:$0x3FB2]  }
0x2e: {  	s3 =	simm.s32 @!p0 $0x1082;
	s9 =	sld [smem:$0x3FB3]  }
0x2f: {  	lr =	sadd.s32 s0, s3;
	s0 =	sld [smem:$0x3FAA]  }
0x30: {  	s3 =	sld [smem:$0x3FAD]  }
0x31: {  	[smem:$0x3FB6] =	sst s10  }
0x32: {  	s10 =	sld [smem:$0x3FB4];
	_ =	sdelay $0x3  }
0x33: {  	p0 =	seq.s32 s10, $0x1;
	s10 =	sld [smem:$0x3FB6];
	_ =	sdelay $0x3  }
0x34: {  	[smem:$0x3FB6] =	sst s10  }
0x35: {  	s10 =	sld [smem:$0x3FB5];
	_ =	sdelay $0x3  }
0x36: {  	p1 =	seq.s32 s10, $0x1;
	s10 =	sld [smem:$0x3FB6];
	_ =	sdelay $0x3  }
0x37: {  	[smem:$0x3FB6] =	sst s10  }
0x38: {  	s10 =	sld [smem:$0x3FB7]  }
0x39: {  	_ = 	snop;
	(pc) =	sbr.ind lr, $3  }
0x3a: {  	_ = 	snop  }
0x3b: {  	_ = 	snop  }
0x3c: {  	p2 =	seq.s32 s10, $0x1;
	s10 =	sld [smem:$0x3FB6]  }
0x3d: {  	_ =	shalt  }
0x3e: {  	_ =	shalt  }
0x3f: {  	_ =	shalt  }
0x40: {  	_ =	shalt  }
0x41: {  	_ =	shalt  }
0x42: {  	_ =	shalt  }
0x43: {  	_ =	shalt  }
0x44: {  	_ =	shalt  }
0x45: {  	_ =	shalt  }
0x46: {  	_ =	shalt  }
0x47: {  	_ =	shalt  }
0x48: {  	_ =	shalt  }
0x49: {  	_ =	shalt  }
0x4a: {  	_ =	shalt  }
0x4b: {  	_ =	shalt  }
0x4c: {  	_ =	shalt  }
0x4d: {  	_ =	shalt  }
0x4e: {  	_ =	shalt  }
0x4f: {  	_ =	shalt  }
0x50: {  	_ =	shalt  }
0x51: {  	_ =	shalt  }
0x52: {  	_ =	shalt  }
0x53: {  	_ =	shalt  }
0x54: {  	_ =	shalt  }
0x55: {  	_ =	shalt  }
0x56: {  	_ =	shalt  }
0x57: {  	_ =	shalt  }
0x58: {  	_ =	shalt  }
0x59: {  	_ =	shalt  }
0x5a: {  	_ =	shalt  }
0x5b: {  	_ =	shalt  }
0x5c: {  	_ =	shalt  }
0x5d: {  	_ =	shalt  }
0x5e: {  	_ =	shalt  }
0x5f: {  	_ =	shalt  }
0x60: {  	_ =	shalt  }
0x61: {  	_ =	shalt  }
0x62: {  	_ =	shalt  }
0x63: {  	_ =	shalt  }
0x64: {  	_ =	shalt  }
0x65: {  	_ =	shalt  }
0x66: {  	_ =	shalt  }
0x67: {  	_ =	shalt  }
0x68: {  	_ =	shalt  }
0x69: {  	_ =	shalt  }
0x6a: {  	_ =	shalt  }
0x6b: {  	_ =	shalt  }
0x6c: {  	_ =	shalt  }
0x6d: {  	_ =	shalt  }
0x6e: {  	_ =	shalt  }
0x6f: {  	_ =	shalt  }
0x70: {  	_ =	shalt  }
0x71: {  	_ =	shalt  }
0x72: {  	_ =	shalt  }
0x73: {  	_ =	shalt  }
0x74: {  	_ =	shalt  }
0x75: {  	_ =	shalt  }
0x76: {  	_ =	shalt  }
0x77: {  	_ =	shalt  }
0x78: {  	_ =	shalt  }
0x79: {  	_ =	shalt  }
0x7a: {  	_ =	shalt  }
0x7b: {  	_ =	shalt  }
0x7c: {  	_ =	shalt  }
0x7d: {  	_ =	shalt  }
0x7e: {  	_ =	shalt  }
0x7f: {  	_ =	shalt  }
0x80: {  	_ =	shalt  }
0x81: {  	_ =	shalt  }
0x82: {  	_ =	shalt  }
0x83: {  	_ =	shalt  }
0x84: {  	_ =	shalt  }
0x85: {  	_ =	shalt  }
0x86: {  	_ =	shalt  }
0x87: {  	_ =	shalt  }
.Lfunc_end0:
.L_simem_size_0:
called_computation_lowered:
.L_overlay_start_0:
0x88: {  	s2 =	sld [smem:$0x3FD9]  }
0x89: {  	s3 =	sld [smem:$0x3FFE];
	_ =	sdelay $0x1  }
0x8a: {  	s1 =	srdreg.scid  }
0x8b: {  	s0 =	sand.u32 $0x1, s1  }
0x8c: {  	s17 =	sshll.u32 s0, $0xA;
	s2 =	sadd.s32 s3, s2  }
0x8d: {  	s2 =	sadd.s32 s2, s17  }
0x8e: {  	[smem:$0x3FC2] =	sst s2  }
0x8f: {  	_ = 	snop  }
0x90: {  	s2 =	sld [smem:$0x3FD0];
	(tm) =	ssettm $0x1  }
0x91: {  	s18 =	sld [smem:$0x3FFB];
	_ =	sdelay $0x3  }
0x92: {  	_ =	strace s18  }
0x93: {  	s3 =	sld [smem:$0x3FFC];
	_ =	sdelay $0x3  }
0x94: {  	_ =	strace s3  }
0x95: {  	s3 =	sld [smem:$0x3FFD];
	_ =	sdelay $0x3  }
0x96: {  	_ =	strace s3  }
0x97: {  	_ =	strace $0x8FFFFFFF  }
0x98: {  	s19 =	sld [smem:$0x3FDB];
	_ =	sdelay $0x1  }
0x99: {  	s4 =	simm.s32 $_scs_section_size  }
0x9a: {  	s5 =	simm.s32 $_size__tile_overlayer_lowered;
	s6 =	simm.s32 $_tile_overlayer_lowered  }
0x9b: {  	s22 =	simm.s32 $0x1BFF;
	s21 =	sshll.u32 s6, $0x1;
	s3 =	sadd.s32 s4, s19  }
0x9c: {  	s7 =	simm.s32 $0x0;
	s20 =	sshll.u32 s5, $0x1;
	s5 =	sadd.s32 s21, s3  }
0x9d: {  	[timem:s7], [sflag:s22] =	dma.local [hbm:s5], s20  }
0x9e: {  	_ =	swait.ge [sflag:s22], s20  }
0x9f: {  	s4 =	ssub.s32 $0x0, s20;
	[sflag:s22] =	ssyncset.done $0x0  }
0xa0: {  	[sflag:s22] =	ssyncadd.s32 s4;
	_ =	sdelay $0x1  }
0xa1: {  	s23 =	simm.s32 $0x1B8B  }
0xa2: {  	_ =	swait.ge [sflag:s23], $0x1  }
0xa3: {  	[sflag:s23] =	ssyncset.done $0x0  }
0xa4: {  	s25 =	simm.s32 $0x1B8E;
	s24 =	sld [smem:$0x3FFE];
	[sflag:s23] =	ssyncadd.s32 $0xFFFFFFFF  }
0xa5: {  	s26 =	simm.s32 $execute0_lowered;
	[smem:$0x3FD2] =	sst s25  }
0xa6: {  	s5 =	sshll.u32 s26, $0x1;
	_ =	strace $0x80000046;
	[dreg:$0x1] =	wrdreg $0xFFFFFFFF  }
0xa7: {  	s28 =	simm.s32 $_size_execute0_lowered;
	s3 =	sadd.s32 s3, s5;
	[dreg:$0x0] =	wrdreg $0x0  }
0xa8: {  	s5 =	sshll.u32 s28, $0x1;
	[dreg:$0x2] =	wrdreg s3  }
0xa9: {  	[dreg:$0x3] =	wrdreg s5  }
0xaa: {  	[dreg:$0x4] =	wrdreg $0xC0  }
0xab: {  	_ =	task [dreg:s7], $0x5FFFF  }
0xac: {  	[dreg:$0x1] =	wrdreg $0xFFFFFFFF  }
0xad: {  	[dreg:$0x0] =	wrdreg $0x60  }
0xae: {  	[dreg:$0x2] =	wrdreg s24  }
0xaf: {  	[dreg:$0x3] =	wrdreg s2  }
0xb0: {  	[dreg:$0x4] =	wrdreg $0x2B000  }
0xb1: {  	[dreg:$0x5] =	wrdreg $0x9  }
0xb2: {  	_ =	task.clear_ibuf [dreg:s7], $0x6FFFF;
	_ =	strace $0x90000046  }
0xb3: {  	s29 =	simm.s32 $0x9;
	_ =	strace $0x80000048  }
0xb4: {  	_ =	swait.ge [sflag:s29], $0x1  }
0xb5: {  	[sflag:s29] =	ssyncadd.s32 $0xFFFFFFFF  }
0xb6: {  	_ =	strace $0x90000048  }
0xb7: {  	_ =	sfence  }
0xb8: {  	s30 =	sld [smem:$0x0];
	_ =	sdelay $0x2  }
0xb9: {  	s31 =	sshll.u32 s1, $0xD;
	s1 =	sshrl.u32 s1, $0x2  }
0xba: {  	s3 =	sand.u32 $0x4000, s31;
	s1 =	sadd.s32 s1, s30  }
0xbb: {  	s0 =	sor.u32 s3, s0;
	s1 =	sshll.u32 s1, $0x11  }
0xbc: {  	s0 =	sor.u32 s1, s0  }
0xbd: {  	s0 =	sadd.s32 $0x8F2B, s0  }
0xbe: {  	[sflag:s0] =	ssyncadd.remote.s32 $0x1  }
0xbf: {  	_ =	sfence.sel $0xFFFF  }
0xc0: {  	[dreg:$0x0] =	wrdreg $0xFFFFFFFF;
	(pc) =	sbr.abs _section_cstart, $3  }
0xc1: {  	[dreg:$0x1] =	wrdreg $0xFFFFFFFF  }
0xc2: {  	_ =	task.clear_ibuf [dreg:s7], $0x2FFFF;
	_ =	strace $0x9FFFFFFF  }
0xc3: {  	(tm) =	ssettm $0x7FFFFFFF  }
tec
execute0_lowered:
.L_overlay_start_1:
0x0: {  	(tag) =	ssettag $0x1  }
0x1: {  	s4 =	rddreg [dreg:$0x0]  }
0x2: {  	s0 =	srdreg.scid;
	s6 =	rddreg [dreg:$0x1]  }
0x3: {  	s2 =	rddreg [dreg:$0x2];
	s3 =	simm.s32 $0x0;
	s11 =	simm.s32 $0x2800  }
0x4: {  	s12 =	simm.s32 $0x100;
	s5 =	sand.u32 $0x1, s0;
	s0 =	stileid.u32  }
0x5: {  	s13 =	simm.s32 $0x0;
	[smem:$0x7FF] =	sst s3;
	s8 =	smul.u32 $0xA00, s0  }
0x6: {  	s1 =	sshll.u32 s5, $0x4;
	s9 =	smul.u32 $0x500, s0;
	s29 =	ssub.s32 $0x2, s5  }
0x7: {  	s5 =	sshll.u32 s5, $0x7;
	s7 =	sor.u32 s0, s1;
	s1 =	rddreg [dreg:$0x3]  }
0x8: {  	_ =	strace $0x80000047;
	s10 =	sshrl.u32 s29, $0x1;
	s7 =	smul.u32 $0x500, s7  }
0x9: {  	s8 =	sshrl.u32 s8, $0x2;
	s5 =	sor.u32 s5, s9;
	s30 =	ssub.s32 s29, s10  }
0xa: {  	s9 =	simm.s32 $0x1;
	s10 =	simm.s32 $0x80;
	s31 =	sshrl.u32 s5, $0x3  }
0xb: {  	s7 =	sadd.s32 s7, s4;
	s4 =	sadd.s32 s8, s2;
	s6 =	sadd.s32 s6, s31  }
0xc: {  	v0 =	vimm.f32 $1.000000000e+00;
	v1 =	vimm.f32 $0.0e+00;
	s8 =	simm.s32 $0x2880;
	s5 =	sadd.s32 $0x1800, s7;
	s7 =	smax.u32 s30, $0x1  }
.LBB2_1:
0xd: {  	[tilespmem:$0x2800] =	vst v0  }
0xe: {  	[tilespmem:$0x2810] =	vst v0  }
0xf: {  	[tilespmem:$0x2820] =	vst v0  }
0x10: {  	[tilespmem:$0x2830] =	vst v0  }
0x11: {  	[tilespmem:$0x2840] =	vst v0  }
0x12: {  	[tilespmem:$0x2850] =	vst v0  }
0x13: {  	[tilespmem:$0x2860] =	vst v0  }
0x14: {  	[tilespmem:$0x2870] =	vst v0  }
0x15: {  	[tilespmem:$0x2880] =	vst v1  }
0x16: {  	[tilespmem:$0x2890] =	vst v1  }
0x17: {  	[tilespmem:$0x28A0] =	vst v1  }
0x18: {  	[tilespmem:$0x28B0] =	vst v1  }
0x19: {  	[tilespmem:$0x28C0] =	vst v1  }
0x1a: {  	[tilespmem:$0x28D0] =	vst v1  }
0x1b: {  	[tilespmem:$0x28E0] =	vst v1  }
0x1c: {  	[tilespmem:$0x28F0] =	vst v1  }
0x1d: {  	[tilespmem:$0x2900] =	vst v1  }
0x1e: {  	[tilespmem:$0x2910] =	vst v1  }
0x1f: {  	[tilespmem:$0x2920] =	vst v1  }
0x20: {  	[tilespmem:$0x2930] =	vst v1  }
0x21: {  	[tilespmem:$0x2940] =	vst v1  }
0x22: {  	[tilespmem:$0x2950] =	vst v1  }
0x23: {  	[tilespmem:$0x2960] =	vst v1  }
0x24: {  	[tilespmem:$0x2970] =	vst v1  }
0x25: {  	[tilespmem:$0x2980] =	vst v1  }
0x26: {  	[tilespmem:$0x2990] =	vst v1  }
0x27: {  	[tilespmem:$0x29A0] =	vst v1  }
0x28: {  	[tilespmem:$0x29B0] =	vst v1  }
0x29: {  	[tilespmem:$0x29C0] =	vst v1  }
0x2a: {  	[tilespmem:$0x29D0] =	vst v1  }
0x2b: {  	[tilespmem:$0x29E0] =	vst v1  }
0x2c: {  	[tilespmem:$0x29F0] =	vst v1  }
0x2d: {  	[tilespmem:$0x2A00] =	vst v1  }
0x2e: {  	[tilespmem:$0x2A10] =	vst v1  }
0x2f: {  	[tilespmem:$0x2A20] =	vst v1  }
0x30: {  	[tilespmem:$0x2A30] =	vst v1  }
0x31: {  	[tilespmem:$0x2A40] =	vst v1  }
0x32: {  	[tilespmem:$0x2A50] =	vst v1  }
0x33: {  	[tilespmem:$0x2A60] =	vst v1  }
0x34: {  	[tilespmem:$0x2A70] =	vst v1  }
0x35: {  	[tilespmem:$0x2A80] =	vst v1  }
0x36: {  	[tilespmem:$0x2A90] =	vst v1  }
0x37: {  	[tilespmem:$0x2AA0] =	vst v1  }
0x38: {  	[tilespmem:$0x2AB0] =	vst v1  }
0x39: {  	[tilespmem:$0x2AC0] =	vst v1  }
0x3a: {  	[tilespmem:$0x2AD0] =	vst v1  }
0x3b: {  	[tilespmem:$0x2AE0] =	vst v1  }
0x3c: {  	[tilespmem:$0x2AF0] =	vst v1  }
0x3d: {  	[spmem:s4] =	stream.linear.scatter [tilespmem:s8], [sflag:$0x1], $0x280, $0x38;
	[tilespmem:$0x2D80] =	vst v63  }
0x3e: {  	_ =	swait.ge [sflag:s9], $0x280  }
0x3f: {  	[sflag:s9] =	ssyncset.done $0x0  }
0x40: {  	[sflag:s9] =	ssyncadd.s32 $0xFFFFFD80  }
0x41: {  	[tilespmem:s3], [sflag:$0x1] =	stream.linear.gather [hbm4b:s5+s3], $0x2800, $0x38;
	[tilespmem:$0x2D80] =	vst v63  }
0x42: {  	_ =	swait.ge [sflag:s9], $0x2800  }
0x43: {  	[sflag:s9] =	ssyncset.done $0x0  }
0x44: {  	[sflag:s9] =	ssyncadd.s32 $0xFFFFD800  }
0x45: {  	s14 =	simm.s32 $0x0;
	[bflag:$0x0] =	sbarrier.arrive $0xFFFF  }
0x46: {  	[spmem:s2] =	stream.indirect.scatter.add.f32 [tilespmem:s11], [sflag:$0x1], $0x1, s14, s10, $0xb8;
	[tilespmem:$0x2D80] =	vst v63  }
0x47: {  	_ =	swait.ge [sflag:s9], $0x80  }
0x48: {  	s14 =	simm.s32 $0x200;
	[sflag:s9] =	ssyncset.done $0x0  }
.LBB2_2:
0x49: {  	s15 =	sshra.s32 s14, $0x2;
	[sflag:s9] =	ssyncadd.s32 $0xFFFFFF80;
	p0 =	sne.s32 s14, $0x9E00  }
0x4a: {  	[spmem:s2] =	stream.indirect.scatter.add.f32 [tilespmem:s11], [sflag:$0x1], $0x1, s15, s10, $0xb8;
	[tilespmem:$0x2D80] =	vst v63  }
.Ltmp0:
0x4b: {  	_ = 	snop;
	(pc) =	sbr.rel @p0 .LBB2_2-.Ltmp0, $4  }
0x4c: {  	_ = 	snop  }
0x4d: {  	s14 =	sadd.s32 $0x200, s14  }
0x4e: {  	_ =	swait.ge [sflag:s9], $0x80  }
0x4f: {  	[sflag:s9] =	ssyncset.done $0x0  }
0x50: {  	[sflag:s9] =	ssyncadd.s32 $0xFFFFFF80  }
0x51: {  	[bflag:$0x0] =	sbarrier.arrive $0xFFFF  }
0x52: {  	[tilespmem:s8], [sflag:$0x1] =	stream.linear.gather [spmem:s4], $0x280, $0x38;
	[tilespmem:$0x2D80] =	vst v63  }
0x53: {  	s13 =	sadd.s32 $0x1, s13;
	_ =	swait.ge [sflag:s9], $0x280  }
0x54: {  	p0 =	sne.s32 s13, s7;
	[sflag:s9] =	ssyncset.done $0x0  }
.Ltmp1:
0x55: {  	[sflag:s9] =	ssyncadd.s32 $0xFFFFFD80;
	(pc) =	sbr.rel @p0 .LBB2_1-.Ltmp1, $4  }
0x56: {  	[hbm4b:s6+s10] =	stream.strided.scatter [tilespmem:s8], [sflag:$0x1], $0x280, s12, s10, $0x38;
	[tilespmem:$0x2D80] =	vst v63  }
0x57: {  	_ =	swait.ge [sflag:s9], $0x280  }
0x58: {  	[sflag:s9] =	ssyncset.done $0x0  }
0x59: {  	[sflag:s9] =	ssyncadd.s32 $0xFFFFFD80  }
0x5a: {  	_ =	sfence.sel $0x180000  }
0x5b: {  	[bflag:$0x0] =	sbarrier.arrive $0xFFFF  }
0x5c: {  	p0 =	sne.s32 s0, $0x0;
	_ =	strace $0x90000047  }
0x5d: {  	s0 =	sadd.s32 @!p0 $0x100000, s1;
	[bflag:$0x2] =	sbarrier.arrive $0xFFFF  }
0x5e: {  	[sflag:s0] =	ssyncadd.tile.s32 @!p0 $0x1;
	_ =	shalt  }
.Lfunc_end2:
_tile_overlayer_lowered:
.L_overlay_start_2:
0x5f: {  	(tag) =	ssettag $0x2  }
0x60: {  	s0 =	rddreg [dreg:$0x0];
	s2 =	stileid.u32  }
0x61: {  	s1 =	rddreg [dreg:$0x1];
	p0 =	sne.s32 s2, $0x0  }
0x62: {  	s3 =	rddreg [dreg:$0x2];
	[bflag:$0x3] =	sbarrier.arrive $0xFFFF;
	s2 =	simm.s32 @!p0 $0x1C01  }
0x63: {  	[timem:s3], [sflag:s2] =	dma.local @!p0 [hbm:s0], s1  }
0x64: {  	s0 =	simm.s32 @!p0 $0x1  }
0x65: {  	_ =	swait.ge @!p0 [sflag:s0], s1  }
0x66: {  	s1 =	ssub.s32 @!p0 $0x0, s1;
	[sflag:s0] =	ssyncset.done @!p0 $0x0  }
0x67: {  	[sflag:s0] =	ssyncadd.s32 @!p0 s1  }
0x68: {  	[bflag:$0x3] =	sbarrier.arrive $0xFFFF  }
0x69: {  	_ =	shalt  }

</sc_bundles>
